<compile_context>
chip_gen: v7x
topology: tpu7x:2x2x1
jax: 0.10.2.dev20260603
libtpu: 0.0.44.dev20260713+nightly
codegen_flags: <defaults>
</compile_context>

<pallas_src>
import dataclasses
import functools

import jax
import jax.numpy as jnp
from jax import lax
from jax.experimental import pallas as pl
from jax.experimental.pallas import tpu as pltpu
from jax.experimental.pallas import tpu_sc as plsc

N = 10000
E = 320000
D_IN = 128
HID = 64
OUT = 32
EMB = 128
HEADS = 2

NC = 2
NS = 16
NW = NC * NS
EPW = E // NW
CH = 80
NCHUNK = EPW // CH
LL = 16


def _h0_body(x_ref, n2v_ref, Wn_ref, bn_ref, Win_ref, bin_ref, Wg_ref, bg_ref,
             o_ref):
    x = x_ref[...]
    emb_p = n2v_ref[...] @ Wn_ref[...].T + bn_ref[...]
    Win = Win_ref[...]
    raw = x @ Win[:, :D_IN].T + bin_ref[...]
    xp = raw + emb_p @ Win[:, D_IN:].T
    Wg = Wg_ref[...]
    g = jax.nn.sigmoid(x @ Wg[:, :D_IN].T + emb_p @ Wg[:, D_IN:].T + bg_ref[...])
    o_ref[...] = g * xp + (1.0 - g) * raw


def _h0(x, n2v_table, W_n2vp, b_n2vp, W_in, b_in, W_gate, b_gate):
    blk = 2000
    grid = (N // blk,)
    row_spec = pl.BlockSpec((blk, D_IN), lambda i: (i, 0))
    full = lambda shape: pl.BlockSpec(shape, lambda i: (0,) * len(shape))
    return pl.pallas_call(
        _h0_body,
        grid=grid,
        in_specs=[row_spec, row_spec, full((HID, EMB)), full((1, HID)),
                  full((HID, D_IN + HID)), full((1, HID)),
                  full((HID, D_IN + HID)), full((1, HID))],
        out_specs=pl.BlockSpec((blk, HID), lambda i: (i, 0)),
        out_shape=jax.ShapeDtypeStruct((N, HID), jnp.float32),
    )(x, n2v_table, W_n2vp, b_n2vp.reshape(1, HID), W_in,
      b_in.reshape(1, HID), W_gate, b_gate.reshape(1, HID))


def _stripe_copy(src_ref, dst_ref, sid, nrows):
    rp = (nrows // NS) & ~7
    tail = nrows - NS * rp
    pltpu.sync_copy(src_ref.at[pl.ds(sid * rp, rp)],
                    dst_ref.at[pl.ds(sid * rp, rp)])
    if tail:
        @pl.when(sid == 0)
        def _():
            pltpu.sync_copy(src_ref.at[pl.ds(NS * rp, tail)],
                            dst_ref.at[pl.ds(NS * rp, tail)])


def _edge_ring(h_hbm, gidx2, sidx2, acc_sh, rows_a, rows_b, sem_a, sem_b):
    pltpu.async_copy(h_hbm.at[gidx2.at[0]], rows_a, sem_a)

    @pl.loop(0, NCHUNK - 1, step=2)
    def _(i):
        pltpu.make_async_copy(h_hbm.at[gidx2.at[i]], rows_a, sem_a).wait()
        pltpu.async_copy(h_hbm.at[gidx2.at[i + 1]], rows_b, sem_b)
        pltpu.sync_copy(rows_a, acc_sh.at[sidx2.at[i]], add=True)
        pltpu.make_async_copy(h_hbm.at[gidx2.at[i + 1]], rows_b, sem_b).wait()
        pltpu.async_copy(h_hbm.at[gidx2.at[i + 2]], rows_a, sem_a)
        pltpu.sync_copy(rows_b, acc_sh.at[sidx2.at[i + 1]], add=True)

    last = NCHUNK - 1
    pltpu.make_async_copy(h_hbm.at[gidx2.at[last]], rows_a, sem_a).wait()
    pltpu.sync_copy(rows_a, acc_sh.at[sidx2.at[last]], add=True)


D80 = 80
MP = N + 512
_MESH = plsc.VectorSubcoreMesh(core_axis_name="c", subcore_axis_name="s")
_CP = pltpu.CompilerParams(use_tc_tiling_on_sc=False)
if "needs_layout_passes" in pltpu.CompilerParams.__dataclass_fields__:
    _CP = dataclasses.replace(_CP, needs_layout_passes=False)


def _edge_kernel_body(t_hbm, als_hbm, ald_hbm, flag_hbm, src_hbm, dst_hbm,
                      z_hbm, out_hbm, src2_v, dst2_v, sidx2_v,
                      rows_a, rows_b, als_v, ald_v, flag_v, acc_sh, sem_a,
                      sem_b):
    cid = lax.axis_index("c")
    sid = lax.axis_index("s")
    wid = sid * NC + cid
    pltpu.sync_copy(src_hbm.at[wid], src2_v)
    pltpu.sync_copy(dst_hbm.at[wid], dst2_v)
    pltpu.sync_copy(als_hbm, als_v)
    pltpu.sync_copy(ald_hbm, ald_v)
    pltpu.sync_copy(flag_hbm, flag_v)
    _stripe_copy(z_hbm, acc_sh, sid, MP)

    flip = flag_v[...] > 0.5
    lane = lax.iota(jnp.int32, LL)

    @pl.loop(0, NCHUNK)
    def _(i):
        for kk in range(CH // LL):
            s16 = src2_v[i, pl.ds(kk * LL, LL)]
            d16 = dst2_v[i, pl.ds(kk * LL, LL)]
            a = plsc.load_gather(als_v, [s16])
            b = plsc.load_gather(ald_v, [d16])
            keep = jnp.logical_xor((a + b) > 0.0, flip)
            dump = (N + ((i * 5 + kk) % 32) * LL) + lane
            sidx2_v[i, pl.ds(kk * LL, LL)] = jnp.where(keep, d16, dump)

    plsc.subcore_barrier()
    _edge_ring(t_hbm, src2_v, sidx2_v, acc_sh, rows_a, rows_b, sem_a, sem_b)
    plsc.subcore_barrier()
    _stripe_copy(acc_sh, out_hbm.at[cid], sid, MP)


_EDGE_KERNEL = pl.kernel(
    _edge_kernel_body,
    out_type=jax.ShapeDtypeStruct((NC, MP, D80), jnp.float32),
    mesh=_MESH,
    compiler_params=_CP,
    scratch_types=[
        pltpu.VMEM((NCHUNK, CH), jnp.int32),
        pltpu.VMEM((NCHUNK, CH), jnp.int32),
        pltpu.VMEM((NCHUNK, CH), jnp.int32),
        pltpu.VMEM((CH, D80), jnp.float32),
        pltpu.VMEM((CH, D80), jnp.float32),
        pltpu.VMEM((N,), jnp.float32),
        pltpu.VMEM((N,), jnp.float32),
        pltpu.VMEM((LL,), jnp.float32),
        pltpu.VMEM_SHARED((MP, D80), jnp.float32),
        pltpu.SemaphoreType.DMA,
        pltpu.SemaphoreType.DMA,
    ],
)

_DUMP = None


def _edge_pass(T, als, ald, flag, src3, dst3):
    zeros = jnp.zeros((MP, D80), jnp.float32)
    flagv = jnp.full((LL,), flag, jnp.float32)
    p = _EDGE_KERNEL(T, als, ald, flagv, src3, dst3, zeros)
    return p[0, :N] + p[1, :N]


_ONES = None


def _segsum(h_ext, src3, dst3):
    ones = jnp.ones((N,), jnp.float32)
    return _edge_pass(h_ext, ones, ones, 0.0, src3, dst3)


def _gat_head(xw_h, als, ald, src3, dst3, token):
    n = xw_h.shape[0]
    asm = jnp.max(als)
    adm = jnp.max(ald)
    bb = asm + adm
    mb = jnp.maximum(bb, 0.2 * bb)
    fpos = jnp.exp(als - asm)
    fneg = jnp.exp(0.2 * (als - asm))
    pad = jnp.zeros((n, 15), jnp.float32)
    Tp = jnp.concatenate([fpos[:, None] * xw_h, fpos[:, None], pad], axis=1)
    Tn = jnp.concatenate([fneg[:, None] * xw_h, fneg[:, None], pad], axis=1)
    Sp = _edge_pass(Tp + token, als, ald, 0.0, src3, dst3)
    token = 0.0 * Sp[0, 0]
    Sn = _edge_pass(Tn + token, als, ald, 1.0, src3, dst3)
    token = 0.0 * Sn[0, 0]
    gpos = jnp.exp(ald - adm + bb - mb)
    gneg = jnp.exp(0.2 * (ald - adm) + 0.2 * bb - mb)
    num = gpos[:, None] * Sp[:, :HID] + gneg[:, None] * Sn[:, :HID]
    den = gpos * Sp[:, HID] + gneg * Sn[:, HID]
    return num, den, token


def kernel(x, edge_index, n2v_table, W_n2vp, b_n2vp, W_in, b_in, W_gate,
           b_gate, Wl1, bl1, Wr1, Wl2, bl2, Wr2, W_gat, att_src, att_dst,
           b_gat, Wl3, bl3, Wr3):
    n = x.shape[0]
    src3 = edge_index[0].astype(jnp.int32).reshape(NW, NCHUNK, CH)
    dst3 = edge_index[1].astype(jnp.int32).reshape(NW, NCHUNK, CH)
    h0 = _h0(x, n2v_table, W_n2vp, b_n2vp, W_in, b_in, W_gate, b_gate)
    h0e = jnp.concatenate(
        [h0, jnp.ones((n, 1), jnp.float32), jnp.zeros((n, 15), jnp.float32)],
        axis=1)
    s1 = _segsum(h0e, src3, dst3)
    deg_inv = 1.0 / jnp.maximum(s1[:, HID], 1.0)
    h1 = jax.nn.relu(s1[:, :HID] * deg_inv[:, None] @ Wl1.T + bl1 + h0 @ Wr1.T)
    h1e = jnp.concatenate([h1, jnp.zeros((n, 16), jnp.float32)], axis=1)
    s2 = _segsum(h1e + 0.0 * s1[0, 0], src3, dst3)
    h2 = jax.nn.relu(s2[:, :HID] * deg_inv[:, None] @ Wl2.T + bl2 + h1 @ Wr2.T)

    xw = h2 @ W_gat.T
    outs = []
    token = 0.0 * s2[0, 0]
    for h in range(HEADS):
        xw_h = xw[:, h * HID:(h + 1) * HID]
        als = xw_h @ att_src[h]
        ald = xw_h @ att_dst[h]
        num, den, token = _gat_head(xw_h, als, ald, src3, dst3, token)
        outs.append(num / jnp.where(den > 0, den, 1.0)[:, None])
    h3 = jax.nn.relu((outs[0] + outs[1]) * 0.5 + b_gat)

    h3e = jnp.concatenate([h3, jnp.zeros((n, 16), jnp.float32)], axis=1)
    s3 = _segsum(h3e + token, src3, dst3)
    return s3[:, :HID] * deg_inv[:, None] @ Wl3.T + bl3 + h3 @ Wr3.T

# --- scband reference (transcript-rebuilt; emitter-appended) ---
"""Pipeline reference for scband-structural-gnn-31576599560257 (READ-ONLY COPY).

The authoritative reference and input builder live on the scoring server;
editing this copy changes nothing except your own understanding.
"""

import jax, jax.numpy as jnp
import numpy as np

N = 10000
E = 320000
D_IN = 128
HID = 64
OUT = 32
EMB = 128
HEADS = 2

def setup_inputs(seed: int = 0):
    key = jax.random.key(seed)
    ks = jax.random.split(key, 25)
    def p(k, shape, s=0.05):
        return jax.random.normal(k, shape, dtype=jnp.float32) * s
    return {
        'x': jax.random.normal(ks[0], (N, D_IN), dtype=jnp.float32),
        'edge_index': jax.random.randint(ks[1], (2, E), 0, N),
        'n2v_table': p(ks[2], (N, EMB), 1.0),
        'W_n2vp': p(ks[3], (HID, EMB)), 'b_n2vp': p(ks[4], (HID,)),
        'W_in': p(ks[5], (HID, D_IN + HID)), 'b_in': p(ks[6], (HID,)),
        'W_gate': p(ks[7], (HID, D_IN + HID)), 'b_gate': p(ks[8], (HID,)),
        'Wl1': p(ks[9], (HID, HID)), 'bl1': p(ks[10], (HID,)), 'Wr1': p(ks[11], (HID, HID)),
        'Wl2': p(ks[12], (HID, HID)), 'bl2': p(ks[13], (HID,)), 'Wr2': p(ks[14], (HID, HID)),
        'W_gat': p(ks[15], (HEADS * HID, HID)), 'att_src': p(ks[16], (HEADS, HID)), 'att_dst': p(ks[17], (HEADS, HID)), 'b_gat': p(ks[18], (HID,)),
        'Wl3': p(ks[19], (OUT, HID)), 'bl3': p(ks[20], (OUT,)), 'Wr3': p(ks[21], (OUT, HID)),
    }

def _sage(h, src, dst, Wl, bl, Wr, n):
    s = jax.ops.segment_sum(h[src], dst, num_segments=n)
    deg = jax.ops.segment_sum(jnp.ones((src.shape[0],), jnp.float32), dst, num_segments=n)
    mean = s / jnp.maximum(deg, 1.0)[:, None]
    return mean @ Wl.T + bl + h @ Wr.T

def _gat(h, src, dst, W, a_s, a_d, b, n):
    xw = (h @ W.T).reshape(n, HEADS, HID)
    al_s = (xw * a_s[None, :, :]).sum(-1)
    al_d = (xw * a_d[None, :, :]).sum(-1)
    e = jax.nn.leaky_relu(al_s[src] + al_d[dst], 0.2)
    m = jax.ops.segment_max(e, dst, num_segments=n)
    m = jnp.where(jnp.isfinite(m), m, 0.0)
    ex = jnp.exp(e - m[dst])
    denom = jax.ops.segment_sum(ex, dst, num_segments=n)
    coef = ex / jnp.where(denom[dst] > 0, denom[dst], 1.0)
    out = jax.ops.segment_sum(coef[:, :, None] * xw[src], dst, num_segments=n)
    return out.mean(axis=1) + b

def _forward(x, n2v_table, W_n2vp, b_n2vp, W_in, b_in, W_gate, b_gate, Wl1, bl1, Wr1, Wl2, bl2, Wr2, W_gat, att_src, att_dst, b_gat, Wl3, bl3, Wr3, edge_index):
    n = x.shape[0]
    idx = jnp.arange(n)
    emb = jax.lax.stop_gradient(jnp.take(n2v_table, idx, axis=0))
    emb_p = emb @ W_n2vp.T + b_n2vp
    comb = jnp.concatenate([x[idx], emb_p], axis=-1)
    gate = jax.nn.sigmoid(comb @ W_gate.T + b_gate)
    x_proj = comb @ W_in.T + b_in
    raw = jnp.concatenate([x[idx], jnp.zeros((n, HID), x.dtype)], axis=-1)
    raw_proj = raw @ W_in.T + b_in
    gated = gate * x_proj + (1.0 - gate) * raw_proj
    out = jnp.zeros((n, HID), x.dtype).at[idx].set(gated)
    src, dst = edge_index[0], edge_index[1]
    out = jax.nn.relu(_sage(out, src, dst, Wl1, bl1, Wr1, n))
    out = jax.nn.relu(_sage(out, src, dst, Wl2, bl2, Wr2, n))
    out = jax.nn.relu(_gat(out, src, dst, W_gat, att_src, att_dst, b_gat, n))
    out = _sage(out, src, dst, Wl3, bl3, Wr3, n)
    return out

def reference(x, edge_index, n2v_table, W_n2vp, b_n2vp, W_in, b_in, W_gate, b_gate, Wl1, bl1, Wr1, Wl2, bl2, Wr2, W_gat, att_src, att_dst, b_gat, Wl3, bl3, Wr3):
    return _forward(x, n2v_table, W_n2vp, b_n2vp, W_in, b_in, W_gate, b_gate, Wl1, bl1, Wr1, Wl2, bl2, Wr2, W_gat, att_src, att_dst, b_gat, Wl3, bl3, Wr3, edge_index)

if __name__ == "__main__":
    import jax
    _d = setup_inputs()
    print(jax.jit(kernel)(*tuple(_d.values())))

</pallas_src>

<mosaic_0001>
#map = affine_map<(d0, d1) -> (0, 0)>
#map1 = affine_map<(d0, d1) -> (0)>
#map2 = affine_map<(d0, d1) -> (0, 0, 0)>
module attributes {stable_mosaic.version = 14 : i64} {
  func.func @_edge_kernel_body(%arg0: i32, %arg1: i32, %arg2: memref<10000x80xf32, #tpu.memory_space<hbm>>, %arg3: memref<10000xf32, #tpu.memory_space<hbm>>, %arg4: memref<10000xf32, #tpu.memory_space<hbm>>, %arg5: memref<16xf32, #tpu.memory_space<hbm>>, %arg6: memref<32x125x80xi32, #tpu.memory_space<hbm>>, %arg7: memref<32x125x80xi32, #tpu.memory_space<hbm>>, %arg8: memref<10512x80xf32, #tpu.memory_space<hbm>>, %arg9: memref<2x10512x80xf32, #tpu.memory_space<hbm>>, %arg10: memref<125x80xi32, #tpu.memory_space<vmem>>, %arg11: memref<125x80xi32, #tpu.memory_space<vmem>>, %arg12: memref<125x80xi32, #tpu.memory_space<vmem>>, %arg13: memref<80x80xf32, #tpu.memory_space<vmem>>, %arg14: memref<80x80xf32, #tpu.memory_space<vmem>>, %arg15: memref<10000xf32, #tpu.memory_space<vmem>>, %arg16: memref<10000xf32, #tpu.memory_space<vmem>>, %arg17: memref<16xf32, #tpu.memory_space<vmem>>, %arg18: memref<10512x80xf32, #tpu.memory_space<vmem_shared>>, %arg19: memref<!tpu.dma_semaphore, #tpu.memory_space<semaphore_mem>>, %arg20: memref<!tpu.dma_semaphore, #tpu.memory_space<semaphore_mem>>) attributes {dimension_semantics = [#tpu.dimension_semantics<core_parallel>, #tpu.dimension_semantics<subcore_parallel>], iteration_bounds = array<i64: 2, 16>, scalar_prefetch = 0 : i64, scratch_operands = 11 : i64, tpu.core_type = #tpu.core_type<sc_vector_subcore>, window_params = [{transform_indices = #map}, {transform_indices = #map1}, {transform_indices = #map1}, {transform_indices = #map1}, {transform_indices = #map2}, {transform_indices = #map2}, {transform_indices = #map}, {transform_indices = #map2}]} {
    %mul3A = arith.constant 2 : i32
    %mul3A_0 = arith.muli %arg1, %mul3A : i32
    %add3A = arith.addi %mul3A_0, %arg0 : i32
    "tpu.region"() ({
      %run_scoped3A_41 = tpu.sem_alloc : memref<!tpu.dma_semaphore, #tpu.memory_space<semaphore_mem>>
      %dma_start3A_42 = arith.constant 0 : i32
      %dma_start3A_43 = arith.constant 0 : i32
      %dma_start3A_44 = tpu.memref_slice %arg6[%add3A, %dma_start3A_42, %dma_start3A_43] : memref<32x125x80xi32, #tpu.memory_space<hbm>> -> memref<1x125x80xi32, #tpu.memory_space<hbm>>
      %dma_start3A_45 = tpu.memref_squeeze %dma_start3A_44 : memref<1x125x80xi32, #tpu.memory_space<hbm>> -> memref<125x80xi32, #tpu.memory_space<hbm>>
      %dma_start3A_46 = arith.constant 0 : i32
      %dma_start3A_47 = arith.constant 0 : i32
      %dma_start3A_48 = tpu.memref_slice %arg6[%add3A, %dma_start3A_46, %dma_start3A_47] : memref<32x125x80xi32, #tpu.memory_space<hbm>> -> memref<1x125x80xi32, #tpu.memory_space<hbm>>
      %dma_start3A_49 = tpu.memref_squeeze %dma_start3A_48 : memref<1x125x80xi32, #tpu.memory_space<hbm>> -> memref<125x80xi32, #tpu.memory_space<hbm>>
      tpu.enqueue_dma source(%dma_start3A_49 : memref<125x80xi32, #tpu.memory_space<hbm>>) target(%arg10 : memref<125x80xi32, #tpu.memory_space<vmem>>) target_semaphore(%run_scoped3A_41 : memref<!tpu.dma_semaphore, #tpu.memory_space<semaphore_mem>>)
      %dma_wait3A_50 = arith.constant 0 : i32
      %dma_wait3A_51 = arith.constant 0 : i32
      %dma_wait3A_52 = tpu.memref_slice %arg6[%add3A, %dma_wait3A_50, %dma_wait3A_51] : memref<32x125x80xi32, #tpu.memory_space<hbm>> -> memref<1x125x80xi32, #tpu.memory_space<hbm>>
      %dma_wait3A_53 = tpu.memref_squeeze %dma_wait3A_52 : memref<1x125x80xi32, #tpu.memory_space<hbm>> -> memref<125x80xi32, #tpu.memory_space<hbm>>
      %dma_wait3A_54 = arith.constant 0 : i32
      %dma_wait3A_55 = arith.constant 0 : i32
      %dma_wait3A_56 = tpu.memref_slice %arg6[%add3A, %dma_wait3A_54, %dma_wait3A_55] : memref<32x125x80xi32, #tpu.memory_space<hbm>> -> memref<1x125x80xi32, #tpu.memory_space<hbm>>
      %dma_wait3A_57 = tpu.memref_squeeze %dma_wait3A_56 : memref<1x125x80xi32, #tpu.memory_space<hbm>> -> memref<125x80xi32, #tpu.memory_space<hbm>>
      tpu.wait_dma2 semaphore(%run_scoped3A_41 : memref<!tpu.dma_semaphore, #tpu.memory_space<semaphore_mem>>) src(%dma_wait3A_57 : memref<125x80xi32, #tpu.memory_space<hbm>>) dst(%arg10 : memref<125x80xi32, #tpu.memory_space<vmem>>)
      tpu.yield
    }) : () -> ()
    "tpu.region"() ({
      %run_scoped3A_41 = tpu.sem_alloc : memref<!tpu.dma_semaphore, #tpu.memory_space<semaphore_mem>>
      %dma_start3A_42 = arith.constant 0 : i32
      %dma_start3A_43 = arith.constant 0 : i32
      %dma_start3A_44 = tpu.memref_slice %arg7[%add3A, %dma_start3A_42, %dma_start3A_43] : memref<32x125x80xi32, #tpu.memory_space<hbm>> -> memref<1x125x80xi32, #tpu.memory_space<hbm>>
      %dma_start3A_45 = tpu.memref_squeeze %dma_start3A_44 : memref<1x125x80xi32, #tpu.memory_space<hbm>> -> memref<125x80xi32, #tpu.memory_space<hbm>>
      %dma_start3A_46 = arith.constant 0 : i32
      %dma_start3A_47 = arith.constant 0 : i32
      %dma_start3A_48 = tpu.memref_slice %arg7[%add3A, %dma_start3A_46, %dma_start3A_47] : memref<32x125x80xi32, #tpu.memory_space<hbm>> -> memref<1x125x80xi32, #tpu.memory_space<hbm>>
      %dma_start3A_49 = tpu.memref_squeeze %dma_start3A_48 : memref<1x125x80xi32, #tpu.memory_space<hbm>> -> memref<125x80xi32, #tpu.memory_space<hbm>>
      tpu.enqueue_dma source(%dma_start3A_49 : memref<125x80xi32, #tpu.memory_space<hbm>>) target(%arg11 : memref<125x80xi32, #tpu.memory_space<vmem>>) target_semaphore(%run_scoped3A_41 : memref<!tpu.dma_semaphore, #tpu.memory_space<semaphore_mem>>)
      %dma_wait3A_50 = arith.constant 0 : i32
      %dma_wait3A_51 = arith.constant 0 : i32
      %dma_wait3A_52 = tpu.memref_slice %arg7[%add3A, %dma_wait3A_50, %dma_wait3A_51] : memref<32x125x80xi32, #tpu.memory_space<hbm>> -> memref<1x125x80xi32, #tpu.memory_space<hbm>>
      %dma_wait3A_53 = tpu.memref_squeeze %dma_wait3A_52 : memref<1x125x80xi32, #tpu.memory_space<hbm>> -> memref<125x80xi32, #tpu.memory_space<hbm>>
      %dma_wait3A_54 = arith.constant 0 : i32
      %dma_wait3A_55 = arith.constant 0 : i32
      %dma_wait3A_56 = tpu.memref_slice %arg7[%add3A, %dma_wait3A_54, %dma_wait3A_55] : memref<32x125x80xi32, #tpu.memory_space<hbm>> -> memref<1x125x80xi32, #tpu.memory_space<hbm>>
      %dma_wait3A_57 = tpu.memref_squeeze %dma_wait3A_56 : memref<1x125x80xi32, #tpu.memory_space<hbm>> -> memref<125x80xi32, #tpu.memory_space<hbm>>
      tpu.wait_dma2 semaphore(%run_scoped3A_41 : memref<!tpu.dma_semaphore, #tpu.memory_space<semaphore_mem>>) src(%dma_wait3A_57 : memref<125x80xi32, #tpu.memory_space<hbm>>) dst(%arg11 : memref<125x80xi32, #tpu.memory_space<vmem>>)
      tpu.yield
    }) : () -> ()
    "tpu.region"() ({
      %run_scoped3A_41 = tpu.sem_alloc : memref<!tpu.dma_semaphore, #tpu.memory_space<semaphore_mem>>
      tpu.enqueue_dma source(%arg3 : memref<10000xf32, #tpu.memory_space<hbm>>) target(%arg15 : memref<10000xf32, #tpu.memory_space<vmem>>) target_semaphore(%run_scoped3A_41 : memref<!tpu.dma_semaphore, #tpu.memory_space<semaphore_mem>>)
      tpu.wait_dma2 semaphore(%run_scoped3A_41 : memref<!tpu.dma_semaphore, #tpu.memory_space<semaphore_mem>>) src(%arg3 : memref<10000xf32, #tpu.memory_space<hbm>>) dst(%arg15 : memref<10000xf32, #tpu.memory_space<vmem>>)
      tpu.yield
    }) : () -> ()
    "tpu.region"() ({
      %run_scoped3A_41 = tpu.sem_alloc : memref<!tpu.dma_semaphore, #tpu.memory_space<semaphore_mem>>
      tpu.enqueue_dma source(%arg4 : memref<10000xf32, #tpu.memory_space<hbm>>) target(%arg16 : memref<10000xf32, #tpu.memory_space<vmem>>) target_semaphore(%run_scoped3A_41 : memref<!tpu.dma_semaphore, #tpu.memory_space<semaphore_mem>>)
      tpu.wait_dma2 semaphore(%run_scoped3A_41 : memref<!tpu.dma_semaphore, #tpu.memory_space<semaphore_mem>>) src(%arg4 : memref<10000xf32, #tpu.memory_space<hbm>>) dst(%arg16 : memref<10000xf32, #tpu.memory_space<vmem>>)
      tpu.yield
    }) : () -> ()
    "tpu.region"() ({
      %run_scoped3A_41 = tpu.sem_alloc : memref<!tpu.dma_semaphore, #tpu.memory_space<semaphore_mem>>
      tpu.enqueue_dma source(%arg5 : memref<16xf32, #tpu.memory_space<hbm>>) target(%arg17 : memref<16xf32, #tpu.memory_space<vmem>>) target_semaphore(%run_scoped3A_41 : memref<!tpu.dma_semaphore, #tpu.memory_space<semaphore_mem>>)
      tpu.wait_dma2 semaphore(%run_scoped3A_41 : memref<!tpu.dma_semaphore, #tpu.memory_space<semaphore_mem>>) src(%arg5 : memref<16xf32, #tpu.memory_space<hbm>>) dst(%arg17 : memref<16xf32, #tpu.memory_space<vmem>>)
      tpu.yield
    }) : () -> ()
    %mul3A_1 = arith.constant 656 : i32
    %mul3A_2 = arith.muli %arg1, %mul3A_1 : i32
    %mul3A_3 = arith.constant 656 : i32
    %mul3A_4 = arith.muli %arg1, %mul3A_3 : i32
    "tpu.region"() ({
      %run_scoped3A_41 = tpu.sem_alloc : memref<!tpu.dma_semaphore, #tpu.memory_space<semaphore_mem>>
      %dma_start3A_42 = arith.constant 0 : i32
      %dma_start3A_43 = tpu.memref_slice %arg18[%mul3A_4, %dma_start3A_42] : memref<10512x80xf32, #tpu.memory_space<vmem_shared>> -> memref<656x80xf32, #tpu.memory_space<vmem_shared>>
      %dma_start3A_44 = arith.constant 0 : i32
      %dma_start3A_45 = tpu.memref_slice %arg8[%mul3A_2, %dma_start3A_44] : memref<10512x80xf32, #tpu.memory_space<hbm>> -> memref<656x80xf32, #tpu.memory_space<hbm>>
      tpu.enqueue_dma source(%dma_start3A_45 : memref<656x80xf32, #tpu.memory_space<hbm>>) target(%dma_start3A_43 : memref<656x80xf32, #tpu.memory_space<vmem_shared>>) target_semaphore(%run_scoped3A_41 : memref<!tpu.dma_semaphore, #tpu.memory_space<semaphore_mem>>)
      %dma_wait3A_46 = arith.constant 0 : i32
      %dma_wait3A_47 = tpu.memref_slice %arg18[%mul3A_4, %dma_wait3A_46] : memref<10512x80xf32, #tpu.memory_space<vmem_shared>> -> memref<656x80xf32, #tpu.memory_space<vmem_shared>>
      %dma_wait3A_48 = arith.constant 0 : i32
      %dma_wait3A_49 = tpu.memref_slice %arg8[%mul3A_2, %dma_wait3A_48] : memref<10512x80xf32, #tpu.memory_space<hbm>> -> memref<656x80xf32, #tpu.memory_space<hbm>>
      tpu.wait_dma2 semaphore(%run_scoped3A_41 : memref<!tpu.dma_semaphore, #tpu.memory_space<semaphore_mem>>) src(%dma_wait3A_49 : memref<656x80xf32, #tpu.memory_space<hbm>>) dst(%dma_wait3A_47 : memref<656x80xf32, #tpu.memory_space<vmem_shared>>)
      tpu.yield
    }) : () -> ()
    %eq3A = arith.constant 0 : i32
    %eq3A_5 = arith.cmpi eq, %arg1, %eq3A : i32
    %convert_element_type3A = arith.extui %eq3A_5 : i1 to i32
    %cond3A = arith.constant 0 : i32
    %cond3A_6 = arith.cmpi ne, %convert_element_type3A, %cond3A : i32
    scf.if %cond3A_6 {
      "tpu.region"() ({
        %run_scoped3A_41 = tpu.sem_alloc : memref<!tpu.dma_semaphore, #tpu.memory_space<semaphore_mem>>
        %dma_start3A_42 = arith.constant 10496 : i32
        %dma_start3A_43 = arith.constant 0 : i32
        %dma_start3A_44 = tpu.memref_slice %arg18[%dma_start3A_42, %dma_start3A_43] : memref<10512x80xf32, #tpu.memory_space<vmem_shared>> -> memref<16x80xf32, #tpu.memory_space<vmem_shared>>
        %dma_start3A_45 = arith.constant 10496 : i32
        %dma_start3A_46 = arith.constant 0 : i32
        %dma_start3A_47 = tpu.memref_slice %arg8[%dma_start3A_45, %dma_start3A_46] : memref<10512x80xf32, #tpu.memory_space<hbm>> -> memref<16x80xf32, #tpu.memory_space<hbm>>
        tpu.enqueue_dma source(%dma_start3A_47 : memref<16x80xf32, #tpu.memory_space<hbm>>) target(%dma_start3A_44 : memref<16x80xf32, #tpu.memory_space<vmem_shared>>) target_semaphore(%run_scoped3A_41 : memref<!tpu.dma_semaphore, #tpu.memory_space<semaphore_mem>>)
        %dma_wait3A_48 = arith.constant 10496 : i32
        %dma_wait3A_49 = arith.constant 0 : i32
        %dma_wait3A_50 = tpu.memref_slice %arg18[%dma_wait3A_48, %dma_wait3A_49] : memref<10512x80xf32, #tpu.memory_space<vmem_shared>> -> memref<16x80xf32, #tpu.memory_space<vmem_shared>>
        %dma_wait3A_51 = arith.constant 10496 : i32
        %dma_wait3A_52 = arith.constant 0 : i32
        %dma_wait3A_53 = tpu.memref_slice %arg8[%dma_wait3A_51, %dma_wait3A_52] : memref<10512x80xf32, #tpu.memory_space<hbm>> -> memref<16x80xf32, #tpu.memory_space<hbm>>
        tpu.wait_dma2 semaphore(%run_scoped3A_41 : memref<!tpu.dma_semaphore, #tpu.memory_space<semaphore_mem>>) src(%dma_wait3A_53 : memref<16x80xf32, #tpu.memory_space<hbm>>) dst(%dma_wait3A_50 : memref<16x80xf32, #tpu.memory_space<vmem_shared>>)
        tpu.yield
      }) : () -> ()
    } else {
    }
    %get3A = arith.constant 0 : index
    %get3A_7 = tpu.vector_load %arg17[%get3A] {strides = array<i32>} : memref<16xf32, #tpu.memory_space<vmem>>, vector<16xf32>,
    %gt3A = arith.constant 5.000000e-01 : f32
    %gt3A_8 = vector.broadcast %gt3A : f32 to vector<16xf32>
    %gt3A_9 = arith.cmpf ogt, %get3A_7, %gt3A_8 : vector<16xf32>
    %iota3A = tpu.iota {dimensions = array<i32: 0>} : vector<16xi32>
    %scan3A = arith.constant 0 : i32
    %scan3A_10 = arith.constant 125 : i32
    %scan3A_11 = arith.addi %scan3A, %scan3A_10 : i32
    %scan3A_12 = arith.constant 1 : i32
    scf.for %scan3A_41 = %scan3A to %scan3A_11 step %scan3A_12  : i32 {
      %mul3A_42 = arith.constant 1 : i32
      %mul3A_43 = arith.muli %scan3A_41, %mul3A_42 : i32
      %add3A_44 = arith.constant 0 : i32
      %add3A_45 = arith.addi %add3A_44, %mul3A_43 : i32
      %get3A_46 = arith.index_cast %add3A_45 : i32 to index
      %get3A_47 = arith.constant 0 : index
      %get3A_48 = tpu.vector_load %arg10[%get3A_46, %get3A_47] {strides = array<i32>} : memref<125x80xi32, #tpu.memory_space<vmem>>, vector<16xi32>,
      %get3A_49 = arith.index_cast %add3A_45 : i32 to index
      %get3A_50 = arith.constant 0 : index
      %get3A_51 = tpu.vector_load %arg11[%get3A_49, %get3A_50] {strides = array<i32>} : memref<125x80xi32, #tpu.memory_space<vmem>>, vector<16xi32>,
      %gather3A = tpu.vector_load_idx %arg15[%get3A_48] : memref<10000xf32, #tpu.memory_space<vmem>>[vector<16xi32>], vector<16xf32>,
      %gather3A_52 = tpu.vector_load_idx %arg16[%get3A_51] : memref<10000xf32, #tpu.memory_space<vmem>>[vector<16xi32>], vector<16xf32>,
      %add3A_53 = arith.addf %gather3A, %gather3A_52 : vector<16xf32>
      %gt3A_54 = arith.constant 0.000000e+00 : f32
      %gt3A_55 = vector.broadcast %gt3A_54 : f32 to vector<16xf32>
      %gt3A_56 = arith.cmpf ogt, %add3A_53, %gt3A_55 : vector<16xf32>
      %xor3A = arith.xori %gt3A_56, %gt3A_9 : vector<16xi1>
      %mul3A_57 = arith.constant 5 : i32
      %mul3A_58 = arith.muli %add3A_45, %mul3A_57 : i32
      %add3A_59 = arith.constant 0 : i32
      %add3A_60 = arith.addi %mul3A_58, %add3A_59 : i32
      %jit3A = arith.constant 32 : i32
      %eq3A_61 = arith.constant 0 : i32
      %eq3A_62 = arith.cmpi eq, %jit3A, %eq3A_61 : i32
      %jit3A_63 = arith.constant 1 : i32
      %select_n3A = arith.select %eq3A_62, %jit3A_63, %jit3A : i32
      %rem3A = arith.remsi %add3A_60, %select_n3A : i32
      %ne3A = arith.constant 0 : i32
      %ne3A_64 = arith.cmpi ne, %rem3A, %ne3A : i32
      %lt3A = arith.constant 0 : i32
      %lt3A_65 = arith.cmpi slt, %rem3A, %lt3A : i32
      %lt3A_66 = arith.constant 0 : i32
      %lt3A_67 = arith.cmpi slt, %select_n3A, %lt3A_66 : i32
      %ne3A_68 = arith.xori %lt3A_65, %lt3A_67 : i1
      %and3A = arith.andi %ne3A_68, %ne3A_64 : i1
      %add3A_69 = arith.addi %rem3A, %select_n3A : i32
      %select_n3A_70 = arith.select %and3A, %add3A_69, %rem3A : i32
      %mul3A_71 = arith.constant 16 : i32
      %mul3A_72 = arith.muli %select_n3A_70, %mul3A_71 : i32
      %add3A_73 = arith.constant 10000 : i32
      %add3A_74 = arith.addi %add3A_73, %mul3A_72 : i32
      %add3A_75 = vector.broadcast %add3A_74 : i32 to vector<16xi32>
      %add3A_76 = arith.addi %add3A_75, %iota3A : vector<16xi32>
      %select_n3A_77 = arith.select %xor3A, %get3A_51, %add3A_76 : vector<16xi1>, vector<16xi32>
      %swap3A = arith.index_cast %add3A_45 : i32 to index
      %swap3A_78 = arith.constant 0 : index
      %swap3A_79 = tpu.vector_load %arg12[%swap3A, %swap3A_78] {strides = array<i32>} : memref<125x80xi32, #tpu.memory_space<vmem>>, vector<16xi32>,
      tpu.vector_store %arg12[%swap3A, %swap3A_78], %select_n3A_77 {strides = array<i32>} : memref<125x80xi32, #tpu.memory_space<vmem>>, vector<16xi32>,
      %get3A_80 = arith.index_cast %add3A_45 : i32 to index
      %get3A_81 = arith.constant 16 : index
      %get3A_82 = tpu.vector_load %arg10[%get3A_80, %get3A_81] {strides = array<i32>} : memref<125x80xi32, #tpu.memory_space<vmem>>, vector<16xi32>,
      %get3A_83 = arith.index_cast %add3A_45 : i32 to index
      %get3A_84 = arith.constant 16 : index
      %get3A_85 = tpu.vector_load %arg11[%get3A_83, %get3A_84] {strides = array<i32>} : memref<125x80xi32, #tpu.memory_space<vmem>>, vector<16xi32>,
      %gather3A_86 = tpu.vector_load_idx %arg15[%get3A_82] : memref<10000xf32, #tpu.memory_space<vmem>>[vector<16xi32>], vector<16xf32>,
      %gather3A_87 = tpu.vector_load_idx %arg16[%get3A_85] : memref<10000xf32, #tpu.memory_space<vmem>>[vector<16xi32>], vector<16xf32>,
      %add3A_88 = arith.addf %gather3A_86, %gather3A_87 : vector<16xf32>
      %gt3A_89 = arith.constant 0.000000e+00 : f32
      %gt3A_90 = vector.broadcast %gt3A_89 : f32 to vector<16xf32>
      %gt3A_91 = arith.cmpf ogt, %add3A_88, %gt3A_90 : vector<16xf32>
      %xor3A_92 = arith.xori %gt3A_91, %gt3A_9 : vector<16xi1>
      %mul3A_93 = arith.constant 5 : i32
      %mul3A_94 = arith.muli %add3A_45, %mul3A_93 : i32
      %add3A_95 = arith.constant 1 : i32
      %add3A_96 = arith.addi %mul3A_94, %add3A_95 : i32
      %jit3A_97 = arith.constant 32 : i32
      %eq3A_98 = arith.constant 0 : i32
      %eq3A_99 = arith.cmpi eq, %jit3A_97, %eq3A_98 : i32
      %jit3A_100 = arith.constant 1 : i32
      %select_n3A_101 = arith.select %eq3A_99, %jit3A_100, %jit3A_97 : i32
      %rem3A_102 = arith.remsi %add3A_96, %select_n3A_101 : i32
      %ne3A_103 = arith.constant 0 : i32
      %ne3A_104 = arith.cmpi ne, %rem3A_102, %ne3A_103 : i32
      %lt3A_105 = arith.constant 0 : i32
      %lt3A_106 = arith.cmpi slt, %rem3A_102, %lt3A_105 : i32
      %lt3A_107 = arith.constant 0 : i32
      %lt3A_108 = arith.cmpi slt, %select_n3A_101, %lt3A_107 : i32
      %ne3A_109 = arith.xori %lt3A_106, %lt3A_108 : i1
      %and3A_110 = arith.andi %ne3A_109, %ne3A_104 : i1
      %add3A_111 = arith.addi %rem3A_102, %select_n3A_101 : i32
      %select_n3A_112 = arith.select %and3A_110, %add3A_111, %rem3A_102 : i32
      %mul3A_113 = arith.constant 16 : i32
      %mul3A_114 = arith.muli %select_n3A_112, %mul3A_113 : i32
      %add3A_115 = arith.constant 10000 : i32
      %add3A_116 = arith.addi %add3A_115, %mul3A_114 : i32
      %add3A_117 = vector.broadcast %add3A_116 : i32 to vector<16xi32>
      %add3A_118 = arith.addi %add3A_117, %iota3A : vector<16xi32>
      %select_n3A_119 = arith.select %xor3A_92, %get3A_85, %add3A_118 : vector<16xi1>, vector<16xi32>
      %swap3A_120 = arith.index_cast %add3A_45 : i32 to index
      %swap3A_121 = arith.constant 16 : index
      %swap3A_122 = tpu.vector_load %arg12[%swap3A_120, %swap3A_121] {strides = array<i32>} : memref<125x80xi32, #tpu.memory_space<vmem>>, vector<16xi32>,
      tpu.vector_store %arg12[%swap3A_120, %swap3A_121], %select_n3A_119 {strides = array<i32>} : memref<125x80xi32, #tpu.memory_space<vmem>>, vector<16xi32>,
      %get3A_123 = arith.index_cast %add3A_45 : i32 to index
      %get3A_124 = arith.constant 32 : index
      %get3A_125 = tpu.vector_load %arg10[%get3A_123, %get3A_124] {strides = array<i32>} : memref<125x80xi32, #tpu.memory_space<vmem>>, vector<16xi32>,
      %get3A_126 = arith.index_cast %add3A_45 : i32 to index
      %get3A_127 = arith.constant 32 : index
      %get3A_128 = tpu.vector_load %arg11[%get3A_126, %get3A_127] {strides = array<i32>} : memref<125x80xi32, #tpu.memory_space<vmem>>, vector<16xi32>,
      %gather3A_129 = tpu.vector_load_idx %arg15[%get3A_125] : memref<10000xf32, #tpu.memory_space<vmem>>[vector<16xi32>], vector<16xf32>,
      %gather3A_130 = tpu.vector_load_idx %arg16[%get3A_128] : memref<10000xf32, #tpu.memory_space<vmem>>[vector<16xi32>], vector<16xf32>,
      %add3A_131 = arith.addf %gather3A_129, %gather3A_130 : vector<16xf32>
      %gt3A_132 = arith.constant 0.000000e+00 : f32
      %gt3A_133 = vector.broadcast %gt3A_132 : f32 to vector<16xf32>
      %gt3A_134 = arith.cmpf ogt, %add3A_131, %gt3A_133 : vector<16xf32>
      %xor3A_135 = arith.xori %gt3A_134, %gt3A_9 : vector<16xi1>
      %mul3A_136 = arith.constant 5 : i32
      %mul3A_137 = arith.muli %add3A_45, %mul3A_136 : i32
      %add3A_138 = arith.constant 2 : i32
      %add3A_139 = arith.addi %mul3A_137, %add3A_138 : i32
      %jit3A_140 = arith.constant 32 : i32
      %eq3A_141 = arith.constant 0 : i32
      %eq3A_142 = arith.cmpi eq, %jit3A_140, %eq3A_141 : i32
      %jit3A_143 = arith.constant 1 : i32
      %select_n3A_144 = arith.select %eq3A_142, %jit3A_143, %jit3A_140 : i32
      %rem3A_145 = arith.remsi %add3A_139, %select_n3A_144 : i32
      %ne3A_146 = arith.constant 0 : i32
      %ne3A_147 = arith.cmpi ne, %rem3A_145, %ne3A_146 : i32
      %lt3A_148 = arith.constant 0 : i32
      %lt3A_149 = arith.cmpi slt, %rem3A_145, %lt3A_148 : i32
      %lt3A_150 = arith.constant 0 : i32
      %lt3A_151 = arith.cmpi slt, %select_n3A_144, %lt3A_150 : i32
      %ne3A_152 = arith.xori %lt3A_149, %lt3A_151 : i1
      %and3A_153 = arith.andi %ne3A_152, %ne3A_147 : i1
      %add3A_154 = arith.addi %rem3A_145, %select_n3A_144 : i32
      %select_n3A_155 = arith.select %and3A_153, %add3A_154, %rem3A_145 : i32
      %mul3A_156 = arith.constant 16 : i32
      %mul3A_157 = arith.muli %select_n3A_155, %mul3A_156 : i32
      %add3A_158 = arith.constant 10000 : i32
      %add3A_159 = arith.addi %add3A_158, %mul3A_157 : i32
      %add3A_160 = vector.broadcast %add3A_159 : i32 to vector<16xi32>
      %add3A_161 = arith.addi %add3A_160, %iota3A : vector<16xi32>
      %select_n3A_162 = arith.select %xor3A_135, %get3A_128, %add3A_161 : vector<16xi1>, vector<16xi32>
      %swap3A_163 = arith.index_cast %add3A_45 : i32 to index
      %swap3A_164 = arith.constant 32 : index
      %swap3A_165 = tpu.vector_load %arg12[%swap3A_163, %swap3A_164] {strides = array<i32>} : memref<125x80xi32, #tpu.memory_space<vmem>>, vector<16xi32>,
      tpu.vector_store %arg12[%swap3A_163, %swap3A_164], %select_n3A_162 {strides = array<i32>} : memref<125x80xi32, #tpu.memory_space<vmem>>, vector<16xi32>,
      %get3A_166 = arith.index_cast %add3A_45 : i32 to index
      %get3A_167 = arith.constant 48 : index
      %get3A_168 = tpu.vector_load %arg10[%get3A_166, %get3A_167] {strides = array<i32>} : memref<125x80xi32, #tpu.memory_space<vmem>>, vector<16xi32>,
      %get3A_169 = arith.index_cast %add3A_45 : i32 to index
      %get3A_170 = arith.constant 48 : index
      %get3A_171 = tpu.vector_load %arg11[%get3A_169, %get3A_170] {strides = array<i32>} : memref<125x80xi32, #tpu.memory_space<vmem>>, vector<16xi32>,
      %gather3A_172 = tpu.vector_load_idx %arg15[%get3A_168] : memref<10000xf32, #tpu.memory_space<vmem>>[vector<16xi32>], vector<16xf32>,
      %gather3A_173 = tpu.vector_load_idx %arg16[%get3A_171] : memref<10000xf32, #tpu.memory_space<vmem>>[vector<16xi32>], vector<16xf32>,
      %add3A_174 = arith.addf %gather3A_172, %gather3A_173 : vector<16xf32>
      %gt3A_175 = arith.constant 0.000000e+00 : f32
      %gt3A_176 = vector.broadcast %gt3A_175 : f32 to vector<16xf32>
      %gt3A_177 = arith.cmpf ogt, %add3A_174, %gt3A_176 : vector<16xf32>
      %xor3A_178 = arith.xori %gt3A_177, %gt3A_9 : vector<16xi1>
      %mul3A_179 = arith.constant 5 : i32
      %mul3A_180 = arith.muli %add3A_45, %mul3A_179 : i32
      %add3A_181 = arith.constant 3 : i32
      %add3A_182 = arith.addi %mul3A_180, %add3A_181 : i32
      %jit3A_183 = arith.constant 32 : i32
      %eq3A_184 = arith.constant 0 : i32
      %eq3A_185 = arith.cmpi eq, %jit3A_183, %eq3A_184 : i32
      %jit3A_186 = arith.constant 1 : i32
      %select_n3A_187 = arith.select %eq3A_185, %jit3A_186, %jit3A_183 : i32
      %rem3A_188 = arith.remsi %add3A_182, %select_n3A_187 : i32
      %ne3A_189 = arith.constant 0 : i32
      %ne3A_190 = arith.cmpi ne, %rem3A_188, %ne3A_189 : i32
      %lt3A_191 = arith.constant 0 : i32
      %lt3A_192 = arith.cmpi slt, %rem3A_188, %lt3A_191 : i32
      %lt3A_193 = arith.constant 0 : i32
      %lt3A_194 = arith.cmpi slt, %select_n3A_187, %lt3A_193 : i32
      %ne3A_195 = arith.xori %lt3A_192, %lt3A_194 : i1
      %and3A_196 = arith.andi %ne3A_195, %ne3A_190 : i1
      %add3A_197 = arith.addi %rem3A_188, %select_n3A_187 : i32
      %select_n3A_198 = arith.select %and3A_196, %add3A_197, %rem3A_188 : i32
      %mul3A_199 = arith.constant 16 : i32
      %mul3A_200 = arith.muli %select_n3A_198, %mul3A_199 : i32
      %add3A_201 = arith.constant 10000 : i32
      %add3A_202 = arith.addi %add3A_201, %mul3A_200 : i32
      %add3A_203 = vector.broadcast %add3A_202 : i32 to vector<16xi32>
      %add3A_204 = arith.addi %add3A_203, %iota3A : vector<16xi32>
      %select_n3A_205 = arith.select %xor3A_178, %get3A_171, %add3A_204 : vector<16xi1>, vector<16xi32>
      %swap3A_206 = arith.index_cast %add3A_45 : i32 to index
      %swap3A_207 = arith.constant 48 : index
      %swap3A_208 = tpu.vector_load %arg12[%swap3A_206, %swap3A_207] {strides = array<i32>} : memref<125x80xi32, #tpu.memory_space<vmem>>, vector<16xi32>,
      tpu.vector_store %arg12[%swap3A_206, %swap3A_207], %select_n3A_205 {strides = array<i32>} : memref<125x80xi32, #tpu.memory_space<vmem>>, vector<16xi32>,
      %get3A_209 = arith.index_cast %add3A_45 : i32 to index
      %get3A_210 = arith.constant 64 : index
      %get3A_211 = tpu.vector_load %arg10[%get3A_209, %get3A_210] {strides = array<i32>} : memref<125x80xi32, #tpu.memory_space<vmem>>, vector<16xi32>,
      %get3A_212 = arith.index_cast %add3A_45 : i32 to index
      %get3A_213 = arith.constant 64 : index
      %get3A_214 = tpu.vector_load %arg11[%get3A_212, %get3A_213] {strides = array<i32>} : memref<125x80xi32, #tpu.memory_space<vmem>>, vector<16xi32>,
      %gather3A_215 = tpu.vector_load_idx %arg15[%get3A_211] : memref<10000xf32, #tpu.memory_space<vmem>>[vector<16xi32>], vector<16xf32>,
      %gather3A_216 = tpu.vector_load_idx %arg16[%get3A_214] : memref<10000xf32, #tpu.memory_space<vmem>>[vector<16xi32>], vector<16xf32>,
      %add3A_217 = arith.addf %gather3A_215, %gather3A_216 : vector<16xf32>
      %gt3A_218 = arith.constant 0.000000e+00 : f32
      %gt3A_219 = vector.broadcast %gt3A_218 : f32 to vector<16xf32>
      %gt3A_220 = arith.cmpf ogt, %add3A_217, %gt3A_219 : vector<16xf32>
      %xor3A_221 = arith.xori %gt3A_220, %gt3A_9 : vector<16xi1>
      %mul3A_222 = arith.constant 5 : i32
      %mul3A_223 = arith.muli %add3A_45, %mul3A_222 : i32
      %add3A_224 = arith.constant 4 : i32
      %add3A_225 = arith.addi %mul3A_223, %add3A_224 : i32
      %jit3A_226 = arith.constant 32 : i32
      %eq3A_227 = arith.constant 0 : i32
      %eq3A_228 = arith.cmpi eq, %jit3A_226, %eq3A_227 : i32
      %jit3A_229 = arith.constant 1 : i32
      %select_n3A_230 = arith.select %eq3A_228, %jit3A_229, %jit3A_226 : i32
      %rem3A_231 = arith.remsi %add3A_225, %select_n3A_230 : i32
      %ne3A_232 = arith.constant 0 : i32
      %ne3A_233 = arith.cmpi ne, %rem3A_231, %ne3A_232 : i32
      %lt3A_234 = arith.constant 0 : i32
      %lt3A_235 = arith.cmpi slt, %rem3A_231, %lt3A_234 : i32
      %lt3A_236 = arith.constant 0 : i32
      %lt3A_237 = arith.cmpi slt, %select_n3A_230, %lt3A_236 : i32
      %ne3A_238 = arith.xori %lt3A_235, %lt3A_237 : i1
      %and3A_239 = arith.andi %ne3A_238, %ne3A_233 : i1
      %add3A_240 = arith.addi %rem3A_231, %select_n3A_230 : i32
      %select_n3A_241 = arith.select %and3A_239, %add3A_240, %rem3A_231 : i32
      %mul3A_242 = arith.constant 16 : i32
      %mul3A_243 = arith.muli %select_n3A_241, %mul3A_242 : i32
      %add3A_244 = arith.constant 10000 : i32
      %add3A_245 = arith.addi %add3A_244, %mul3A_243 : i32
      %add3A_246 = vector.broadcast %add3A_245 : i32 to vector<16xi32>
      %add3A_247 = arith.addi %add3A_246, %iota3A : vector<16xi32>
      %select_n3A_248 = arith.select %xor3A_221, %get3A_214, %add3A_247 : vector<16xi1>, vector<16xi32>
      %swap3A_249 = arith.index_cast %add3A_45 : i32 to index
      %swap3A_250 = arith.constant 64 : index
      %swap3A_251 = tpu.vector_load %arg12[%swap3A_249, %swap3A_250] {strides = array<i32>} : memref<125x80xi32, #tpu.memory_space<vmem>>, vector<16xi32>,
      tpu.vector_store %arg12[%swap3A_249, %swap3A_250], %select_n3A_248 {strides = array<i32>} : memref<125x80xi32, #tpu.memory_space<vmem>>, vector<16xi32>,
    }
    %scan3A_13 = arith.constant 125 : i32
    %barrier3A = arith.constant 0 : index
    tpu.barrier barrier_id(%barrier3A)
    %dma_start3A = arith.constant 0 : i32
    %dma_start3A_14 = arith.constant 0 : i32
    %dma_start3A_15 = tpu.memref_slice %arg10[%dma_start3A, %dma_start3A_14] : memref<125x80xi32, #tpu.memory_space<vmem>> -> memref<1x80xi32, #tpu.memory_space<vmem>>
    %dma_start3A_16 = tpu.memref_squeeze %dma_start3A_15 : memref<1x80xi32, #tpu.memory_space<vmem>> -> memref<80xi32, #tpu.memory_space<vmem>>
    %dma_start3A_17 = arith.constant 0 : i32
    %dma_start3A_18 = arith.constant 0 : i32
    %dma_start3A_19 = tpu.memref_slice %arg2[%dma_start3A_17, %dma_start3A_18] : memref<10000x80xf32, #tpu.memory_space<hbm>> -> memref<10000x80xf32, #tpu.memory_space<hbm>>
    tpu.enqueue_indirect_dma source(%dma_start3A_19 : memref<10000x80xf32, #tpu.memory_space<hbm>>) target(%arg13 : memref<80x80xf32, #tpu.memory_space<vmem>>) offsets(%dma_start3A_16 : memref<80xi32, #tpu.memory_space<vmem>>) semaphore(%arg19 : memref<!tpu.dma_semaphore, #tpu.memory_space<semaphore_mem>>)
    %scan3A_20 = arith.constant 0 : i32
    %scan3A_21 = arith.constant 62 : i32
    %scan3A_22 = arith.addi %scan3A_20, %scan3A_21 : i32
    %scan3A_23 = arith.constant 1 : i32
    scf.for %scan3A_41 = %scan3A_20 to %scan3A_22 step %scan3A_23  : i32 {
      %mul3A_42 = arith.constant 2 : i32
      %mul3A_43 = arith.muli %scan3A_41, %mul3A_42 : i32
      %add3A_44 = arith.constant 0 : i32
      %add3A_45 = arith.addi %add3A_44, %mul3A_43 : i32
      %dma_wait3A_46 = arith.constant 0 : i32
      %dma_wait3A_47 = tpu.memref_slice %arg10[%add3A_45, %dma_wait3A_46] : memref<125x80xi32, #tpu.memory_space<vmem>> -> memref<1x80xi32, #tpu.memory_space<vmem>>
      %dma_wait3A_48 = tpu.memref_squeeze %dma_wait3A_47 : memref<1x80xi32, #tpu.memory_space<vmem>> -> memref<80xi32, #tpu.memory_space<vmem>>
      %dma_wait3A_49 = arith.constant 0 : i32
      %dma_wait3A_50 = arith.constant 0 : i32
      %dma_wait3A_51 = tpu.memref_slice %arg2[%dma_wait3A_49, %dma_wait3A_50] : memref<10000x80xf32, #tpu.memory_space<hbm>> -> memref<10000x80xf32, #tpu.memory_space<hbm>>
      tpu.wait_indirect_dma semaphore(%arg19 : memref<!tpu.dma_semaphore, #tpu.memory_space<semaphore_mem>>) src(%dma_wait3A_51 : memref<10000x80xf32, #tpu.memory_space<hbm>>) dst(%arg13 : memref<80x80xf32, #tpu.memory_space<vmem>>)
      %add3A_52 = arith.constant 1 : i32
      %add3A_53 = arith.addi %add3A_45, %add3A_52 : i32
      %dma_start3A_54 = arith.constant 0 : i32
      %dma_start3A_55 = tpu.memref_slice %arg10[%add3A_53, %dma_start3A_54] : memref<125x80xi32, #tpu.memory_space<vmem>> -> memref<1x80xi32, #tpu.memory_space<vmem>>
      %dma_start3A_56 = tpu.memref_squeeze %dma_start3A_55 : memref<1x80xi32, #tpu.memory_space<vmem>> -> memref<80xi32, #tpu.memory_space<vmem>>
      %dma_start3A_57 = arith.constant 0 : i32
      %dma_start3A_58 = arith.constant 0 : i32
      %dma_start3A_59 = tpu.memref_slice %arg2[%dma_start3A_57, %dma_start3A_58] : memref<10000x80xf32, #tpu.memory_space<hbm>> -> memref<10000x80xf32, #tpu.memory_space<hbm>>
      tpu.enqueue_indirect_dma source(%dma_start3A_59 : memref<10000x80xf32, #tpu.memory_space<hbm>>) target(%arg14 : memref<80x80xf32, #tpu.memory_space<vmem>>) offsets(%dma_start3A_56 : memref<80xi32, #tpu.memory_space<vmem>>) semaphore(%arg20 : memref<!tpu.dma_semaphore, #tpu.memory_space<semaphore_mem>>)
      "tpu.region"() ({
        %run_scoped3A_78 = tpu.sem_alloc : memref<!tpu.dma_semaphore, #tpu.memory_space<semaphore_mem>>
        %dma_start3A_79 = arith.constant 0 : i32
        %dma_start3A_80 = tpu.memref_slice %arg12[%add3A_45, %dma_start3A_79] : memref<125x80xi32, #tpu.memory_space<vmem>> -> memref<1x80xi32, #tpu.memory_space<vmem>>
        %dma_start3A_81 = tpu.memref_squeeze %dma_start3A_80 : memref<1x80xi32, #tpu.memory_space<vmem>> -> memref<80xi32, #tpu.memory_space<vmem>>
        %dma_start3A_82 = arith.constant 0 : i32
        %dma_start3A_83 = arith.constant 0 : i32
        %dma_start3A_84 = tpu.memref_slice %arg18[%dma_start3A_82, %dma_start3A_83] : memref<10512x80xf32, #tpu.memory_space<vmem_shared>> -> memref<10512x80xf32, #tpu.memory_space<vmem_shared>>
        tpu.enqueue_indirect_dma source(%arg13 : memref<80x80xf32, #tpu.memory_space<vmem>>) target(%dma_start3A_84 : memref<10512x80xf32, #tpu.memory_space<vmem_shared>>) offsets(%dma_start3A_81 : memref<80xi32, #tpu.memory_space<vmem>>) semaphore(%run_scoped3A_78 : memref<!tpu.dma_semaphore, #tpu.memory_space<semaphore_mem>>) {add = true}
        %dma_wait3A_85 = arith.constant 0 : i32
        %dma_wait3A_86 = tpu.memref_slice %arg12[%add3A_45, %dma_wait3A_85] : memref<125x80xi32, #tpu.memory_space<vmem>> -> memref<1x80xi32, #tpu.memory_space<vmem>>
        %dma_wait3A_87 = tpu.memref_squeeze %dma_wait3A_86 : memref<1x80xi32, #tpu.memory_space<vmem>> -> memref<80xi32, #tpu.memory_space<vmem>>
        %dma_wait3A_88 = arith.constant 0 : i32
        %dma_wait3A_89 = arith.constant 0 : i32
        %dma_wait3A_90 = tpu.memref_slice %arg18[%dma_wait3A_88, %dma_wait3A_89] : memref<10512x80xf32, #tpu.memory_space<vmem_shared>> -> memref<10512x80xf32, #tpu.memory_space<vmem_shared>>
        tpu.wait_indirect_dma semaphore(%run_scoped3A_78 : memref<!tpu.dma_semaphore, #tpu.memory_space<semaphore_mem>>) src(%arg13 : memref<80x80xf32, #tpu.memory_space<vmem>>) dst(%dma_wait3A_90 : memref<10512x80xf32, #tpu.memory_space<vmem_shared>>)
        tpu.yield
      }) : () -> ()
      %add3A_60 = arith.constant 1 : i32
      %add3A_61 = arith.addi %add3A_45, %add3A_60 : i32
      %dma_wait3A_62 = arith.constant 0 : i32
      %dma_wait3A_63 = tpu.memref_slice %arg10[%add3A_61, %dma_wait3A_62] : memref<125x80xi32, #tpu.memory_space<vmem>> -> memref<1x80xi32, #tpu.memory_space<vmem>>
      %dma_wait3A_64 = tpu.memref_squeeze %dma_wait3A_63 : memref<1x80xi32, #tpu.memory_space<vmem>> -> memref<80xi32, #tpu.memory_space<vmem>>
      %dma_wait3A_65 = arith.constant 0 : i32
      %dma_wait3A_66 = arith.constant 0 : i32
      %dma_wait3A_67 = tpu.memref_slice %arg2[%dma_wait3A_65, %dma_wait3A_66] : memref<10000x80xf32, #tpu.memory_space<hbm>> -> memref<10000x80xf32, #tpu.memory_space<hbm>>
      tpu.wait_indirect_dma semaphore(%arg20 : memref<!tpu.dma_semaphore, #tpu.memory_space<semaphore_mem>>) src(%dma_wait3A_67 : memref<10000x80xf32, #tpu.memory_space<hbm>>) dst(%arg14 : memref<80x80xf32, #tpu.memory_space<vmem>>)
      %add3A_68 = arith.constant 2 : i32
      %add3A_69 = arith.addi %add3A_45, %add3A_68 : i32
      %dma_start3A_70 = arith.constant 0 : i32
      %dma_start3A_71 = tpu.memref_slice %arg10[%add3A_69, %dma_start3A_70] : memref<125x80xi32, #tpu.memory_space<vmem>> -> memref<1x80xi32, #tpu.memory_space<vmem>>
      %dma_start3A_72 = tpu.memref_squeeze %dma_start3A_71 : memref<1x80xi32, #tpu.memory_space<vmem>> -> memref<80xi32, #tpu.memory_space<vmem>>
      %dma_start3A_73 = arith.constant 0 : i32
      %dma_start3A_74 = arith.constant 0 : i32
      %dma_start3A_75 = tpu.memref_slice %arg2[%dma_start3A_73, %dma_start3A_74] : memref<10000x80xf32, #tpu.memory_space<hbm>> -> memref<10000x80xf32, #tpu.memory_space<hbm>>
      tpu.enqueue_indirect_dma source(%dma_start3A_75 : memref<10000x80xf32, #tpu.memory_space<hbm>>) target(%arg13 : memref<80x80xf32, #tpu.memory_space<vmem>>) offsets(%dma_start3A_72 : memref<80xi32, #tpu.memory_space<vmem>>) semaphore(%arg19 : memref<!tpu.dma_semaphore, #tpu.memory_space<semaphore_mem>>)
      %add3A_76 = arith.constant 1 : i32
      %add3A_77 = arith.addi %add3A_45, %add3A_76 : i32
      "tpu.region"() ({
        %run_scoped3A_78 = tpu.sem_alloc : memref<!tpu.dma_semaphore, #tpu.memory_space<semaphore_mem>>
        %dma_start3A_79 = arith.constant 0 : i32
        %dma_start3A_80 = tpu.memref_slice %arg12[%add3A_77, %dma_start3A_79] : memref<125x80xi32, #tpu.memory_space<vmem>> -> memref<1x80xi32, #tpu.memory_space<vmem>>
        %dma_start3A_81 = tpu.memref_squeeze %dma_start3A_80 : memref<1x80xi32, #tpu.memory_space<vmem>> -> memref<80xi32, #tpu.memory_space<vmem>>
        %dma_start3A_82 = arith.constant 0 : i32
        %dma_start3A_83 = arith.constant 0 : i32
        %dma_start3A_84 = tpu.memref_slice %arg18[%dma_start3A_82, %dma_start3A_83] : memref<10512x80xf32, #tpu.memory_space<vmem_shared>> -> memref<10512x80xf32, #tpu.memory_space<vmem_shared>>
        tpu.enqueue_indirect_dma source(%arg14 : memref<80x80xf32, #tpu.memory_space<vmem>>) target(%dma_start3A_84 : memref<10512x80xf32, #tpu.memory_space<vmem_shared>>) offsets(%dma_start3A_81 : memref<80xi32, #tpu.memory_space<vmem>>) semaphore(%run_scoped3A_78 : memref<!tpu.dma_semaphore, #tpu.memory_space<semaphore_mem>>) {add = true}
        %dma_wait3A_85 = arith.constant 0 : i32
        %dma_wait3A_86 = tpu.memref_slice %arg12[%add3A_77, %dma_wait3A_85] : memref<125x80xi32, #tpu.memory_space<vmem>> -> memref<1x80xi32, #tpu.memory_space<vmem>>
        %dma_wait3A_87 = tpu.memref_squeeze %dma_wait3A_86 : memref<1x80xi32, #tpu.memory_space<vmem>> -> memref<80xi32, #tpu.memory_space<vmem>>
        %dma_wait3A_88 = arith.constant 0 : i32
        %dma_wait3A_89 = arith.constant 0 : i32
        %dma_wait3A_90 = tpu.memref_slice %arg18[%dma_wait3A_88, %dma_wait3A_89] : memref<10512x80xf32, #tpu.memory_space<vmem_shared>> -> memref<10512x80xf32, #tpu.memory_space<vmem_shared>>
        tpu.wait_indirect_dma semaphore(%run_scoped3A_78 : memref<!tpu.dma_semaphore, #tpu.memory_space<semaphore_mem>>) src(%arg14 : memref<80x80xf32, #tpu.memory_space<vmem>>) dst(%dma_wait3A_90 : memref<10512x80xf32, #tpu.memory_space<vmem_shared>>)
        tpu.yield
      }) : () -> ()
    }
    %scan3A_24 = arith.constant 62 : i32
    %dma_wait3A = arith.constant 124 : i32
    %dma_wait3A_25 = arith.constant 0 : i32
    %dma_wait3A_26 = tpu.memref_slice %arg10[%dma_wait3A, %dma_wait3A_25] : memref<125x80xi32, #tpu.memory_space<vmem>> -> memref<1x80xi32, #tpu.memory_space<vmem>>
    %dma_wait3A_27 = tpu.memref_squeeze %dma_wait3A_26 : memref<1x80xi32, #tpu.memory_space<vmem>> -> memref<80xi32, #tpu.memory_space<vmem>>
    %dma_wait3A_28 = arith.constant 0 : i32
    %dma_wait3A_29 = arith.constant 0 : i32
    %dma_wait3A_30 = tpu.memref_slice %arg2[%dma_wait3A_28, %dma_wait3A_29] : memref<10000x80xf32, #tpu.memory_space<hbm>> -> memref<10000x80xf32, #tpu.memory_space<hbm>>
    tpu.wait_indirect_dma semaphore(%arg19 : memref<!tpu.dma_semaphore, #tpu.memory_space<semaphore_mem>>) src(%dma_wait3A_30 : memref<10000x80xf32, #tpu.memory_space<hbm>>) dst(%arg13 : memref<80x80xf32, #tpu.memory_space<vmem>>)
    %run_scoped3A = arith.constant 124 : i32
    "tpu.region"() ({
      %run_scoped3A_41 = tpu.sem_alloc : memref<!tpu.dma_semaphore, #tpu.memory_space<semaphore_mem>>
      %dma_start3A_42 = arith.constant 0 : i32
      %dma_start3A_43 = tpu.memref_slice %arg12[%run_scoped3A, %dma_start3A_42] : memref<125x80xi32, #tpu.memory_space<vmem>> -> memref<1x80xi32, #tpu.memory_space<vmem>>
      %dma_start3A_44 = tpu.memref_squeeze %dma_start3A_43 : memref<1x80xi32, #tpu.memory_space<vmem>> -> memref<80xi32, #tpu.memory_space<vmem>>
      %dma_start3A_45 = arith.constant 0 : i32
      %dma_start3A_46 = arith.constant 0 : i32
      %dma_start3A_47 = tpu.memref_slice %arg18[%dma_start3A_45, %dma_start3A_46] : memref<10512x80xf32, #tpu.memory_space<vmem_shared>> -> memref<10512x80xf32, #tpu.memory_space<vmem_shared>>
      tpu.enqueue_indirect_dma source(%arg13 : memref<80x80xf32, #tpu.memory_space<vmem>>) target(%dma_start3A_47 : memref<10512x80xf32, #tpu.memory_space<vmem_shared>>) offsets(%dma_start3A_44 : memref<80xi32, #tpu.memory_space<vmem>>) semaphore(%run_scoped3A_41 : memref<!tpu.dma_semaphore, #tpu.memory_space<semaphore_mem>>) {add = true}
      %dma_wait3A_48 = arith.constant 0 : i32
      %dma_wait3A_49 = tpu.memref_slice %arg12[%run_scoped3A, %dma_wait3A_48] : memref<125x80xi32, #tpu.memory_space<vmem>> -> memref<1x80xi32, #tpu.memory_space<vmem>>
      %dma_wait3A_50 = tpu.memref_squeeze %dma_wait3A_49 : memref<1x80xi32, #tpu.memory_space<vmem>> -> memref<80xi32, #tpu.memory_space<vmem>>
      %dma_wait3A_51 = arith.constant 0 : i32
      %dma_wait3A_52 = arith.constant 0 : i32
      %dma_wait3A_53 = tpu.memref_slice %arg18[%dma_wait3A_51, %dma_wait3A_52] : memref<10512x80xf32, #tpu.memory_space<vmem_shared>> -> memref<10512x80xf32, #tpu.memory_space<vmem_shared>>
      tpu.wait_indirect_dma semaphore(%run_scoped3A_41 : memref<!tpu.dma_semaphore, #tpu.memory_space<semaphore_mem>>) src(%arg13 : memref<80x80xf32, #tpu.memory_space<vmem>>) dst(%dma_wait3A_53 : memref<10512x80xf32, #tpu.memory_space<vmem_shared>>)
      tpu.yield
    }) : () -> ()
    %barrier3A_31 = arith.constant 0 : index
    tpu.barrier barrier_id(%barrier3A_31)
    %mul3A_32 = arith.constant 656 : i32
    %mul3A_33 = arith.muli %arg1, %mul3A_32 : i32
    %mul3A_34 = arith.constant 656 : i32
    %mul3A_35 = arith.muli %arg1, %mul3A_34 : i32
    "tpu.region"() ({
      %run_scoped3A_41 = tpu.sem_alloc : memref<!tpu.dma_semaphore, #tpu.memory_space<semaphore_mem>>
      %dma_start3A_42 = arith.constant 0 : i32
      %dma_start3A_43 = arith.constant 0 : i32
      %dma_start3A_44 = tpu.memref_slice %arg9[%arg0, %dma_start3A_42, %dma_start3A_43] : memref<2x10512x80xf32, #tpu.memory_space<hbm>> -> memref<1x10512x80xf32, #tpu.memory_space<hbm>>
      %dma_start3A_45 = tpu.memref_squeeze %dma_start3A_44 : memref<1x10512x80xf32, #tpu.memory_space<hbm>> -> memref<10512x80xf32, #tpu.memory_space<hbm>>
      %dma_start3A_46 = arith.constant 0 : i32
      %dma_start3A_47 = tpu.memref_slice %dma_start3A_45[%mul3A_35, %dma_start3A_46] : memref<10512x80xf32, #tpu.memory_space<hbm>> -> memref<656x80xf32, #tpu.memory_space<hbm>>
      %dma_start3A_48 = arith.constant 0 : i32
      %dma_start3A_49 = tpu.memref_slice %arg18[%mul3A_33, %dma_start3A_48] : memref<10512x80xf32, #tpu.memory_space<vmem_shared>> -> memref<656x80xf32, #tpu.memory_space<vmem_shared>>
      tpu.enqueue_dma source(%dma_start3A_49 : memref<656x80xf32, #tpu.memory_space<vmem_shared>>) target(%dma_start3A_47 : memref<656x80xf32, #tpu.memory_space<hbm>>) target_semaphore(%run_scoped3A_41 : memref<!tpu.dma_semaphore, #tpu.memory_space<semaphore_mem>>)
      %dma_wait3A_50 = arith.constant 0 : i32
      %dma_wait3A_51 = arith.constant 0 : i32
      %dma_wait3A_52 = tpu.memref_slice %arg9[%arg0, %dma_wait3A_50, %dma_wait3A_51] : memref<2x10512x80xf32, #tpu.memory_space<hbm>> -> memref<1x10512x80xf32, #tpu.memory_space<hbm>>
      %dma_wait3A_53 = tpu.memref_squeeze %dma_wait3A_52 : memref<1x10512x80xf32, #tpu.memory_space<hbm>> -> memref<10512x80xf32, #tpu.memory_space<hbm>>
      %dma_wait3A_54 = arith.constant 0 : i32
      %dma_wait3A_55 = tpu.memref_slice %dma_wait3A_53[%mul3A_35, %dma_wait3A_54] : memref<10512x80xf32, #tpu.memory_space<hbm>> -> memref<656x80xf32, #tpu.memory_space<hbm>>
      %dma_wait3A_56 = arith.constant 0 : i32
      %dma_wait3A_57 = tpu.memref_slice %arg18[%mul3A_33, %dma_wait3A_56] : memref<10512x80xf32, #tpu.memory_space<vmem_shared>> -> memref<656x80xf32, #tpu.memory_space<vmem_shared>>
      tpu.wait_dma2 semaphore(%run_scoped3A_41 : memref<!tpu.dma_semaphore, #tpu.memory_space<semaphore_mem>>) src(%dma_wait3A_57 : memref<656x80xf32, #tpu.memory_space<vmem_shared>>) dst(%dma_wait3A_55 : memref<656x80xf32, #tpu.memory_space<hbm>>)
      tpu.yield
    }) : () -> ()
    %eq3A_36 = arith.constant 0 : i32
    %eq3A_37 = arith.cmpi eq, %arg1, %eq3A_36 : i32
    %convert_element_type3A_38 = arith.extui %eq3A_37 : i1 to i32
    %cond3A_39 = arith.constant 0 : i32
    %cond3A_40 = arith.cmpi ne, %convert_element_type3A_38, %cond3A_39 : i32
    scf.if %cond3A_40 {
      "tpu.region"() ({
        %run_scoped3A_41 = tpu.sem_alloc : memref<!tpu.dma_semaphore, #tpu.memory_space<semaphore_mem>>
        %dma_start3A_42 = arith.constant 0 : i32
        %dma_start3A_43 = arith.constant 0 : i32
        %dma_start3A_44 = tpu.memref_slice %arg9[%arg0, %dma_start3A_42, %dma_start3A_43] : memref<2x10512x80xf32, #tpu.memory_space<hbm>> -> memref<1x10512x80xf32, #tpu.memory_space<hbm>>
        %dma_start3A_45 = tpu.memref_squeeze %dma_start3A_44 : memref<1x10512x80xf32, #tpu.memory_space<hbm>> -> memref<10512x80xf32, #tpu.memory_space<hbm>>
        %dma_start3A_46 = arith.constant 10496 : i32
        %dma_start3A_47 = arith.constant 0 : i32
        %dma_start3A_48 = tpu.memref_slice %dma_start3A_45[%dma_start3A_46, %dma_start3A_47] : memref<10512x80xf32, #tpu.memory_space<hbm>> -> memref<16x80xf32, #tpu.memory_space<hbm>>
        %dma_start3A_49 = arith.constant 10496 : i32
        %dma_start3A_50 = arith.constant 0 : i32
        %dma_start3A_51 = tpu.memref_slice %arg18[%dma_start3A_49, %dma_start3A_50] : memref<10512x80xf32, #tpu.memory_space<vmem_shared>> -> memref<16x80xf32, #tpu.memory_space<vmem_shared>>
        tpu.enqueue_dma source(%dma_start3A_51 : memref<16x80xf32, #tpu.memory_space<vmem_shared>>) target(%dma_start3A_48 : memref<16x80xf32, #tpu.memory_space<hbm>>) target_semaphore(%run_scoped3A_41 : memref<!tpu.dma_semaphore, #tpu.memory_space<semaphore_mem>>)
        %dma_wait3A_52 = arith.constant 0 : i32
        %dma_wait3A_53 = arith.constant 0 : i32
        %dma_wait3A_54 = tpu.memref_slice %arg9[%arg0, %dma_wait3A_52, %dma_wait3A_53] : memref<2x10512x80xf32, #tpu.memory_space<hbm>> -> memref<1x10512x80xf32, #tpu.memory_space<hbm>>
        %dma_wait3A_55 = tpu.memref_squeeze %dma_wait3A_54 : memref<1x10512x80xf32, #tpu.memory_space<hbm>> -> memref<10512x80xf32, #tpu.memory_space<hbm>>
        %dma_wait3A_56 = arith.constant 10496 : i32
        %dma_wait3A_57 = arith.constant 0 : i32
        %dma_wait3A_58 = tpu.memref_slice %dma_wait3A_55[%dma_wait3A_56, %dma_wait3A_57] : memref<10512x80xf32, #tpu.memory_space<hbm>> -> memref<16x80xf32, #tpu.memory_space<hbm>>
        %dma_wait3A_59 = arith.constant 10496 : i32
        %dma_wait3A_60 = arith.constant 0 : i32
        %dma_wait3A_61 = tpu.memref_slice %arg18[%dma_wait3A_59, %dma_wait3A_60] : memref<10512x80xf32, #tpu.memory_space<vmem_shared>> -> memref<16x80xf32, #tpu.memory_space<vmem_shared>>
        tpu.wait_dma2 semaphore(%run_scoped3A_41 : memref<!tpu.dma_semaphore, #tpu.memory_space<semaphore_mem>>) src(%dma_wait3A_61 : memref<16x80xf32, #tpu.memory_space<vmem_shared>>) dst(%dma_wait3A_58 : memref<16x80xf32, #tpu.memory_space<hbm>>)
        tpu.yield
      }) : () -> ()
    } else {
    }
    return
  }
}

#map = affine_map<(d0, d1) -> (0, 0)>
#map1 = affine_map<(d0, d1) -> (0)>
#map2 = affine_map<(d0, d1) -> (0, 0, 0)>
module attributes {stable_mosaic.version = 14 : i64} {
  func.func @_edge_kernel_body(%arg0: i32, %arg1: i32, %arg2: memref<10000x80xf32, #tpu.memory_space<hbm>>, %arg3: memref<10000xf32, #tpu.memory_space<hbm>>, %arg4: memref<10000xf32, #tpu.memory_space<hbm>>, %arg5: memref<16xf32, #tpu.memory_space<hbm>>, %arg6: memref<32x125x80xi32, #tpu.memory_space<hbm>>, %arg7: memref<32x125x80xi32, #tpu.memory_space<hbm>>, %arg8: memref<10512x80xf32, #tpu.memory_space<hbm>>, %arg9: memref<2x10512x80xf32, #tpu.memory_space<hbm>>, %arg10: memref<125x80xi32, #tpu.memory_space<vmem>>, %arg11: memref<125x80xi32, #tpu.memory_space<vmem>>, %arg12: memref<125x80xi32, #tpu.memory_space<vmem>>, %arg13: memref<80x80xf32, #tpu.memory_space<vmem>>, %arg14: memref<80x80xf32, #tpu.memory_space<vmem>>, %arg15: memref<10000xf32, #tpu.memory_space<vmem>>, %arg16: memref<10000xf32, #tpu.memory_space<vmem>>, %arg17: memref<16xf32, #tpu.memory_space<vmem>>, %arg18: memref<10512x80xf32, #tpu.memory_space<vmem_shared>>, %arg19: memref<!tpu.dma_semaphore, #tpu.memory_space<semaphore_mem>>, %arg20: memref<!tpu.dma_semaphore, #tpu.memory_space<semaphore_mem>>) attributes {dimension_semantics = [#tpu.dimension_semantics<core_parallel>, #tpu.dimension_semantics<subcore_parallel>], iteration_bounds = array<i64: 2, 16>, scalar_prefetch = 0 : i64, scratch_operands = 11 : i64, tpu.core_type = #tpu.core_type<sc_vector_subcore>, window_params = [{transform_indices = #map}, {transform_indices = #map1}, {transform_indices = #map1}, {transform_indices = #map1}, {transform_indices = #map2}, {transform_indices = #map2}, {transform_indices = #map}, {transform_indices = #map2}]} {
    %mul3A = arith.constant 2 : i32
    %mul3A_0 = arith.muli %arg1, %mul3A : i32
    %add3A = arith.addi %mul3A_0, %arg0 : i32
    "tpu.region"() ({
      %run_scoped3A_41 = tpu.sem_alloc : memref<!tpu.dma_semaphore, #tpu.memory_space<semaphore_mem>>
      %dma_start3A_42 = arith.constant 0 : i32
      %dma_start3A_43 = arith.constant 0 : i32
      %dma_start3A_44 = tpu.memref_slice %arg6[%add3A, %dma_start3A_42, %dma_start3A_43] : memref<32x125x80xi32, #tpu.memory_space<hbm>> -> memref<1x125x80xi32, #tpu.memory_space<hbm>>
      %dma_start3A_45 = tpu.memref_squeeze %dma_start3A_44 : memref<1x125x80xi32, #tpu.memory_space<hbm>> -> memref<125x80xi32, #tpu.memory_space<hbm>>
      %dma_start3A_46 = arith.constant 0 : i32
      %dma_start3A_47 = arith.constant 0 : i32
      %dma_start3A_48 = tpu.memref_slice %arg6[%add3A, %dma_start3A_46, %dma_start3A_47] : memref<32x125x80xi32, #tpu.memory_space<hbm>> -> memref<1x125x80xi32, #tpu.memory_space<hbm>>
      %dma_start3A_49 = tpu.memref_squeeze %dma_start3A_48 : memref<1x125x80xi32, #tpu.memory_space<hbm>> -> memref<125x80xi32, #tpu.memory_space<hbm>>
      tpu.enqueue_dma source(%dma_start3A_49 : memref<125x80xi32, #tpu.memory_space<hbm>>) target(%arg10 : memref<125x80xi32, #tpu.memory_space<vmem>>) target_semaphore(%run_scoped3A_41 : memref<!tpu.dma_semaphore, #tpu.memory_space<semaphore_mem>>)
      %dma_wait3A_50 = arith.constant 0 : i32
      %dma_wait3A_51 = arith.constant 0 : i32
      %dma_wait3A_52 = tpu.memref_slice %arg6[%add3A, %dma_wait3A_50, %dma_wait3A_51] : memref<32x125x80xi32, #tpu.memory_space<hbm>> -> memref<1x125x80xi32, #tpu.memory_space<hbm>>
      %dma_wait3A_53 = tpu.memref_squeeze %dma_wait3A_52 : memref<1x125x80xi32, #tpu.memory_space<hbm>> -> memref<125x80xi32, #tpu.memory_space<hbm>>
      %dma_wait3A_54 = arith.constant 0 : i32
      %dma_wait3A_55 = arith.constant 0 : i32
      %dma_wait3A_56 = tpu.memref_slice %arg6[%add3A, %dma_wait3A_54, %dma_wait3A_55] : memref<32x125x80xi32, #tpu.memory_space<hbm>> -> memref<1x125x80xi32, #tpu.memory_space<hbm>>
      %dma_wait3A_57 = tpu.memref_squeeze %dma_wait3A_56 : memref<1x125x80xi32, #tpu.memory_space<hbm>> -> memref<125x80xi32, #tpu.memory_space<hbm>>
      tpu.wait_dma2 semaphore(%run_scoped3A_41 : memref<!tpu.dma_semaphore, #tpu.memory_space<semaphore_mem>>) src(%dma_wait3A_57 : memref<125x80xi32, #tpu.memory_space<hbm>>) dst(%arg10 : memref<125x80xi32, #tpu.memory_space<vmem>>)
      tpu.yield
    }) : () -> ()
    "tpu.region"() ({
      %run_scoped3A_41 = tpu.sem_alloc : memref<!tpu.dma_semaphore, #tpu.memory_space<semaphore_mem>>
      %dma_start3A_42 = arith.constant 0 : i32
      %dma_start3A_43 = arith.constant 0 : i32
      %dma_start3A_44 = tpu.memref_slice %arg7[%add3A, %dma_start3A_42, %dma_start3A_43] : memref<32x125x80xi32, #tpu.memory_space<hbm>> -> memref<1x125x80xi32, #tpu.memory_space<hbm>>
      %dma_start3A_45 = tpu.memref_squeeze %dma_start3A_44 : memref<1x125x80xi32, #tpu.memory_space<hbm>> -> memref<125x80xi32, #tpu.memory_space<hbm>>
      %dma_start3A_46 = arith.constant 0 : i32
      %dma_start3A_47 = arith.constant 0 : i32
      %dma_start3A_48 = tpu.memref_slice %arg7[%add3A, %dma_start3A_46, %dma_start3A_47] : memref<32x125x80xi32, #tpu.memory_space<hbm>> -> memref<1x125x80xi32, #tpu.memory_space<hbm>>
      %dma_start3A_49 = tpu.memref_squeeze %dma_start3A_48 : memref<1x125x80xi32, #tpu.memory_space<hbm>> -> memref<125x80xi32, #tpu.memory_space<hbm>>
      tpu.enqueue_dma source(%dma_start3A_49 : memref<125x80xi32, #tpu.memory_space<hbm>>) target(%arg11 : memref<125x80xi32, #tpu.memory_space<vmem>>) target_semaphore(%run_scoped3A_41 : memref<!tpu.dma_semaphore, #tpu.memory_space<semaphore_mem>>)
      %dma_wait3A_50 = arith.constant 0 : i32
      %dma_wait3A_51 = arith.constant 0 : i32
      %dma_wait3A_52 = tpu.memref_slice %arg7[%add3A, %dma_wait3A_50, %dma_wait3A_51] : memref<32x125x80xi32, #tpu.memory_space<hbm>> -> memref<1x125x80xi32, #tpu.memory_space<hbm>>
      %dma_wait3A_53 = tpu.memref_squeeze %dma_wait3A_52 : memref<1x125x80xi32, #tpu.memory_space<hbm>> -> memref<125x80xi32, #tpu.memory_space<hbm>>
      %dma_wait3A_54 = arith.constant 0 : i32
      %dma_wait3A_55 = arith.constant 0 : i32
      %dma_wait3A_56 = tpu.memref_slice %arg7[%add3A, %dma_wait3A_54, %dma_wait3A_55] : memref<32x125x80xi32, #tpu.memory_space<hbm>> -> memref<1x125x80xi32, #tpu.memory_space<hbm>>
      %dma_wait3A_57 = tpu.memref_squeeze %dma_wait3A_56 : memref<1x125x80xi32, #tpu.memory_space<hbm>> -> memref<125x80xi32, #tpu.memory_space<hbm>>
      tpu.wait_dma2 semaphore(%run_scoped3A_41 : memref<!tpu.dma_semaphore, #tpu.memory_space<semaphore_mem>>) src(%dma_wait3A_57 : memref<125x80xi32, #tpu.memory_space<hbm>>) dst(%arg11 : memref<125x80xi32, #tpu.memory_space<vmem>>)
      tpu.yield
    }) : () -> ()
    "tpu.region"() ({
      %run_scoped3A_41 = tpu.sem_alloc : memref<!tpu.dma_semaphore, #tpu.memory_space<semaphore_mem>>
      tpu.enqueue_dma source(%arg3 : memref<10000xf32, #tpu.memory_space<hbm>>) target(%arg15 : memref<10000xf32, #tpu.memory_space<vmem>>) target_semaphore(%run_scoped3A_41 : memref<!tpu.dma_semaphore, #tpu.memory_space<semaphore_mem>>)
      tpu.wait_dma2 semaphore(%run_scoped3A_41 : memref<!tpu.dma_semaphore, #tpu.memory_space<semaphore_mem>>) src(%arg3 : memref<10000xf32, #tpu.memory_space<hbm>>) dst(%arg15 : memref<10000xf32, #tpu.memory_space<vmem>>)
      tpu.yield
    }) : () -> ()
    "tpu.region"() ({
      %run_scoped3A_41 = tpu.sem_alloc : memref<!tpu.dma_semaphore, #tpu.memory_space<semaphore_mem>>
      tpu.enqueue_dma source(%arg4 : memref<10000xf32, #tpu.memory_space<hbm>>) target(%arg16 : memref<10000xf32, #tpu.memory_space<vmem>>) target_semaphore(%run_scoped3A_41 : memref<!tpu.dma_semaphore, #tpu.memory_space<semaphore_mem>>)
      tpu.wait_dma2 semaphore(%run_scoped3A_41 : memref<!tpu.dma_semaphore, #tpu.memory_space<semaphore_mem>>) src(%arg4 : memref<10000xf32, #tpu.memory_space<hbm>>) dst(%arg16 : memref<10000xf32, #tpu.memory_space<vmem>>)
      tpu.yield
    }) : () -> ()
    "tpu.region"() ({
      %run_scoped3A_41 = tpu.sem_alloc : memref<!tpu.dma_semaphore, #tpu.memory_space<semaphore_mem>>
      tpu.enqueue_dma source(%arg5 : memref<16xf32, #tpu.memory_space<hbm>>) target(%arg17 : memref<16xf32, #tpu.memory_space<vmem>>) target_semaphore(%run_scoped3A_41 : memref<!tpu.dma_semaphore, #tpu.memory_space<semaphore_mem>>)
      tpu.wait_dma2 semaphore(%run_scoped3A_41 : memref<!tpu.dma_semaphore, #tpu.memory_space<semaphore_mem>>) src(%arg5 : memref<16xf32, #tpu.memory_space<hbm>>) dst(%arg17 : memref<16xf32, #tpu.memory_space<vmem>>)
      tpu.yield
    }) : () -> ()
    %mul3A_1 = arith.constant 656 : i32
    %mul3A_2 = arith.muli %arg1, %mul3A_1 : i32
    %mul3A_3 = arith.constant 656 : i32
    %mul3A_4 = arith.muli %arg1, %mul3A_3 : i32
    "tpu.region"() ({
      %run_scoped3A_41 = tpu.sem_alloc : memref<!tpu.dma_semaphore, #tpu.memory_space<semaphore_mem>>
      %dma_start3A_42 = arith.constant 0 : i32
      %dma_start3A_43 = tpu.memref_slice %arg18[%mul3A_4, %dma_start3A_42] : memref<10512x80xf32, #tpu.memory_space<vmem_shared>> -> memref<656x80xf32, #tpu.memory_space<vmem_shared>>
      %dma_start3A_44 = arith.constant 0 : i32
      %dma_start3A_45 = tpu.memref_slice %arg8[%mul3A_2, %dma_start3A_44] : memref<10512x80xf32, #tpu.memory_space<hbm>> -> memref<656x80xf32, #tpu.memory_space<hbm>>
      tpu.enqueue_dma source(%dma_start3A_45 : memref<656x80xf32, #tpu.memory_space<hbm>>) target(%dma_start3A_43 : memref<656x80xf32, #tpu.memory_space<vmem_shared>>) target_semaphore(%run_scoped3A_41 : memref<!tpu.dma_semaphore, #tpu.memory_space<semaphore_mem>>)
      %dma_wait3A_46 = arith.constant 0 : i32
      %dma_wait3A_47 = tpu.memref_slice %arg18[%mul3A_4, %dma_wait3A_46] : memref<10512x80xf32, #tpu.memory_space<vmem_shared>> -> memref<656x80xf32, #tpu.memory_space<vmem_shared>>
      %dma_wait3A_48 = arith.constant 0 : i32
      %dma_wait3A_49 = tpu.memref_slice %arg8[%mul3A_2, %dma_wait3A_48] : memref<10512x80xf32, #tpu.memory_space<hbm>> -> memref<656x80xf32, #tpu.memory_space<hbm>>
      tpu.wait_dma2 semaphore(%run_scoped3A_41 : memref<!tpu.dma_semaphore, #tpu.memory_space<semaphore_mem>>) src(%dma_wait3A_49 : memref<656x80xf32, #tpu.memory_space<hbm>>) dst(%dma_wait3A_47 : memref<656x80xf32, #tpu.memory_space<vmem_shared>>)
      tpu.yield
    }) : () -> ()
    %eq3A = arith.constant 0 : i32
    %eq3A_5 = arith.cmpi eq, %arg1, %eq3A : i32
    %convert_element_type3A = arith.extui %eq3A_5 : i1 to i32
    %cond3A = arith.constant 0 : i32
    %cond3A_6 = arith.cmpi ne, %convert_element_type3A, %cond3A : i32
    scf.if %cond3A_6 {
      "tpu.region"() ({
        %run_scoped3A_41 = tpu.sem_alloc : memref<!tpu.dma_semaphore, #tpu.memory_space<semaphore_mem>>
        %dma_start3A_42 = arith.constant 10496 : i32
        %dma_start3A_43 = arith.constant 0 : i32
        %dma_start3A_44 = tpu.memref_slice %arg18[%dma_start3A_42, %dma_start3A_43] : memref<10512x80xf32, #tpu.memory_space<vmem_shared>> -> memref<16x80xf32, #tpu.memory_space<vmem_shared>>
        %dma_start3A_45 = arith.constant 10496 : i32
        %dma_start3A_46 = arith.constant 0 : i32
        %dma_start3A_47 = tpu.memref_slice %arg8[%dma_start3A_45, %dma_start3A_46] : memref<10512x80xf32, #tpu.memory_space<hbm>> -> memref<16x80xf32, #tpu.memory_space<hbm>>
        tpu.enqueue_dma source(%dma_start3A_47 : memref<16x80xf32, #tpu.memory_space<hbm>>) target(%dma_start3A_44 : memref<16x80xf32, #tpu.memory_space<vmem_shared>>) target_semaphore(%run_scoped3A_41 : memref<!tpu.dma_semaphore, #tpu.memory_space<semaphore_mem>>)
        %dma_wait3A_48 = arith.constant 10496 : i32
        %dma_wait3A_49 = arith.constant 0 : i32
        %dma_wait3A_50 = tpu.memref_slice %arg18[%dma_wait3A_48, %dma_wait3A_49] : memref<10512x80xf32, #tpu.memory_space<vmem_shared>> -> memref<16x80xf32, #tpu.memory_space<vmem_shared>>
        %dma_wait3A_51 = arith.constant 10496 : i32
        %dma_wait3A_52 = arith.constant 0 : i32
        %dma_wait3A_53 = tpu.memref_slice %arg8[%dma_wait3A_51, %dma_wait3A_52] : memref<10512x80xf32, #tpu.memory_space<hbm>> -> memref<16x80xf32, #tpu.memory_space<hbm>>
        tpu.wait_dma2 semaphore(%run_scoped3A_41 : memref<!tpu.dma_semaphore, #tpu.memory_space<semaphore_mem>>) src(%dma_wait3A_53 : memref<16x80xf32, #tpu.memory_space<hbm>>) dst(%dma_wait3A_50 : memref<16x80xf32, #tpu.memory_space<vmem_shared>>)
        tpu.yield
      }) : () -> ()
    } else {
    }
    %get3A = arith.constant 0 : index
    %get3A_7 = tpu.vector_load %arg17[%get3A] {strides = array<i32>} : memref<16xf32, #tpu.memory_space<vmem>>, vector<16xf32>,
    %gt3A = arith.constant 5.000000e-01 : f32
    %gt3A_8 = vector.broadcast %gt3A : f32 to vector<16xf32>
    %gt3A_9 = arith.cmpf ogt, %get3A_7, %gt3A_8 : vector<16xf32>
    %iota3A = tpu.iota {dimensions = array<i32: 0>} : vector<16xi32>
    %scan3A = arith.constant 0 : i32
    %scan3A_10 = arith.constant 125 : i32
    %scan3A_11 = arith.addi %scan3A, %scan3A_10 : i32
    %scan3A_12 = arith.constant 1 : i32
    scf.for %scan3A_41 = %scan3A to %scan3A_11 step %scan3A_12  : i32 {
      %mul3A_42 = arith.constant 1 : i32
      %mul3A_43 = arith.muli %scan3A_41, %mul3A_42 : i32
      %add3A_44 = arith.constant 0 : i32
      %add3A_45 = arith.addi %add3A_44, %mul3A_43 : i32
      %get3A_46 = arith.index_cast %add3A_45 : i32 to index
      %get3A_47 = arith.constant 0 : index
      %get3A_48 = tpu.vector_load %arg10[%get3A_46, %get3A_47] {strides = array<i32>} : memref<125x80xi32, #tpu.memory_space<vmem>>, vector<16xi32>,
      %get3A_49 = arith.index_cast %add3A_45 : i32 to index
      %get3A_50 = arith.constant 0 : index
      %get3A_51 = tpu.vector_load %arg11[%get3A_49, %get3A_50] {strides = array<i32>} : memref<125x80xi32, #tpu.memory_space<vmem>>, vector<16xi32>,
      %gather3A = tpu.vector_load_idx %arg15[%get3A_48] : memref<10000xf32, #tpu.memory_space<vmem>>[vector<16xi32>], vector<16xf32>,
      %gather3A_52 = tpu.vector_load_idx %arg16[%get3A_51] : memref<10000xf32, #tpu.memory_space<vmem>>[vector<16xi32>], vector<16xf32>,
      %add3A_53 = arith.addf %gather3A, %gather3A_52 : vector<16xf32>
      %gt3A_54 = arith.constant 0.000000e+00 : f32
      %gt3A_55 = vector.broadcast %gt3A_54 : f32 to vector<16xf32>
      %gt3A_56 = arith.cmpf ogt, %add3A_53, %gt3A_55 : vector<16xf32>
      %xor3A = arith.xori %gt3A_56, %gt3A_9 : vector<16xi1>
      %mul3A_57 = arith.constant 5 : i32
      %mul3A_58 = arith.muli %add3A_45, %mul3A_57 : i32
      %add3A_59 = arith.constant 0 : i32
      %add3A_60 = arith.addi %mul3A_58, %add3A_59 : i32
      %jit3A = arith.constant 32 : i32
      %eq3A_61 = arith.constant 0 : i32
      %eq3A_62 = arith.cmpi eq, %jit3A, %eq3A_61 : i32
      %jit3A_63 = arith.constant 1 : i32
      %select_n3A = arith.select %eq3A_62, %jit3A_63, %jit3A : i32
      %rem3A = arith.remsi %add3A_60, %select_n3A : i32
      %ne3A = arith.constant 0 : i32
      %ne3A_64 = arith.cmpi ne, %rem3A, %ne3A : i32
      %lt3A = arith.constant 0 : i32
      %lt3A_65 = arith.cmpi slt, %rem3A, %lt3A : i32
      %lt3A_66 = arith.constant 0 : i32
      %lt3A_67 = arith.cmpi slt, %select_n3A, %lt3A_66 : i32
      %ne3A_68 = arith.xori %lt3A_65, %lt3A_67 : i1
      %and3A = arith.andi %ne3A_68, %ne3A_64 : i1
      %add3A_69 = arith.addi %rem3A, %select_n3A : i32
      %select_n3A_70 = arith.select %and3A, %add3A_69, %rem3A : i32
      %mul3A_71 = arith.constant 16 : i32
      %mul3A_72 = arith.muli %select_n3A_70, %mul3A_71 : i32
      %add3A_73 = arith.constant 10000 : i32
      %add3A_74 = arith.addi %add3A_73, %mul3A_72 : i32
      %add3A_75 = vector.broadcast %add3A_74 : i32 to vector<16xi32>
      %add3A_76 = arith.addi %add3A_75, %iota3A : vector<16xi32>
      %select_n3A_77 = arith.select %xor3A, %get3A_51, %add3A_76 : vector<16xi1>, vector<16xi32>
      %swap3A = arith.index_cast %add3A_45 : i32 to index
      %swap3A_78 = arith.constant 0 : index
      %swap3A_79 = tpu.vector_load %arg12[%swap3A, %swap3A_78] {strides = array<i32>} : memref<125x80xi32, #tpu.memory_space<vmem>>, vector<16xi32>,
      tpu.vector_store %arg12[%swap3A, %swap3A_78], %select_n3A_77 {strides = array<i32>} : memref<125x80xi32, #tpu.memory_space<vmem>>, vector<16xi32>,
      %get3A_80 = arith.index_cast %add3A_45 : i32 to index
      %get3A_81 = arith.constant 16 : index
      %get3A_82 = tpu.vector_load %arg10[%get3A_80, %get3A_81] {strides = array<i32>} : memref<125x80xi32, #tpu.memory_space<vmem>>, vector<16xi32>,
      %get3A_83 = arith.index_cast %add3A_45 : i32 to index
      %get3A_84 = arith.constant 16 : index
      %get3A_85 = tpu.vector_load %arg11[%get3A_83, %get3A_84] {strides = array<i32>} : memref<125x80xi32, #tpu.memory_space<vmem>>, vector<16xi32>,
      %gather3A_86 = tpu.vector_load_idx %arg15[%get3A_82] : memref<10000xf32, #tpu.memory_space<vmem>>[vector<16xi32>], vector<16xf32>,
      %gather3A_87 = tpu.vector_load_idx %arg16[%get3A_85] : memref<10000xf32, #tpu.memory_space<vmem>>[vector<16xi32>], vector<16xf32>,
      %add3A_88 = arith.addf %gather3A_86, %gather3A_87 : vector<16xf32>
      %gt3A_89 = arith.constant 0.000000e+00 : f32
      %gt3A_90 = vector.broadcast %gt3A_89 : f32 to vector<16xf32>
      %gt3A_91 = arith.cmpf ogt, %add3A_88, %gt3A_90 : vector<16xf32>
      %xor3A_92 = arith.xori %gt3A_91, %gt3A_9 : vector<16xi1>
      %mul3A_93 = arith.constant 5 : i32
      %mul3A_94 = arith.muli %add3A_45, %mul3A_93 : i32
      %add3A_95 = arith.constant 1 : i32
      %add3A_96 = arith.addi %mul3A_94, %add3A_95 : i32
      %jit3A_97 = arith.constant 32 : i32
      %eq3A_98 = arith.constant 0 : i32
      %eq3A_99 = arith.cmpi eq, %jit3A_97, %eq3A_98 : i32
      %jit3A_100 = arith.constant 1 : i32
      %select_n3A_101 = arith.select %eq3A_99, %jit3A_100, %jit3A_97 : i32
      %rem3A_102 = arith.remsi %add3A_96, %select_n3A_101 : i32
      %ne3A_103 = arith.constant 0 : i32
      %ne3A_104 = arith.cmpi ne, %rem3A_102, %ne3A_103 : i32
      %lt3A_105 = arith.constant 0 : i32
      %lt3A_106 = arith.cmpi slt, %rem3A_102, %lt3A_105 : i32
      %lt3A_107 = arith.constant 0 : i32
      %lt3A_108 = arith.cmpi slt, %select_n3A_101, %lt3A_107 : i32
      %ne3A_109 = arith.xori %lt3A_106, %lt3A_108 : i1
      %and3A_110 = arith.andi %ne3A_109, %ne3A_104 : i1
      %add3A_111 = arith.addi %rem3A_102, %select_n3A_101 : i32
      %select_n3A_112 = arith.select %and3A_110, %add3A_111, %rem3A_102 : i32
      %mul3A_113 = arith.constant 16 : i32
      %mul3A_114 = arith.muli %select_n3A_112, %mul3A_113 : i32
      %add3A_115 = arith.constant 10000 : i32
      %add3A_116 = arith.addi %add3A_115, %mul3A_114 : i32
      %add3A_117 = vector.broadcast %add3A_116 : i32 to vector<16xi32>
      %add3A_118 = arith.addi %add3A_117, %iota3A : vector<16xi32>
      %select_n3A_119 = arith.select %xor3A_92, %get3A_85, %add3A_118 : vector<16xi1>, vector<16xi32>
      %swap3A_120 = arith.index_cast %add3A_45 : i32 to index
      %swap3A_121 = arith.constant 16 : index
      %swap3A_122 = tpu.vector_load %arg12[%swap3A_120, %swap3A_121] {strides = array<i32>} : memref<125x80xi32, #tpu.memory_space<vmem>>, vector<16xi32>,
      tpu.vector_store %arg12[%swap3A_120, %swap3A_121], %select_n3A_119 {strides = array<i32>} : memref<125x80xi32, #tpu.memory_space<vmem>>, vector<16xi32>,
      %get3A_123 = arith.index_cast %add3A_45 : i32 to index
      %get3A_124 = arith.constant 32 : index
      %get3A_125 = tpu.vector_load %arg10[%get3A_123, %get3A_124] {strides = array<i32>} : memref<125x80xi32, #tpu.memory_space<vmem>>, vector<16xi32>,
      %get3A_126 = arith.index_cast %add3A_45 : i32 to index
      %get3A_127 = arith.constant 32 : index
      %get3A_128 = tpu.vector_load %arg11[%get3A_126, %get3A_127] {strides = array<i32>} : memref<125x80xi32, #tpu.memory_space<vmem>>, vector<16xi32>,
      %gather3A_129 = tpu.vector_load_idx %arg15[%get3A_125] : memref<10000xf32, #tpu.memory_space<vmem>>[vector<16xi32>], vector<16xf32>,
      %gather3A_130 = tpu.vector_load_idx %arg16[%get3A_128] : memref<10000xf32, #tpu.memory_space<vmem>>[vector<16xi32>], vector<16xf32>,
      %add3A_131 = arith.addf %gather3A_129, %gather3A_130 : vector<16xf32>
      %gt3A_132 = arith.constant 0.000000e+00 : f32
      %gt3A_133 = vector.broadcast %gt3A_132 : f32 to vector<16xf32>
      %gt3A_134 = arith.cmpf ogt, %add3A_131, %gt3A_133 : vector<16xf32>
      %xor3A_135 = arith.xori %gt3A_134, %gt3A_9 : vector<16xi1>
      %mul3A_136 = arith.constant 5 : i32
      %mul3A_137 = arith.muli %add3A_45, %mul3A_136 : i32
      %add3A_138 = arith.constant 2 : i32
      %add3A_139 = arith.addi %mul3A_137, %add3A_138 : i32
      %jit3A_140 = arith.constant 32 : i32
      %eq3A_141 = arith.constant 0 : i32
      %eq3A_142 = arith.cmpi eq, %jit3A_140, %eq3A_141 : i32
      %jit3A_143 = arith.constant 1 : i32
      %select_n3A_144 = arith.select %eq3A_142, %jit3A_143, %jit3A_140 : i32
      %rem3A_145 = arith.remsi %add3A_139, %select_n3A_144 : i32
      %ne3A_146 = arith.constant 0 : i32
      %ne3A_147 = arith.cmpi ne, %rem3A_145, %ne3A_146 : i32
      %lt3A_148 = arith.constant 0 : i32
      %lt3A_149 = arith.cmpi slt, %rem3A_145, %lt3A_148 : i32
      %lt3A_150 = arith.constant 0 : i32
      %lt3A_151 = arith.cmpi slt, %select_n3A_144, %lt3A_150 : i32
      %ne3A_152 = arith.xori %lt3A_149, %lt3A_151 : i1
      %and3A_153 = arith.andi %ne3A_152, %ne3A_147 : i1
      %add3A_154 = arith.addi %rem3A_145, %select_n3A_144 : i32
      %select_n3A_155 = arith.select %and3A_153, %add3A_154, %rem3A_145 : i32
      %mul3A_156 = arith.constant 16 : i32
      %mul3A_157 = arith.muli %select_n3A_155, %mul3A_156 : i32
      %add3A_158 = arith.constant 10000 : i32
      %add3A_159 = arith.addi %add3A_158, %mul3A_157 : i32
      %add3A_160 = vector.broadcast %add3A_159 : i32 to vector<16xi32>
      %add3A_161 = arith.addi %add3A_160, %iota3A : vector<16xi32>
      %select_n3A_162 = arith.select %xor3A_135, %get3A_128, %add3A_161 : vector<16xi1>, vector<16xi32>
      %swap3A_163 = arith.index_cast %add3A_45 : i32 to index
      %swap3A_164 = arith.constant 32 : index
      %swap3A_165 = tpu.vector_load %arg12[%swap3A_163, %swap3A_164] {strides = array<i32>} : memref<125x80xi32, #tpu.memory_space<vmem>>, vector<16xi32>,
      tpu.vector_store %arg12[%swap3A_163, %swap3A_164], %select_n3A_162 {strides = array<i32>} : memref<125x80xi32, #tpu.memory_space<vmem>>, vector<16xi32>,
      %get3A_166 = arith.index_cast %add3A_45 : i32 to index
      %get3A_167 = arith.constant 48 : index
      %get3A_168 = tpu.vector_load %arg10[%get3A_166, %get3A_167] {strides = array<i32>} : memref<125x80xi32, #tpu.memory_space<vmem>>, vector<16xi32>,
      %get3A_169 = arith.index_cast %add3A_45 : i32 to index
      %get3A_170 = arith.constant 48 : index
      %get3A_171 = tpu.vector_load %arg11[%get3A_169, %get3A_170] {strides = array<i32>} : memref<125x80xi32, #tpu.memory_space<vmem>>, vector<16xi32>,
      %gather3A_172 = tpu.vector_load_idx %arg15[%get3A_168] : memref<10000xf32, #tpu.memory_space<vmem>>[vector<16xi32>], vector<16xf32>,
      %gather3A_173 = tpu.vector_load_idx %arg16[%get3A_171] : memref<10000xf32, #tpu.memory_space<vmem>>[vector<16xi32>], vector<16xf32>,
      %add3A_174 = arith.addf %gather3A_172, %gather3A_173 : vector<16xf32>
      %gt3A_175 = arith.constant 0.000000e+00 : f32
      %gt3A_176 = vector.broadcast %gt3A_175 : f32 to vector<16xf32>
      %gt3A_177 = arith.cmpf ogt, %add3A_174, %gt3A_176 : vector<16xf32>
      %xor3A_178 = arith.xori %gt3A_177, %gt3A_9 : vector<16xi1>
      %mul3A_179 = arith.constant 5 : i32
      %mul3A_180 = arith.muli %add3A_45, %mul3A_179 : i32
      %add3A_181 = arith.constant 3 : i32
      %add3A_182 = arith.addi %mul3A_180, %add3A_181 : i32
      %jit3A_183 = arith.constant 32 : i32
      %eq3A_184 = arith.constant 0 : i32
      %eq3A_185 = arith.cmpi eq, %jit3A_183, %eq3A_184 : i32
      %jit3A_186 = arith.constant 1 : i32
      %select_n3A_187 = arith.select %eq3A_185, %jit3A_186, %jit3A_183 : i32
      %rem3A_188 = arith.remsi %add3A_182, %select_n3A_187 : i32
      %ne3A_189 = arith.constant 0 : i32
      %ne3A_190 = arith.cmpi ne, %rem3A_188, %ne3A_189 : i32
      %lt3A_191 = arith.constant 0 : i32
      %lt3A_192 = arith.cmpi slt, %rem3A_188, %lt3A_191 : i32
      %lt3A_193 = arith.constant 0 : i32
      %lt3A_194 = arith.cmpi slt, %select_n3A_187, %lt3A_193 : i32
      %ne3A_195 = arith.xori %lt3A_192, %lt3A_194 : i1
      %and3A_196 = arith.andi %ne3A_195, %ne3A_190 : i1
      %add3A_197 = arith.addi %rem3A_188, %select_n3A_187 : i32
      %select_n3A_198 = arith.select %and3A_196, %add3A_197, %rem3A_188 : i32
      %mul3A_199 = arith.constant 16 : i32
      %mul3A_200 = arith.muli %select_n3A_198, %mul3A_199 : i32
      %add3A_201 = arith.constant 10000 : i32
      %add3A_202 = arith.addi %add3A_201, %mul3A_200 : i32
      %add3A_203 = vector.broadcast %add3A_202 : i32 to vector<16xi32>
      %add3A_204 = arith.addi %add3A_203, %iota3A : vector<16xi32>
      %select_n3A_205 = arith.select %xor3A_178, %get3A_171, %add3A_204 : vector<16xi1>, vector<16xi32>
      %swap3A_206 = arith.index_cast %add3A_45 : i32 to index
      %swap3A_207 = arith.constant 48 : index
      %swap3A_208 = tpu.vector_load %arg12[%swap3A_206, %swap3A_207] {strides = array<i32>} : memref<125x80xi32, #tpu.memory_space<vmem>>, vector<16xi32>,
      tpu.vector_store %arg12[%swap3A_206, %swap3A_207], %select_n3A_205 {strides = array<i32>} : memref<125x80xi32, #tpu.memory_space<vmem>>, vector<16xi32>,
      %get3A_209 = arith.index_cast %add3A_45 : i32 to index
      %get3A_210 = arith.constant 64 : index
      %get3A_211 = tpu.vector_load %arg10[%get3A_209, %get3A_210] {strides = array<i32>} : memref<125x80xi32, #tpu.memory_space<vmem>>, vector<16xi32>,
      %get3A_212 = arith.index_cast %add3A_45 : i32 to index
      %get3A_213 = arith.constant 64 : index
      %get3A_214 = tpu.vector_load %arg11[%get3A_212, %get3A_213] {strides = array<i32>} : memref<125x80xi32, #tpu.memory_space<vmem>>, vector<16xi32>,
      %gather3A_215 = tpu.vector_load_idx %arg15[%get3A_211] : memref<10000xf32, #tpu.memory_space<vmem>>[vector<16xi32>], vector<16xf32>,
      %gather3A_216 = tpu.vector_load_idx %arg16[%get3A_214] : memref<10000xf32, #tpu.memory_space<vmem>>[vector<16xi32>], vector<16xf32>,
      %add3A_217 = arith.addf %gather3A_215, %gather3A_216 : vector<16xf32>
      %gt3A_218 = arith.constant 0.000000e+00 : f32
      %gt3A_219 = vector.broadcast %gt3A_218 : f32 to vector<16xf32>
      %gt3A_220 = arith.cmpf ogt, %add3A_217, %gt3A_219 : vector<16xf32>
      %xor3A_221 = arith.xori %gt3A_220, %gt3A_9 : vector<16xi1>
      %mul3A_222 = arith.constant 5 : i32
      %mul3A_223 = arith.muli %add3A_45, %mul3A_222 : i32
      %add3A_224 = arith.constant 4 : i32
      %add3A_225 = arith.addi %mul3A_223, %add3A_224 : i32
      %jit3A_226 = arith.constant 32 : i32
      %eq3A_227 = arith.constant 0 : i32
      %eq3A_228 = arith.cmpi eq, %jit3A_226, %eq3A_227 : i32
      %jit3A_229 = arith.constant 1 : i32
      %select_n3A_230 = arith.select %eq3A_228, %jit3A_229, %jit3A_226 : i32
      %rem3A_231 = arith.remsi %add3A_225, %select_n3A_230 : i32
      %ne3A_232 = arith.constant 0 : i32
      %ne3A_233 = arith.cmpi ne, %rem3A_231, %ne3A_232 : i32
      %lt3A_234 = arith.constant 0 : i32
      %lt3A_235 = arith.cmpi slt, %rem3A_231, %lt3A_234 : i32
      %lt3A_236 = arith.constant 0 : i32
      %lt3A_237 = arith.cmpi slt, %select_n3A_230, %lt3A_236 : i32
      %ne3A_238 = arith.xori %lt3A_235, %lt3A_237 : i1
      %and3A_239 = arith.andi %ne3A_238, %ne3A_233 : i1
      %add3A_240 = arith.addi %rem3A_231, %select_n3A_230 : i32
      %select_n3A_241 = arith.select %and3A_239, %add3A_240, %rem3A_231 : i32
      %mul3A_242 = arith.constant 16 : i32
      %mul3A_243 = arith.muli %select_n3A_241, %mul3A_242 : i32
      %add3A_244 = arith.constant 10000 : i32
      %add3A_245 = arith.addi %add3A_244, %mul3A_243 : i32
      %add3A_246 = vector.broadcast %add3A_245 : i32 to vector<16xi32>
      %add3A_247 = arith.addi %add3A_246, %iota3A : vector<16xi32>
      %select_n3A_248 = arith.select %xor3A_221, %get3A_214, %add3A_247 : vector<16xi1>, vector<16xi32>
      %swap3A_249 = arith.index_cast %add3A_45 : i32 to index
      %swap3A_250 = arith.constant 64 : index
      %swap3A_251 = tpu.vector_load %arg12[%swap3A_249, %swap3A_250] {strides = array<i32>} : memref<125x80xi32, #tpu.memory_space<vmem>>, vector<16xi32>,
      tpu.vector_store %arg12[%swap3A_249, %swap3A_250], %select_n3A_248 {strides = array<i32>} : memref<125x80xi32, #tpu.memory_space<vmem>>, vector<16xi32>,
    }
    %scan3A_13 = arith.constant 125 : i32
    %barrier3A = arith.constant 0 : index
    tpu.barrier barrier_id(%barrier3A)
    %dma_start3A = arith.constant 0 : i32
    %dma_start3A_14 = arith.constant 0 : i32
    %dma_start3A_15 = tpu.memref_slice %arg10[%dma_start3A, %dma_start3A_14] : memref<125x80xi32, #tpu.memory_space<vmem>> -> memref<1x80xi32, #tpu.memory_space<vmem>>
    %dma_start3A_16 = tpu.memref_squeeze %dma_start3A_15 : memref<1x80xi32, #tpu.memory_space<vmem>> -> memref<80xi32, #tpu.memory_space<vmem>>
    %dma_start3A_17 = arith.constant 0 : i32
    %dma_start3A_18 = arith.constant 0 : i32
    %dma_start3A_19 = tpu.memref_slice %arg2[%dma_start3A_17, %dma_start3A_18] : memref<10000x80xf32, #tpu.memory_space<hbm>> -> memref<10000x80xf32, #tpu.memory_space<hbm>>
    tpu.enqueue_indirect_dma source(%dma_start3A_19 : memref<10000x80xf32, #tpu.memory_space<hbm>>) target(%arg13 : memref<80x80xf32, #tpu.memory_space<vmem>>) offsets(%dma_start3A_16 : memref<80xi32, #tpu.memory_space<vmem>>) semaphore(%arg19 : memref<!tpu.dma_semaphore, #tpu.memory_space<semaphore_mem>>)
    %scan3A_20 = arith.constant 0 : i32
    %scan3A_21 = arith.constant 62 : i32
    %scan3A_22 = arith.addi %scan3A_20, %scan3A_21 : i32
    %scan3A_23 = arith.constant 1 : i32
    scf.for %scan3A_41 = %scan3A_20 to %scan3A_22 step %scan3A_23  : i32 {
      %mul3A_42 = arith.constant 2 : i32
      %mul3A_43 = arith.muli %scan3A_41, %mul3A_42 : i32
      %add3A_44 = arith.constant 0 : i32
      %add3A_45 = arith.addi %add3A_44, %mul3A_43 : i32
      %dma_wait3A_46 = arith.constant 0 : i32
      %dma_wait3A_47 = tpu.memref_slice %arg10[%add3A_45, %dma_wait3A_46] : memref<125x80xi32, #tpu.memory_space<vmem>> -> memref<1x80xi32, #tpu.memory_space<vmem>>
      %dma_wait3A_48 = tpu.memref_squeeze %dma_wait3A_47 : memref<1x80xi32, #tpu.memory_space<vmem>> -> memref<80xi32, #tpu.memory_space<vmem>>
      %dma_wait3A_49 = arith.constant 0 : i32
      %dma_wait3A_50 = arith.constant 0 : i32
      %dma_wait3A_51 = tpu.memref_slice %arg2[%dma_wait3A_49, %dma_wait3A_50] : memref<10000x80xf32, #tpu.memory_space<hbm>> -> memref<10000x80xf32, #tpu.memory_space<hbm>>
      tpu.wait_indirect_dma semaphore(%arg19 : memref<!tpu.dma_semaphore, #tpu.memory_space<semaphore_mem>>) src(%dma_wait3A_51 : memref<10000x80xf32, #tpu.memory_space<hbm>>) dst(%arg13 : memref<80x80xf32, #tpu.memory_space<vmem>>)
      %add3A_52 = arith.constant 1 : i32
      %add3A_53 = arith.addi %add3A_45, %add3A_52 : i32
      %dma_start3A_54 = arith.constant 0 : i32
      %dma_start3A_55 = tpu.memref_slice %arg10[%add3A_53, %dma_start3A_54] : memref<125x80xi32, #tpu.memory_space<vmem>> -> memref<1x80xi32, #tpu.memory_space<vmem>>
      %dma_start3A_56 = tpu.memref_squeeze %dma_start3A_55 : memref<1x80xi32, #tpu.memory_space<vmem>> -> memref<80xi32, #tpu.memory_space<vmem>>
      %dma_start3A_57 = arith.constant 0 : i32
      %dma_start3A_58 = arith.constant 0 : i32
      %dma_start3A_59 = tpu.memref_slice %arg2[%dma_start3A_57, %dma_start3A_58] : memref<10000x80xf32, #tpu.memory_space<hbm>> -> memref<10000x80xf32, #tpu.memory_space<hbm>>
      tpu.enqueue_indirect_dma source(%dma_start3A_59 : memref<10000x80xf32, #tpu.memory_space<hbm>>) target(%arg14 : memref<80x80xf32, #tpu.memory_space<vmem>>) offsets(%dma_start3A_56 : memref<80xi32, #tpu.memory_space<vmem>>) semaphore(%arg20 : memref<!tpu.dma_semaphore, #tpu.memory_space<semaphore_mem>>)
      "tpu.region"() ({
        %run_scoped3A_78 = tpu.sem_alloc : memref<!tpu.dma_semaphore, #tpu.memory_space<semaphore_mem>>
        %dma_start3A_79 = arith.constant 0 : i32
        %dma_start3A_80 = tpu.memref_slice %arg12[%add3A_45, %dma_start3A_79] : memref<125x80xi32, #tpu.memory_space<vmem>> -> memref<1x80xi32, #tpu.memory_space<vmem>>
        %dma_start3A_81 = tpu.memref_squeeze %dma_start3A_80 : memref<1x80xi32, #tpu.memory_space<vmem>> -> memref<80xi32, #tpu.memory_space<vmem>>
        %dma_start3A_82 = arith.constant 0 : i32
        %dma_start3A_83 = arith.constant 0 : i32
        %dma_start3A_84 = tpu.memref_slice %arg18[%dma_start3A_82, %dma_start3A_83] : memref<10512x80xf32, #tpu.memory_space<vmem_shared>> -> memref<10512x80xf32, #tpu.memory_space<vmem_shared>>
        tpu.enqueue_indirect_dma source(%arg13 : memref<80x80xf32, #tpu.memory_space<vmem>>) target(%dma_start3A_84 : memref<10512x80xf32, #tpu.memory_space<vmem_shared>>) offsets(%dma_start3A_81 : memref<80xi32, #tpu.memory_space<vmem>>) semaphore(%run_scoped3A_78 : memref<!tpu.dma_semaphore, #tpu.memory_space<semaphore_mem>>) {add = true}
        %dma_wait3A_85 = arith.constant 0 : i32
        %dma_wait3A_86 = tpu.memref_slice %arg12[%add3A_45, %dma_wait3A_85] : memref<125x80xi32, #tpu.memory_space<vmem>> -> memref<1x80xi32, #tpu.memory_space<vmem>>
        %dma_wait3A_87 = tpu.memref_squeeze %dma_wait3A_86 : memref<1x80xi32, #tpu.memory_space<vmem>> -> memref<80xi32, #tpu.memory_space<vmem>>
        %dma_wait3A_88 = arith.constant 0 : i32
        %dma_wait3A_89 = arith.constant 0 : i32
        %dma_wait3A_90 = tpu.memref_slice %arg18[%dma_wait3A_88, %dma_wait3A_89] : memref<10512x80xf32, #tpu.memory_space<vmem_shared>> -> memref<10512x80xf32, #tpu.memory_space<vmem_shared>>
        tpu.wait_indirect_dma semaphore(%run_scoped3A_78 : memref<!tpu.dma_semaphore, #tpu.memory_space<semaphore_mem>>) src(%arg13 : memref<80x80xf32, #tpu.memory_space<vmem>>) dst(%dma_wait3A_90 : memref<10512x80xf32, #tpu.memory_space<vmem_shared>>)
        tpu.yield
      }) : () -> ()
      %add3A_60 = arith.constant 1 : i32
      %add3A_61 = arith.addi %add3A_45, %add3A_60 : i32
      %dma_wait3A_62 = arith.constant 0 : i32
      %dma_wait3A_63 = tpu.memref_slice %arg10[%add3A_61, %dma_wait3A_62] : memref<125x80xi32, #tpu.memory_space<vmem>> -> memref<1x80xi32, #tpu.memory_space<vmem>>
      %dma_wait3A_64 = tpu.memref_squeeze %dma_wait3A_63 : memref<1x80xi32, #tpu.memory_space<vmem>> -> memref<80xi32, #tpu.memory_space<vmem>>
      %dma_wait3A_65 = arith.constant 0 : i32
      %dma_wait3A_66 = arith.constant 0 : i32
      %dma_wait3A_67 = tpu.memref_slice %arg2[%dma_wait3A_65, %dma_wait3A_66] : memref<10000x80xf32, #tpu.memory_space<hbm>> -> memref<10000x80xf32, #tpu.memory_space<hbm>>
      tpu.wait_indirect_dma semaphore(%arg20 : memref<!tpu.dma_semaphore, #tpu.memory_space<semaphore_mem>>) src(%dma_wait3A_67 : memref<10000x80xf32, #tpu.memory_space<hbm>>) dst(%arg14 : memref<80x80xf32, #tpu.memory_space<vmem>>)
      %add3A_68 = arith.constant 2 : i32
      %add3A_69 = arith.addi %add3A_45, %add3A_68 : i32
      %dma_start3A_70 = arith.constant 0 : i32
      %dma_start3A_71 = tpu.memref_slice %arg10[%add3A_69, %dma_start3A_70] : memref<125x80xi32, #tpu.memory_space<vmem>> -> memref<1x80xi32, #tpu.memory_space<vmem>>
      %dma_start3A_72 = tpu.memref_squeeze %dma_start3A_71 : memref<1x80xi32, #tpu.memory_space<vmem>> -> memref<80xi32, #tpu.memory_space<vmem>>
      %dma_start3A_73 = arith.constant 0 : i32
      %dma_start3A_74 = arith.constant 0 : i32
      %dma_start3A_75 = tpu.memref_slice %arg2[%dma_start3A_73, %dma_start3A_74] : memref<10000x80xf32, #tpu.memory_space<hbm>> -> memref<10000x80xf32, #tpu.memory_space<hbm>>
      tpu.enqueue_indirect_dma source(%dma_start3A_75 : memref<10000x80xf32, #tpu.memory_space<hbm>>) target(%arg13 : memref<80x80xf32, #tpu.memory_space<vmem>>) offsets(%dma_start3A_72 : memref<80xi32, #tpu.memory_space<vmem>>) semaphore(%arg19 : memref<!tpu.dma_semaphore, #tpu.memory_space<semaphore_mem>>)
      %add3A_76 = arith.constant 1 : i32
      %add3A_77 = arith.addi %add3A_45, %add3A_76 : i32
      "tpu.region"() ({
        %run_scoped3A_78 = tpu.sem_alloc : memref<!tpu.dma_semaphore, #tpu.memory_space<semaphore_mem>>
        %dma_start3A_79 = arith.constant 0 : i32
        %dma_start3A_80 = tpu.memref_slice %arg12[%add3A_77, %dma_start3A_79] : memref<125x80xi32, #tpu.memory_space<vmem>> -> memref<1x80xi32, #tpu.memory_space<vmem>>
        %dma_start3A_81 = tpu.memref_squeeze %dma_start3A_80 : memref<1x80xi32, #tpu.memory_space<vmem>> -> memref<80xi32, #tpu.memory_space<vmem>>
        %dma_start3A_82 = arith.constant 0 : i32
        %dma_start3A_83 = arith.constant 0 : i32
        %dma_start3A_84 = tpu.memref_slice %arg18[%dma_start3A_82, %dma_start3A_83] : memref<10512x80xf32, #tpu.memory_space<vmem_shared>> -> memref<10512x80xf32, #tpu.memory_space<vmem_shared>>
        tpu.enqueue_indirect_dma source(%arg14 : memref<80x80xf32, #tpu.memory_space<vmem>>) target(%dma_start3A_84 : memref<10512x80xf32, #tpu.memory_space<vmem_shared>>) offsets(%dma_start3A_81 : memref<80xi32, #tpu.memory_space<vmem>>) semaphore(%run_scoped3A_78 : memref<!tpu.dma_semaphore, #tpu.memory_space<semaphore_mem>>) {add = true}
        %dma_wait3A_85 = arith.constant 0 : i32
        %dma_wait3A_86 = tpu.memref_slice %arg12[%add3A_77, %dma_wait3A_85] : memref<125x80xi32, #tpu.memory_space<vmem>> -> memref<1x80xi32, #tpu.memory_space<vmem>>
        %dma_wait3A_87 = tpu.memref_squeeze %dma_wait3A_86 : memref<1x80xi32, #tpu.memory_space<vmem>> -> memref<80xi32, #tpu.memory_space<vmem>>
        %dma_wait3A_88 = arith.constant 0 : i32
        %dma_wait3A_89 = arith.constant 0 : i32
        %dma_wait3A_90 = tpu.memref_slice %arg18[%dma_wait3A_88, %dma_wait3A_89] : memref<10512x80xf32, #tpu.memory_space<vmem_shared>> -> memref<10512x80xf32, #tpu.memory_space<vmem_shared>>
        tpu.wait_indirect_dma semaphore(%run_scoped3A_78 : memref<!tpu.dma_semaphore, #tpu.memory_space<semaphore_mem>>) src(%arg14 : memref<80x80xf32, #tpu.memory_space<vmem>>) dst(%dma_wait3A_90 : memref<10512x80xf32, #tpu.memory_space<vmem_shared>>)
        tpu.yield
      }) : () -> ()
    }
    %scan3A_24 = arith.constant 62 : i32
    %dma_wait3A = arith.constant 124 : i32
    %dma_wait3A_25 = arith.constant 0 : i32
    %dma_wait3A_26 = tpu.memref_slice %arg10[%dma_wait3A, %dma_wait3A_25] : memref<125x80xi32, #tpu.memory_space<vmem>> -> memref<1x80xi32, #tpu.memory_space<vmem>>
    %dma_wait3A_27 = tpu.memref_squeeze %dma_wait3A_26 : memref<1x80xi32, #tpu.memory_space<vmem>> -> memref<80xi32, #tpu.memory_space<vmem>>
    %dma_wait3A_28 = arith.constant 0 : i32
    %dma_wait3A_29 = arith.constant 0 : i32
    %dma_wait3A_30 = tpu.memref_slice %arg2[%dma_wait3A_28, %dma_wait3A_29] : memref<10000x80xf32, #tpu.memory_space<hbm>> -> memref<10000x80xf32, #tpu.memory_space<hbm>>
    tpu.wait_indirect_dma semaphore(%arg19 : memref<!tpu.dma_semaphore, #tpu.memory_space<semaphore_mem>>) src(%dma_wait3A_30 : memref<10000x80xf32, #tpu.memory_space<hbm>>) dst(%arg13 : memref<80x80xf32, #tpu.memory_space<vmem>>)
    %run_scoped3A = arith.constant 124 : i32
    "tpu.region"() ({
      %run_scoped3A_41 = tpu.sem_alloc : memref<!tpu.dma_semaphore, #tpu.memory_space<semaphore_mem>>
      %dma_start3A_42 = arith.constant 0 : i32
      %dma_start3A_43 = tpu.memref_slice %arg12[%run_scoped3A, %dma_start3A_42] : memref<125x80xi32, #tpu.memory_space<vmem>> -> memref<1x80xi32, #tpu.memory_space<vmem>>
      %dma_start3A_44 = tpu.memref_squeeze %dma_start3A_43 : memref<1x80xi32, #tpu.memory_space<vmem>> -> memref<80xi32, #tpu.memory_space<vmem>>
      %dma_start3A_45 = arith.constant 0 : i32
      %dma_start3A_46 = arith.constant 0 : i32
      %dma_start3A_47 = tpu.memref_slice %arg18[%dma_start3A_45, %dma_start3A_46] : memref<10512x80xf32, #tpu.memory_space<vmem_shared>> -> memref<10512x80xf32, #tpu.memory_space<vmem_shared>>
      tpu.enqueue_indirect_dma source(%arg13 : memref<80x80xf32, #tpu.memory_space<vmem>>) target(%dma_start3A_47 : memref<10512x80xf32, #tpu.memory_space<vmem_shared>>) offsets(%dma_start3A_44 : memref<80xi32, #tpu.memory_space<vmem>>) semaphore(%run_scoped3A_41 : memref<!tpu.dma_semaphore, #tpu.memory_space<semaphore_mem>>) {add = true}
      %dma_wait3A_48 = arith.constant 0 : i32
      %dma_wait3A_49 = tpu.memref_slice %arg12[%run_scoped3A, %dma_wait3A_48] : memref<125x80xi32, #tpu.memory_space<vmem>> -> memref<1x80xi32, #tpu.memory_space<vmem>>
      %dma_wait3A_50 = tpu.memref_squeeze %dma_wait3A_49 : memref<1x80xi32, #tpu.memory_space<vmem>> -> memref<80xi32, #tpu.memory_space<vmem>>
      %dma_wait3A_51 = arith.constant 0 : i32
      %dma_wait3A_52 = arith.constant 0 : i32
      %dma_wait3A_53 = tpu.memref_slice %arg18[%dma_wait3A_51, %dma_wait3A_52] : memref<10512x80xf32, #tpu.memory_space<vmem_shared>> -> memref<10512x80xf32, #tpu.memory_space<vmem_shared>>
      tpu.wait_indirect_dma semaphore(%run_scoped3A_41 : memref<!tpu.dma_semaphore, #tpu.memory_space<semaphore_mem>>) src(%arg13 : memref<80x80xf32, #tpu.memory_space<vmem>>) dst(%dma_wait3A_53 : memref<10512x80xf32, #tpu.memory_space<vmem_shared>>)
      tpu.yield
    }) : () -> ()
    %barrier3A_31 = arith.constant 0 : index
    tpu.barrier barrier_id(%barrier3A_31)
    %mul3A_32 = arith.constant 656 : i32
    %mul3A_33 = arith.muli %arg1, %mul3A_32 : i32
    %mul3A_34 = arith.constant 656 : i32
    %mul3A_35 = arith.muli %arg1, %mul3A_34 : i32
    "tpu.region"() ({
      %run_scoped3A_41 = tpu.sem_alloc : memref<!tpu.dma_semaphore, #tpu.memory_space<semaphore_mem>>
      %dma_start3A_42 = arith.constant 0 : i32
      %dma_start3A_43 = arith.constant 0 : i32
      %dma_start3A_44 = tpu.memref_slice %arg9[%arg0, %dma_start3A_42, %dma_start3A_43] : memref<2x10512x80xf32, #tpu.memory_space<hbm>> -> memref<1x10512x80xf32, #tpu.memory_space<hbm>>
      %dma_start3A_45 = tpu.memref_squeeze %dma_start3A_44 : memref<1x10512x80xf32, #tpu.memory_space<hbm>> -> memref<10512x80xf32, #tpu.memory_space<hbm>>
      %dma_start3A_46 = arith.constant 0 : i32
      %dma_start3A_47 = tpu.memref_slice %dma_start3A_45[%mul3A_35, %dma_start3A_46] : memref<10512x80xf32, #tpu.memory_space<hbm>> -> memref<656x80xf32, #tpu.memory_space<hbm>>
      %dma_start3A_48 = arith.constant 0 : i32
      %dma_start3A_49 = tpu.memref_slice %arg18[%mul3A_33, %dma_start3A_48] : memref<10512x80xf32, #tpu.memory_space<vmem_shared>> -> memref<656x80xf32, #tpu.memory_space<vmem_shared>>
      tpu.enqueue_dma source(%dma_start3A_49 : memref<656x80xf32, #tpu.memory_space<vmem_shared>>) target(%dma_start3A_47 : memref<656x80xf32, #tpu.memory_space<hbm>>) target_semaphore(%run_scoped3A_41 : memref<!tpu.dma_semaphore, #tpu.memory_space<semaphore_mem>>)
      %dma_wait3A_50 = arith.constant 0 : i32
      %dma_wait3A_51 = arith.constant 0 : i32
      %dma_wait3A_52 = tpu.memref_slice %arg9[%arg0, %dma_wait3A_50, %dma_wait3A_51] : memref<2x10512x80xf32, #tpu.memory_space<hbm>> -> memref<1x10512x80xf32, #tpu.memory_space<hbm>>
      %dma_wait3A_53 = tpu.memref_squeeze %dma_wait3A_52 : memref<1x10512x80xf32, #tpu.memory_space<hbm>> -> memref<10512x80xf32, #tpu.memory_space<hbm>>
      %dma_wait3A_54 = arith.constant 0 : i32
      %dma_wait3A_55 = tpu.memref_slice %dma_wait3A_53[%mul3A_35, %dma_wait3A_54] : memref<10512x80xf32, #tpu.memory_space<hbm>> -> memref<656x80xf32, #tpu.memory_space<hbm>>
      %dma_wait3A_56 = arith.constant 0 : i32
      %dma_wait3A_57 = tpu.memref_slice %arg18[%mul3A_33, %dma_wait3A_56] : memref<10512x80xf32, #tpu.memory_space<vmem_shared>> -> memref<656x80xf32, #tpu.memory_space<vmem_shared>>
      tpu.wait_dma2 semaphore(%run_scoped3A_41 : memref<!tpu.dma_semaphore, #tpu.memory_space<semaphore_mem>>) src(%dma_wait3A_57 : memref<656x80xf32, #tpu.memory_space<vmem_shared>>) dst(%dma_wait3A_55 : memref<656x80xf32, #tpu.memory_space<hbm>>)
      tpu.yield
    }) : () -> ()
    %eq3A_36 = arith.constant 0 : i32
    %eq3A_37 = arith.cmpi eq, %arg1, %eq3A_36 : i32
    %convert_element_type3A_38 = arith.extui %eq3A_37 : i1 to i32
    %cond3A_39 = arith.constant 0 : i32
    %cond3A_40 = arith.cmpi ne, %convert_element_type3A_38, %cond3A_39 : i32
    scf.if %cond3A_40 {
      "tpu.region"() ({
        %run_scoped3A_41 = tpu.sem_alloc : memref<!tpu.dma_semaphore, #tpu.memory_space<semaphore_mem>>
        %dma_start3A_42 = arith.constant 0 : i32
        %dma_start3A_43 = arith.constant 0 : i32
        %dma_start3A_44 = tpu.memref_slice %arg9[%arg0, %dma_start3A_42, %dma_start3A_43] : memref<2x10512x80xf32, #tpu.memory_space<hbm>> -> memref<1x10512x80xf32, #tpu.memory_space<hbm>>
        %dma_start3A_45 = tpu.memref_squeeze %dma_start3A_44 : memref<1x10512x80xf32, #tpu.memory_space<hbm>> -> memref<10512x80xf32, #tpu.memory_space<hbm>>
        %dma_start3A_46 = arith.constant 10496 : i32
        %dma_start3A_47 = arith.constant 0 : i32
        %dma_start3A_48 = tpu.memref_slice %dma_start3A_45[%dma_start3A_46, %dma_start3A_47] : memref<10512x80xf32, #tpu.memory_space<hbm>> -> memref<16x80xf32, #tpu.memory_space<hbm>>
        %dma_start3A_49 = arith.constant 10496 : i32
        %dma_start3A_50 = arith.constant 0 : i32
        %dma_start3A_51 = tpu.memref_slice %arg18[%dma_start3A_49, %dma_start3A_50] : memref<10512x80xf32, #tpu.memory_space<vmem_shared>> -> memref<16x80xf32, #tpu.memory_space<vmem_shared>>
        tpu.enqueue_dma source(%dma_start3A_51 : memref<16x80xf32, #tpu.memory_space<vmem_shared>>) target(%dma_start3A_48 : memref<16x80xf32, #tpu.memory_space<hbm>>) target_semaphore(%run_scoped3A_41 : memref<!tpu.dma_semaphore, #tpu.memory_space<semaphore_mem>>)
        %dma_wait3A_52 = arith.constant 0 : i32
        %dma_wait3A_53 = arith.constant 0 : i32
        %dma_wait3A_54 = tpu.memref_slice %arg9[%arg0, %dma_wait3A_52, %dma_wait3A_53] : memref<2x10512x80xf32, #tpu.memory_space<hbm>> -> memref<1x10512x80xf32, #tpu.memory_space<hbm>>
        %dma_wait3A_55 = tpu.memref_squeeze %dma_wait3A_54 : memref<1x10512x80xf32, #tpu.memory_space<hbm>> -> memref<10512x80xf32, #tpu.memory_space<hbm>>
        %dma_wait3A_56 = arith.constant 10496 : i32
        %dma_wait3A_57 = arith.constant 0 : i32
        %dma_wait3A_58 = tpu.memref_slice %dma_wait3A_55[%dma_wait3A_56, %dma_wait3A_57] : memref<10512x80xf32, #tpu.memory_space<hbm>> -> memref<16x80xf32, #tpu.memory_space<hbm>>
        %dma_wait3A_59 = arith.constant 10496 : i32
        %dma_wait3A_60 = arith.constant 0 : i32
        %dma_wait3A_61 = tpu.memref_slice %arg18[%dma_wait3A_59, %dma_wait3A_60] : memref<10512x80xf32, #tpu.memory_space<vmem_shared>> -> memref<16x80xf32, #tpu.memory_space<vmem_shared>>
        tpu.wait_dma2 semaphore(%run_scoped3A_41 : memref<!tpu.dma_semaphore, #tpu.memory_space<semaphore_mem>>) src(%dma_wait3A_61 : memref<16x80xf32, #tpu.memory_space<vmem_shared>>) dst(%dma_wait3A_58 : memref<16x80xf32, #tpu.memory_space<hbm>>)
        tpu.yield
      }) : () -> ()
    } else {
    }
    return
  }
}

#map = affine_map<(d0, d1) -> (0, 0)>
#map1 = affine_map<(d0, d1) -> (0)>
#map2 = affine_map<(d0, d1) -> (0, 0, 0)>
module attributes {stable_mosaic.version = 14 : i64} {
  func.func @_edge_kernel_body(%arg0: i32, %arg1: i32, %arg2: memref<10000x80xf32, #tpu.memory_space<hbm>>, %arg3: memref<10000xf32, #tpu.memory_space<hbm>>, %arg4: memref<10000xf32, #tpu.memory_space<hbm>>, %arg5: memref<16xf32, #tpu.memory_space<hbm>>, %arg6: memref<32x125x80xi32, #tpu.memory_space<hbm>>, %arg7: memref<32x125x80xi32, #tpu.memory_space<hbm>>, %arg8: memref<10512x80xf32, #tpu.memory_space<hbm>>, %arg9: memref<2x10512x80xf32, #tpu.memory_space<hbm>>, %arg10: memref<125x80xi32, #tpu.memory_space<vmem>>, %arg11: memref<125x80xi32, #tpu.memory_space<vmem>>, %arg12: memref<125x80xi32, #tpu.memory_space<vmem>>, %arg13: memref<80x80xf32, #tpu.memory_space<vmem>>, %arg14: memref<80x80xf32, #tpu.memory_space<vmem>>, %arg15: memref<10000xf32, #tpu.memory_space<vmem>>, %arg16: memref<10000xf32, #tpu.memory_space<vmem>>, %arg17: memref<16xf32, #tpu.memory_space<vmem>>, %arg18: memref<10512x80xf32, #tpu.memory_space<vmem_shared>>, %arg19: memref<!tpu.dma_semaphore, #tpu.memory_space<semaphore_mem>>, %arg20: memref<!tpu.dma_semaphore, #tpu.memory_space<semaphore_mem>>) attributes {dimension_semantics = [#tpu.dimension_semantics<core_parallel>, #tpu.dimension_semantics<subcore_parallel>], iteration_bounds = array<i64: 2, 16>, scalar_prefetch = 0 : i64, scratch_operands = 11 : i64, tpu.core_type = #tpu.core_type<sc_vector_subcore>, window_params = [{transform_indices = #map}, {transform_indices = #map1}, {transform_indices = #map1}, {transform_indices = #map1}, {transform_indices = #map2}, {transform_indices = #map2}, {transform_indices = #map}, {transform_indices = #map2}]} {
    %mul3A = arith.constant 2 : i32
    %mul3A_0 = arith.muli %arg1, %mul3A : i32
    %add3A = arith.addi %mul3A_0, %arg0 : i32
    "tpu.region"() ({
      %run_scoped3A_41 = tpu.sem_alloc : memref<!tpu.dma_semaphore, #tpu.memory_space<semaphore_mem>>
      %dma_start3A_42 = arith.constant 0 : i32
      %dma_start3A_43 = arith.constant 0 : i32
      %dma_start3A_44 = tpu.memref_slice %arg6[%add3A, %dma_start3A_42, %dma_start3A_43] : memref<32x125x80xi32, #tpu.memory_space<hbm>> -> memref<1x125x80xi32, #tpu.memory_space<hbm>>
      %dma_start3A_45 = tpu.memref_squeeze %dma_start3A_44 : memref<1x125x80xi32, #tpu.memory_space<hbm>> -> memref<125x80xi32, #tpu.memory_space<hbm>>
      %dma_start3A_46 = arith.constant 0 : i32
      %dma_start3A_47 = arith.constant 0 : i32
      %dma_start3A_48 = tpu.memref_slice %arg6[%add3A, %dma_start3A_46, %dma_start3A_47] : memref<32x125x80xi32, #tpu.memory_space<hbm>> -> memref<1x125x80xi32, #tpu.memory_space<hbm>>
      %dma_start3A_49 = tpu.memref_squeeze %dma_start3A_48 : memref<1x125x80xi32, #tpu.memory_space<hbm>> -> memref<125x80xi32, #tpu.memory_space<hbm>>
      tpu.enqueue_dma source(%dma_start3A_49 : memref<125x80xi32, #tpu.memory_space<hbm>>) target(%arg10 : memref<125x80xi32, #tpu.memory_space<vmem>>) target_semaphore(%run_scoped3A_41 : memref<!tpu.dma_semaphore, #tpu.memory_space<semaphore_mem>>)
      %dma_wait3A_50 = arith.constant 0 : i32
      %dma_wait3A_51 = arith.constant 0 : i32
      %dma_wait3A_52 = tpu.memref_slice %arg6[%add3A, %dma_wait3A_50, %dma_wait3A_51] : memref<32x125x80xi32, #tpu.memory_space<hbm>> -> memref<1x125x80xi32, #tpu.memory_space<hbm>>
      %dma_wait3A_53 = tpu.memref_squeeze %dma_wait3A_52 : memref<1x125x80xi32, #tpu.memory_space<hbm>> -> memref<125x80xi32, #tpu.memory_space<hbm>>
      %dma_wait3A_54 = arith.constant 0 : i32
      %dma_wait3A_55 = arith.constant 0 : i32
      %dma_wait3A_56 = tpu.memref_slice %arg6[%add3A, %dma_wait3A_54, %dma_wait3A_55] : memref<32x125x80xi32, #tpu.memory_space<hbm>> -> memref<1x125x80xi32, #tpu.memory_space<hbm>>
      %dma_wait3A_57 = tpu.memref_squeeze %dma_wait3A_56 : memref<1x125x80xi32, #tpu.memory_space<hbm>> -> memref<125x80xi32, #tpu.memory_space<hbm>>
      tpu.wait_dma2 semaphore(%run_scoped3A_41 : memref<!tpu.dma_semaphore, #tpu.memory_space<semaphore_mem>>) src(%dma_wait3A_57 : memref<125x80xi32, #tpu.memory_space<hbm>>) dst(%arg10 : memref<125x80xi32, #tpu.memory_space<vmem>>)
      tpu.yield
    }) : () -> ()
    "tpu.region"() ({
      %run_scoped3A_41 = tpu.sem_alloc : memref<!tpu.dma_semaphore, #tpu.memory_space<semaphore_mem>>
      %dma_start3A_42 = arith.constant 0 : i32
      %dma_start3A_43 = arith.constant 0 : i32
      %dma_start3A_44 = tpu.memref_slice %arg7[%add3A, %dma_start3A_42, %dma_start3A_43] : memref<32x125x80xi32, #tpu.memory_space<hbm>> -> memref<1x125x80xi32, #tpu.memory_space<hbm>>
      %dma_start3A_45 = tpu.memref_squeeze %dma_start3A_44 : memref<1x125x80xi32, #tpu.memory_space<hbm>> -> memref<125x80xi32, #tpu.memory_space<hbm>>
      %dma_start3A_46 = arith.constant 0 : i32
      %dma_start3A_47 = arith.constant 0 : i32
      %dma_start3A_48 = tpu.memref_slice %arg7[%add3A, %dma_start3A_46, %dma_start3A_47] : memref<32x125x80xi32, #tpu.memory_space<hbm>> -> memref<1x125x80xi32, #tpu.memory_space<hbm>>
      %dma_start3A_49 = tpu.memref_squeeze %dma_start3A_48 : memref<1x125x80xi32, #tpu.memory_space<hbm>> -> memref<125x80xi32, #tpu.memory_space<hbm>>
      tpu.enqueue_dma source(%dma_start3A_49 : memref<125x80xi32, #tpu.memory_space<hbm>>) target(%arg11 : memref<125x80xi32, #tpu.memory_space<vmem>>) target_semaphore(%run_scoped3A_41 : memref<!tpu.dma_semaphore, #tpu.memory_space<semaphore_mem>>)
      %dma_wait3A_50 = arith.constant 0 : i32
      %dma_wait3A_51 = arith.constant 0 : i32
      %dma_wait3A_52 = tpu.memref_slice %arg7[%add3A, %dma_wait3A_50, %dma_wait3A_51] : memref<32x125x80xi32, #tpu.memory_space<hbm>> -> memref<1x125x80xi32, #tpu.memory_space<hbm>>
      %dma_wait3A_53 = tpu.memref_squeeze %dma_wait3A_52 : memref<1x125x80xi32, #tpu.memory_space<hbm>> -> memref<125x80xi32, #tpu.memory_space<hbm>>
      %dma_wait3A_54 = arith.constant 0 : i32
      %dma_wait3A_55 = arith.constant 0 : i32
      %dma_wait3A_56 = tpu.memref_slice %arg7[%add3A, %dma_wait3A_54, %dma_wait3A_55] : memref<32x125x80xi32, #tpu.memory_space<hbm>> -> memref<1x125x80xi32, #tpu.memory_space<hbm>>
      %dma_wait3A_57 = tpu.memref_squeeze %dma_wait3A_56 : memref<1x125x80xi32, #tpu.memory_space<hbm>> -> memref<125x80xi32, #tpu.memory_space<hbm>>
      tpu.wait_dma2 semaphore(%run_scoped3A_41 : memref<!tpu.dma_semaphore, #tpu.memory_space<semaphore_mem>>) src(%dma_wait3A_57 : memref<125x80xi32, #tpu.memory_space<hbm>>) dst(%arg11 : memref<125x80xi32, #tpu.memory_space<vmem>>)
      tpu.yield
    }) : () -> ()
    "tpu.region"() ({
      %run_scoped3A_41 = tpu.sem_alloc : memref<!tpu.dma_semaphore, #tpu.memory_space<semaphore_mem>>
      tpu.enqueue_dma source(%arg3 : memref<10000xf32, #tpu.memory_space<hbm>>) target(%arg15 : memref<10000xf32, #tpu.memory_space<vmem>>) target_semaphore(%run_scoped3A_41 : memref<!tpu.dma_semaphore, #tpu.memory_space<semaphore_mem>>)
      tpu.wait_dma2 semaphore(%run_scoped3A_41 : memref<!tpu.dma_semaphore, #tpu.memory_space<semaphore_mem>>) src(%arg3 : memref<10000xf32, #tpu.memory_space<hbm>>) dst(%arg15 : memref<10000xf32, #tpu.memory_space<vmem>>)
      tpu.yield
    }) : () -> ()
    "tpu.region"() ({
      %run_scoped3A_41 = tpu.sem_alloc : memref<!tpu.dma_semaphore, #tpu.memory_space<semaphore_mem>>
      tpu.enqueue_dma source(%arg4 : memref<10000xf32, #tpu.memory_space<hbm>>) target(%arg16 : memref<10000xf32, #tpu.memory_space<vmem>>) target_semaphore(%run_scoped3A_41 : memref<!tpu.dma_semaphore, #tpu.memory_space<semaphore_mem>>)
      tpu.wait_dma2 semaphore(%run_scoped3A_41 : memref<!tpu.dma_semaphore, #tpu.memory_space<semaphore_mem>>) src(%arg4 : memref<10000xf32, #tpu.memory_space<hbm>>) dst(%arg16 : memref<10000xf32, #tpu.memory_space<vmem>>)
      tpu.yield
    }) : () -> ()
    "tpu.region"() ({
      %run_scoped3A_41 = tpu.sem_alloc : memref<!tpu.dma_semaphore, #tpu.memory_space<semaphore_mem>>
      tpu.enqueue_dma source(%arg5 : memref<16xf32, #tpu.memory_space<hbm>>) target(%arg17 : memref<16xf32, #tpu.memory_space<vmem>>) target_semaphore(%run_scoped3A_41 : memref<!tpu.dma_semaphore, #tpu.memory_space<semaphore_mem>>)
      tpu.wait_dma2 semaphore(%run_scoped3A_41 : memref<!tpu.dma_semaphore, #tpu.memory_space<semaphore_mem>>) src(%arg5 : memref<16xf32, #tpu.memory_space<hbm>>) dst(%arg17 : memref<16xf32, #tpu.memory_space<vmem>>)
      tpu.yield
    }) : () -> ()
    %mul3A_1 = arith.constant 656 : i32
    %mul3A_2 = arith.muli %arg1, %mul3A_1 : i32
    %mul3A_3 = arith.constant 656 : i32
    %mul3A_4 = arith.muli %arg1, %mul3A_3 : i32
    "tpu.region"() ({
      %run_scoped3A_41 = tpu.sem_alloc : memref<!tpu.dma_semaphore, #tpu.memory_space<semaphore_mem>>
      %dma_start3A_42 = arith.constant 0 : i32
      %dma_start3A_43 = tpu.memref_slice %arg18[%mul3A_4, %dma_start3A_42] : memref<10512x80xf32, #tpu.memory_space<vmem_shared>> -> memref<656x80xf32, #tpu.memory_space<vmem_shared>>
      %dma_start3A_44 = arith.constant 0 : i32
      %dma_start3A_45 = tpu.memref_slice %arg8[%mul3A_2, %dma_start3A_44] : memref<10512x80xf32, #tpu.memory_space<hbm>> -> memref<656x80xf32, #tpu.memory_space<hbm>>
      tpu.enqueue_dma source(%dma_start3A_45 : memref<656x80xf32, #tpu.memory_space<hbm>>) target(%dma_start3A_43 : memref<656x80xf32, #tpu.memory_space<vmem_shared>>) target_semaphore(%run_scoped3A_41 : memref<!tpu.dma_semaphore, #tpu.memory_space<semaphore_mem>>)
      %dma_wait3A_46 = arith.constant 0 : i32
      %dma_wait3A_47 = tpu.memref_slice %arg18[%mul3A_4, %dma_wait3A_46] : memref<10512x80xf32, #tpu.memory_space<vmem_shared>> -> memref<656x80xf32, #tpu.memory_space<vmem_shared>>
      %dma_wait3A_48 = arith.constant 0 : i32
      %dma_wait3A_49 = tpu.memref_slice %arg8[%mul3A_2, %dma_wait3A_48] : memref<10512x80xf32, #tpu.memory_space<hbm>> -> memref<656x80xf32, #tpu.memory_space<hbm>>
      tpu.wait_dma2 semaphore(%run_scoped3A_41 : memref<!tpu.dma_semaphore, #tpu.memory_space<semaphore_mem>>) src(%dma_wait3A_49 : memref<656x80xf32, #tpu.memory_space<hbm>>) dst(%dma_wait3A_47 : memref<656x80xf32, #tpu.memory_space<vmem_shared>>)
      tpu.yield
    }) : () -> ()
    %eq3A = arith.constant 0 : i32
    %eq3A_5 = arith.cmpi eq, %arg1, %eq3A : i32
    %convert_element_type3A = arith.extui %eq3A_5 : i1 to i32
    %cond3A = arith.constant 0 : i32
    %cond3A_6 = arith.cmpi ne, %convert_element_type3A, %cond3A : i32
    scf.if %cond3A_6 {
      "tpu.region"() ({
        %run_scoped3A_41 = tpu.sem_alloc : memref<!tpu.dma_semaphore, #tpu.memory_space<semaphore_mem>>
        %dma_start3A_42 = arith.constant 10496 : i32
        %dma_start3A_43 = arith.constant 0 : i32
        %dma_start3A_44 = tpu.memref_slice %arg18[%dma_start3A_42, %dma_start3A_43] : memref<10512x80xf32, #tpu.memory_space<vmem_shared>> -> memref<16x80xf32, #tpu.memory_space<vmem_shared>>
        %dma_start3A_45 = arith.constant 10496 : i32
        %dma_start3A_46 = arith.constant 0 : i32
        %dma_start3A_47 = tpu.memref_slice %arg8[%dma_start3A_45, %dma_start3A_46] : memref<10512x80xf32, #tpu.memory_space<hbm>> -> memref<16x80xf32, #tpu.memory_space<hbm>>
        tpu.enqueue_dma source(%dma_start3A_47 : memref<16x80xf32, #tpu.memory_space<hbm>>) target(%dma_start3A_44 : memref<16x80xf32, #tpu.memory_space<vmem_shared>>) target_semaphore(%run_scoped3A_41 : memref<!tpu.dma_semaphore, #tpu.memory_space<semaphore_mem>>)
        %dma_wait3A_48 = arith.constant 10496 : i32
        %dma_wait3A_49 = arith.constant 0 : i32
        %dma_wait3A_50 = tpu.memref_slice %arg18[%dma_wait3A_48, %dma_wait3A_49] : memref<10512x80xf32, #tpu.memory_space<vmem_shared>> -> memref<16x80xf32, #tpu.memory_space<vmem_shared>>
        %dma_wait3A_51 = arith.constant 10496 : i32
        %dma_wait3A_52 = arith.constant 0 : i32
        %dma_wait3A_53 = tpu.memref_slice %arg8[%dma_wait3A_51, %dma_wait3A_52] : memref<10512x80xf32, #tpu.memory_space<hbm>> -> memref<16x80xf32, #tpu.memory_space<hbm>>
        tpu.wait_dma2 semaphore(%run_scoped3A_41 : memref<!tpu.dma_semaphore, #tpu.memory_space<semaphore_mem>>) src(%dma_wait3A_53 : memref<16x80xf32, #tpu.memory_space<hbm>>) dst(%dma_wait3A_50 : memref<16x80xf32, #tpu.memory_space<vmem_shared>>)
        tpu.yield
      }) : () -> ()
    } else {
    }
    %get3A = arith.constant 0 : index
    %get3A_7 = tpu.vector_load %arg17[%get3A] {strides = array<i32>} : memref<16xf32, #tpu.memory_space<vmem>>, vector<16xf32>,
    %gt3A = arith.constant 5.000000e-01 : f32
    %gt3A_8 = vector.broadcast %gt3A : f32 to vector<16xf32>
    %gt3A_9 = arith.cmpf ogt, %get3A_7, %gt3A_8 : vector<16xf32>
    %iota3A = tpu.iota {dimensions = array<i32: 0>} : vector<16xi32>
    %scan3A = arith.constant 0 : i32
    %scan3A_10 = arith.constant 125 : i32
    %scan3A_11 = arith.addi %scan3A, %scan3A_10 : i32
    %scan3A_12 = arith.constant 1 : i32
    scf.for %scan3A_41 = %scan3A to %scan3A_11 step %scan3A_12  : i32 {
      %mul3A_42 = arith.constant 1 : i32
      %mul3A_43 = arith.muli %scan3A_41, %mul3A_42 : i32
      %add3A_44 = arith.constant 0 : i32
      %add3A_45 = arith.addi %add3A_44, %mul3A_43 : i32
      %get3A_46 = arith.index_cast %add3A_45 : i32 to index
      %get3A_47 = arith.constant 0 : index
      %get3A_48 = tpu.vector_load %arg10[%get3A_46, %get3A_47] {strides = array<i32>} : memref<125x80xi32, #tpu.memory_space<vmem>>, vector<16xi32>,
      %get3A_49 = arith.index_cast %add3A_45 : i32 to index
      %get3A_50 = arith.constant 0 : index
      %get3A_51 = tpu.vector_load %arg11[%get3A_49, %get3A_50] {strides = array<i32>} : memref<125x80xi32, #tpu.memory_space<vmem>>, vector<16xi32>,
      %gather3A = tpu.vector_load_idx %arg15[%get3A_48] : memref<10000xf32, #tpu.memory_space<vmem>>[vector<16xi32>], vector<16xf32>,
      %gather3A_52 = tpu.vector_load_idx %arg16[%get3A_51] : memref<10000xf32, #tpu.memory_space<vmem>>[vector<16xi32>], vector<16xf32>,
      %add3A_53 = arith.addf %gather3A, %gather3A_52 : vector<16xf32>
      %gt3A_54 = arith.constant 0.000000e+00 : f32
      %gt3A_55 = vector.broadcast %gt3A_54 : f32 to vector<16xf32>
      %gt3A_56 = arith.cmpf ogt, %add3A_53, %gt3A_55 : vector<16xf32>
      %xor3A = arith.xori %gt3A_56, %gt3A_9 : vector<16xi1>
      %mul3A_57 = arith.constant 5 : i32
      %mul3A_58 = arith.muli %add3A_45, %mul3A_57 : i32
      %add3A_59 = arith.constant 0 : i32
      %add3A_60 = arith.addi %mul3A_58, %add3A_59 : i32
      %jit3A = arith.constant 32 : i32
      %eq3A_61 = arith.constant 0 : i32
      %eq3A_62 = arith.cmpi eq, %jit3A, %eq3A_61 : i32
      %jit3A_63 = arith.constant 1 : i32
      %select_n3A = arith.select %eq3A_62, %jit3A_63, %jit3A : i32
      %rem3A = arith.remsi %add3A_60, %select_n3A : i32
      %ne3A = arith.constant 0 : i32
      %ne3A_64 = arith.cmpi ne, %rem3A, %ne3A : i32
      %lt3A = arith.constant 0 : i32
      %lt3A_65 = arith.cmpi slt, %rem3A, %lt3A : i32
      %lt3A_66 = arith.constant 0 : i32
      %lt3A_67 = arith.cmpi slt, %select_n3A, %lt3A_66 : i32
      %ne3A_68 = arith.xori %lt3A_65, %lt3A_67 : i1
      %and3A = arith.andi %ne3A_68, %ne3A_64 : i1
      %add3A_69 = arith.addi %rem3A, %select_n3A : i32
      %select_n3A_70 = arith.select %and3A, %add3A_69, %rem3A : i32
      %mul3A_71 = arith.constant 16 : i32
      %mul3A_72 = arith.muli %select_n3A_70, %mul3A_71 : i32
      %add3A_73 = arith.constant 10000 : i32
      %add3A_74 = arith.addi %add3A_73, %mul3A_72 : i32
      %add3A_75 = vector.broadcast %add3A_74 : i32 to vector<16xi32>
      %add3A_76 = arith.addi %add3A_75, %iota3A : vector<16xi32>
      %select_n3A_77 = arith.select %xor3A, %get3A_51, %add3A_76 : vector<16xi1>, vector<16xi32>
      %swap3A = arith.index_cast %add3A_45 : i32 to index
      %swap3A_78 = arith.constant 0 : index
      %swap3A_79 = tpu.vector_load %arg12[%swap3A, %swap3A_78] {strides = array<i32>} : memref<125x80xi32, #tpu.memory_space<vmem>>, vector<16xi32>,
      tpu.vector_store %arg12[%swap3A, %swap3A_78], %select_n3A_77 {strides = array<i32>} : memref<125x80xi32, #tpu.memory_space<vmem>>, vector<16xi32>,
      %get3A_80 = arith.index_cast %add3A_45 : i32 to index
      %get3A_81 = arith.constant 16 : index
      %get3A_82 = tpu.vector_load %arg10[%get3A_80, %get3A_81] {strides = array<i32>} : memref<125x80xi32, #tpu.memory_space<vmem>>, vector<16xi32>,
      %get3A_83 = arith.index_cast %add3A_45 : i32 to index
      %get3A_84 = arith.constant 16 : index
      %get3A_85 = tpu.vector_load %arg11[%get3A_83, %get3A_84] {strides = array<i32>} : memref<125x80xi32, #tpu.memory_space<vmem>>, vector<16xi32>,
      %gather3A_86 = tpu.vector_load_idx %arg15[%get3A_82] : memref<10000xf32, #tpu.memory_space<vmem>>[vector<16xi32>], vector<16xf32>,
      %gather3A_87 = tpu.vector_load_idx %arg16[%get3A_85] : memref<10000xf32, #tpu.memory_space<vmem>>[vector<16xi32>], vector<16xf32>,
      %add3A_88 = arith.addf %gather3A_86, %gather3A_87 : vector<16xf32>
      %gt3A_89 = arith.constant 0.000000e+00 : f32
      %gt3A_90 = vector.broadcast %gt3A_89 : f32 to vector<16xf32>
      %gt3A_91 = arith.cmpf ogt, %add3A_88, %gt3A_90 : vector<16xf32>
      %xor3A_92 = arith.xori %gt3A_91, %gt3A_9 : vector<16xi1>
      %mul3A_93 = arith.constant 5 : i32
      %mul3A_94 = arith.muli %add3A_45, %mul3A_93 : i32
      %add3A_95 = arith.constant 1 : i32
      %add3A_96 = arith.addi %mul3A_94, %add3A_95 : i32
      %jit3A_97 = arith.constant 32 : i32
      %eq3A_98 = arith.constant 0 : i32
      %eq3A_99 = arith.cmpi eq, %jit3A_97, %eq3A_98 : i32
      %jit3A_100 = arith.constant 1 : i32
      %select_n3A_101 = arith.select %eq3A_99, %jit3A_100, %jit3A_97 : i32
      %rem3A_102 = arith.remsi %add3A_96, %select_n3A_101 : i32
      %ne3A_103 = arith.constant 0 : i32
      %ne3A_104 = arith.cmpi ne, %rem3A_102, %ne3A_103 : i32
      %lt3A_105 = arith.constant 0 : i32
      %lt3A_106 = arith.cmpi slt, %rem3A_102, %lt3A_105 : i32
      %lt3A_107 = arith.constant 0 : i32
      %lt3A_108 = arith.cmpi slt, %select_n3A_101, %lt3A_107 : i32
      %ne3A_109 = arith.xori %lt3A_106, %lt3A_108 : i1
      %and3A_110 = arith.andi %ne3A_109, %ne3A_104 : i1
      %add3A_111 = arith.addi %rem3A_102, %select_n3A_101 : i32
      %select_n3A_112 = arith.select %and3A_110, %add3A_111, %rem3A_102 : i32
      %mul3A_113 = arith.constant 16 : i32
      %mul3A_114 = arith.muli %select_n3A_112, %mul3A_113 : i32
      %add3A_115 = arith.constant 10000 : i32
      %add3A_116 = arith.addi %add3A_115, %mul3A_114 : i32
      %add3A_117 = vector.broadcast %add3A_116 : i32 to vector<16xi32>
      %add3A_118 = arith.addi %add3A_117, %iota3A : vector<16xi32>
      %select_n3A_119 = arith.select %xor3A_92, %get3A_85, %add3A_118 : vector<16xi1>, vector<16xi32>
      %swap3A_120 = arith.index_cast %add3A_45 : i32 to index
      %swap3A_121 = arith.constant 16 : index
      %swap3A_122 = tpu.vector_load %arg12[%swap3A_120, %swap3A_121] {strides = array<i32>} : memref<125x80xi32, #tpu.memory_space<vmem>>, vector<16xi32>,
      tpu.vector_store %arg12[%swap3A_120, %swap3A_121], %select_n3A_119 {strides = array<i32>} : memref<125x80xi32, #tpu.memory_space<vmem>>, vector<16xi32>,
      %get3A_123 = arith.index_cast %add3A_45 : i32 to index
      %get3A_124 = arith.constant 32 : index
      %get3A_125 = tpu.vector_load %arg10[%get3A_123, %get3A_124] {strides = array<i32>} : memref<125x80xi32, #tpu.memory_space<vmem>>, vector<16xi32>,
      %get3A_126 = arith.index_cast %add3A_45 : i32 to index
      %get3A_127 = arith.constant 32 : index
      %get3A_128 = tpu.vector_load %arg11[%get3A_126, %get3A_127] {strides = array<i32>} : memref<125x80xi32, #tpu.memory_space<vmem>>, vector<16xi32>,
      %gather3A_129 = tpu.vector_load_idx %arg15[%get3A_125] : memref<10000xf32, #tpu.memory_space<vmem>>[vector<16xi32>], vector<16xf32>,
      %gather3A_130 = tpu.vector_load_idx %arg16[%get3A_128] : memref<10000xf32, #tpu.memory_space<vmem>>[vector<16xi32>], vector<16xf32>,
      %add3A_131 = arith.addf %gather3A_129, %gather3A_130 : vector<16xf32>
      %gt3A_132 = arith.constant 0.000000e+00 : f32
      %gt3A_133 = vector.broadcast %gt3A_132 : f32 to vector<16xf32>
      %gt3A_134 = arith.cmpf ogt, %add3A_131, %gt3A_133 : vector<16xf32>
      %xor3A_135 = arith.xori %gt3A_134, %gt3A_9 : vector<16xi1>
      %mul3A_136 = arith.constant 5 : i32
      %mul3A_137 = arith.muli %add3A_45, %mul3A_136 : i32
      %add3A_138 = arith.constant 2 : i32
      %add3A_139 = arith.addi %mul3A_137, %add3A_138 : i32
      %jit3A_140 = arith.constant 32 : i32
      %eq3A_141 = arith.constant 0 : i32
      %eq3A_142 = arith.cmpi eq, %jit3A_140, %eq3A_141 : i32
      %jit3A_143 = arith.constant 1 : i32
      %select_n3A_144 = arith.select %eq3A_142, %jit3A_143, %jit3A_140 : i32
      %rem3A_145 = arith.remsi %add3A_139, %select_n3A_144 : i32
      %ne3A_146 = arith.constant 0 : i32
      %ne3A_147 = arith.cmpi ne, %rem3A_145, %ne3A_146 : i32
      %lt3A_148 = arith.constant 0 : i32
      %lt3A_149 = arith.cmpi slt, %rem3A_145, %lt3A_148 : i32
      %lt3A_150 = arith.constant 0 : i32
      %lt3A_151 = arith.cmpi slt, %select_n3A_144, %lt3A_150 : i32
      %ne3A_152 = arith.xori %lt3A_149, %lt3A_151 : i1
      %and3A_153 = arith.andi %ne3A_152, %ne3A_147 : i1
      %add3A_154 = arith.addi %rem3A_145, %select_n3A_144 : i32
      %select_n3A_155 = arith.select %and3A_153, %add3A_154, %rem3A_145 : i32
      %mul3A_156 = arith.constant 16 : i32
      %mul3A_157 = arith.muli %select_n3A_155, %mul3A_156 : i32
      %add3A_158 = arith.constant 10000 : i32
      %add3A_159 = arith.addi %add3A_158, %mul3A_157 : i32
      %add3A_160 = vector.broadcast %add3A_159 : i32 to vector<16xi32>
      %add3A_161 = arith.addi %add3A_160, %iota3A : vector<16xi32>
      %select_n3A_162 = arith.select %xor3A_135, %get3A_128, %add3A_161 : vector<16xi1>, vector<16xi32>
      %swap3A_163 = arith.index_cast %add3A_45 : i32 to index
      %swap3A_164 = arith.constant 32 : index
      %swap3A_165 = tpu.vector_load %arg12[%swap3A_163, %swap3A_164] {strides = array<i32>} : memref<125x80xi32, #tpu.memory_space<vmem>>, vector<16xi32>,
      tpu.vector_store %arg12[%swap3A_163, %swap3A_164], %select_n3A_162 {strides = array<i32>} : memref<125x80xi32, #tpu.memory_space<vmem>>, vector<16xi32>,
      %get3A_166 = arith.index_cast %add3A_45 : i32 to index
      %get3A_167 = arith.constant 48 : index
      %get3A_168 = tpu.vector_load %arg10[%get3A_166, %get3A_167] {strides = array<i32>} : memref<125x80xi32, #tpu.memory_space<vmem>>, vector<16xi32>,
      %get3A_169 = arith.index_cast %add3A_45 : i32 to index
      %get3A_170 = arith.constant 48 : index
      %get3A_171 = tpu.vector_load %arg11[%get3A_169, %get3A_170] {strides = array<i32>} : memref<125x80xi32, #tpu.memory_space<vmem>>, vector<16xi32>,
      %gather3A_172 = tpu.vector_load_idx %arg15[%get3A_168] : memref<10000xf32, #tpu.memory_space<vmem>>[vector<16xi32>], vector<16xf32>,
      %gather3A_173 = tpu.vector_load_idx %arg16[%get3A_171] : memref<10000xf32, #tpu.memory_space<vmem>>[vector<16xi32>], vector<16xf32>,
      %add3A_174 = arith.addf %gather3A_172, %gather3A_173 : vector<16xf32>
      %gt3A_175 = arith.constant 0.000000e+00 : f32
      %gt3A_176 = vector.broadcast %gt3A_175 : f32 to vector<16xf32>
      %gt3A_177 = arith.cmpf ogt, %add3A_174, %gt3A_176 : vector<16xf32>
      %xor3A_178 = arith.xori %gt3A_177, %gt3A_9 : vector<16xi1>
      %mul3A_179 = arith.constant 5 : i32
      %mul3A_180 = arith.muli %add3A_45, %mul3A_179 : i32
      %add3A_181 = arith.constant 3 : i32
      %add3A_182 = arith.addi %mul3A_180, %add3A_181 : i32
      %jit3A_183 = arith.constant 32 : i32
      %eq3A_184 = arith.constant 0 : i32
      %eq3A_185 = arith.cmpi eq, %jit3A_183, %eq3A_184 : i32
      %jit3A_186 = arith.constant 1 : i32
      %select_n3A_187 = arith.select %eq3A_185, %jit3A_186, %jit3A_183 : i32
      %rem3A_188 = arith.remsi %add3A_182, %select_n3A_187 : i32
      %ne3A_189 = arith.constant 0 : i32
      %ne3A_190 = arith.cmpi ne, %rem3A_188, %ne3A_189 : i32
      %lt3A_191 = arith.constant 0 : i32
      %lt3A_192 = arith.cmpi slt, %rem3A_188, %lt3A_191 : i32
      %lt3A_193 = arith.constant 0 : i32
      %lt3A_194 = arith.cmpi slt, %select_n3A_187, %lt3A_193 : i32
      %ne3A_195 = arith.xori %lt3A_192, %lt3A_194 : i1
      %and3A_196 = arith.andi %ne3A_195, %ne3A_190 : i1
      %add3A_197 = arith.addi %rem3A_188, %select_n3A_187 : i32
      %select_n3A_198 = arith.select %and3A_196, %add3A_197, %rem3A_188 : i32
      %mul3A_199 = arith.constant 16 : i32
      %mul3A_200 = arith.muli %select_n3A_198, %mul3A_199 : i32
      %add3A_201 = arith.constant 10000 : i32
      %add3A_202 = arith.addi %add3A_201, %mul3A_200 : i32
      %add3A_203 = vector.broadcast %add3A_202 : i32 to vector<16xi32>
      %add3A_204 = arith.addi %add3A_203, %iota3A : vector<16xi32>
      %select_n3A_205 = arith.select %xor3A_178, %get3A_171, %add3A_204 : vector<16xi1>, vector<16xi32>
      %swap3A_206 = arith.index_cast %add3A_45 : i32 to index
      %swap3A_207 = arith.constant 48 : index
      %swap3A_208 = tpu.vector_load %arg12[%swap3A_206, %swap3A_207] {strides = array<i32>} : memref<125x80xi32, #tpu.memory_space<vmem>>, vector<16xi32>,
      tpu.vector_store %arg12[%swap3A_206, %swap3A_207], %select_n3A_205 {strides = array<i32>} : memref<125x80xi32, #tpu.memory_space<vmem>>, vector<16xi32>,
      %get3A_209 = arith.index_cast %add3A_45 : i32 to index
      %get3A_210 = arith.constant 64 : index
      %get3A_211 = tpu.vector_load %arg10[%get3A_209, %get3A_210] {strides = array<i32>} : memref<125x80xi32, #tpu.memory_space<vmem>>, vector<16xi32>,
      %get3A_212 = arith.index_cast %add3A_45 : i32 to index
      %get3A_213 = arith.constant 64 : index
      %get3A_214 = tpu.vector_load %arg11[%get3A_212, %get3A_213] {strides = array<i32>} : memref<125x80xi32, #tpu.memory_space<vmem>>, vector<16xi32>,
      %gather3A_215 = tpu.vector_load_idx %arg15[%get3A_211] : memref<10000xf32, #tpu.memory_space<vmem>>[vector<16xi32>], vector<16xf32>,
      %gather3A_216 = tpu.vector_load_idx %arg16[%get3A_214] : memref<10000xf32, #tpu.memory_space<vmem>>[vector<16xi32>], vector<16xf32>,
      %add3A_217 = arith.addf %gather3A_215, %gather3A_216 : vector<16xf32>
      %gt3A_218 = arith.constant 0.000000e+00 : f32
      %gt3A_219 = vector.broadcast %gt3A_218 : f32 to vector<16xf32>
      %gt3A_220 = arith.cmpf ogt, %add3A_217, %gt3A_219 : vector<16xf32>
      %xor3A_221 = arith.xori %gt3A_220, %gt3A_9 : vector<16xi1>
      %mul3A_222 = arith.constant 5 : i32
      %mul3A_223 = arith.muli %add3A_45, %mul3A_222 : i32
      %add3A_224 = arith.constant 4 : i32
      %add3A_225 = arith.addi %mul3A_223, %add3A_224 : i32
      %jit3A_226 = arith.constant 32 : i32
      %eq3A_227 = arith.constant 0 : i32
      %eq3A_228 = arith.cmpi eq, %jit3A_226, %eq3A_227 : i32
      %jit3A_229 = arith.constant 1 : i32
      %select_n3A_230 = arith.select %eq3A_228, %jit3A_229, %jit3A_226 : i32
      %rem3A_231 = arith.remsi %add3A_225, %select_n3A_230 : i32
      %ne3A_232 = arith.constant 0 : i32
      %ne3A_233 = arith.cmpi ne, %rem3A_231, %ne3A_232 : i32
      %lt3A_234 = arith.constant 0 : i32
      %lt3A_235 = arith.cmpi slt, %rem3A_231, %lt3A_234 : i32
      %lt3A_236 = arith.constant 0 : i32
      %lt3A_237 = arith.cmpi slt, %select_n3A_230, %lt3A_236 : i32
      %ne3A_238 = arith.xori %lt3A_235, %lt3A_237 : i1
      %and3A_239 = arith.andi %ne3A_238, %ne3A_233 : i1
      %add3A_240 = arith.addi %rem3A_231, %select_n3A_230 : i32
      %select_n3A_241 = arith.select %and3A_239, %add3A_240, %rem3A_231 : i32
      %mul3A_242 = arith.constant 16 : i32
      %mul3A_243 = arith.muli %select_n3A_241, %mul3A_242 : i32
      %add3A_244 = arith.constant 10000 : i32
      %add3A_245 = arith.addi %add3A_244, %mul3A_243 : i32
      %add3A_246 = vector.broadcast %add3A_245 : i32 to vector<16xi32>
      %add3A_247 = arith.addi %add3A_246, %iota3A : vector<16xi32>
      %select_n3A_248 = arith.select %xor3A_221, %get3A_214, %add3A_247 : vector<16xi1>, vector<16xi32>
      %swap3A_249 = arith.index_cast %add3A_45 : i32 to index
      %swap3A_250 = arith.constant 64 : index
      %swap3A_251 = tpu.vector_load %arg12[%swap3A_249, %swap3A_250] {strides = array<i32>} : memref<125x80xi32, #tpu.memory_space<vmem>>, vector<16xi32>,
      tpu.vector_store %arg12[%swap3A_249, %swap3A_250], %select_n3A_248 {strides = array<i32>} : memref<125x80xi32, #tpu.memory_space<vmem>>, vector<16xi32>,
    }
    %scan3A_13 = arith.constant 125 : i32
    %barrier3A = arith.constant 0 : index
    tpu.barrier barrier_id(%barrier3A)
    %dma_start3A = arith.constant 0 : i32
    %dma_start3A_14 = arith.constant 0 : i32
    %dma_start3A_15 = tpu.memref_slice %arg10[%dma_start3A, %dma_start3A_14] : memref<125x80xi32, #tpu.memory_space<vmem>> -> memref<1x80xi32, #tpu.memory_space<vmem>>
    %dma_start3A_16 = tpu.memref_squeeze %dma_start3A_15 : memref<1x80xi32, #tpu.memory_space<vmem>> -> memref<80xi32, #tpu.memory_space<vmem>>
    %dma_start3A_17 = arith.constant 0 : i32
    %dma_start3A_18 = arith.constant 0 : i32
    %dma_start3A_19 = tpu.memref_slice %arg2[%dma_start3A_17, %dma_start3A_18] : memref<10000x80xf32, #tpu.memory_space<hbm>> -> memref<10000x80xf32, #tpu.memory_space<hbm>>
    tpu.enqueue_indirect_dma source(%dma_start3A_19 : memref<10000x80xf32, #tpu.memory_space<hbm>>) target(%arg13 : memref<80x80xf32, #tpu.memory_space<vmem>>) offsets(%dma_start3A_16 : memref<80xi32, #tpu.memory_space<vmem>>) semaphore(%arg19 : memref<!tpu.dma_semaphore, #tpu.memory_space<semaphore_mem>>)
    %scan3A_20 = arith.constant 0 : i32
    %scan3A_21 = arith.constant 62 : i32
    %scan3A_22 = arith.addi %scan3A_20, %scan3A_21 : i32
    %scan3A_23 = arith.constant 1 : i32
    scf.for %scan3A_41 = %scan3A_20 to %scan3A_22 step %scan3A_23  : i32 {
      %mul3A_42 = arith.constant 2 : i32
      %mul3A_43 = arith.muli %scan3A_41, %mul3A_42 : i32
      %add3A_44 = arith.constant 0 : i32
      %add3A_45 = arith.addi %add3A_44, %mul3A_43 : i32
      %dma_wait3A_46 = arith.constant 0 : i32
      %dma_wait3A_47 = tpu.memref_slice %arg10[%add3A_45, %dma_wait3A_46] : memref<125x80xi32, #tpu.memory_space<vmem>> -> memref<1x80xi32, #tpu.memory_space<vmem>>
      %dma_wait3A_48 = tpu.memref_squeeze %dma_wait3A_47 : memref<1x80xi32, #tpu.memory_space<vmem>> -> memref<80xi32, #tpu.memory_space<vmem>>
      %dma_wait3A_49 = arith.constant 0 : i32
      %dma_wait3A_50 = arith.constant 0 : i32
      %dma_wait3A_51 = tpu.memref_slice %arg2[%dma_wait3A_49, %dma_wait3A_50] : memref<10000x80xf32, #tpu.memory_space<hbm>> -> memref<10000x80xf32, #tpu.memory_space<hbm>>
      tpu.wait_indirect_dma semaphore(%arg19 : memref<!tpu.dma_semaphore, #tpu.memory_space<semaphore_mem>>) src(%dma_wait3A_51 : memref<10000x80xf32, #tpu.memory_space<hbm>>) dst(%arg13 : memref<80x80xf32, #tpu.memory_space<vmem>>)
      %add3A_52 = arith.constant 1 : i32
      %add3A_53 = arith.addi %add3A_45, %add3A_52 : i32
      %dma_start3A_54 = arith.constant 0 : i32
      %dma_start3A_55 = tpu.memref_slice %arg10[%add3A_53, %dma_start3A_54] : memref<125x80xi32, #tpu.memory_space<vmem>> -> memref<1x80xi32, #tpu.memory_space<vmem>>
      %dma_start3A_56 = tpu.memref_squeeze %dma_start3A_55 : memref<1x80xi32, #tpu.memory_space<vmem>> -> memref<80xi32, #tpu.memory_space<vmem>>
      %dma_start3A_57 = arith.constant 0 : i32
      %dma_start3A_58 = arith.constant 0 : i32
      %dma_start3A_59 = tpu.memref_slice %arg2[%dma_start3A_57, %dma_start3A_58] : memref<10000x80xf32, #tpu.memory_space<hbm>> -> memref<10000x80xf32, #tpu.memory_space<hbm>>
      tpu.enqueue_indirect_dma source(%dma_start3A_59 : memref<10000x80xf32, #tpu.memory_space<hbm>>) target(%arg14 : memref<80x80xf32, #tpu.memory_space<vmem>>) offsets(%dma_start3A_56 : memref<80xi32, #tpu.memory_space<vmem>>) semaphore(%arg20 : memref<!tpu.dma_semaphore, #tpu.memory_space<semaphore_mem>>)
      "tpu.region"() ({
        %run_scoped3A_78 = tpu.sem_alloc : memref<!tpu.dma_semaphore, #tpu.memory_space<semaphore_mem>>
        %dma_start3A_79 = arith.constant 0 : i32
        %dma_start3A_80 = tpu.memref_slice %arg12[%add3A_45, %dma_start3A_79] : memref<125x80xi32, #tpu.memory_space<vmem>> -> memref<1x80xi32, #tpu.memory_space<vmem>>
        %dma_start3A_81 = tpu.memref_squeeze %dma_start3A_80 : memref<1x80xi32, #tpu.memory_space<vmem>> -> memref<80xi32, #tpu.memory_space<vmem>>
        %dma_start3A_82 = arith.constant 0 : i32
        %dma_start3A_83 = arith.constant 0 : i32
        %dma_start3A_84 = tpu.memref_slice %arg18[%dma_start3A_82, %dma_start3A_83] : memref<10512x80xf32, #tpu.memory_space<vmem_shared>> -> memref<10512x80xf32, #tpu.memory_space<vmem_shared>>
        tpu.enqueue_indirect_dma source(%arg13 : memref<80x80xf32, #tpu.memory_space<vmem>>) target(%dma_start3A_84 : memref<10512x80xf32, #tpu.memory_space<vmem_shared>>) offsets(%dma_start3A_81 : memref<80xi32, #tpu.memory_space<vmem>>) semaphore(%run_scoped3A_78 : memref<!tpu.dma_semaphore, #tpu.memory_space<semaphore_mem>>) {add = true}
        %dma_wait3A_85 = arith.constant 0 : i32
        %dma_wait3A_86 = tpu.memref_slice %arg12[%add3A_45, %dma_wait3A_85] : memref<125x80xi32, #tpu.memory_space<vmem>> -> memref<1x80xi32, #tpu.memory_space<vmem>>
        %dma_wait3A_87 = tpu.memref_squeeze %dma_wait3A_86 : memref<1x80xi32, #tpu.memory_space<vmem>> -> memref<80xi32, #tpu.memory_space<vmem>>
        %dma_wait3A_88 = arith.constant 0 : i32
        %dma_wait3A_89 = arith.constant 0 : i32
        %dma_wait3A_90 = tpu.memref_slice %arg18[%dma_wait3A_88, %dma_wait3A_89] : memref<10512x80xf32, #tpu.memory_space<vmem_shared>> -> memref<10512x80xf32, #tpu.memory_space<vmem_shared>>
        tpu.wait_indirect_dma semaphore(%run_scoped3A_78 : memref<!tpu.dma_semaphore, #tpu.memory_space<semaphore_mem>>) src(%arg13 : memref<80x80xf32, #tpu.memory_space<vmem>>) dst(%dma_wait3A_90 : memref<10512x80xf32, #tpu.memory_space<vmem_shared>>)
        tpu.yield
      }) : () -> ()
      %add3A_60 = arith.constant 1 : i32
      %add3A_61 = arith.addi %add3A_45, %add3A_60 : i32
      %dma_wait3A_62 = arith.constant 0 : i32
      %dma_wait3A_63 = tpu.memref_slice %arg10[%add3A_61, %dma_wait3A_62] : memref<125x80xi32, #tpu.memory_space<vmem>> -> memref<1x80xi32, #tpu.memory_space<vmem>>
      %dma_wait3A_64 = tpu.memref_squeeze %dma_wait3A_63 : memref<1x80xi32, #tpu.memory_space<vmem>> -> memref<80xi32, #tpu.memory_space<vmem>>
      %dma_wait3A_65 = arith.constant 0 : i32
      %dma_wait3A_66 = arith.constant 0 : i32
      %dma_wait3A_67 = tpu.memref_slice %arg2[%dma_wait3A_65, %dma_wait3A_66] : memref<10000x80xf32, #tpu.memory_space<hbm>> -> memref<10000x80xf32, #tpu.memory_space<hbm>>
      tpu.wait_indirect_dma semaphore(%arg20 : memref<!tpu.dma_semaphore, #tpu.memory_space<semaphore_mem>>) src(%dma_wait3A_67 : memref<10000x80xf32, #tpu.memory_space<hbm>>) dst(%arg14 : memref<80x80xf32, #tpu.memory_space<vmem>>)
      %add3A_68 = arith.constant 2 : i32
      %add3A_69 = arith.addi %add3A_45, %add3A_68 : i32
      %dma_start3A_70 = arith.constant 0 : i32
      %dma_start3A_71 = tpu.memref_slice %arg10[%add3A_69, %dma_start3A_70] : memref<125x80xi32, #tpu.memory_space<vmem>> -> memref<1x80xi32, #tpu.memory_space<vmem>>
      %dma_start3A_72 = tpu.memref_squeeze %dma_start3A_71 : memref<1x80xi32, #tpu.memory_space<vmem>> -> memref<80xi32, #tpu.memory_space<vmem>>
      %dma_start3A_73 = arith.constant 0 : i32
      %dma_start3A_74 = arith.constant 0 : i32
      %dma_start3A_75 = tpu.memref_slice %arg2[%dma_start3A_73, %dma_start3A_74] : memref<10000x80xf32, #tpu.memory_space<hbm>> -> memref<10000x80xf32, #tpu.memory_space<hbm>>
      tpu.enqueue_indirect_dma source(%dma_start3A_75 : memref<10000x80xf32, #tpu.memory_space<hbm>>) target(%arg13 : memref<80x80xf32, #tpu.memory_space<vmem>>) offsets(%dma_start3A_72 : memref<80xi32, #tpu.memory_space<vmem>>) semaphore(%arg19 : memref<!tpu.dma_semaphore, #tpu.memory_space<semaphore_mem>>)
      %add3A_76 = arith.constant 1 : i32
      %add3A_77 = arith.addi %add3A_45, %add3A_76 : i32
      "tpu.region"() ({
        %run_scoped3A_78 = tpu.sem_alloc : memref<!tpu.dma_semaphore, #tpu.memory_space<semaphore_mem>>
        %dma_start3A_79 = arith.constant 0 : i32
        %dma_start3A_80 = tpu.memref_slice %arg12[%add3A_77, %dma_start3A_79] : memref<125x80xi32, #tpu.memory_space<vmem>> -> memref<1x80xi32, #tpu.memory_space<vmem>>
        %dma_start3A_81 = tpu.memref_squeeze %dma_start3A_80 : memref<1x80xi32, #tpu.memory_space<vmem>> -> memref<80xi32, #tpu.memory_space<vmem>>
        %dma_start3A_82 = arith.constant 0 : i32
        %dma_start3A_83 = arith.constant 0 : i32
        %dma_start3A_84 = tpu.memref_slice %arg18[%dma_start3A_82, %dma_start3A_83] : memref<10512x80xf32, #tpu.memory_space<vmem_shared>> -> memref<10512x80xf32, #tpu.memory_space<vmem_shared>>
        tpu.enqueue_indirect_dma source(%arg14 : memref<80x80xf32, #tpu.memory_space<vmem>>) target(%dma_start3A_84 : memref<10512x80xf32, #tpu.memory_space<vmem_shared>>) offsets(%dma_start3A_81 : memref<80xi32, #tpu.memory_space<vmem>>) semaphore(%run_scoped3A_78 : memref<!tpu.dma_semaphore, #tpu.memory_space<semaphore_mem>>) {add = true}
        %dma_wait3A_85 = arith.constant 0 : i32
        %dma_wait3A_86 = tpu.memref_slice %arg12[%add3A_77, %dma_wait3A_85] : memref<125x80xi32, #tpu.memory_space<vmem>> -> memref<1x80xi32, #tpu.memory_space<vmem>>
        %dma_wait3A_87 = tpu.memref_squeeze %dma_wait3A_86 : memref<1x80xi32, #tpu.memory_space<vmem>> -> memref<80xi32, #tpu.memory_space<vmem>>
        %dma_wait3A_88 = arith.constant 0 : i32
        %dma_wait3A_89 = arith.constant 0 : i32
        %dma_wait3A_90 = tpu.memref_slice %arg18[%dma_wait3A_88, %dma_wait3A_89] : memref<10512x80xf32, #tpu.memory_space<vmem_shared>> -> memref<10512x80xf32, #tpu.memory_space<vmem_shared>>
        tpu.wait_indirect_dma semaphore(%run_scoped3A_78 : memref<!tpu.dma_semaphore, #tpu.memory_space<semaphore_mem>>) src(%arg14 : memref<80x80xf32, #tpu.memory_space<vmem>>) dst(%dma_wait3A_90 : memref<10512x80xf32, #tpu.memory_space<vmem_shared>>)
        tpu.yield
      }) : () -> ()
    }
    %scan3A_24 = arith.constant 62 : i32
    %dma_wait3A = arith.constant 124 : i32
    %dma_wait3A_25 = arith.constant 0 : i32
    %dma_wait3A_26 = tpu.memref_slice %arg10[%dma_wait3A, %dma_wait3A_25] : memref<125x80xi32, #tpu.memory_space<vmem>> -> memref<1x80xi32, #tpu.memory_space<vmem>>
    %dma_wait3A_27 = tpu.memref_squeeze %dma_wait3A_26 : memref<1x80xi32, #tpu.memory_space<vmem>> -> memref<80xi32, #tpu.memory_space<vmem>>
    %dma_wait3A_28 = arith.constant 0 : i32
    %dma_wait3A_29 = arith.constant 0 : i32
    %dma_wait3A_30 = tpu.memref_slice %arg2[%dma_wait3A_28, %dma_wait3A_29] : memref<10000x80xf32, #tpu.memory_space<hbm>> -> memref<10000x80xf32, #tpu.memory_space<hbm>>
    tpu.wait_indirect_dma semaphore(%arg19 : memref<!tpu.dma_semaphore, #tpu.memory_space<semaphore_mem>>) src(%dma_wait3A_30 : memref<10000x80xf32, #tpu.memory_space<hbm>>) dst(%arg13 : memref<80x80xf32, #tpu.memory_space<vmem>>)
    %run_scoped3A = arith.constant 124 : i32
    "tpu.region"() ({
      %run_scoped3A_41 = tpu.sem_alloc : memref<!tpu.dma_semaphore, #tpu.memory_space<semaphore_mem>>
      %dma_start3A_42 = arith.constant 0 : i32
      %dma_start3A_43 = tpu.memref_slice %arg12[%run_scoped3A, %dma_start3A_42] : memref<125x80xi32, #tpu.memory_space<vmem>> -> memref<1x80xi32, #tpu.memory_space<vmem>>
      %dma_start3A_44 = tpu.memref_squeeze %dma_start3A_43 : memref<1x80xi32, #tpu.memory_space<vmem>> -> memref<80xi32, #tpu.memory_space<vmem>>
      %dma_start3A_45 = arith.constant 0 : i32
      %dma_start3A_46 = arith.constant 0 : i32
      %dma_start3A_47 = tpu.memref_slice %arg18[%dma_start3A_45, %dma_start3A_46] : memref<10512x80xf32, #tpu.memory_space<vmem_shared>> -> memref<10512x80xf32, #tpu.memory_space<vmem_shared>>
      tpu.enqueue_indirect_dma source(%arg13 : memref<80x80xf32, #tpu.memory_space<vmem>>) target(%dma_start3A_47 : memref<10512x80xf32, #tpu.memory_space<vmem_shared>>) offsets(%dma_start3A_44 : memref<80xi32, #tpu.memory_space<vmem>>) semaphore(%run_scoped3A_41 : memref<!tpu.dma_semaphore, #tpu.memory_space<semaphore_mem>>) {add = true}
      %dma_wait3A_48 = arith.constant 0 : i32
      %dma_wait3A_49 = tpu.memref_slice %arg12[%run_scoped3A, %dma_wait3A_48] : memref<125x80xi32, #tpu.memory_space<vmem>> -> memref<1x80xi32, #tpu.memory_space<vmem>>
      %dma_wait3A_50 = tpu.memref_squeeze %dma_wait3A_49 : memref<1x80xi32, #tpu.memory_space<vmem>> -> memref<80xi32, #tpu.memory_space<vmem>>
      %dma_wait3A_51 = arith.constant 0 : i32
      %dma_wait3A_52 = arith.constant 0 : i32
      %dma_wait3A_53 = tpu.memref_slice %arg18[%dma_wait3A_51, %dma_wait3A_52] : memref<10512x80xf32, #tpu.memory_space<vmem_shared>> -> memref<10512x80xf32, #tpu.memory_space<vmem_shared>>
      tpu.wait_indirect_dma semaphore(%run_scoped3A_41 : memref<!tpu.dma_semaphore, #tpu.memory_space<semaphore_mem>>) src(%arg13 : memref<80x80xf32, #tpu.memory_space<vmem>>) dst(%dma_wait3A_53 : memref<10512x80xf32, #tpu.memory_space<vmem_shared>>)
      tpu.yield
    }) : () -> ()
    %barrier3A_31 = arith.constant 0 : index
    tpu.barrier barrier_id(%barrier3A_31)
    %mul3A_32 = arith.constant 656 : i32
    %mul3A_33 = arith.muli %arg1, %mul3A_32 : i32
    %mul3A_34 = arith.constant 656 : i32
    %mul3A_35 = arith.muli %arg1, %mul3A_34 : i32
    "tpu.region"() ({
      %run_scoped3A_41 = tpu.sem_alloc : memref<!tpu.dma_semaphore, #tpu.memory_space<semaphore_mem>>
      %dma_start3A_42 = arith.constant 0 : i32
      %dma_start3A_43 = arith.constant 0 : i32
      %dma_start3A_44 = tpu.memref_slice %arg9[%arg0, %dma_start3A_42, %dma_start3A_43] : memref<2x10512x80xf32, #tpu.memory_space<hbm>> -> memref<1x10512x80xf32, #tpu.memory_space<hbm>>
      %dma_start3A_45 = tpu.memref_squeeze %dma_start3A_44 : memref<1x10512x80xf32, #tpu.memory_space<hbm>> -> memref<10512x80xf32, #tpu.memory_space<hbm>>
      %dma_start3A_46 = arith.constant 0 : i32
      %dma_start3A_47 = tpu.memref_slice %dma_start3A_45[%mul3A_35, %dma_start3A_46] : memref<10512x80xf32, #tpu.memory_space<hbm>> -> memref<656x80xf32, #tpu.memory_space<hbm>>
      %dma_start3A_48 = arith.constant 0 : i32
      %dma_start3A_49 = tpu.memref_slice %arg18[%mul3A_33, %dma_start3A_48] : memref<10512x80xf32, #tpu.memory_space<vmem_shared>> -> memref<656x80xf32, #tpu.memory_space<vmem_shared>>
      tpu.enqueue_dma source(%dma_start3A_49 : memref<656x80xf32, #tpu.memory_space<vmem_shared>>) target(%dma_start3A_47 : memref<656x80xf32, #tpu.memory_space<hbm>>) target_semaphore(%run_scoped3A_41 : memref<!tpu.dma_semaphore, #tpu.memory_space<semaphore_mem>>)
      %dma_wait3A_50 = arith.constant 0 : i32
      %dma_wait3A_51 = arith.constant 0 : i32
      %dma_wait3A_52 = tpu.memref_slice %arg9[%arg0, %dma_wait3A_50, %dma_wait3A_51] : memref<2x10512x80xf32, #tpu.memory_space<hbm>> -> memref<1x10512x80xf32, #tpu.memory_space<hbm>>
      %dma_wait3A_53 = tpu.memref_squeeze %dma_wait3A_52 : memref<1x10512x80xf32, #tpu.memory_space<hbm>> -> memref<10512x80xf32, #tpu.memory_space<hbm>>
      %dma_wait3A_54 = arith.constant 0 : i32
      %dma_wait3A_55 = tpu.memref_slice %dma_wait3A_53[%mul3A_35, %dma_wait3A_54] : memref<10512x80xf32, #tpu.memory_space<hbm>> -> memref<656x80xf32, #tpu.memory_space<hbm>>
      %dma_wait3A_56 = arith.constant 0 : i32
      %dma_wait3A_57 = tpu.memref_slice %arg18[%mul3A_33, %dma_wait3A_56] : memref<10512x80xf32, #tpu.memory_space<vmem_shared>> -> memref<656x80xf32, #tpu.memory_space<vmem_shared>>
      tpu.wait_dma2 semaphore(%run_scoped3A_41 : memref<!tpu.dma_semaphore, #tpu.memory_space<semaphore_mem>>) src(%dma_wait3A_57 : memref<656x80xf32, #tpu.memory_space<vmem_shared>>) dst(%dma_wait3A_55 : memref<656x80xf32, #tpu.memory_space<hbm>>)
      tpu.yield
    }) : () -> ()
    %eq3A_36 = arith.constant 0 : i32
    %eq3A_37 = arith.cmpi eq, %arg1, %eq3A_36 : i32
    %convert_element_type3A_38 = arith.extui %eq3A_37 : i1 to i32
    %cond3A_39 = arith.constant 0 : i32
    %cond3A_40 = arith.cmpi ne, %convert_element_type3A_38, %cond3A_39 : i32
    scf.if %cond3A_40 {
      "tpu.region"() ({
        %run_scoped3A_41 = tpu.sem_alloc : memref<!tpu.dma_semaphore, #tpu.memory_space<semaphore_mem>>
        %dma_start3A_42 = arith.constant 0 : i32
        %dma_start3A_43 = arith.constant 0 : i32
        %dma_start3A_44 = tpu.memref_slice %arg9[%arg0, %dma_start3A_42, %dma_start3A_43] : memref<2x10512x80xf32, #tpu.memory_space<hbm>> -> memref<1x10512x80xf32, #tpu.memory_space<hbm>>
        %dma_start3A_45 = tpu.memref_squeeze %dma_start3A_44 : memref<1x10512x80xf32, #tpu.memory_space<hbm>> -> memref<10512x80xf32, #tpu.memory_space<hbm>>
        %dma_start3A_46 = arith.constant 10496 : i32
        %dma_start3A_47 = arith.constant 0 : i32
        %dma_start3A_48 = tpu.memref_slice %dma_start3A_45[%dma_start3A_46, %dma_start3A_47] : memref<10512x80xf32, #tpu.memory_space<hbm>> -> memref<16x80xf32, #tpu.memory_space<hbm>>
        %dma_start3A_49 = arith.constant 10496 : i32
        %dma_start3A_50 = arith.constant 0 : i32
        %dma_start3A_51 = tpu.memref_slice %arg18[%dma_start3A_49, %dma_start3A_50] : memref<10512x80xf32, #tpu.memory_space<vmem_shared>> -> memref<16x80xf32, #tpu.memory_space<vmem_shared>>
        tpu.enqueue_dma source(%dma_start3A_51 : memref<16x80xf32, #tpu.memory_space<vmem_shared>>) target(%dma_start3A_48 : memref<16x80xf32, #tpu.memory_space<hbm>>) target_semaphore(%run_scoped3A_41 : memref<!tpu.dma_semaphore, #tpu.memory_space<semaphore_mem>>)
        %dma_wait3A_52 = arith.constant 0 : i32
        %dma_wait3A_53 = arith.constant 0 : i32
        %dma_wait3A_54 = tpu.memref_slice %arg9[%arg0, %dma_wait3A_52, %dma_wait3A_53] : memref<2x10512x80xf32, #tpu.memory_space<hbm>> -> memref<1x10512x80xf32, #tpu.memory_space<hbm>>
        %dma_wait3A_55 = tpu.memref_squeeze %dma_wait3A_54 : memref<1x10512x80xf32, #tpu.memory_space<hbm>> -> memref<10512x80xf32, #tpu.memory_space<hbm>>
        %dma_wait3A_56 = arith.constant 10496 : i32
        %dma_wait3A_57 = arith.constant 0 : i32
        %dma_wait3A_58 = tpu.memref_slice %dma_wait3A_55[%dma_wait3A_56, %dma_wait3A_57] : memref<10512x80xf32, #tpu.memory_space<hbm>> -> memref<16x80xf32, #tpu.memory_space<hbm>>
        %dma_wait3A_59 = arith.constant 10496 : i32
        %dma_wait3A_60 = arith.constant 0 : i32
        %dma_wait3A_61 = tpu.memref_slice %arg18[%dma_wait3A_59, %dma_wait3A_60] : memref<10512x80xf32, #tpu.memory_space<vmem_shared>> -> memref<16x80xf32, #tpu.memory_space<vmem_shared>>
        tpu.wait_dma2 semaphore(%run_scoped3A_41 : memref<!tpu.dma_semaphore, #tpu.memory_space<semaphore_mem>>) src(%dma_wait3A_61 : memref<16x80xf32, #tpu.memory_space<vmem_shared>>) dst(%dma_wait3A_58 : memref<16x80xf32, #tpu.memory_space<hbm>>)
        tpu.yield
      }) : () -> ()
    } else {
    }
    return
  }
}

#map = affine_map<(d0, d1) -> (0, 0)>
#map1 = affine_map<(d0, d1) -> (0)>
#map2 = affine_map<(d0, d1) -> (0, 0, 0)>
module attributes {stable_mosaic.version = 14 : i64} {
  func.func @_edge_kernel_body(%arg0: i32, %arg1: i32, %arg2: memref<10000x80xf32, #tpu.memory_space<hbm>>, %arg3: memref<10000xf32, #tpu.memory_space<hbm>>, %arg4: memref<10000xf32, #tpu.memory_space<hbm>>, %arg5: memref<16xf32, #tpu.memory_space<hbm>>, %arg6: memref<32x125x80xi32, #tpu.memory_space<hbm>>, %arg7: memref<32x125x80xi32, #tpu.memory_space<hbm>>, %arg8: memref<10512x80xf32, #tpu.memory_space<hbm>>, %arg9: memref<2x10512x80xf32, #tpu.memory_space<hbm>>, %arg10: memref<125x80xi32, #tpu.memory_space<vmem>>, %arg11: memref<125x80xi32, #tpu.memory_space<vmem>>, %arg12: memref<125x80xi32, #tpu.memory_space<vmem>>, %arg13: memref<80x80xf32, #tpu.memory_space<vmem>>, %arg14: memref<80x80xf32, #tpu.memory_space<vmem>>, %arg15: memref<10000xf32, #tpu.memory_space<vmem>>, %arg16: memref<10000xf32, #tpu.memory_space<vmem>>, %arg17: memref<16xf32, #tpu.memory_space<vmem>>, %arg18: memref<10512x80xf32, #tpu.memory_space<vmem_shared>>, %arg19: memref<!tpu.dma_semaphore, #tpu.memory_space<semaphore_mem>>, %arg20: memref<!tpu.dma_semaphore, #tpu.memory_space<semaphore_mem>>) attributes {dimension_semantics = [#tpu.dimension_semantics<core_parallel>, #tpu.dimension_semantics<subcore_parallel>], iteration_bounds = array<i64: 2, 16>, scalar_prefetch = 0 : i64, scratch_operands = 11 : i64, tpu.core_type = #tpu.core_type<sc_vector_subcore>, window_params = [{transform_indices = #map}, {transform_indices = #map1}, {transform_indices = #map1}, {transform_indices = #map1}, {transform_indices = #map2}, {transform_indices = #map2}, {transform_indices = #map}, {transform_indices = #map2}]} {
    %mul3A = arith.constant 2 : i32
    %mul3A_0 = arith.muli %arg1, %mul3A : i32
    %add3A = arith.addi %mul3A_0, %arg0 : i32
    "tpu.region"() ({
      %run_scoped3A_41 = tpu.sem_alloc : memref<!tpu.dma_semaphore, #tpu.memory_space<semaphore_mem>>
      %dma_start3A_42 = arith.constant 0 : i32
      %dma_start3A_43 = arith.constant 0 : i32
      %dma_start3A_44 = tpu.memref_slice %arg6[%add3A, %dma_start3A_42, %dma_start3A_43] : memref<32x125x80xi32, #tpu.memory_space<hbm>> -> memref<1x125x80xi32, #tpu.memory_space<hbm>>
      %dma_start3A_45 = tpu.memref_squeeze %dma_start3A_44 : memref<1x125x80xi32, #tpu.memory_space<hbm>> -> memref<125x80xi32, #tpu.memory_space<hbm>>
      %dma_start3A_46 = arith.constant 0 : i32
      %dma_start3A_47 = arith.constant 0 : i32
      %dma_start3A_48 = tpu.memref_slice %arg6[%add3A, %dma_start3A_46, %dma_start3A_47] : memref<32x125x80xi32, #tpu.memory_space<hbm>> -> memref<1x125x80xi32, #tpu.memory_space<hbm>>
      %dma_start3A_49 = tpu.memref_squeeze %dma_start3A_48 : memref<1x125x80xi32, #tpu.memory_space<hbm>> -> memref<125x80xi32, #tpu.memory_space<hbm>>
      tpu.enqueue_dma source(%dma_start3A_49 : memref<125x80xi32, #tpu.memory_space<hbm>>) target(%arg10 : memref<125x80xi32, #tpu.memory_space<vmem>>) target_semaphore(%run_scoped3A_41 : memref<!tpu.dma_semaphore, #tpu.memory_space<semaphore_mem>>)
      %dma_wait3A_50 = arith.constant 0 : i32
      %dma_wait3A_51 = arith.constant 0 : i32
      %dma_wait3A_52 = tpu.memref_slice %arg6[%add3A, %dma_wait3A_50, %dma_wait3A_51] : memref<32x125x80xi32, #tpu.memory_space<hbm>> -> memref<1x125x80xi32, #tpu.memory_space<hbm>>
      %dma_wait3A_53 = tpu.memref_squeeze %dma_wait3A_52 : memref<1x125x80xi32, #tpu.memory_space<hbm>> -> memref<125x80xi32, #tpu.memory_space<hbm>>
      %dma_wait3A_54 = arith.constant 0 : i32
      %dma_wait3A_55 = arith.constant 0 : i32
      %dma_wait3A_56 = tpu.memref_slice %arg6[%add3A, %dma_wait3A_54, %dma_wait3A_55] : memref<32x125x80xi32, #tpu.memory_space<hbm>> -> memref<1x125x80xi32, #tpu.memory_space<hbm>>
      %dma_wait3A_57 = tpu.memref_squeeze %dma_wait3A_56 : memref<1x125x80xi32, #tpu.memory_space<hbm>> -> memref<125x80xi32, #tpu.memory_space<hbm>>
      tpu.wait_dma2 semaphore(%run_scoped3A_41 : memref<!tpu.dma_semaphore, #tpu.memory_space<semaphore_mem>>) src(%dma_wait3A_57 : memref<125x80xi32, #tpu.memory_space<hbm>>) dst(%arg10 : memref<125x80xi32, #tpu.memory_space<vmem>>)
      tpu.yield
    }) : () -> ()
    "tpu.region"() ({
      %run_scoped3A_41 = tpu.sem_alloc : memref<!tpu.dma_semaphore, #tpu.memory_space<semaphore_mem>>
      %dma_start3A_42 = arith.constant 0 : i32
      %dma_start3A_43 = arith.constant 0 : i32
      %dma_start3A_44 = tpu.memref_slice %arg7[%add3A, %dma_start3A_42, %dma_start3A_43] : memref<32x125x80xi32, #tpu.memory_space<hbm>> -> memref<1x125x80xi32, #tpu.memory_space<hbm>>
      %dma_start3A_45 = tpu.memref_squeeze %dma_start3A_44 : memref<1x125x80xi32, #tpu.memory_space<hbm>> -> memref<125x80xi32, #tpu.memory_space<hbm>>
      %dma_start3A_46 = arith.constant 0 : i32
      %dma_start3A_47 = arith.constant 0 : i32
      %dma_start3A_48 = tpu.memref_slice %arg7[%add3A, %dma_start3A_46, %dma_start3A_47] : memref<32x125x80xi32, #tpu.memory_space<hbm>> -> memref<1x125x80xi32, #tpu.memory_space<hbm>>
      %dma_start3A_49 = tpu.memref_squeeze %dma_start3A_48 : memref<1x125x80xi32, #tpu.memory_space<hbm>> -> memref<125x80xi32, #tpu.memory_space<hbm>>
      tpu.enqueue_dma source(%dma_start3A_49 : memref<125x80xi32, #tpu.memory_space<hbm>>) target(%arg11 : memref<125x80xi32, #tpu.memory_space<vmem>>) target_semaphore(%run_scoped3A_41 : memref<!tpu.dma_semaphore, #tpu.memory_space<semaphore_mem>>)
      %dma_wait3A_50 = arith.constant 0 : i32
      %dma_wait3A_51 = arith.constant 0 : i32
      %dma_wait3A_52 = tpu.memref_slice %arg7[%add3A, %dma_wait3A_50, %dma_wait3A_51] : memref<32x125x80xi32, #tpu.memory_space<hbm>> -> memref<1x125x80xi32, #tpu.memory_space<hbm>>
      %dma_wait3A_53 = tpu.memref_squeeze %dma_wait3A_52 : memref<1x125x80xi32, #tpu.memory_space<hbm>> -> memref<125x80xi32, #tpu.memory_space<hbm>>
      %dma_wait3A_54 = arith.constant 0 : i32
      %dma_wait3A_55 = arith.constant 0 : i32
      %dma_wait3A_56 = tpu.memref_slice %arg7[%add3A, %dma_wait3A_54, %dma_wait3A_55] : memref<32x125x80xi32, #tpu.memory_space<hbm>> -> memref<1x125x80xi32, #tpu.memory_space<hbm>>
      %dma_wait3A_57 = tpu.memref_squeeze %dma_wait3A_56 : memref<1x125x80xi32, #tpu.memory_space<hbm>> -> memref<125x80xi32, #tpu.memory_space<hbm>>
      tpu.wait_dma2 semaphore(%run_scoped3A_41 : memref<!tpu.dma_semaphore, #tpu.memory_space<semaphore_mem>>) src(%dma_wait3A_57 : memref<125x80xi32, #tpu.memory_space<hbm>>) dst(%arg11 : memref<125x80xi32, #tpu.memory_space<vmem>>)
      tpu.yield
    }) : () -> ()
    "tpu.region"() ({
      %run_scoped3A_41 = tpu.sem_alloc : memref<!tpu.dma_semaphore, #tpu.memory_space<semaphore_mem>>
      tpu.enqueue_dma source(%arg3 : memref<10000xf32, #tpu.memory_space<hbm>>) target(%arg15 : memref<10000xf32, #tpu.memory_space<vmem>>) target_semaphore(%run_scoped3A_41 : memref<!tpu.dma_semaphore, #tpu.memory_space<semaphore_mem>>)
      tpu.wait_dma2 semaphore(%run_scoped3A_41 : memref<!tpu.dma_semaphore, #tpu.memory_space<semaphore_mem>>) src(%arg3 : memref<10000xf32, #tpu.memory_space<hbm>>) dst(%arg15 : memref<10000xf32, #tpu.memory_space<vmem>>)
      tpu.yield
    }) : () -> ()
    "tpu.region"() ({
      %run_scoped3A_41 = tpu.sem_alloc : memref<!tpu.dma_semaphore, #tpu.memory_space<semaphore_mem>>
      tpu.enqueue_dma source(%arg4 : memref<10000xf32, #tpu.memory_space<hbm>>) target(%arg16 : memref<10000xf32, #tpu.memory_space<vmem>>) target_semaphore(%run_scoped3A_41 : memref<!tpu.dma_semaphore, #tpu.memory_space<semaphore_mem>>)
      tpu.wait_dma2 semaphore(%run_scoped3A_41 : memref<!tpu.dma_semaphore, #tpu.memory_space<semaphore_mem>>) src(%arg4 : memref<10000xf32, #tpu.memory_space<hbm>>) dst(%arg16 : memref<10000xf32, #tpu.memory_space<vmem>>)
      tpu.yield
    }) : () -> ()
    "tpu.region"() ({
      %run_scoped3A_41 = tpu.sem_alloc : memref<!tpu.dma_semaphore, #tpu.memory_space<semaphore_mem>>
      tpu.enqueue_dma source(%arg5 : memref<16xf32, #tpu.memory_space<hbm>>) target(%arg17 : memref<16xf32, #tpu.memory_space<vmem>>) target_semaphore(%run_scoped3A_41 : memref<!tpu.dma_semaphore, #tpu.memory_space<semaphore_mem>>)
      tpu.wait_dma2 semaphore(%run_scoped3A_41 : memref<!tpu.dma_semaphore, #tpu.memory_space<semaphore_mem>>) src(%arg5 : memref<16xf32, #tpu.memory_space<hbm>>) dst(%arg17 : memref<16xf32, #tpu.memory_space<vmem>>)
      tpu.yield
    }) : () -> ()
    %mul3A_1 = arith.constant 656 : i32
    %mul3A_2 = arith.muli %arg1, %mul3A_1 : i32
    %mul3A_3 = arith.constant 656 : i32
    %mul3A_4 = arith.muli %arg1, %mul3A_3 : i32
    "tpu.region"() ({
      %run_scoped3A_41 = tpu.sem_alloc : memref<!tpu.dma_semaphore, #tpu.memory_space<semaphore_mem>>
      %dma_start3A_42 = arith.constant 0 : i32
      %dma_start3A_43 = tpu.memref_slice %arg18[%mul3A_4, %dma_start3A_42] : memref<10512x80xf32, #tpu.memory_space<vmem_shared>> -> memref<656x80xf32, #tpu.memory_space<vmem_shared>>
      %dma_start3A_44 = arith.constant 0 : i32
      %dma_start3A_45 = tpu.memref_slice %arg8[%mul3A_2, %dma_start3A_44] : memref<10512x80xf32, #tpu.memory_space<hbm>> -> memref<656x80xf32, #tpu.memory_space<hbm>>
      tpu.enqueue_dma source(%dma_start3A_45 : memref<656x80xf32, #tpu.memory_space<hbm>>) target(%dma_start3A_43 : memref<656x80xf32, #tpu.memory_space<vmem_shared>>) target_semaphore(%run_scoped3A_41 : memref<!tpu.dma_semaphore, #tpu.memory_space<semaphore_mem>>)
      %dma_wait3A_46 = arith.constant 0 : i32
      %dma_wait3A_47 = tpu.memref_slice %arg18[%mul3A_4, %dma_wait3A_46] : memref<10512x80xf32, #tpu.memory_space<vmem_shared>> -> memref<656x80xf32, #tpu.memory_space<vmem_shared>>
      %dma_wait3A_48 = arith.constant 0 : i32
      %dma_wait3A_49 = tpu.memref_slice %arg8[%mul3A_2, %dma_wait3A_48] : memref<10512x80xf32, #tpu.memory_space<hbm>> -> memref<656x80xf32, #tpu.memory_space<hbm>>
      tpu.wait_dma2 semaphore(%run_scoped3A_41 : memref<!tpu.dma_semaphore, #tpu.memory_space<semaphore_mem>>) src(%dma_wait3A_49 : memref<656x80xf32, #tpu.memory_space<hbm>>) dst(%dma_wait3A_47 : memref<656x80xf32, #tpu.memory_space<vmem_shared>>)
      tpu.yield
    }) : () -> ()
    %eq3A = arith.constant 0 : i32
    %eq3A_5 = arith.cmpi eq, %arg1, %eq3A : i32
    %convert_element_type3A = arith.extui %eq3A_5 : i1 to i32
    %cond3A = arith.constant 0 : i32
    %cond3A_6 = arith.cmpi ne, %convert_element_type3A, %cond3A : i32
    scf.if %cond3A_6 {
      "tpu.region"() ({
        %run_scoped3A_41 = tpu.sem_alloc : memref<!tpu.dma_semaphore, #tpu.memory_space<semaphore_mem>>
        %dma_start3A_42 = arith.constant 10496 : i32
        %dma_start3A_43 = arith.constant 0 : i32
        %dma_start3A_44 = tpu.memref_slice %arg18[%dma_start3A_42, %dma_start3A_43] : memref<10512x80xf32, #tpu.memory_space<vmem_shared>> -> memref<16x80xf32, #tpu.memory_space<vmem_shared>>
        %dma_start3A_45 = arith.constant 10496 : i32
        %dma_start3A_46 = arith.constant 0 : i32
        %dma_start3A_47 = tpu.memref_slice %arg8[%dma_start3A_45, %dma_start3A_46] : memref<10512x80xf32, #tpu.memory_space<hbm>> -> memref<16x80xf32, #tpu.memory_space<hbm>>
        tpu.enqueue_dma source(%dma_start3A_47 : memref<16x80xf32, #tpu.memory_space<hbm>>) target(%dma_start3A_44 : memref<16x80xf32, #tpu.memory_space<vmem_shared>>) target_semaphore(%run_scoped3A_41 : memref<!tpu.dma_semaphore, #tpu.memory_space<semaphore_mem>>)
        %dma_wait3A_48 = arith.constant 10496 : i32
        %dma_wait3A_49 = arith.constant 0 : i32
        %dma_wait3A_50 = tpu.memref_slice %arg18[%dma_wait3A_48, %dma_wait3A_49] : memref<10512x80xf32, #tpu.memory_space<vmem_shared>> -> memref<16x80xf32, #tpu.memory_space<vmem_shared>>
        %dma_wait3A_51 = arith.constant 10496 : i32
        %dma_wait3A_52 = arith.constant 0 : i32
        %dma_wait3A_53 = tpu.memref_slice %arg8[%dma_wait3A_51, %dma_wait3A_52] : memref<10512x80xf32, #tpu.memory_space<hbm>> -> memref<16x80xf32, #tpu.memory_space<hbm>>
        tpu.wait_dma2 semaphore(%run_scoped3A_41 : memref<!tpu.dma_semaphore, #tpu.memory_space<semaphore_mem>>) src(%dma_wait3A_53 : memref<16x80xf32, #tpu.memory_space<hbm>>) dst(%dma_wait3A_50 : memref<16x80xf32, #tpu.memory_space<vmem_shared>>)
        tpu.yield
      }) : () -> ()
    } else {
    }
    %get3A = arith.constant 0 : index
    %get3A_7 = tpu.vector_load %arg17[%get3A] {strides = array<i32>} : memref<16xf32, #tpu.memory_space<vmem>>, vector<16xf32>,
    %gt3A = arith.constant 5.000000e-01 : f32
    %gt3A_8 = vector.broadcast %gt3A : f32 to vector<16xf32>
    %gt3A_9 = arith.cmpf ogt, %get3A_7, %gt3A_8 : vector<16xf32>
    %iota3A = tpu.iota {dimensions = array<i32: 0>} : vector<16xi32>
    %scan3A = arith.constant 0 : i32
    %scan3A_10 = arith.constant 125 : i32
    %scan3A_11 = arith.addi %scan3A, %scan3A_10 : i32
    %scan3A_12 = arith.constant 1 : i32
    scf.for %scan3A_41 = %scan3A to %scan3A_11 step %scan3A_12  : i32 {
      %mul3A_42 = arith.constant 1 : i32
      %mul3A_43 = arith.muli %scan3A_41, %mul3A_42 : i32
      %add3A_44 = arith.constant 0 : i32
      %add3A_45 = arith.addi %add3A_44, %mul3A_43 : i32
      %get3A_46 = arith.index_cast %add3A_45 : i32 to index
      %get3A_47 = arith.constant 0 : index
      %get3A_48 = tpu.vector_load %arg10[%get3A_46, %get3A_47] {strides = array<i32>} : memref<125x80xi32, #tpu.memory_space<vmem>>, vector<16xi32>,
      %get3A_49 = arith.index_cast %add3A_45 : i32 to index
      %get3A_50 = arith.constant 0 : index
      %get3A_51 = tpu.vector_load %arg11[%get3A_49, %get3A_50] {strides = array<i32>} : memref<125x80xi32, #tpu.memory_space<vmem>>, vector<16xi32>,
      %gather3A = tpu.vector_load_idx %arg15[%get3A_48] : memref<10000xf32, #tpu.memory_space<vmem>>[vector<16xi32>], vector<16xf32>,
      %gather3A_52 = tpu.vector_load_idx %arg16[%get3A_51] : memref<10000xf32, #tpu.memory_space<vmem>>[vector<16xi32>], vector<16xf32>,
      %add3A_53 = arith.addf %gather3A, %gather3A_52 : vector<16xf32>
      %gt3A_54 = arith.constant 0.000000e+00 : f32
      %gt3A_55 = vector.broadcast %gt3A_54 : f32 to vector<16xf32>
      %gt3A_56 = arith.cmpf ogt, %add3A_53, %gt3A_55 : vector<16xf32>
      %xor3A = arith.xori %gt3A_56, %gt3A_9 : vector<16xi1>
      %mul3A_57 = arith.constant 5 : i32
      %mul3A_58 = arith.muli %add3A_45, %mul3A_57 : i32
      %add3A_59 = arith.constant 0 : i32
      %add3A_60 = arith.addi %mul3A_58, %add3A_59 : i32
      %jit3A = arith.constant 32 : i32
      %eq3A_61 = arith.constant 0 : i32
      %eq3A_62 = arith.cmpi eq, %jit3A, %eq3A_61 : i32
      %jit3A_63 = arith.constant 1 : i32
      %select_n3A = arith.select %eq3A_62, %jit3A_63, %jit3A : i32
      %rem3A = arith.remsi %add3A_60, %select_n3A : i32
      %ne3A = arith.constant 0 : i32
      %ne3A_64 = arith.cmpi ne, %rem3A, %ne3A : i32
      %lt3A = arith.constant 0 : i32
      %lt3A_65 = arith.cmpi slt, %rem3A, %lt3A : i32
      %lt3A_66 = arith.constant 0 : i32
      %lt3A_67 = arith.cmpi slt, %select_n3A, %lt3A_66 : i32
      %ne3A_68 = arith.xori %lt3A_65, %lt3A_67 : i1
      %and3A = arith.andi %ne3A_68, %ne3A_64 : i1
      %add3A_69 = arith.addi %rem3A, %select_n3A : i32
      %select_n3A_70 = arith.select %and3A, %add3A_69, %rem3A : i32
      %mul3A_71 = arith.constant 16 : i32
      %mul3A_72 = arith.muli %select_n3A_70, %mul3A_71 : i32
      %add3A_73 = arith.constant 10000 : i32
      %add3A_74 = arith.addi %add3A_73, %mul3A_72 : i32
      %add3A_75 = vector.broadcast %add3A_74 : i32 to vector<16xi32>
      %add3A_76 = arith.addi %add3A_75, %iota3A : vector<16xi32>
      %select_n3A_77 = arith.select %xor3A, %get3A_51, %add3A_76 : vector<16xi1>, vector<16xi32>
      %swap3A = arith.index_cast %add3A_45 : i32 to index
      %swap3A_78 = arith.constant 0 : index
      %swap3A_79 = tpu.vector_load %arg12[%swap3A, %swap3A_78] {strides = array<i32>} : memref<125x80xi32, #tpu.memory_space<vmem>>, vector<16xi32>,
      tpu.vector_store %arg12[%swap3A, %swap3A_78], %select_n3A_77 {strides = array<i32>} : memref<125x80xi32, #tpu.memory_space<vmem>>, vector<16xi32>,
      %get3A_80 = arith.index_cast %add3A_45 : i32 to index
      %get3A_81 = arith.constant 16 : index
      %get3A_82 = tpu.vector_load %arg10[%get3A_80, %get3A_81] {strides = array<i32>} : memref<125x80xi32, #tpu.memory_space<vmem>>, vector<16xi32>,
      %get3A_83 = arith.index_cast %add3A_45 : i32 to index
      %get3A_84 = arith.constant 16 : index
      %get3A_85 = tpu.vector_load %arg11[%get3A_83, %get3A_84] {strides = array<i32>} : memref<125x80xi32, #tpu.memory_space<vmem>>, vector<16xi32>,
      %gather3A_86 = tpu.vector_load_idx %arg15[%get3A_82] : memref<10000xf32, #tpu.memory_space<vmem>>[vector<16xi32>], vector<16xf32>,
      %gather3A_87 = tpu.vector_load_idx %arg16[%get3A_85] : memref<10000xf32, #tpu.memory_space<vmem>>[vector<16xi32>], vector<16xf32>,
      %add3A_88 = arith.addf %gather3A_86, %gather3A_87 : vector<16xf32>
      %gt3A_89 = arith.constant 0.000000e+00 : f32
      %gt3A_90 = vector.broadcast %gt3A_89 : f32 to vector<16xf32>
      %gt3A_91 = arith.cmpf ogt, %add3A_88, %gt3A_90 : vector<16xf32>
      %xor3A_92 = arith.xori %gt3A_91, %gt3A_9 : vector<16xi1>
      %mul3A_93 = arith.constant 5 : i32
      %mul3A_94 = arith.muli %add3A_45, %mul3A_93 : i32
      %add3A_95 = arith.constant 1 : i32
      %add3A_96 = arith.addi %mul3A_94, %add3A_95 : i32
      %jit3A_97 = arith.constant 32 : i32
      %eq3A_98 = arith.constant 0 : i32
      %eq3A_99 = arith.cmpi eq, %jit3A_97, %eq3A_98 : i32
      %jit3A_100 = arith.constant 1 : i32
      %select_n3A_101 = arith.select %eq3A_99, %jit3A_100, %jit3A_97 : i32
      %rem3A_102 = arith.remsi %add3A_96, %select_n3A_101 : i32
      %ne3A_103 = arith.constant 0 : i32
      %ne3A_104 = arith.cmpi ne, %rem3A_102, %ne3A_103 : i32
      %lt3A_105 = arith.constant 0 : i32
      %lt3A_106 = arith.cmpi slt, %rem3A_102, %lt3A_105 : i32
      %lt3A_107 = arith.constant 0 : i32
      %lt3A_108 = arith.cmpi slt, %select_n3A_101, %lt3A_107 : i32
      %ne3A_109 = arith.xori %lt3A_106, %lt3A_108 : i1
      %and3A_110 = arith.andi %ne3A_109, %ne3A_104 : i1
      %add3A_111 = arith.addi %rem3A_102, %select_n3A_101 : i32
      %select_n3A_112 = arith.select %and3A_110, %add3A_111, %rem3A_102 : i32
      %mul3A_113 = arith.constant 16 : i32
      %mul3A_114 = arith.muli %select_n3A_112, %mul3A_113 : i32
      %add3A_115 = arith.constant 10000 : i32
      %add3A_116 = arith.addi %add3A_115, %mul3A_114 : i32
      %add3A_117 = vector.broadcast %add3A_116 : i32 to vector<16xi32>
      %add3A_118 = arith.addi %add3A_117, %iota3A : vector<16xi32>
      %select_n3A_119 = arith.select %xor3A_92, %get3A_85, %add3A_118 : vector<16xi1>, vector<16xi32>
      %swap3A_120 = arith.index_cast %add3A_45 : i32 to index
      %swap3A_121 = arith.constant 16 : index
      %swap3A_122 = tpu.vector_load %arg12[%swap3A_120, %swap3A_121] {strides = array<i32>} : memref<125x80xi32, #tpu.memory_space<vmem>>, vector<16xi32>,
      tpu.vector_store %arg12[%swap3A_120, %swap3A_121], %select_n3A_119 {strides = array<i32>} : memref<125x80xi32, #tpu.memory_space<vmem>>, vector<16xi32>,
      %get3A_123 = arith.index_cast %add3A_45 : i32 to index
      %get3A_124 = arith.constant 32 : index
      %get3A_125 = tpu.vector_load %arg10[%get3A_123, %get3A_124] {strides = array<i32>} : memref<125x80xi32, #tpu.memory_space<vmem>>, vector<16xi32>,
      %get3A_126 = arith.index_cast %add3A_45 : i32 to index
      %get3A_127 = arith.constant 32 : index
      %get3A_128 = tpu.vector_load %arg11[%get3A_126, %get3A_127] {strides = array<i32>} : memref<125x80xi32, #tpu.memory_space<vmem>>, vector<16xi32>,
      %gather3A_129 = tpu.vector_load_idx %arg15[%get3A_125] : memref<10000xf32, #tpu.memory_space<vmem>>[vector<16xi32>], vector<16xf32>,
      %gather3A_130 = tpu.vector_load_idx %arg16[%get3A_128] : memref<10000xf32, #tpu.memory_space<vmem>>[vector<16xi32>], vector<16xf32>,
      %add3A_131 = arith.addf %gather3A_129, %gather3A_130 : vector<16xf32>
      %gt3A_132 = arith.constant 0.000000e+00 : f32
      %gt3A_133 = vector.broadcast %gt3A_132 : f32 to vector<16xf32>
      %gt3A_134 = arith.cmpf ogt, %add3A_131, %gt3A_133 : vector<16xf32>
      %xor3A_135 = arith.xori %gt3A_134, %gt3A_9 : vector<16xi1>
      %mul3A_136 = arith.constant 5 : i32
      %mul3A_137 = arith.muli %add3A_45, %mul3A_136 : i32
      %add3A_138 = arith.constant 2 : i32
      %add3A_139 = arith.addi %mul3A_137, %add3A_138 : i32
      %jit3A_140 = arith.constant 32 : i32
      %eq3A_141 = arith.constant 0 : i32
      %eq3A_142 = arith.cmpi eq, %jit3A_140, %eq3A_141 : i32
      %jit3A_143 = arith.constant 1 : i32
      %select_n3A_144 = arith.select %eq3A_142, %jit3A_143, %jit3A_140 : i32
      %rem3A_145 = arith.remsi %add3A_139, %select_n3A_144 : i32
      %ne3A_146 = arith.constant 0 : i32
      %ne3A_147 = arith.cmpi ne, %rem3A_145, %ne3A_146 : i32
      %lt3A_148 = arith.constant 0 : i32
      %lt3A_149 = arith.cmpi slt, %rem3A_145, %lt3A_148 : i32
      %lt3A_150 = arith.constant 0 : i32
      %lt3A_151 = arith.cmpi slt, %select_n3A_144, %lt3A_150 : i32
      %ne3A_152 = arith.xori %lt3A_149, %lt3A_151 : i1
      %and3A_153 = arith.andi %ne3A_152, %ne3A_147 : i1
      %add3A_154 = arith.addi %rem3A_145, %select_n3A_144 : i32
      %select_n3A_155 = arith.select %and3A_153, %add3A_154, %rem3A_145 : i32
      %mul3A_156 = arith.constant 16 : i32
      %mul3A_157 = arith.muli %select_n3A_155, %mul3A_156 : i32
      %add3A_158 = arith.constant 10000 : i32
      %add3A_159 = arith.addi %add3A_158, %mul3A_157 : i32
      %add3A_160 = vector.broadcast %add3A_159 : i32 to vector<16xi32>
      %add3A_161 = arith.addi %add3A_160, %iota3A : vector<16xi32>
      %select_n3A_162 = arith.select %xor3A_135, %get3A_128, %add3A_161 : vector<16xi1>, vector<16xi32>
      %swap3A_163 = arith.index_cast %add3A_45 : i32 to index
      %swap3A_164 = arith.constant 32 : index
      %swap3A_165 = tpu.vector_load %arg12[%swap3A_163, %swap3A_164] {strides = array<i32>} : memref<125x80xi32, #tpu.memory_space<vmem>>, vector<16xi32>,
      tpu.vector_store %arg12[%swap3A_163, %swap3A_164], %select_n3A_162 {strides = array<i32>} : memref<125x80xi32, #tpu.memory_space<vmem>>, vector<16xi32>,
      %get3A_166 = arith.index_cast %add3A_45 : i32 to index
      %get3A_167 = arith.constant 48 : index
      %get3A_168 = tpu.vector_load %arg10[%get3A_166, %get3A_167] {strides = array<i32>} : memref<125x80xi32, #tpu.memory_space<vmem>>, vector<16xi32>,
      %get3A_169 = arith.index_cast %add3A_45 : i32 to index
      %get3A_170 = arith.constant 48 : index
      %get3A_171 = tpu.vector_load %arg11[%get3A_169, %get3A_170] {strides = array<i32>} : memref<125x80xi32, #tpu.memory_space<vmem>>, vector<16xi32>,
      %gather3A_172 = tpu.vector_load_idx %arg15[%get3A_168] : memref<10000xf32, #tpu.memory_space<vmem>>[vector<16xi32>], vector<16xf32>,
      %gather3A_173 = tpu.vector_load_idx %arg16[%get3A_171] : memref<10000xf32, #tpu.memory_space<vmem>>[vector<16xi32>], vector<16xf32>,
      %add3A_174 = arith.addf %gather3A_172, %gather3A_173 : vector<16xf32>
      %gt3A_175 = arith.constant 0.000000e+00 : f32
      %gt3A_176 = vector.broadcast %gt3A_175 : f32 to vector<16xf32>
      %gt3A_177 = arith.cmpf ogt, %add3A_174, %gt3A_176 : vector<16xf32>
      %xor3A_178 = arith.xori %gt3A_177, %gt3A_9 : vector<16xi1>
      %mul3A_179 = arith.constant 5 : i32
      %mul3A_180 = arith.muli %add3A_45, %mul3A_179 : i32
      %add3A_181 = arith.constant 3 : i32
      %add3A_182 = arith.addi %mul3A_180, %add3A_181 : i32
      %jit3A_183 = arith.constant 32 : i32
      %eq3A_184 = arith.constant 0 : i32
      %eq3A_185 = arith.cmpi eq, %jit3A_183, %eq3A_184 : i32
      %jit3A_186 = arith.constant 1 : i32
      %select_n3A_187 = arith.select %eq3A_185, %jit3A_186, %jit3A_183 : i32
      %rem3A_188 = arith.remsi %add3A_182, %select_n3A_187 : i32
      %ne3A_189 = arith.constant 0 : i32
      %ne3A_190 = arith.cmpi ne, %rem3A_188, %ne3A_189 : i32
      %lt3A_191 = arith.constant 0 : i32
      %lt3A_192 = arith.cmpi slt, %rem3A_188, %lt3A_191 : i32
      %lt3A_193 = arith.constant 0 : i32
      %lt3A_194 = arith.cmpi slt, %select_n3A_187, %lt3A_193 : i32
      %ne3A_195 = arith.xori %lt3A_192, %lt3A_194 : i1
      %and3A_196 = arith.andi %ne3A_195, %ne3A_190 : i1
      %add3A_197 = arith.addi %rem3A_188, %select_n3A_187 : i32
      %select_n3A_198 = arith.select %and3A_196, %add3A_197, %rem3A_188 : i32
      %mul3A_199 = arith.constant 16 : i32
      %mul3A_200 = arith.muli %select_n3A_198, %mul3A_199 : i32
      %add3A_201 = arith.constant 10000 : i32
      %add3A_202 = arith.addi %add3A_201, %mul3A_200 : i32
      %add3A_203 = vector.broadcast %add3A_202 : i32 to vector<16xi32>
      %add3A_204 = arith.addi %add3A_203, %iota3A : vector<16xi32>
      %select_n3A_205 = arith.select %xor3A_178, %get3A_171, %add3A_204 : vector<16xi1>, vector<16xi32>
      %swap3A_206 = arith.index_cast %add3A_45 : i32 to index
      %swap3A_207 = arith.constant 48 : index
      %swap3A_208 = tpu.vector_load %arg12[%swap3A_206, %swap3A_207] {strides = array<i32>} : memref<125x80xi32, #tpu.memory_space<vmem>>, vector<16xi32>,
      tpu.vector_store %arg12[%swap3A_206, %swap3A_207], %select_n3A_205 {strides = array<i32>} : memref<125x80xi32, #tpu.memory_space<vmem>>, vector<16xi32>,
      %get3A_209 = arith.index_cast %add3A_45 : i32 to index
      %get3A_210 = arith.constant 64 : index
      %get3A_211 = tpu.vector_load %arg10[%get3A_209, %get3A_210] {strides = array<i32>} : memref<125x80xi32, #tpu.memory_space<vmem>>, vector<16xi32>,
      %get3A_212 = arith.index_cast %add3A_45 : i32 to index
      %get3A_213 = arith.constant 64 : index
      %get3A_214 = tpu.vector_load %arg11[%get3A_212, %get3A_213] {strides = array<i32>} : memref<125x80xi32, #tpu.memory_space<vmem>>, vector<16xi32>,
      %gather3A_215 = tpu.vector_load_idx %arg15[%get3A_211] : memref<10000xf32, #tpu.memory_space<vmem>>[vector<16xi32>], vector<16xf32>,
      %gather3A_216 = tpu.vector_load_idx %arg16[%get3A_214] : memref<10000xf32, #tpu.memory_space<vmem>>[vector<16xi32>], vector<16xf32>,
      %add3A_217 = arith.addf %gather3A_215, %gather3A_216 : vector<16xf32>
      %gt3A_218 = arith.constant 0.000000e+00 : f32
      %gt3A_219 = vector.broadcast %gt3A_218 : f32 to vector<16xf32>
      %gt3A_220 = arith.cmpf ogt, %add3A_217, %gt3A_219 : vector<16xf32>
      %xor3A_221 = arith.xori %gt3A_220, %gt3A_9 : vector<16xi1>
      %mul3A_222 = arith.constant 5 : i32
      %mul3A_223 = arith.muli %add3A_45, %mul3A_222 : i32
      %add3A_224 = arith.constant 4 : i32
      %add3A_225 = arith.addi %mul3A_223, %add3A_224 : i32
      %jit3A_226 = arith.constant 32 : i32
      %eq3A_227 = arith.constant 0 : i32
      %eq3A_228 = arith.cmpi eq, %jit3A_226, %eq3A_227 : i32
      %jit3A_229 = arith.constant 1 : i32
      %select_n3A_230 = arith.select %eq3A_228, %jit3A_229, %jit3A_226 : i32
      %rem3A_231 = arith.remsi %add3A_225, %select_n3A_230 : i32
      %ne3A_232 = arith.constant 0 : i32
      %ne3A_233 = arith.cmpi ne, %rem3A_231, %ne3A_232 : i32
      %lt3A_234 = arith.constant 0 : i32
      %lt3A_235 = arith.cmpi slt, %rem3A_231, %lt3A_234 : i32
      %lt3A_236 = arith.constant 0 : i32
      %lt3A_237 = arith.cmpi slt, %select_n3A_230, %lt3A_236 : i32
      %ne3A_238 = arith.xori %lt3A_235, %lt3A_237 : i1
      %and3A_239 = arith.andi %ne3A_238, %ne3A_233 : i1
      %add3A_240 = arith.addi %rem3A_231, %select_n3A_230 : i32
      %select_n3A_241 = arith.select %and3A_239, %add3A_240, %rem3A_231 : i32
      %mul3A_242 = arith.constant 16 : i32
      %mul3A_243 = arith.muli %select_n3A_241, %mul3A_242 : i32
      %add3A_244 = arith.constant 10000 : i32
      %add3A_245 = arith.addi %add3A_244, %mul3A_243 : i32
      %add3A_246 = vector.broadcast %add3A_245 : i32 to vector<16xi32>
      %add3A_247 = arith.addi %add3A_246, %iota3A : vector<16xi32>
      %select_n3A_248 = arith.select %xor3A_221, %get3A_214, %add3A_247 : vector<16xi1>, vector<16xi32>
      %swap3A_249 = arith.index_cast %add3A_45 : i32 to index
      %swap3A_250 = arith.constant 64 : index
      %swap3A_251 = tpu.vector_load %arg12[%swap3A_249, %swap3A_250] {strides = array<i32>} : memref<125x80xi32, #tpu.memory_space<vmem>>, vector<16xi32>,
      tpu.vector_store %arg12[%swap3A_249, %swap3A_250], %select_n3A_248 {strides = array<i32>} : memref<125x80xi32, #tpu.memory_space<vmem>>, vector<16xi32>,
    }
    %scan3A_13 = arith.constant 125 : i32
    %barrier3A = arith.constant 0 : index
    tpu.barrier barrier_id(%barrier3A)
    %dma_start3A = arith.constant 0 : i32
    %dma_start3A_14 = arith.constant 0 : i32
    %dma_start3A_15 = tpu.memref_slice %arg10[%dma_start3A, %dma_start3A_14] : memref<125x80xi32, #tpu.memory_space<vmem>> -> memref<1x80xi32, #tpu.memory_space<vmem>>
    %dma_start3A_16 = tpu.memref_squeeze %dma_start3A_15 : memref<1x80xi32, #tpu.memory_space<vmem>> -> memref<80xi32, #tpu.memory_space<vmem>>
    %dma_start3A_17 = arith.constant 0 : i32
    %dma_start3A_18 = arith.constant 0 : i32
    %dma_start3A_19 = tpu.memref_slice %arg2[%dma_start3A_17, %dma_start3A_18] : memref<10000x80xf32, #tpu.memory_space<hbm>> -> memref<10000x80xf32, #tpu.memory_space<hbm>>
    tpu.enqueue_indirect_dma source(%dma_start3A_19 : memref<10000x80xf32, #tpu.memory_space<hbm>>) target(%arg13 : memref<80x80xf32, #tpu.memory_space<vmem>>) offsets(%dma_start3A_16 : memref<80xi32, #tpu.memory_space<vmem>>) semaphore(%arg19 : memref<!tpu.dma_semaphore, #tpu.memory_space<semaphore_mem>>)
    %scan3A_20 = arith.constant 0 : i32
    %scan3A_21 = arith.constant 62 : i32
    %scan3A_22 = arith.addi %scan3A_20, %scan3A_21 : i32
    %scan3A_23 = arith.constant 1 : i32
    scf.for %scan3A_41 = %scan3A_20 to %scan3A_22 step %scan3A_23  : i32 {
      %mul3A_42 = arith.constant 2 : i32
      %mul3A_43 = arith.muli %scan3A_41, %mul3A_42 : i32
      %add3A_44 = arith.constant 0 : i32
      %add3A_45 = arith.addi %add3A_44, %mul3A_43 : i32
      %dma_wait3A_46 = arith.constant 0 : i32
      %dma_wait3A_47 = tpu.memref_slice %arg10[%add3A_45, %dma_wait3A_46] : memref<125x80xi32, #tpu.memory_space<vmem>> -> memref<1x80xi32, #tpu.memory_space<vmem>>
      %dma_wait3A_48 = tpu.memref_squeeze %dma_wait3A_47 : memref<1x80xi32, #tpu.memory_space<vmem>> -> memref<80xi32, #tpu.memory_space<vmem>>
      %dma_wait3A_49 = arith.constant 0 : i32
      %dma_wait3A_50 = arith.constant 0 : i32
      %dma_wait3A_51 = tpu.memref_slice %arg2[%dma_wait3A_49, %dma_wait3A_50] : memref<10000x80xf32, #tpu.memory_space<hbm>> -> memref<10000x80xf32, #tpu.memory_space<hbm>>
      tpu.wait_indirect_dma semaphore(%arg19 : memref<!tpu.dma_semaphore, #tpu.memory_space<semaphore_mem>>) src(%dma_wait3A_51 : memref<10000x80xf32, #tpu.memory_space<hbm>>) dst(%arg13 : memref<80x80xf32, #tpu.memory_space<vmem>>)
      %add3A_52 = arith.constant 1 : i32
      %add3A_53 = arith.addi %add3A_45, %add3A_52 : i32
      %dma_start3A_54 = arith.constant 0 : i32
      %dma_start3A_55 = tpu.memref_slice %arg10[%add3A_53, %dma_start3A_54] : memref<125x80xi32, #tpu.memory_space<vmem>> -> memref<1x80xi32, #tpu.memory_space<vmem>>
      %dma_start3A_56 = tpu.memref_squeeze %dma_start3A_55 : memref<1x80xi32, #tpu.memory_space<vmem>> -> memref<80xi32, #tpu.memory_space<vmem>>
      %dma_start3A_57 = arith.constant 0 : i32
      %dma_start3A_58 = arith.constant 0 : i32
      %dma_start3A_59 = tpu.memref_slice %arg2[%dma_start3A_57, %dma_start3A_58] : memref<10000x80xf32, #tpu.memory_space<hbm>> -> memref<10000x80xf32, #tpu.memory_space<hbm>>
      tpu.enqueue_indirect_dma source(%dma_start3A_59 : memref<10000x80xf32, #tpu.memory_space<hbm>>) target(%arg14 : memref<80x80xf32, #tpu.memory_space<vmem>>) offsets(%dma_start3A_56 : memref<80xi32, #tpu.memory_space<vmem>>) semaphore(%arg20 : memref<!tpu.dma_semaphore, #tpu.memory_space<semaphore_mem>>)
      "tpu.region"() ({
        %run_scoped3A_78 = tpu.sem_alloc : memref<!tpu.dma_semaphore, #tpu.memory_space<semaphore_mem>>
        %dma_start3A_79 = arith.constant 0 : i32
        %dma_start3A_80 = tpu.memref_slice %arg12[%add3A_45, %dma_start3A_79] : memref<125x80xi32, #tpu.memory_space<vmem>> -> memref<1x80xi32, #tpu.memory_space<vmem>>
        %dma_start3A_81 = tpu.memref_squeeze %dma_start3A_80 : memref<1x80xi32, #tpu.memory_space<vmem>> -> memref<80xi32, #tpu.memory_space<vmem>>
        %dma_start3A_82 = arith.constant 0 : i32
        %dma_start3A_83 = arith.constant 0 : i32
        %dma_start3A_84 = tpu.memref_slice %arg18[%dma_start3A_82, %dma_start3A_83] : memref<10512x80xf32, #tpu.memory_space<vmem_shared>> -> memref<10512x80xf32, #tpu.memory_space<vmem_shared>>
        tpu.enqueue_indirect_dma source(%arg13 : memref<80x80xf32, #tpu.memory_space<vmem>>) target(%dma_start3A_84 : memref<10512x80xf32, #tpu.memory_space<vmem_shared>>) offsets(%dma_start3A_81 : memref<80xi32, #tpu.memory_space<vmem>>) semaphore(%run_scoped3A_78 : memref<!tpu.dma_semaphore, #tpu.memory_space<semaphore_mem>>) {add = true}
        %dma_wait3A_85 = arith.constant 0 : i32
        %dma_wait3A_86 = tpu.memref_slice %arg12[%add3A_45, %dma_wait3A_85] : memref<125x80xi32, #tpu.memory_space<vmem>> -> memref<1x80xi32, #tpu.memory_space<vmem>>
        %dma_wait3A_87 = tpu.memref_squeeze %dma_wait3A_86 : memref<1x80xi32, #tpu.memory_space<vmem>> -> memref<80xi32, #tpu.memory_space<vmem>>
        %dma_wait3A_88 = arith.constant 0 : i32
        %dma_wait3A_89 = arith.constant 0 : i32
        %dma_wait3A_90 = tpu.memref_slice %arg18[%dma_wait3A_88, %dma_wait3A_89] : memref<10512x80xf32, #tpu.memory_space<vmem_shared>> -> memref<10512x80xf32, #tpu.memory_space<vmem_shared>>
        tpu.wait_indirect_dma semaphore(%run_scoped3A_78 : memref<!tpu.dma_semaphore, #tpu.memory_space<semaphore_mem>>) src(%arg13 : memref<80x80xf32, #tpu.memory_space<vmem>>) dst(%dma_wait3A_90 : memref<10512x80xf32, #tpu.memory_space<vmem_shared>>)
        tpu.yield
      }) : () -> ()
      %add3A_60 = arith.constant 1 : i32
      %add3A_61 = arith.addi %add3A_45, %add3A_60 : i32
      %dma_wait3A_62 = arith.constant 0 : i32
      %dma_wait3A_63 = tpu.memref_slice %arg10[%add3A_61, %dma_wait3A_62] : memref<125x80xi32, #tpu.memory_space<vmem>> -> memref<1x80xi32, #tpu.memory_space<vmem>>
      %dma_wait3A_64 = tpu.memref_squeeze %dma_wait3A_63 : memref<1x80xi32, #tpu.memory_space<vmem>> -> memref<80xi32, #tpu.memory_space<vmem>>
      %dma_wait3A_65 = arith.constant 0 : i32
      %dma_wait3A_66 = arith.constant 0 : i32
      %dma_wait3A_67 = tpu.memref_slice %arg2[%dma_wait3A_65, %dma_wait3A_66] : memref<10000x80xf32, #tpu.memory_space<hbm>> -> memref<10000x80xf32, #tpu.memory_space<hbm>>
      tpu.wait_indirect_dma semaphore(%arg20 : memref<!tpu.dma_semaphore, #tpu.memory_space<semaphore_mem>>) src(%dma_wait3A_67 : memref<10000x80xf32, #tpu.memory_space<hbm>>) dst(%arg14 : memref<80x80xf32, #tpu.memory_space<vmem>>)
      %add3A_68 = arith.constant 2 : i32
      %add3A_69 = arith.addi %add3A_45, %add3A_68 : i32
      %dma_start3A_70 = arith.constant 0 : i32
      %dma_start3A_71 = tpu.memref_slice %arg10[%add3A_69, %dma_start3A_70] : memref<125x80xi32, #tpu.memory_space<vmem>> -> memref<1x80xi32, #tpu.memory_space<vmem>>
      %dma_start3A_72 = tpu.memref_squeeze %dma_start3A_71 : memref<1x80xi32, #tpu.memory_space<vmem>> -> memref<80xi32, #tpu.memory_space<vmem>>
      %dma_start3A_73 = arith.constant 0 : i32
      %dma_start3A_74 = arith.constant 0 : i32
      %dma_start3A_75 = tpu.memref_slice %arg2[%dma_start3A_73, %dma_start3A_74] : memref<10000x80xf32, #tpu.memory_space<hbm>> -> memref<10000x80xf32, #tpu.memory_space<hbm>>
      tpu.enqueue_indirect_dma source(%dma_start3A_75 : memref<10000x80xf32, #tpu.memory_space<hbm>>) target(%arg13 : memref<80x80xf32, #tpu.memory_space<vmem>>) offsets(%dma_start3A_72 : memref<80xi32, #tpu.memory_space<vmem>>) semaphore(%arg19 : memref<!tpu.dma_semaphore, #tpu.memory_space<semaphore_mem>>)
      %add3A_76 = arith.constant 1 : i32
      %add3A_77 = arith.addi %add3A_45, %add3A_76 : i32
      "tpu.region"() ({
        %run_scoped3A_78 = tpu.sem_alloc : memref<!tpu.dma_semaphore, #tpu.memory_space<semaphore_mem>>
        %dma_start3A_79 = arith.constant 0 : i32
        %dma_start3A_80 = tpu.memref_slice %arg12[%add3A_77, %dma_start3A_79] : memref<125x80xi32, #tpu.memory_space<vmem>> -> memref<1x80xi32, #tpu.memory_space<vmem>>
        %dma_start3A_81 = tpu.memref_squeeze %dma_start3A_80 : memref<1x80xi32, #tpu.memory_space<vmem>> -> memref<80xi32, #tpu.memory_space<vmem>>
        %dma_start3A_82 = arith.constant 0 : i32
        %dma_start3A_83 = arith.constant 0 : i32
        %dma_start3A_84 = tpu.memref_slice %arg18[%dma_start3A_82, %dma_start3A_83] : memref<10512x80xf32, #tpu.memory_space<vmem_shared>> -> memref<10512x80xf32, #tpu.memory_space<vmem_shared>>
        tpu.enqueue_indirect_dma source(%arg14 : memref<80x80xf32, #tpu.memory_space<vmem>>) target(%dma_start3A_84 : memref<10512x80xf32, #tpu.memory_space<vmem_shared>>) offsets(%dma_start3A_81 : memref<80xi32, #tpu.memory_space<vmem>>) semaphore(%run_scoped3A_78 : memref<!tpu.dma_semaphore, #tpu.memory_space<semaphore_mem>>) {add = true}
        %dma_wait3A_85 = arith.constant 0 : i32
        %dma_wait3A_86 = tpu.memref_slice %arg12[%add3A_77, %dma_wait3A_85] : memref<125x80xi32, #tpu.memory_space<vmem>> -> memref<1x80xi32, #tpu.memory_space<vmem>>
        %dma_wait3A_87 = tpu.memref_squeeze %dma_wait3A_86 : memref<1x80xi32, #tpu.memory_space<vmem>> -> memref<80xi32, #tpu.memory_space<vmem>>
        %dma_wait3A_88 = arith.constant 0 : i32
        %dma_wait3A_89 = arith.constant 0 : i32
        %dma_wait3A_90 = tpu.memref_slice %arg18[%dma_wait3A_88, %dma_wait3A_89] : memref<10512x80xf32, #tpu.memory_space<vmem_shared>> -> memref<10512x80xf32, #tpu.memory_space<vmem_shared>>
        tpu.wait_indirect_dma semaphore(%run_scoped3A_78 : memref<!tpu.dma_semaphore, #tpu.memory_space<semaphore_mem>>) src(%arg14 : memref<80x80xf32, #tpu.memory_space<vmem>>) dst(%dma_wait3A_90 : memref<10512x80xf32, #tpu.memory_space<vmem_shared>>)
        tpu.yield
      }) : () -> ()
    }
    %scan3A_24 = arith.constant 62 : i32
    %dma_wait3A = arith.constant 124 : i32
    %dma_wait3A_25 = arith.constant 0 : i32
    %dma_wait3A_26 = tpu.memref_slice %arg10[%dma_wait3A, %dma_wait3A_25] : memref<125x80xi32, #tpu.memory_space<vmem>> -> memref<1x80xi32, #tpu.memory_space<vmem>>
    %dma_wait3A_27 = tpu.memref_squeeze %dma_wait3A_26 : memref<1x80xi32, #tpu.memory_space<vmem>> -> memref<80xi32, #tpu.memory_space<vmem>>
    %dma_wait3A_28 = arith.constant 0 : i32
    %dma_wait3A_29 = arith.constant 0 : i32
    %dma_wait3A_30 = tpu.memref_slice %arg2[%dma_wait3A_28, %dma_wait3A_29] : memref<10000x80xf32, #tpu.memory_space<hbm>> -> memref<10000x80xf32, #tpu.memory_space<hbm>>
    tpu.wait_indirect_dma semaphore(%arg19 : memref<!tpu.dma_semaphore, #tpu.memory_space<semaphore_mem>>) src(%dma_wait3A_30 : memref<10000x80xf32, #tpu.memory_space<hbm>>) dst(%arg13 : memref<80x80xf32, #tpu.memory_space<vmem>>)
    %run_scoped3A = arith.constant 124 : i32
    "tpu.region"() ({
      %run_scoped3A_41 = tpu.sem_alloc : memref<!tpu.dma_semaphore, #tpu.memory_space<semaphore_mem>>
      %dma_start3A_42 = arith.constant 0 : i32
      %dma_start3A_43 = tpu.memref_slice %arg12[%run_scoped3A, %dma_start3A_42] : memref<125x80xi32, #tpu.memory_space<vmem>> -> memref<1x80xi32, #tpu.memory_space<vmem>>
      %dma_start3A_44 = tpu.memref_squeeze %dma_start3A_43 : memref<1x80xi32, #tpu.memory_space<vmem>> -> memref<80xi32, #tpu.memory_space<vmem>>
      %dma_start3A_45 = arith.constant 0 : i32
      %dma_start3A_46 = arith.constant 0 : i32
      %dma_start3A_47 = tpu.memref_slice %arg18[%dma_start3A_45, %dma_start3A_46] : memref<10512x80xf32, #tpu.memory_space<vmem_shared>> -> memref<10512x80xf32, #tpu.memory_space<vmem_shared>>
      tpu.enqueue_indirect_dma source(%arg13 : memref<80x80xf32, #tpu.memory_space<vmem>>) target(%dma_start3A_47 : memref<10512x80xf32, #tpu.memory_space<vmem_shared>>) offsets(%dma_start3A_44 : memref<80xi32, #tpu.memory_space<vmem>>) semaphore(%run_scoped3A_41 : memref<!tpu.dma_semaphore, #tpu.memory_space<semaphore_mem>>) {add = true}
      %dma_wait3A_48 = arith.constant 0 : i32
      %dma_wait3A_49 = tpu.memref_slice %arg12[%run_scoped3A, %dma_wait3A_48] : memref<125x80xi32, #tpu.memory_space<vmem>> -> memref<1x80xi32, #tpu.memory_space<vmem>>
      %dma_wait3A_50 = tpu.memref_squeeze %dma_wait3A_49 : memref<1x80xi32, #tpu.memory_space<vmem>> -> memref<80xi32, #tpu.memory_space<vmem>>
      %dma_wait3A_51 = arith.constant 0 : i32
      %dma_wait3A_52 = arith.constant 0 : i32
      %dma_wait3A_53 = tpu.memref_slice %arg18[%dma_wait3A_51, %dma_wait3A_52] : memref<10512x80xf32, #tpu.memory_space<vmem_shared>> -> memref<10512x80xf32, #tpu.memory_space<vmem_shared>>
      tpu.wait_indirect_dma semaphore(%run_scoped3A_41 : memref<!tpu.dma_semaphore, #tpu.memory_space<semaphore_mem>>) src(%arg13 : memref<80x80xf32, #tpu.memory_space<vmem>>) dst(%dma_wait3A_53 : memref<10512x80xf32, #tpu.memory_space<vmem_shared>>)
      tpu.yield
    }) : () -> ()
    %barrier3A_31 = arith.constant 0 : index
    tpu.barrier barrier_id(%barrier3A_31)
    %mul3A_32 = arith.constant 656 : i32
    %mul3A_33 = arith.muli %arg1, %mul3A_32 : i32
    %mul3A_34 = arith.constant 656 : i32
    %mul3A_35 = arith.muli %arg1, %mul3A_34 : i32
    "tpu.region"() ({
      %run_scoped3A_41 = tpu.sem_alloc : memref<!tpu.dma_semaphore, #tpu.memory_space<semaphore_mem>>
      %dma_start3A_42 = arith.constant 0 : i32
      %dma_start3A_43 = arith.constant 0 : i32
      %dma_start3A_44 = tpu.memref_slice %arg9[%arg0, %dma_start3A_42, %dma_start3A_43] : memref<2x10512x80xf32, #tpu.memory_space<hbm>> -> memref<1x10512x80xf32, #tpu.memory_space<hbm>>
      %dma_start3A_45 = tpu.memref_squeeze %dma_start3A_44 : memref<1x10512x80xf32, #tpu.memory_space<hbm>> -> memref<10512x80xf32, #tpu.memory_space<hbm>>
      %dma_start3A_46 = arith.constant 0 : i32
      %dma_start3A_47 = tpu.memref_slice %dma_start3A_45[%mul3A_35, %dma_start3A_46] : memref<10512x80xf32, #tpu.memory_space<hbm>> -> memref<656x80xf32, #tpu.memory_space<hbm>>
      %dma_start3A_48 = arith.constant 0 : i32
      %dma_start3A_49 = tpu.memref_slice %arg18[%mul3A_33, %dma_start3A_48] : memref<10512x80xf32, #tpu.memory_space<vmem_shared>> -> memref<656x80xf32, #tpu.memory_space<vmem_shared>>
      tpu.enqueue_dma source(%dma_start3A_49 : memref<656x80xf32, #tpu.memory_space<vmem_shared>>) target(%dma_start3A_47 : memref<656x80xf32, #tpu.memory_space<hbm>>) target_semaphore(%run_scoped3A_41 : memref<!tpu.dma_semaphore, #tpu.memory_space<semaphore_mem>>)
      %dma_wait3A_50 = arith.constant 0 : i32
      %dma_wait3A_51 = arith.constant 0 : i32
      %dma_wait3A_52 = tpu.memref_slice %arg9[%arg0, %dma_wait3A_50, %dma_wait3A_51] : memref<2x10512x80xf32, #tpu.memory_space<hbm>> -> memref<1x10512x80xf32, #tpu.memory_space<hbm>>
      %dma_wait3A_53 = tpu.memref_squeeze %dma_wait3A_52 : memref<1x10512x80xf32, #tpu.memory_space<hbm>> -> memref<10512x80xf32, #tpu.memory_space<hbm>>
      %dma_wait3A_54 = arith.constant 0 : i32
      %dma_wait3A_55 = tpu.memref_slice %dma_wait3A_53[%mul3A_35, %dma_wait3A_54] : memref<10512x80xf32, #tpu.memory_space<hbm>> -> memref<656x80xf32, #tpu.memory_space<hbm>>
      %dma_wait3A_56 = arith.constant 0 : i32
      %dma_wait3A_57 = tpu.memref_slice %arg18[%mul3A_33, %dma_wait3A_56] : memref<10512x80xf32, #tpu.memory_space<vmem_shared>> -> memref<656x80xf32, #tpu.memory_space<vmem_shared>>
      tpu.wait_dma2 semaphore(%run_scoped3A_41 : memref<!tpu.dma_semaphore, #tpu.memory_space<semaphore_mem>>) src(%dma_wait3A_57 : memref<656x80xf32, #tpu.memory_space<vmem_shared>>) dst(%dma_wait3A_55 : memref<656x80xf32, #tpu.memory_space<hbm>>)
      tpu.yield
    }) : () -> ()
    %eq3A_36 = arith.constant 0 : i32
    %eq3A_37 = arith.cmpi eq, %arg1, %eq3A_36 : i32
    %convert_element_type3A_38 = arith.extui %eq3A_37 : i1 to i32
    %cond3A_39 = arith.constant 0 : i32
    %cond3A_40 = arith.cmpi ne, %convert_element_type3A_38, %cond3A_39 : i32
    scf.if %cond3A_40 {
      "tpu.region"() ({
        %run_scoped3A_41 = tpu.sem_alloc : memref<!tpu.dma_semaphore, #tpu.memory_space<semaphore_mem>>
        %dma_start3A_42 = arith.constant 0 : i32
        %dma_start3A_43 = arith.constant 0 : i32
        %dma_start3A_44 = tpu.memref_slice %arg9[%arg0, %dma_start3A_42, %dma_start3A_43] : memref<2x10512x80xf32, #tpu.memory_space<hbm>> -> memref<1x10512x80xf32, #tpu.memory_space<hbm>>
        %dma_start3A_45 = tpu.memref_squeeze %dma_start3A_44 : memref<1x10512x80xf32, #tpu.memory_space<hbm>> -> memref<10512x80xf32, #tpu.memory_space<hbm>>
        %dma_start3A_46 = arith.constant 10496 : i32
        %dma_start3A_47 = arith.constant 0 : i32
        %dma_start3A_48 = tpu.memref_slice %dma_start3A_45[%dma_start3A_46, %dma_start3A_47] : memref<10512x80xf32, #tpu.memory_space<hbm>> -> memref<16x80xf32, #tpu.memory_space<hbm>>
        %dma_start3A_49 = arith.constant 10496 : i32
        %dma_start3A_50 = arith.constant 0 : i32
        %dma_start3A_51 = tpu.memref_slice %arg18[%dma_start3A_49, %dma_start3A_50] : memref<10512x80xf32, #tpu.memory_space<vmem_shared>> -> memref<16x80xf32, #tpu.memory_space<vmem_shared>>
        tpu.enqueue_dma source(%dma_start3A_51 : memref<16x80xf32, #tpu.memory_space<vmem_shared>>) target(%dma_start3A_48 : memref<16x80xf32, #tpu.memory_space<hbm>>) target_semaphore(%run_scoped3A_41 : memref<!tpu.dma_semaphore, #tpu.memory_space<semaphore_mem>>)
        %dma_wait3A_52 = arith.constant 0 : i32
        %dma_wait3A_53 = arith.constant 0 : i32
        %dma_wait3A_54 = tpu.memref_slice %arg9[%arg0, %dma_wait3A_52, %dma_wait3A_53] : memref<2x10512x80xf32, #tpu.memory_space<hbm>> -> memref<1x10512x80xf32, #tpu.memory_space<hbm>>
        %dma_wait3A_55 = tpu.memref_squeeze %dma_wait3A_54 : memref<1x10512x80xf32, #tpu.memory_space<hbm>> -> memref<10512x80xf32, #tpu.memory_space<hbm>>
        %dma_wait3A_56 = arith.constant 10496 : i32
        %dma_wait3A_57 = arith.constant 0 : i32
        %dma_wait3A_58 = tpu.memref_slice %dma_wait3A_55[%dma_wait3A_56, %dma_wait3A_57] : memref<10512x80xf32, #tpu.memory_space<hbm>> -> memref<16x80xf32, #tpu.memory_space<hbm>>
        %dma_wait3A_59 = arith.constant 10496 : i32
        %dma_wait3A_60 = arith.constant 0 : i32
        %dma_wait3A_61 = tpu.memref_slice %arg18[%dma_wait3A_59, %dma_wait3A_60] : memref<10512x80xf32, #tpu.memory_space<vmem_shared>> -> memref<16x80xf32, #tpu.memory_space<vmem_shared>>
        tpu.wait_dma2 semaphore(%run_scoped3A_41 : memref<!tpu.dma_semaphore, #tpu.memory_space<semaphore_mem>>) src(%dma_wait3A_61 : memref<16x80xf32, #tpu.memory_space<vmem_shared>>) dst(%dma_wait3A_58 : memref<16x80xf32, #tpu.memory_space<hbm>>)
        tpu.yield
      }) : () -> ()
    } else {
    }
    return
  }
}

#map = affine_map<(d0, d1) -> (0, 0)>
#map1 = affine_map<(d0, d1) -> (0)>
#map2 = affine_map<(d0, d1) -> (0, 0, 0)>
module attributes {stable_mosaic.version = 14 : i64} {
  func.func @_edge_kernel_body(%arg0: i32, %arg1: i32, %arg2: memref<10000x80xf32, #tpu.memory_space<hbm>>, %arg3: memref<10000xf32, #tpu.memory_space<hbm>>, %arg4: memref<10000xf32, #tpu.memory_space<hbm>>, %arg5: memref<16xf32, #tpu.memory_space<hbm>>, %arg6: memref<32x125x80xi32, #tpu.memory_space<hbm>>, %arg7: memref<32x125x80xi32, #tpu.memory_space<hbm>>, %arg8: memref<10512x80xf32, #tpu.memory_space<hbm>>, %arg9: memref<2x10512x80xf32, #tpu.memory_space<hbm>>, %arg10: memref<125x80xi32, #tpu.memory_space<vmem>>, %arg11: memref<125x80xi32, #tpu.memory_space<vmem>>, %arg12: memref<125x80xi32, #tpu.memory_space<vmem>>, %arg13: memref<80x80xf32, #tpu.memory_space<vmem>>, %arg14: memref<80x80xf32, #tpu.memory_space<vmem>>, %arg15: memref<10000xf32, #tpu.memory_space<vmem>>, %arg16: memref<10000xf32, #tpu.memory_space<vmem>>, %arg17: memref<16xf32, #tpu.memory_space<vmem>>, %arg18: memref<10512x80xf32, #tpu.memory_space<vmem_shared>>, %arg19: memref<!tpu.dma_semaphore, #tpu.memory_space<semaphore_mem>>, %arg20: memref<!tpu.dma_semaphore, #tpu.memory_space<semaphore_mem>>) attributes {dimension_semantics = [#tpu.dimension_semantics<core_parallel>, #tpu.dimension_semantics<subcore_parallel>], iteration_bounds = array<i64: 2, 16>, scalar_prefetch = 0 : i64, scratch_operands = 11 : i64, tpu.core_type = #tpu.core_type<sc_vector_subcore>, window_params = [{transform_indices = #map}, {transform_indices = #map1}, {transform_indices = #map1}, {transform_indices = #map1}, {transform_indices = #map2}, {transform_indices = #map2}, {transform_indices = #map}, {transform_indices = #map2}]} {
    %mul3A = arith.constant 2 : i32
    %mul3A_0 = arith.muli %arg1, %mul3A : i32
    %add3A = arith.addi %mul3A_0, %arg0 : i32
    "tpu.region"() ({
      %run_scoped3A_41 = tpu.sem_alloc : memref<!tpu.dma_semaphore, #tpu.memory_space<semaphore_mem>>
      %dma_start3A_42 = arith.constant 0 : i32
      %dma_start3A_43 = arith.constant 0 : i32
      %dma_start3A_44 = tpu.memref_slice %arg6[%add3A, %dma_start3A_42, %dma_start3A_43] : memref<32x125x80xi32, #tpu.memory_space<hbm>> -> memref<1x125x80xi32, #tpu.memory_space<hbm>>
      %dma_start3A_45 = tpu.memref_squeeze %dma_start3A_44 : memref<1x125x80xi32, #tpu.memory_space<hbm>> -> memref<125x80xi32, #tpu.memory_space<hbm>>
      %dma_start3A_46 = arith.constant 0 : i32
      %dma_start3A_47 = arith.constant 0 : i32
      %dma_start3A_48 = tpu.memref_slice %arg6[%add3A, %dma_start3A_46, %dma_start3A_47] : memref<32x125x80xi32, #tpu.memory_space<hbm>> -> memref<1x125x80xi32, #tpu.memory_space<hbm>>
      %dma_start3A_49 = tpu.memref_squeeze %dma_start3A_48 : memref<1x125x80xi32, #tpu.memory_space<hbm>> -> memref<125x80xi32, #tpu.memory_space<hbm>>
      tpu.enqueue_dma source(%dma_start3A_49 : memref<125x80xi32, #tpu.memory_space<hbm>>) target(%arg10 : memref<125x80xi32, #tpu.memory_space<vmem>>) target_semaphore(%run_scoped3A_41 : memref<!tpu.dma_semaphore, #tpu.memory_space<semaphore_mem>>)
      %dma_wait3A_50 = arith.constant 0 : i32
      %dma_wait3A_51 = arith.constant 0 : i32
      %dma_wait3A_52 = tpu.memref_slice %arg6[%add3A, %dma_wait3A_50, %dma_wait3A_51] : memref<32x125x80xi32, #tpu.memory_space<hbm>> -> memref<1x125x80xi32, #tpu.memory_space<hbm>>
      %dma_wait3A_53 = tpu.memref_squeeze %dma_wait3A_52 : memref<1x125x80xi32, #tpu.memory_space<hbm>> -> memref<125x80xi32, #tpu.memory_space<hbm>>
      %dma_wait3A_54 = arith.constant 0 : i32
      %dma_wait3A_55 = arith.constant 0 : i32
      %dma_wait3A_56 = tpu.memref_slice %arg6[%add3A, %dma_wait3A_54, %dma_wait3A_55] : memref<32x125x80xi32, #tpu.memory_space<hbm>> -> memref<1x125x80xi32, #tpu.memory_space<hbm>>
      %dma_wait3A_57 = tpu.memref_squeeze %dma_wait3A_56 : memref<1x125x80xi32, #tpu.memory_space<hbm>> -> memref<125x80xi32, #tpu.memory_space<hbm>>
      tpu.wait_dma2 semaphore(%run_scoped3A_41 : memref<!tpu.dma_semaphore, #tpu.memory_space<semaphore_mem>>) src(%dma_wait3A_57 : memref<125x80xi32, #tpu.memory_space<hbm>>) dst(%arg10 : memref<125x80xi32, #tpu.memory_space<vmem>>)
      tpu.yield
    }) : () -> ()
    "tpu.region"() ({
      %run_scoped3A_41 = tpu.sem_alloc : memref<!tpu.dma_semaphore, #tpu.memory_space<semaphore_mem>>
      %dma_start3A_42 = arith.constant 0 : i32
      %dma_start3A_43 = arith.constant 0 : i32
      %dma_start3A_44 = tpu.memref_slice %arg7[%add3A, %dma_start3A_42, %dma_start3A_43] : memref<32x125x80xi32, #tpu.memory_space<hbm>> -> memref<1x125x80xi32, #tpu.memory_space<hbm>>
      %dma_start3A_45 = tpu.memref_squeeze %dma_start3A_44 : memref<1x125x80xi32, #tpu.memory_space<hbm>> -> memref<125x80xi32, #tpu.memory_space<hbm>>
      %dma_start3A_46 = arith.constant 0 : i32
      %dma_start3A_47 = arith.constant 0 : i32
      %dma_start3A_48 = tpu.memref_slice %arg7[%add3A, %dma_start3A_46, %dma_start3A_47] : memref<32x125x80xi32, #tpu.memory_space<hbm>> -> memref<1x125x80xi32, #tpu.memory_space<hbm>>
      %dma_start3A_49 = tpu.memref_squeeze %dma_start3A_48 : memref<1x125x80xi32, #tpu.memory_space<hbm>> -> memref<125x80xi32, #tpu.memory_space<hbm>>
      tpu.enqueue_dma source(%dma_start3A_49 : memref<125x80xi32, #tpu.memory_space<hbm>>) target(%arg11 : memref<125x80xi32, #tpu.memory_space<vmem>>) target_semaphore(%run_scoped3A_41 : memref<!tpu.dma_semaphore, #tpu.memory_space<semaphore_mem>>)
      %dma_wait3A_50 = arith.constant 0 : i32
      %dma_wait3A_51 = arith.constant 0 : i32
      %dma_wait3A_52 = tpu.memref_slice %arg7[%add3A, %dma_wait3A_50, %dma_wait3A_51] : memref<32x125x80xi32, #tpu.memory_space<hbm>> -> memref<1x125x80xi32, #tpu.memory_space<hbm>>
      %dma_wait3A_53 = tpu.memref_squeeze %dma_wait3A_52 : memref<1x125x80xi32, #tpu.memory_space<hbm>> -> memref<125x80xi32, #tpu.memory_space<hbm>>
      %dma_wait3A_54 = arith.constant 0 : i32
      %dma_wait3A_55 = arith.constant 0 : i32
      %dma_wait3A_56 = tpu.memref_slice %arg7[%add3A, %dma_wait3A_54, %dma_wait3A_55] : memref<32x125x80xi32, #tpu.memory_space<hbm>> -> memref<1x125x80xi32, #tpu.memory_space<hbm>>
      %dma_wait3A_57 = tpu.memref_squeeze %dma_wait3A_56 : memref<1x125x80xi32, #tpu.memory_space<hbm>> -> memref<125x80xi32, #tpu.memory_space<hbm>>
      tpu.wait_dma2 semaphore(%run_scoped3A_41 : memref<!tpu.dma_semaphore, #tpu.memory_space<semaphore_mem>>) src(%dma_wait3A_57 : memref<125x80xi32, #tpu.memory_space<hbm>>) dst(%arg11 : memref<125x80xi32, #tpu.memory_space<vmem>>)
      tpu.yield
    }) : () -> ()
    "tpu.region"() ({
      %run_scoped3A_41 = tpu.sem_alloc : memref<!tpu.dma_semaphore, #tpu.memory_space<semaphore_mem>>
      tpu.enqueue_dma source(%arg3 : memref<10000xf32, #tpu.memory_space<hbm>>) target(%arg15 : memref<10000xf32, #tpu.memory_space<vmem>>) target_semaphore(%run_scoped3A_41 : memref<!tpu.dma_semaphore, #tpu.memory_space<semaphore_mem>>)
      tpu.wait_dma2 semaphore(%run_scoped3A_41 : memref<!tpu.dma_semaphore, #tpu.memory_space<semaphore_mem>>) src(%arg3 : memref<10000xf32, #tpu.memory_space<hbm>>) dst(%arg15 : memref<10000xf32, #tpu.memory_space<vmem>>)
      tpu.yield
    }) : () -> ()
    "tpu.region"() ({
      %run_scoped3A_41 = tpu.sem_alloc : memref<!tpu.dma_semaphore, #tpu.memory_space<semaphore_mem>>
      tpu.enqueue_dma source(%arg4 : memref<10000xf32, #tpu.memory_space<hbm>>) target(%arg16 : memref<10000xf32, #tpu.memory_space<vmem>>) target_semaphore(%run_scoped3A_41 : memref<!tpu.dma_semaphore, #tpu.memory_space<semaphore_mem>>)
      tpu.wait_dma2 semaphore(%run_scoped3A_41 : memref<!tpu.dma_semaphore, #tpu.memory_space<semaphore_mem>>) src(%arg4 : memref<10000xf32, #tpu.memory_space<hbm>>) dst(%arg16 : memref<10000xf32, #tpu.memory_space<vmem>>)
      tpu.yield
    }) : () -> ()
    "tpu.region"() ({
      %run_scoped3A_41 = tpu.sem_alloc : memref<!tpu.dma_semaphore, #tpu.memory_space<semaphore_mem>>
      tpu.enqueue_dma source(%arg5 : memref<16xf32, #tpu.memory_space<hbm>>) target(%arg17 : memref<16xf32, #tpu.memory_space<vmem>>) target_semaphore(%run_scoped3A_41 : memref<!tpu.dma_semaphore, #tpu.memory_space<semaphore_mem>>)
      tpu.wait_dma2 semaphore(%run_scoped3A_41 : memref<!tpu.dma_semaphore, #tpu.memory_space<semaphore_mem>>) src(%arg5 : memref<16xf32, #tpu.memory_space<hbm>>) dst(%arg17 : memref<16xf32, #tpu.memory_space<vmem>>)
      tpu.yield
    }) : () -> ()
    %mul3A_1 = arith.constant 656 : i32
    %mul3A_2 = arith.muli %arg1, %mul3A_1 : i32
    %mul3A_3 = arith.constant 656 : i32
    %mul3A_4 = arith.muli %arg1, %mul3A_3 : i32
    "tpu.region"() ({
      %run_scoped3A_41 = tpu.sem_alloc : memref<!tpu.dma_semaphore, #tpu.memory_space<semaphore_mem>>
      %dma_start3A_42 = arith.constant 0 : i32
      %dma_start3A_43 = tpu.memref_slice %arg18[%mul3A_4, %dma_start3A_42] : memref<10512x80xf32, #tpu.memory_space<vmem_shared>> -> memref<656x80xf32, #tpu.memory_space<vmem_shared>>
      %dma_start3A_44 = arith.constant 0 : i32
      %dma_start3A_45 = tpu.memref_slice %arg8[%mul3A_2, %dma_start3A_44] : memref<10512x80xf32, #tpu.memory_space<hbm>> -> memref<656x80xf32, #tpu.memory_space<hbm>>
      tpu.enqueue_dma source(%dma_start3A_45 : memref<656x80xf32, #tpu.memory_space<hbm>>) target(%dma_start3A_43 : memref<656x80xf32, #tpu.memory_space<vmem_shared>>) target_semaphore(%run_scoped3A_41 : memref<!tpu.dma_semaphore, #tpu.memory_space<semaphore_mem>>)
      %dma_wait3A_46 = arith.constant 0 : i32
      %dma_wait3A_47 = tpu.memref_slice %arg18[%mul3A_4, %dma_wait3A_46] : memref<10512x80xf32, #tpu.memory_space<vmem_shared>> -> memref<656x80xf32, #tpu.memory_space<vmem_shared>>
      %dma_wait3A_48 = arith.constant 0 : i32
      %dma_wait3A_49 = tpu.memref_slice %arg8[%mul3A_2, %dma_wait3A_48] : memref<10512x80xf32, #tpu.memory_space<hbm>> -> memref<656x80xf32, #tpu.memory_space<hbm>>
      tpu.wait_dma2 semaphore(%run_scoped3A_41 : memref<!tpu.dma_semaphore, #tpu.memory_space<semaphore_mem>>) src(%dma_wait3A_49 : memref<656x80xf32, #tpu.memory_space<hbm>>) dst(%dma_wait3A_47 : memref<656x80xf32, #tpu.memory_space<vmem_shared>>)
      tpu.yield
    }) : () -> ()
    %eq3A = arith.constant 0 : i32
    %eq3A_5 = arith.cmpi eq, %arg1, %eq3A : i32
    %convert_element_type3A = arith.extui %eq3A_5 : i1 to i32
    %cond3A = arith.constant 0 : i32
    %cond3A_6 = arith.cmpi ne, %convert_element_type3A, %cond3A : i32
    scf.if %cond3A_6 {
      "tpu.region"() ({
        %run_scoped3A_41 = tpu.sem_alloc : memref<!tpu.dma_semaphore, #tpu.memory_space<semaphore_mem>>
        %dma_start3A_42 = arith.constant 10496 : i32
        %dma_start3A_43 = arith.constant 0 : i32
        %dma_start3A_44 = tpu.memref_slice %arg18[%dma_start3A_42, %dma_start3A_43] : memref<10512x80xf32, #tpu.memory_space<vmem_shared>> -> memref<16x80xf32, #tpu.memory_space<vmem_shared>>
        %dma_start3A_45 = arith.constant 10496 : i32
        %dma_start3A_46 = arith.constant 0 : i32
        %dma_start3A_47 = tpu.memref_slice %arg8[%dma_start3A_45, %dma_start3A_46] : memref<10512x80xf32, #tpu.memory_space<hbm>> -> memref<16x80xf32, #tpu.memory_space<hbm>>
        tpu.enqueue_dma source(%dma_start3A_47 : memref<16x80xf32, #tpu.memory_space<hbm>>) target(%dma_start3A_44 : memref<16x80xf32, #tpu.memory_space<vmem_shared>>) target_semaphore(%run_scoped3A_41 : memref<!tpu.dma_semaphore, #tpu.memory_space<semaphore_mem>>)
        %dma_wait3A_48 = arith.constant 10496 : i32
        %dma_wait3A_49 = arith.constant 0 : i32
        %dma_wait3A_50 = tpu.memref_slice %arg18[%dma_wait3A_48, %dma_wait3A_49] : memref<10512x80xf32, #tpu.memory_space<vmem_shared>> -> memref<16x80xf32, #tpu.memory_space<vmem_shared>>
        %dma_wait3A_51 = arith.constant 10496 : i32
        %dma_wait3A_52 = arith.constant 0 : i32
        %dma_wait3A_53 = tpu.memref_slice %arg8[%dma_wait3A_51, %dma_wait3A_52] : memref<10512x80xf32, #tpu.memory_space<hbm>> -> memref<16x80xf32, #tpu.memory_space<hbm>>
        tpu.wait_dma2 semaphore(%run_scoped3A_41 : memref<!tpu.dma_semaphore, #tpu.memory_space<semaphore_mem>>) src(%dma_wait3A_53 : memref<16x80xf32, #tpu.memory_space<hbm>>) dst(%dma_wait3A_50 : memref<16x80xf32, #tpu.memory_space<vmem_shared>>)
        tpu.yield
      }) : () -> ()
    } else {
    }
    %get3A = arith.constant 0 : index
    %get3A_7 = tpu.vector_load %arg17[%get3A] {strides = array<i32>} : memref<16xf32, #tpu.memory_space<vmem>>, vector<16xf32>,
    %gt3A = arith.constant 5.000000e-01 : f32
    %gt3A_8 = vector.broadcast %gt3A : f32 to vector<16xf32>
    %gt3A_9 = arith.cmpf ogt, %get3A_7, %gt3A_8 : vector<16xf32>
    %iota3A = tpu.iota {dimensions = array<i32: 0>} : vector<16xi32>
    %scan3A = arith.constant 0 : i32
    %scan3A_10 = arith.constant 125 : i32
    %scan3A_11 = arith.addi %scan3A, %scan3A_10 : i32
    %scan3A_12 = arith.constant 1 : i32
    scf.for %scan3A_41 = %scan3A to %scan3A_11 step %scan3A_12  : i32 {
      %mul3A_42 = arith.constant 1 : i32
      %mul3A_43 = arith.muli %scan3A_41, %mul3A_42 : i32
      %add3A_44 = arith.constant 0 : i32
      %add3A_45 = arith.addi %add3A_44, %mul3A_43 : i32
      %get3A_46 = arith.index_cast %add3A_45 : i32 to index
      %get3A_47 = arith.constant 0 : index
      %get3A_48 = tpu.vector_load %arg10[%get3A_46, %get3A_47] {strides = array<i32>} : memref<125x80xi32, #tpu.memory_space<vmem>>, vector<16xi32>,
      %get3A_49 = arith.index_cast %add3A_45 : i32 to index
      %get3A_50 = arith.constant 0 : index
      %get3A_51 = tpu.vector_load %arg11[%get3A_49, %get3A_50] {strides = array<i32>} : memref<125x80xi32, #tpu.memory_space<vmem>>, vector<16xi32>,
      %gather3A = tpu.vector_load_idx %arg15[%get3A_48] : memref<10000xf32, #tpu.memory_space<vmem>>[vector<16xi32>], vector<16xf32>,
      %gather3A_52 = tpu.vector_load_idx %arg16[%get3A_51] : memref<10000xf32, #tpu.memory_space<vmem>>[vector<16xi32>], vector<16xf32>,
      %add3A_53 = arith.addf %gather3A, %gather3A_52 : vector<16xf32>
      %gt3A_54 = arith.constant 0.000000e+00 : f32
      %gt3A_55 = vector.broadcast %gt3A_54 : f32 to vector<16xf32>
      %gt3A_56 = arith.cmpf ogt, %add3A_53, %gt3A_55 : vector<16xf32>
      %xor3A = arith.xori %gt3A_56, %gt3A_9 : vector<16xi1>
      %mul3A_57 = arith.constant 5 : i32
      %mul3A_58 = arith.muli %add3A_45, %mul3A_57 : i32
      %add3A_59 = arith.constant 0 : i32
      %add3A_60 = arith.addi %mul3A_58, %add3A_59 : i32
      %jit3A = arith.constant 32 : i32
      %eq3A_61 = arith.constant 0 : i32
      %eq3A_62 = arith.cmpi eq, %jit3A, %eq3A_61 : i32
      %jit3A_63 = arith.constant 1 : i32
      %select_n3A = arith.select %eq3A_62, %jit3A_63, %jit3A : i32
      %rem3A = arith.remsi %add3A_60, %select_n3A : i32
      %ne3A = arith.constant 0 : i32
      %ne3A_64 = arith.cmpi ne, %rem3A, %ne3A : i32
      %lt3A = arith.constant 0 : i32
      %lt3A_65 = arith.cmpi slt, %rem3A, %lt3A : i32
      %lt3A_66 = arith.constant 0 : i32
      %lt3A_67 = arith.cmpi slt, %select_n3A, %lt3A_66 : i32
      %ne3A_68 = arith.xori %lt3A_65, %lt3A_67 : i1
      %and3A = arith.andi %ne3A_68, %ne3A_64 : i1
      %add3A_69 = arith.addi %rem3A, %select_n3A : i32
      %select_n3A_70 = arith.select %and3A, %add3A_69, %rem3A : i32
      %mul3A_71 = arith.constant 16 : i32
      %mul3A_72 = arith.muli %select_n3A_70, %mul3A_71 : i32
      %add3A_73 = arith.constant 10000 : i32
      %add3A_74 = arith.addi %add3A_73, %mul3A_72 : i32
      %add3A_75 = vector.broadcast %add3A_74 : i32 to vector<16xi32>
      %add3A_76 = arith.addi %add3A_75, %iota3A : vector<16xi32>
      %select_n3A_77 = arith.select %xor3A, %get3A_51, %add3A_76 : vector<16xi1>, vector<16xi32>
      %swap3A = arith.index_cast %add3A_45 : i32 to index
      %swap3A_78 = arith.constant 0 : index
      %swap3A_79 = tpu.vector_load %arg12[%swap3A, %swap3A_78] {strides = array<i32>} : memref<125x80xi32, #tpu.memory_space<vmem>>, vector<16xi32>,
      tpu.vector_store %arg12[%swap3A, %swap3A_78], %select_n3A_77 {strides = array<i32>} : memref<125x80xi32, #tpu.memory_space<vmem>>, vector<16xi32>,
      %get3A_80 = arith.index_cast %add3A_45 : i32 to index
      %get3A_81 = arith.constant 16 : index
      %get3A_82 = tpu.vector_load %arg10[%get3A_80, %get3A_81] {strides = array<i32>} : memref<125x80xi32, #tpu.memory_space<vmem>>, vector<16xi32>,
      %get3A_83 = arith.index_cast %add3A_45 : i32 to index
      %get3A_84 = arith.constant 16 : index
      %get3A_85 = tpu.vector_load %arg11[%get3A_83, %get3A_84] {strides = array<i32>} : memref<125x80xi32, #tpu.memory_space<vmem>>, vector<16xi32>,
      %gather3A_86 = tpu.vector_load_idx %arg15[%get3A_82] : memref<10000xf32, #tpu.memory_space<vmem>>[vector<16xi32>], vector<16xf32>,
      %gather3A_87 = tpu.vector_load_idx %arg16[%get3A_85] : memref<10000xf32, #tpu.memory_space<vmem>>[vector<16xi32>], vector<16xf32>,
      %add3A_88 = arith.addf %gather3A_86, %gather3A_87 : vector<16xf32>
      %gt3A_89 = arith.constant 0.000000e+00 : f32
      %gt3A_90 = vector.broadcast %gt3A_89 : f32 to vector<16xf32>
      %gt3A_91 = arith.cmpf ogt, %add3A_88, %gt3A_90 : vector<16xf32>
      %xor3A_92 = arith.xori %gt3A_91, %gt3A_9 : vector<16xi1>
      %mul3A_93 = arith.constant 5 : i32
      %mul3A_94 = arith.muli %add3A_45, %mul3A_93 : i32
      %add3A_95 = arith.constant 1 : i32
      %add3A_96 = arith.addi %mul3A_94, %add3A_95 : i32
      %jit3A_97 = arith.constant 32 : i32
      %eq3A_98 = arith.constant 0 : i32
      %eq3A_99 = arith.cmpi eq, %jit3A_97, %eq3A_98 : i32
      %jit3A_100 = arith.constant 1 : i32
      %select_n3A_101 = arith.select %eq3A_99, %jit3A_100, %jit3A_97 : i32
      %rem3A_102 = arith.remsi %add3A_96, %select_n3A_101 : i32
      %ne3A_103 = arith.constant 0 : i32
      %ne3A_104 = arith.cmpi ne, %rem3A_102, %ne3A_103 : i32
      %lt3A_105 = arith.constant 0 : i32
      %lt3A_106 = arith.cmpi slt, %rem3A_102, %lt3A_105 : i32
      %lt3A_107 = arith.constant 0 : i32
      %lt3A_108 = arith.cmpi slt, %select_n3A_101, %lt3A_107 : i32
      %ne3A_109 = arith.xori %lt3A_106, %lt3A_108 : i1
      %and3A_110 = arith.andi %ne3A_109, %ne3A_104 : i1
      %add3A_111 = arith.addi %rem3A_102, %select_n3A_101 : i32
      %select_n3A_112 = arith.select %and3A_110, %add3A_111, %rem3A_102 : i32
      %mul3A_113 = arith.constant 16 : i32
      %mul3A_114 = arith.muli %select_n3A_112, %mul3A_113 : i32
      %add3A_115 = arith.constant 10000 : i32
      %add3A_116 = arith.addi %add3A_115, %mul3A_114 : i32
      %add3A_117 = vector.broadcast %add3A_116 : i32 to vector<16xi32>
      %add3A_118 = arith.addi %add3A_117, %iota3A : vector<16xi32>
      %select_n3A_119 = arith.select %xor3A_92, %get3A_85, %add3A_118 : vector<16xi1>, vector<16xi32>
      %swap3A_120 = arith.index_cast %add3A_45 : i32 to index
      %swap3A_121 = arith.constant 16 : index
      %swap3A_122 = tpu.vector_load %arg12[%swap3A_120, %swap3A_121] {strides = array<i32>} : memref<125x80xi32, #tpu.memory_space<vmem>>, vector<16xi32>,
      tpu.vector_store %arg12[%swap3A_120, %swap3A_121], %select_n3A_119 {strides = array<i32>} : memref<125x80xi32, #tpu.memory_space<vmem>>, vector<16xi32>,
      %get3A_123 = arith.index_cast %add3A_45 : i32 to index
      %get3A_124 = arith.constant 32 : index
      %get3A_125 = tpu.vector_load %arg10[%get3A_123, %get3A_124] {strides = array<i32>} : memref<125x80xi32, #tpu.memory_space<vmem>>, vector<16xi32>,
      %get3A_126 = arith.index_cast %add3A_45 : i32 to index
      %get3A_127 = arith.constant 32 : index
      %get3A_128 = tpu.vector_load %arg11[%get3A_126, %get3A_127] {strides = array<i32>} : memref<125x80xi32, #tpu.memory_space<vmem>>, vector<16xi32>,
      %gather3A_129 = tpu.vector_load_idx %arg15[%get3A_125] : memref<10000xf32, #tpu.memory_space<vmem>>[vector<16xi32>], vector<16xf32>,
      %gather3A_130 = tpu.vector_load_idx %arg16[%get3A_128] : memref<10000xf32, #tpu.memory_space<vmem>>[vector<16xi32>], vector<16xf32>,
      %add3A_131 = arith.addf %gather3A_129, %gather3A_130 : vector<16xf32>
      %gt3A_132 = arith.constant 0.000000e+00 : f32
      %gt3A_133 = vector.broadcast %gt3A_132 : f32 to vector<16xf32>
      %gt3A_134 = arith.cmpf ogt, %add3A_131, %gt3A_133 : vector<16xf32>
      %xor3A_135 = arith.xori %gt3A_134, %gt3A_9 : vector<16xi1>
      %mul3A_136 = arith.constant 5 : i32
      %mul3A_137 = arith.muli %add3A_45, %mul3A_136 : i32
      %add3A_138 = arith.constant 2 : i32
      %add3A_139 = arith.addi %mul3A_137, %add3A_138 : i32
      %jit3A_140 = arith.constant 32 : i32
      %eq3A_141 = arith.constant 0 : i32
      %eq3A_142 = arith.cmpi eq, %jit3A_140, %eq3A_141 : i32
      %jit3A_143 = arith.constant 1 : i32
      %select_n3A_144 = arith.select %eq3A_142, %jit3A_143, %jit3A_140 : i32
      %rem3A_145 = arith.remsi %add3A_139, %select_n3A_144 : i32
      %ne3A_146 = arith.constant 0 : i32
      %ne3A_147 = arith.cmpi ne, %rem3A_145, %ne3A_146 : i32
      %lt3A_148 = arith.constant 0 : i32
      %lt3A_149 = arith.cmpi slt, %rem3A_145, %lt3A_148 : i32
      %lt3A_150 = arith.constant 0 : i32
      %lt3A_151 = arith.cmpi slt, %select_n3A_144, %lt3A_150 : i32
      %ne3A_152 = arith.xori %lt3A_149, %lt3A_151 : i1
      %and3A_153 = arith.andi %ne3A_152, %ne3A_147 : i1
      %add3A_154 = arith.addi %rem3A_145, %select_n3A_144 : i32
      %select_n3A_155 = arith.select %and3A_153, %add3A_154, %rem3A_145 : i32
      %mul3A_156 = arith.constant 16 : i32
      %mul3A_157 = arith.muli %select_n3A_155, %mul3A_156 : i32
      %add3A_158 = arith.constant 10000 : i32
      %add3A_159 = arith.addi %add3A_158, %mul3A_157 : i32
      %add3A_160 = vector.broadcast %add3A_159 : i32 to vector<16xi32>
      %add3A_161 = arith.addi %add3A_160, %iota3A : vector<16xi32>
      %select_n3A_162 = arith.select %xor3A_135, %get3A_128, %add3A_161 : vector<16xi1>, vector<16xi32>
      %swap3A_163 = arith.index_cast %add3A_45 : i32 to index
      %swap3A_164 = arith.constant 32 : index
      %swap3A_165 = tpu.vector_load %arg12[%swap3A_163, %swap3A_164] {strides = array<i32>} : memref<125x80xi32, #tpu.memory_space<vmem>>, vector<16xi32>,
      tpu.vector_store %arg12[%swap3A_163, %swap3A_164], %select_n3A_162 {strides = array<i32>} : memref<125x80xi32, #tpu.memory_space<vmem>>, vector<16xi32>,
      %get3A_166 = arith.index_cast %add3A_45 : i32 to index
      %get3A_167 = arith.constant 48 : index
      %get3A_168 = tpu.vector_load %arg10[%get3A_166, %get3A_167] {strides = array<i32>} : memref<125x80xi32, #tpu.memory_space<vmem>>, vector<16xi32>,
      %get3A_169 = arith.index_cast %add3A_45 : i32 to index
      %get3A_170 = arith.constant 48 : index
      %get3A_171 = tpu.vector_load %arg11[%get3A_169, %get3A_170] {strides = array<i32>} : memref<125x80xi32, #tpu.memory_space<vmem>>, vector<16xi32>,
      %gather3A_172 = tpu.vector_load_idx %arg15[%get3A_168] : memref<10000xf32, #tpu.memory_space<vmem>>[vector<16xi32>], vector<16xf32>,
      %gather3A_173 = tpu.vector_load_idx %arg16[%get3A_171] : memref<10000xf32, #tpu.memory_space<vmem>>[vector<16xi32>], vector<16xf32>,
      %add3A_174 = arith.addf %gather3A_172, %gather3A_173 : vector<16xf32>
      %gt3A_175 = arith.constant 0.000000e+00 : f32
      %gt3A_176 = vector.broadcast %gt3A_175 : f32 to vector<16xf32>
      %gt3A_177 = arith.cmpf ogt, %add3A_174, %gt3A_176 : vector<16xf32>
      %xor3A_178 = arith.xori %gt3A_177, %gt3A_9 : vector<16xi1>
      %mul3A_179 = arith.constant 5 : i32
      %mul3A_180 = arith.muli %add3A_45, %mul3A_179 : i32
      %add3A_181 = arith.constant 3 : i32
      %add3A_182 = arith.addi %mul3A_180, %add3A_181 : i32
      %jit3A_183 = arith.constant 32 : i32
      %eq3A_184 = arith.constant 0 : i32
      %eq3A_185 = arith.cmpi eq, %jit3A_183, %eq3A_184 : i32
      %jit3A_186 = arith.constant 1 : i32
      %select_n3A_187 = arith.select %eq3A_185, %jit3A_186, %jit3A_183 : i32
      %rem3A_188 = arith.remsi %add3A_182, %select_n3A_187 : i32
      %ne3A_189 = arith.constant 0 : i32
      %ne3A_190 = arith.cmpi ne, %rem3A_188, %ne3A_189 : i32
      %lt3A_191 = arith.constant 0 : i32
      %lt3A_192 = arith.cmpi slt, %rem3A_188, %lt3A_191 : i32
      %lt3A_193 = arith.constant 0 : i32
      %lt3A_194 = arith.cmpi slt, %select_n3A_187, %lt3A_193 : i32
      %ne3A_195 = arith.xori %lt3A_192, %lt3A_194 : i1
      %and3A_196 = arith.andi %ne3A_195, %ne3A_190 : i1
      %add3A_197 = arith.addi %rem3A_188, %select_n3A_187 : i32
      %select_n3A_198 = arith.select %and3A_196, %add3A_197, %rem3A_188 : i32
      %mul3A_199 = arith.constant 16 : i32
      %mul3A_200 = arith.muli %select_n3A_198, %mul3A_199 : i32
      %add3A_201 = arith.constant 10000 : i32
      %add3A_202 = arith.addi %add3A_201, %mul3A_200 : i32
      %add3A_203 = vector.broadcast %add3A_202 : i32 to vector<16xi32>
      %add3A_204 = arith.addi %add3A_203, %iota3A : vector<16xi32>
      %select_n3A_205 = arith.select %xor3A_178, %get3A_171, %add3A_204 : vector<16xi1>, vector<16xi32>
      %swap3A_206 = arith.index_cast %add3A_45 : i32 to index
      %swap3A_207 = arith.constant 48 : index
      %swap3A_208 = tpu.vector_load %arg12[%swap3A_206, %swap3A_207] {strides = array<i32>} : memref<125x80xi32, #tpu.memory_space<vmem>>, vector<16xi32>,
      tpu.vector_store %arg12[%swap3A_206, %swap3A_207], %select_n3A_205 {strides = array<i32>} : memref<125x80xi32, #tpu.memory_space<vmem>>, vector<16xi32>,
      %get3A_209 = arith.index_cast %add3A_45 : i32 to index
      %get3A_210 = arith.constant 64 : index
      %get3A_211 = tpu.vector_load %arg10[%get3A_209, %get3A_210] {strides = array<i32>} : memref<125x80xi32, #tpu.memory_space<vmem>>, vector<16xi32>,
      %get3A_212 = arith.index_cast %add3A_45 : i32 to index
      %get3A_213 = arith.constant 64 : index
      %get3A_214 = tpu.vector_load %arg11[%get3A_212, %get3A_213] {strides = array<i32>} : memref<125x80xi32, #tpu.memory_space<vmem>>, vector<16xi32>,
      %gather3A_215 = tpu.vector_load_idx %arg15[%get3A_211] : memref<10000xf32, #tpu.memory_space<vmem>>[vector<16xi32>], vector<16xf32>,
      %gather3A_216 = tpu.vector_load_idx %arg16[%get3A_214] : memref<10000xf32, #tpu.memory_space<vmem>>[vector<16xi32>], vector<16xf32>,
      %add3A_217 = arith.addf %gather3A_215, %gather3A_216 : vector<16xf32>
      %gt3A_218 = arith.constant 0.000000e+00 : f32
      %gt3A_219 = vector.broadcast %gt3A_218 : f32 to vector<16xf32>
      %gt3A_220 = arith.cmpf ogt, %add3A_217, %gt3A_219 : vector<16xf32>
      %xor3A_221 = arith.xori %gt3A_220, %gt3A_9 : vector<16xi1>
      %mul3A_222 = arith.constant 5 : i32
      %mul3A_223 = arith.muli %add3A_45, %mul3A_222 : i32
      %add3A_224 = arith.constant 4 : i32
      %add3A_225 = arith.addi %mul3A_223, %add3A_224 : i32
      %jit3A_226 = arith.constant 32 : i32
      %eq3A_227 = arith.constant 0 : i32
      %eq3A_228 = arith.cmpi eq, %jit3A_226, %eq3A_227 : i32
      %jit3A_229 = arith.constant 1 : i32
      %select_n3A_230 = arith.select %eq3A_228, %jit3A_229, %jit3A_226 : i32
      %rem3A_231 = arith.remsi %add3A_225, %select_n3A_230 : i32
      %ne3A_232 = arith.constant 0 : i32
      %ne3A_233 = arith.cmpi ne, %rem3A_231, %ne3A_232 : i32
      %lt3A_234 = arith.constant 0 : i32
      %lt3A_235 = arith.cmpi slt, %rem3A_231, %lt3A_234 : i32
      %lt3A_236 = arith.constant 0 : i32
      %lt3A_237 = arith.cmpi slt, %select_n3A_230, %lt3A_236 : i32
      %ne3A_238 = arith.xori %lt3A_235, %lt3A_237 : i1
      %and3A_239 = arith.andi %ne3A_238, %ne3A_233 : i1
      %add3A_240 = arith.addi %rem3A_231, %select_n3A_230 : i32
      %select_n3A_241 = arith.select %and3A_239, %add3A_240, %rem3A_231 : i32
      %mul3A_242 = arith.constant 16 : i32
      %mul3A_243 = arith.muli %select_n3A_241, %mul3A_242 : i32
      %add3A_244 = arith.constant 10000 : i32
      %add3A_245 = arith.addi %add3A_244, %mul3A_243 : i32
      %add3A_246 = vector.broadcast %add3A_245 : i32 to vector<16xi32>
      %add3A_247 = arith.addi %add3A_246, %iota3A : vector<16xi32>
      %select_n3A_248 = arith.select %xor3A_221, %get3A_214, %add3A_247 : vector<16xi1>, vector<16xi32>
      %swap3A_249 = arith.index_cast %add3A_45 : i32 to index
      %swap3A_250 = arith.constant 64 : index
      %swap3A_251 = tpu.vector_load %arg12[%swap3A_249, %swap3A_250] {strides = array<i32>} : memref<125x80xi32, #tpu.memory_space<vmem>>, vector<16xi32>,
      tpu.vector_store %arg12[%swap3A_249, %swap3A_250], %select_n3A_248 {strides = array<i32>} : memref<125x80xi32, #tpu.memory_space<vmem>>, vector<16xi32>,
    }
    %scan3A_13 = arith.constant 125 : i32
    %barrier3A = arith.constant 0 : index
    tpu.barrier barrier_id(%barrier3A)
    %dma_start3A = arith.constant 0 : i32
    %dma_start3A_14 = arith.constant 0 : i32
    %dma_start3A_15 = tpu.memref_slice %arg10[%dma_start3A, %dma_start3A_14] : memref<125x80xi32, #tpu.memory_space<vmem>> -> memref<1x80xi32, #tpu.memory_space<vmem>>
    %dma_start3A_16 = tpu.memref_squeeze %dma_start3A_15 : memref<1x80xi32, #tpu.memory_space<vmem>> -> memref<80xi32, #tpu.memory_space<vmem>>
    %dma_start3A_17 = arith.constant 0 : i32
    %dma_start3A_18 = arith.constant 0 : i32
    %dma_start3A_19 = tpu.memref_slice %arg2[%dma_start3A_17, %dma_start3A_18] : memref<10000x80xf32, #tpu.memory_space<hbm>> -> memref<10000x80xf32, #tpu.memory_space<hbm>>
    tpu.enqueue_indirect_dma source(%dma_start3A_19 : memref<10000x80xf32, #tpu.memory_space<hbm>>) target(%arg13 : memref<80x80xf32, #tpu.memory_space<vmem>>) offsets(%dma_start3A_16 : memref<80xi32, #tpu.memory_space<vmem>>) semaphore(%arg19 : memref<!tpu.dma_semaphore, #tpu.memory_space<semaphore_mem>>)
    %scan3A_20 = arith.constant 0 : i32
    %scan3A_21 = arith.constant 62 : i32
    %scan3A_22 = arith.addi %scan3A_20, %scan3A_21 : i32
    %scan3A_23 = arith.constant 1 : i32
    scf.for %scan3A_41 = %scan3A_20 to %scan3A_22 step %scan3A_23  : i32 {
      %mul3A_42 = arith.constant 2 : i32
      %mul3A_43 = arith.muli %scan3A_41, %mul3A_42 : i32
      %add3A_44 = arith.constant 0 : i32
      %add3A_45 = arith.addi %add3A_44, %mul3A_43 : i32
      %dma_wait3A_46 = arith.constant 0 : i32
      %dma_wait3A_47 = tpu.memref_slice %arg10[%add3A_45, %dma_wait3A_46] : memref<125x80xi32, #tpu.memory_space<vmem>> -> memref<1x80xi32, #tpu.memory_space<vmem>>
      %dma_wait3A_48 = tpu.memref_squeeze %dma_wait3A_47 : memref<1x80xi32, #tpu.memory_space<vmem>> -> memref<80xi32, #tpu.memory_space<vmem>>
      %dma_wait3A_49 = arith.constant 0 : i32
      %dma_wait3A_50 = arith.constant 0 : i32
      %dma_wait3A_51 = tpu.memref_slice %arg2[%dma_wait3A_49, %dma_wait3A_50] : memref<10000x80xf32, #tpu.memory_space<hbm>> -> memref<10000x80xf32, #tpu.memory_space<hbm>>
      tpu.wait_indirect_dma semaphore(%arg19 : memref<!tpu.dma_semaphore, #tpu.memory_space<semaphore_mem>>) src(%dma_wait3A_51 : memref<10000x80xf32, #tpu.memory_space<hbm>>) dst(%arg13 : memref<80x80xf32, #tpu.memory_space<vmem>>)
      %add3A_52 = arith.constant 1 : i32
      %add3A_53 = arith.addi %add3A_45, %add3A_52 : i32
      %dma_start3A_54 = arith.constant 0 : i32
      %dma_start3A_55 = tpu.memref_slice %arg10[%add3A_53, %dma_start3A_54] : memref<125x80xi32, #tpu.memory_space<vmem>> -> memref<1x80xi32, #tpu.memory_space<vmem>>
      %dma_start3A_56 = tpu.memref_squeeze %dma_start3A_55 : memref<1x80xi32, #tpu.memory_space<vmem>> -> memref<80xi32, #tpu.memory_space<vmem>>
      %dma_start3A_57 = arith.constant 0 : i32
      %dma_start3A_58 = arith.constant 0 : i32
      %dma_start3A_59 = tpu.memref_slice %arg2[%dma_start3A_57, %dma_start3A_58] : memref<10000x80xf32, #tpu.memory_space<hbm>> -> memref<10000x80xf32, #tpu.memory_space<hbm>>
      tpu.enqueue_indirect_dma source(%dma_start3A_59 : memref<10000x80xf32, #tpu.memory_space<hbm>>) target(%arg14 : memref<80x80xf32, #tpu.memory_space<vmem>>) offsets(%dma_start3A_56 : memref<80xi32, #tpu.memory_space<vmem>>) semaphore(%arg20 : memref<!tpu.dma_semaphore, #tpu.memory_space<semaphore_mem>>)
      "tpu.region"() ({
        %run_scoped3A_78 = tpu.sem_alloc : memref<!tpu.dma_semaphore, #tpu.memory_space<semaphore_mem>>
        %dma_start3A_79 = arith.constant 0 : i32
        %dma_start3A_80 = tpu.memref_slice %arg12[%add3A_45, %dma_start3A_79] : memref<125x80xi32, #tpu.memory_space<vmem>> -> memref<1x80xi32, #tpu.memory_space<vmem>>
        %dma_start3A_81 = tpu.memref_squeeze %dma_start3A_80 : memref<1x80xi32, #tpu.memory_space<vmem>> -> memref<80xi32, #tpu.memory_space<vmem>>
        %dma_start3A_82 = arith.constant 0 : i32
        %dma_start3A_83 = arith.constant 0 : i32
        %dma_start3A_84 = tpu.memref_slice %arg18[%dma_start3A_82, %dma_start3A_83] : memref<10512x80xf32, #tpu.memory_space<vmem_shared>> -> memref<10512x80xf32, #tpu.memory_space<vmem_shared>>
        tpu.enqueue_indirect_dma source(%arg13 : memref<80x80xf32, #tpu.memory_space<vmem>>) target(%dma_start3A_84 : memref<10512x80xf32, #tpu.memory_space<vmem_shared>>) offsets(%dma_start3A_81 : memref<80xi32, #tpu.memory_space<vmem>>) semaphore(%run_scoped3A_78 : memref<!tpu.dma_semaphore, #tpu.memory_space<semaphore_mem>>) {add = true}
        %dma_wait3A_85 = arith.constant 0 : i32
        %dma_wait3A_86 = tpu.memref_slice %arg12[%add3A_45, %dma_wait3A_85] : memref<125x80xi32, #tpu.memory_space<vmem>> -> memref<1x80xi32, #tpu.memory_space<vmem>>
        %dma_wait3A_87 = tpu.memref_squeeze %dma_wait3A_86 : memref<1x80xi32, #tpu.memory_space<vmem>> -> memref<80xi32, #tpu.memory_space<vmem>>
        %dma_wait3A_88 = arith.constant 0 : i32
        %dma_wait3A_89 = arith.constant 0 : i32
        %dma_wait3A_90 = tpu.memref_slice %arg18[%dma_wait3A_88, %dma_wait3A_89] : memref<10512x80xf32, #tpu.memory_space<vmem_shared>> -> memref<10512x80xf32, #tpu.memory_space<vmem_shared>>
        tpu.wait_indirect_dma semaphore(%run_scoped3A_78 : memref<!tpu.dma_semaphore, #tpu.memory_space<semaphore_mem>>) src(%arg13 : memref<80x80xf32, #tpu.memory_space<vmem>>) dst(%dma_wait3A_90 : memref<10512x80xf32, #tpu.memory_space<vmem_shared>>)
        tpu.yield
      }) : () -> ()
      %add3A_60 = arith.constant 1 : i32
      %add3A_61 = arith.addi %add3A_45, %add3A_60 : i32
      %dma_wait3A_62 = arith.constant 0 : i32
      %dma_wait3A_63 = tpu.memref_slice %arg10[%add3A_61, %dma_wait3A_62] : memref<125x80xi32, #tpu.memory_space<vmem>> -> memref<1x80xi32, #tpu.memory_space<vmem>>
      %dma_wait3A_64 = tpu.memref_squeeze %dma_wait3A_63 : memref<1x80xi32, #tpu.memory_space<vmem>> -> memref<80xi32, #tpu.memory_space<vmem>>
      %dma_wait3A_65 = arith.constant 0 : i32
      %dma_wait3A_66 = arith.constant 0 : i32
      %dma_wait3A_67 = tpu.memref_slice %arg2[%dma_wait3A_65, %dma_wait3A_66] : memref<10000x80xf32, #tpu.memory_space<hbm>> -> memref<10000x80xf32, #tpu.memory_space<hbm>>
      tpu.wait_indirect_dma semaphore(%arg20 : memref<!tpu.dma_semaphore, #tpu.memory_space<semaphore_mem>>) src(%dma_wait3A_67 : memref<10000x80xf32, #tpu.memory_space<hbm>>) dst(%arg14 : memref<80x80xf32, #tpu.memory_space<vmem>>)
      %add3A_68 = arith.constant 2 : i32
      %add3A_69 = arith.addi %add3A_45, %add3A_68 : i32
      %dma_start3A_70 = arith.constant 0 : i32
      %dma_start3A_71 = tpu.memref_slice %arg10[%add3A_69, %dma_start3A_70] : memref<125x80xi32, #tpu.memory_space<vmem>> -> memref<1x80xi32, #tpu.memory_space<vmem>>
      %dma_start3A_72 = tpu.memref_squeeze %dma_start3A_71 : memref<1x80xi32, #tpu.memory_space<vmem>> -> memref<80xi32, #tpu.memory_space<vmem>>
      %dma_start3A_73 = arith.constant 0 : i32
      %dma_start3A_74 = arith.constant 0 : i32
      %dma_start3A_75 = tpu.memref_slice %arg2[%dma_start3A_73, %dma_start3A_74] : memref<10000x80xf32, #tpu.memory_space<hbm>> -> memref<10000x80xf32, #tpu.memory_space<hbm>>
      tpu.enqueue_indirect_dma source(%dma_start3A_75 : memref<10000x80xf32, #tpu.memory_space<hbm>>) target(%arg13 : memref<80x80xf32, #tpu.memory_space<vmem>>) offsets(%dma_start3A_72 : memref<80xi32, #tpu.memory_space<vmem>>) semaphore(%arg19 : memref<!tpu.dma_semaphore, #tpu.memory_space<semaphore_mem>>)
      %add3A_76 = arith.constant 1 : i32
      %add3A_77 = arith.addi %add3A_45, %add3A_76 : i32
      "tpu.region"() ({
        %run_scoped3A_78 = tpu.sem_alloc : memref<!tpu.dma_semaphore, #tpu.memory_space<semaphore_mem>>
        %dma_start3A_79 = arith.constant 0 : i32
        %dma_start3A_80 = tpu.memref_slice %arg12[%add3A_77, %dma_start3A_79] : memref<125x80xi32, #tpu.memory_space<vmem>> -> memref<1x80xi32, #tpu.memory_space<vmem>>
        %dma_start3A_81 = tpu.memref_squeeze %dma_start3A_80 : memref<1x80xi32, #tpu.memory_space<vmem>> -> memref<80xi32, #tpu.memory_space<vmem>>
        %dma_start3A_82 = arith.constant 0 : i32
        %dma_start3A_83 = arith.constant 0 : i32
        %dma_start3A_84 = tpu.memref_slice %arg18[%dma_start3A_82, %dma_start3A_83] : memref<10512x80xf32, #tpu.memory_space<vmem_shared>> -> memref<10512x80xf32, #tpu.memory_space<vmem_shared>>
        tpu.enqueue_indirect_dma source(%arg14 : memref<80x80xf32, #tpu.memory_space<vmem>>) target(%dma_start3A_84 : memref<10512x80xf32, #tpu.memory_space<vmem_shared>>) offsets(%dma_start3A_81 : memref<80xi32, #tpu.memory_space<vmem>>) semaphore(%run_scoped3A_78 : memref<!tpu.dma_semaphore, #tpu.memory_space<semaphore_mem>>) {add = true}
        %dma_wait3A_85 = arith.constant 0 : i32
        %dma_wait3A_86 = tpu.memref_slice %arg12[%add3A_77, %dma_wait3A_85] : memref<125x80xi32, #tpu.memory_space<vmem>> -> memref<1x80xi32, #tpu.memory_space<vmem>>
        %dma_wait3A_87 = tpu.memref_squeeze %dma_wait3A_86 : memref<1x80xi32, #tpu.memory_space<vmem>> -> memref<80xi32, #tpu.memory_space<vmem>>
        %dma_wait3A_88 = arith.constant 0 : i32
        %dma_wait3A_89 = arith.constant 0 : i32
        %dma_wait3A_90 = tpu.memref_slice %arg18[%dma_wait3A_88, %dma_wait3A_89] : memref<10512x80xf32, #tpu.memory_space<vmem_shared>> -> memref<10512x80xf32, #tpu.memory_space<vmem_shared>>
        tpu.wait_indirect_dma semaphore(%run_scoped3A_78 : memref<!tpu.dma_semaphore, #tpu.memory_space<semaphore_mem>>) src(%arg14 : memref<80x80xf32, #tpu.memory_space<vmem>>) dst(%dma_wait3A_90 : memref<10512x80xf32, #tpu.memory_space<vmem_shared>>)
        tpu.yield
      }) : () -> ()
    }
    %scan3A_24 = arith.constant 62 : i32
    %dma_wait3A = arith.constant 124 : i32
    %dma_wait3A_25 = arith.constant 0 : i32
    %dma_wait3A_26 = tpu.memref_slice %arg10[%dma_wait3A, %dma_wait3A_25] : memref<125x80xi32, #tpu.memory_space<vmem>> -> memref<1x80xi32, #tpu.memory_space<vmem>>
    %dma_wait3A_27 = tpu.memref_squeeze %dma_wait3A_26 : memref<1x80xi32, #tpu.memory_space<vmem>> -> memref<80xi32, #tpu.memory_space<vmem>>
    %dma_wait3A_28 = arith.constant 0 : i32
    %dma_wait3A_29 = arith.constant 0 : i32
    %dma_wait3A_30 = tpu.memref_slice %arg2[%dma_wait3A_28, %dma_wait3A_29] : memref<10000x80xf32, #tpu.memory_space<hbm>> -> memref<10000x80xf32, #tpu.memory_space<hbm>>
    tpu.wait_indirect_dma semaphore(%arg19 : memref<!tpu.dma_semaphore, #tpu.memory_space<semaphore_mem>>) src(%dma_wait3A_30 : memref<10000x80xf32, #tpu.memory_space<hbm>>) dst(%arg13 : memref<80x80xf32, #tpu.memory_space<vmem>>)
    %run_scoped3A = arith.constant 124 : i32
    "tpu.region"() ({
      %run_scoped3A_41 = tpu.sem_alloc : memref<!tpu.dma_semaphore, #tpu.memory_space<semaphore_mem>>
      %dma_start3A_42 = arith.constant 0 : i32
      %dma_start3A_43 = tpu.memref_slice %arg12[%run_scoped3A, %dma_start3A_42] : memref<125x80xi32, #tpu.memory_space<vmem>> -> memref<1x80xi32, #tpu.memory_space<vmem>>
      %dma_start3A_44 = tpu.memref_squeeze %dma_start3A_43 : memref<1x80xi32, #tpu.memory_space<vmem>> -> memref<80xi32, #tpu.memory_space<vmem>>
      %dma_start3A_45 = arith.constant 0 : i32
      %dma_start3A_46 = arith.constant 0 : i32
      %dma_start3A_47 = tpu.memref_slice %arg18[%dma_start3A_45, %dma_start3A_46] : memref<10512x80xf32, #tpu.memory_space<vmem_shared>> -> memref<10512x80xf32, #tpu.memory_space<vmem_shared>>
      tpu.enqueue_indirect_dma source(%arg13 : memref<80x80xf32, #tpu.memory_space<vmem>>) target(%dma_start3A_47 : memref<10512x80xf32, #tpu.memory_space<vmem_shared>>) offsets(%dma_start3A_44 : memref<80xi32, #tpu.memory_space<vmem>>) semaphore(%run_scoped3A_41 : memref<!tpu.dma_semaphore, #tpu.memory_space<semaphore_mem>>) {add = true}
      %dma_wait3A_48 = arith.constant 0 : i32
      %dma_wait3A_49 = tpu.memref_slice %arg12[%run_scoped3A, %dma_wait3A_48] : memref<125x80xi32, #tpu.memory_space<vmem>> -> memref<1x80xi32, #tpu.memory_space<vmem>>
      %dma_wait3A_50 = tpu.memref_squeeze %dma_wait3A_49 : memref<1x80xi32, #tpu.memory_space<vmem>> -> memref<80xi32, #tpu.memory_space<vmem>>
      %dma_wait3A_51 = arith.constant 0 : i32
      %dma_wait3A_52 = arith.constant 0 : i32
      %dma_wait3A_53 = tpu.memref_slice %arg18[%dma_wait3A_51, %dma_wait3A_52] : memref<10512x80xf32, #tpu.memory_space<vmem_shared>> -> memref<10512x80xf32, #tpu.memory_space<vmem_shared>>
      tpu.wait_indirect_dma semaphore(%run_scoped3A_41 : memref<!tpu.dma_semaphore, #tpu.memory_space<semaphore_mem>>) src(%arg13 : memref<80x80xf32, #tpu.memory_space<vmem>>) dst(%dma_wait3A_53 : memref<10512x80xf32, #tpu.memory_space<vmem_shared>>)
      tpu.yield
    }) : () -> ()
    %barrier3A_31 = arith.constant 0 : index
    tpu.barrier barrier_id(%barrier3A_31)
    %mul3A_32 = arith.constant 656 : i32
    %mul3A_33 = arith.muli %arg1, %mul3A_32 : i32
    %mul3A_34 = arith.constant 656 : i32
    %mul3A_35 = arith.muli %arg1, %mul3A_34 : i32
    "tpu.region"() ({
      %run_scoped3A_41 = tpu.sem_alloc : memref<!tpu.dma_semaphore, #tpu.memory_space<semaphore_mem>>
      %dma_start3A_42 = arith.constant 0 : i32
      %dma_start3A_43 = arith.constant 0 : i32
      %dma_start3A_44 = tpu.memref_slice %arg9[%arg0, %dma_start3A_42, %dma_start3A_43] : memref<2x10512x80xf32, #tpu.memory_space<hbm>> -> memref<1x10512x80xf32, #tpu.memory_space<hbm>>
      %dma_start3A_45 = tpu.memref_squeeze %dma_start3A_44 : memref<1x10512x80xf32, #tpu.memory_space<hbm>> -> memref<10512x80xf32, #tpu.memory_space<hbm>>
      %dma_start3A_46 = arith.constant 0 : i32
      %dma_start3A_47 = tpu.memref_slice %dma_start3A_45[%mul3A_35, %dma_start3A_46] : memref<10512x80xf32, #tpu.memory_space<hbm>> -> memref<656x80xf32, #tpu.memory_space<hbm>>
      %dma_start3A_48 = arith.constant 0 : i32
      %dma_start3A_49 = tpu.memref_slice %arg18[%mul3A_33, %dma_start3A_48] : memref<10512x80xf32, #tpu.memory_space<vmem_shared>> -> memref<656x80xf32, #tpu.memory_space<vmem_shared>>
      tpu.enqueue_dma source(%dma_start3A_49 : memref<656x80xf32, #tpu.memory_space<vmem_shared>>) target(%dma_start3A_47 : memref<656x80xf32, #tpu.memory_space<hbm>>) target_semaphore(%run_scoped3A_41 : memref<!tpu.dma_semaphore, #tpu.memory_space<semaphore_mem>>)
      %dma_wait3A_50 = arith.constant 0 : i32
      %dma_wait3A_51 = arith.constant 0 : i32
      %dma_wait3A_52 = tpu.memref_slice %arg9[%arg0, %dma_wait3A_50, %dma_wait3A_51] : memref<2x10512x80xf32, #tpu.memory_space<hbm>> -> memref<1x10512x80xf32, #tpu.memory_space<hbm>>
      %dma_wait3A_53 = tpu.memref_squeeze %dma_wait3A_52 : memref<1x10512x80xf32, #tpu.memory_space<hbm>> -> memref<10512x80xf32, #tpu.memory_space<hbm>>
      %dma_wait3A_54 = arith.constant 0 : i32
      %dma_wait3A_55 = tpu.memref_slice %dma_wait3A_53[%mul3A_35, %dma_wait3A_54] : memref<10512x80xf32, #tpu.memory_space<hbm>> -> memref<656x80xf32, #tpu.memory_space<hbm>>
      %dma_wait3A_56 = arith.constant 0 : i32
      %dma_wait3A_57 = tpu.memref_slice %arg18[%mul3A_33, %dma_wait3A_56] : memref<10512x80xf32, #tpu.memory_space<vmem_shared>> -> memref<656x80xf32, #tpu.memory_space<vmem_shared>>
      tpu.wait_dma2 semaphore(%run_scoped3A_41 : memref<!tpu.dma_semaphore, #tpu.memory_space<semaphore_mem>>) src(%dma_wait3A_57 : memref<656x80xf32, #tpu.memory_space<vmem_shared>>) dst(%dma_wait3A_55 : memref<656x80xf32, #tpu.memory_space<hbm>>)
      tpu.yield
    }) : () -> ()
    %eq3A_36 = arith.constant 0 : i32
    %eq3A_37 = arith.cmpi eq, %arg1, %eq3A_36 : i32
    %convert_element_type3A_38 = arith.extui %eq3A_37 : i1 to i32
    %cond3A_39 = arith.constant 0 : i32
    %cond3A_40 = arith.cmpi ne, %convert_element_type3A_38, %cond3A_39 : i32
    scf.if %cond3A_40 {
      "tpu.region"() ({
        %run_scoped3A_41 = tpu.sem_alloc : memref<!tpu.dma_semaphore, #tpu.memory_space<semaphore_mem>>
        %dma_start3A_42 = arith.constant 0 : i32
        %dma_start3A_43 = arith.constant 0 : i32
        %dma_start3A_44 = tpu.memref_slice %arg9[%arg0, %dma_start3A_42, %dma_start3A_43] : memref<2x10512x80xf32, #tpu.memory_space<hbm>> -> memref<1x10512x80xf32, #tpu.memory_space<hbm>>
        %dma_start3A_45 = tpu.memref_squeeze %dma_start3A_44 : memref<1x10512x80xf32, #tpu.memory_space<hbm>> -> memref<10512x80xf32, #tpu.memory_space<hbm>>
        %dma_start3A_46 = arith.constant 10496 : i32
        %dma_start3A_47 = arith.constant 0 : i32
        %dma_start3A_48 = tpu.memref_slice %dma_start3A_45[%dma_start3A_46, %dma_start3A_47] : memref<10512x80xf32, #tpu.memory_space<hbm>> -> memref<16x80xf32, #tpu.memory_space<hbm>>
        %dma_start3A_49 = arith.constant 10496 : i32
        %dma_start3A_50 = arith.constant 0 : i32
        %dma_start3A_51 = tpu.memref_slice %arg18[%dma_start3A_49, %dma_start3A_50] : memref<10512x80xf32, #tpu.memory_space<vmem_shared>> -> memref<16x80xf32, #tpu.memory_space<vmem_shared>>
        tpu.enqueue_dma source(%dma_start3A_51 : memref<16x80xf32, #tpu.memory_space<vmem_shared>>) target(%dma_start3A_48 : memref<16x80xf32, #tpu.memory_space<hbm>>) target_semaphore(%run_scoped3A_41 : memref<!tpu.dma_semaphore, #tpu.memory_space<semaphore_mem>>)
        %dma_wait3A_52 = arith.constant 0 : i32
        %dma_wait3A_53 = arith.constant 0 : i32
        %dma_wait3A_54 = tpu.memref_slice %arg9[%arg0, %dma_wait3A_52, %dma_wait3A_53] : memref<2x10512x80xf32, #tpu.memory_space<hbm>> -> memref<1x10512x80xf32, #tpu.memory_space<hbm>>
        %dma_wait3A_55 = tpu.memref_squeeze %dma_wait3A_54 : memref<1x10512x80xf32, #tpu.memory_space<hbm>> -> memref<10512x80xf32, #tpu.memory_space<hbm>>
        %dma_wait3A_56 = arith.constant 10496 : i32
        %dma_wait3A_57 = arith.constant 0 : i32
        %dma_wait3A_58 = tpu.memref_slice %dma_wait3A_55[%dma_wait3A_56, %dma_wait3A_57] : memref<10512x80xf32, #tpu.memory_space<hbm>> -> memref<16x80xf32, #tpu.memory_space<hbm>>
        %dma_wait3A_59 = arith.constant 10496 : i32
        %dma_wait3A_60 = arith.constant 0 : i32
        %dma_wait3A_61 = tpu.memref_slice %arg18[%dma_wait3A_59, %dma_wait3A_60] : memref<10512x80xf32, #tpu.memory_space<vmem_shared>> -> memref<16x80xf32, #tpu.memory_space<vmem_shared>>
        tpu.wait_dma2 semaphore(%run_scoped3A_41 : memref<!tpu.dma_semaphore, #tpu.memory_space<semaphore_mem>>) src(%dma_wait3A_61 : memref<16x80xf32, #tpu.memory_space<vmem_shared>>) dst(%dma_wait3A_58 : memref<16x80xf32, #tpu.memory_space<hbm>>)
        tpu.yield
      }) : () -> ()
    } else {
    }
    return
  }
}

#map = affine_map<(d0, d1) -> (0, 0)>
#map1 = affine_map<(d0, d1) -> (0)>
#map2 = affine_map<(d0, d1) -> (0, 0, 0)>
module attributes {stable_mosaic.version = 14 : i64} {
  func.func @_edge_kernel_body(%arg0: i32, %arg1: i32, %arg2: memref<10000x80xf32, #tpu.memory_space<hbm>>, %arg3: memref<10000xf32, #tpu.memory_space<hbm>>, %arg4: memref<10000xf32, #tpu.memory_space<hbm>>, %arg5: memref<16xf32, #tpu.memory_space<hbm>>, %arg6: memref<32x125x80xi32, #tpu.memory_space<hbm>>, %arg7: memref<32x125x80xi32, #tpu.memory_space<hbm>>, %arg8: memref<10512x80xf32, #tpu.memory_space<hbm>>, %arg9: memref<2x10512x80xf32, #tpu.memory_space<hbm>>, %arg10: memref<125x80xi32, #tpu.memory_space<vmem>>, %arg11: memref<125x80xi32, #tpu.memory_space<vmem>>, %arg12: memref<125x80xi32, #tpu.memory_space<vmem>>, %arg13: memref<80x80xf32, #tpu.memory_space<vmem>>, %arg14: memref<80x80xf32, #tpu.memory_space<vmem>>, %arg15: memref<10000xf32, #tpu.memory_space<vmem>>, %arg16: memref<10000xf32, #tpu.memory_space<vmem>>, %arg17: memref<16xf32, #tpu.memory_space<vmem>>, %arg18: memref<10512x80xf32, #tpu.memory_space<vmem_shared>>, %arg19: memref<!tpu.dma_semaphore, #tpu.memory_space<semaphore_mem>>, %arg20: memref<!tpu.dma_semaphore, #tpu.memory_space<semaphore_mem>>) attributes {dimension_semantics = [#tpu.dimension_semantics<core_parallel>, #tpu.dimension_semantics<subcore_parallel>], iteration_bounds = array<i64: 2, 16>, scalar_prefetch = 0 : i64, scratch_operands = 11 : i64, tpu.core_type = #tpu.core_type<sc_vector_subcore>, window_params = [{transform_indices = #map}, {transform_indices = #map1}, {transform_indices = #map1}, {transform_indices = #map1}, {transform_indices = #map2}, {transform_indices = #map2}, {transform_indices = #map}, {transform_indices = #map2}]} {
    %mul3A = arith.constant 2 : i32
    %mul3A_0 = arith.muli %arg1, %mul3A : i32
    %add3A = arith.addi %mul3A_0, %arg0 : i32
    "tpu.region"() ({
      %run_scoped3A_41 = tpu.sem_alloc : memref<!tpu.dma_semaphore, #tpu.memory_space<semaphore_mem>>
      %dma_start3A_42 = arith.constant 0 : i32
      %dma_start3A_43 = arith.constant 0 : i32
      %dma_start3A_44 = tpu.memref_slice %arg6[%add3A, %dma_start3A_42, %dma_start3A_43] : memref<32x125x80xi32, #tpu.memory_space<hbm>> -> memref<1x125x80xi32, #tpu.memory_space<hbm>>
      %dma_start3A_45 = tpu.memref_squeeze %dma_start3A_44 : memref<1x125x80xi32, #tpu.memory_space<hbm>> -> memref<125x80xi32, #tpu.memory_space<hbm>>
      %dma_start3A_46 = arith.constant 0 : i32
      %dma_start3A_47 = arith.constant 0 : i32
      %dma_start3A_48 = tpu.memref_slice %arg6[%add3A, %dma_start3A_46, %dma_start3A_47] : memref<32x125x80xi32, #tpu.memory_space<hbm>> -> memref<1x125x80xi32, #tpu.memory_space<hbm>>
      %dma_start3A_49 = tpu.memref_squeeze %dma_start3A_48 : memref<1x125x80xi32, #tpu.memory_space<hbm>> -> memref<125x80xi32, #tpu.memory_space<hbm>>
      tpu.enqueue_dma source(%dma_start3A_49 : memref<125x80xi32, #tpu.memory_space<hbm>>) target(%arg10 : memref<125x80xi32, #tpu.memory_space<vmem>>) target_semaphore(%run_scoped3A_41 : memref<!tpu.dma_semaphore, #tpu.memory_space<semaphore_mem>>)
      %dma_wait3A_50 = arith.constant 0 : i32
      %dma_wait3A_51 = arith.constant 0 : i32
      %dma_wait3A_52 = tpu.memref_slice %arg6[%add3A, %dma_wait3A_50, %dma_wait3A_51] : memref<32x125x80xi32, #tpu.memory_space<hbm>> -> memref<1x125x80xi32, #tpu.memory_space<hbm>>
      %dma_wait3A_53 = tpu.memref_squeeze %dma_wait3A_52 : memref<1x125x80xi32, #tpu.memory_space<hbm>> -> memref<125x80xi32, #tpu.memory_space<hbm>>
      %dma_wait3A_54 = arith.constant 0 : i32
      %dma_wait3A_55 = arith.constant 0 : i32
      %dma_wait3A_56 = tpu.memref_slice %arg6[%add3A, %dma_wait3A_54, %dma_wait3A_55] : memref<32x125x80xi32, #tpu.memory_space<hbm>> -> memref<1x125x80xi32, #tpu.memory_space<hbm>>
      %dma_wait3A_57 = tpu.memref_squeeze %dma_wait3A_56 : memref<1x125x80xi32, #tpu.memory_space<hbm>> -> memref<125x80xi32, #tpu.memory_space<hbm>>
      tpu.wait_dma2 semaphore(%run_scoped3A_41 : memref<!tpu.dma_semaphore, #tpu.memory_space<semaphore_mem>>) src(%dma_wait3A_57 : memref<125x80xi32, #tpu.memory_space<hbm>>) dst(%arg10 : memref<125x80xi32, #tpu.memory_space<vmem>>)
      tpu.yield
    }) : () -> ()
    "tpu.region"() ({
      %run_scoped3A_41 = tpu.sem_alloc : memref<!tpu.dma_semaphore, #tpu.memory_space<semaphore_mem>>
      %dma_start3A_42 = arith.constant 0 : i32
      %dma_start3A_43 = arith.constant 0 : i32
      %dma_start3A_44 = tpu.memref_slice %arg7[%add3A, %dma_start3A_42, %dma_start3A_43] : memref<32x125x80xi32, #tpu.memory_space<hbm>> -> memref<1x125x80xi32, #tpu.memory_space<hbm>>
      %dma_start3A_45 = tpu.memref_squeeze %dma_start3A_44 : memref<1x125x80xi32, #tpu.memory_space<hbm>> -> memref<125x80xi32, #tpu.memory_space<hbm>>
      %dma_start3A_46 = arith.constant 0 : i32
      %dma_start3A_47 = arith.constant 0 : i32
      %dma_start3A_48 = tpu.memref_slice %arg7[%add3A, %dma_start3A_46, %dma_start3A_47] : memref<32x125x80xi32, #tpu.memory_space<hbm>> -> memref<1x125x80xi32, #tpu.memory_space<hbm>>
      %dma_start3A_49 = tpu.memref_squeeze %dma_start3A_48 : memref<1x125x80xi32, #tpu.memory_space<hbm>> -> memref<125x80xi32, #tpu.memory_space<hbm>>
      tpu.enqueue_dma source(%dma_start3A_49 : memref<125x80xi32, #tpu.memory_space<hbm>>) target(%arg11 : memref<125x80xi32, #tpu.memory_space<vmem>>) target_semaphore(%run_scoped3A_41 : memref<!tpu.dma_semaphore, #tpu.memory_space<semaphore_mem>>)
      %dma_wait3A_50 = arith.constant 0 : i32
      %dma_wait3A_51 = arith.constant 0 : i32
      %dma_wait3A_52 = tpu.memref_slice %arg7[%add3A, %dma_wait3A_50, %dma_wait3A_51] : memref<32x125x80xi32, #tpu.memory_space<hbm>> -> memref<1x125x80xi32, #tpu.memory_space<hbm>>
      %dma_wait3A_53 = tpu.memref_squeeze %dma_wait3A_52 : memref<1x125x80xi32, #tpu.memory_space<hbm>> -> memref<125x80xi32, #tpu.memory_space<hbm>>
      %dma_wait3A_54 = arith.constant 0 : i32
      %dma_wait3A_55 = arith.constant 0 : i32
      %dma_wait3A_56 = tpu.memref_slice %arg7[%add3A, %dma_wait3A_54, %dma_wait3A_55] : memref<32x125x80xi32, #tpu.memory_space<hbm>> -> memref<1x125x80xi32, #tpu.memory_space<hbm>>
      %dma_wait3A_57 = tpu.memref_squeeze %dma_wait3A_56 : memref<1x125x80xi32, #tpu.memory_space<hbm>> -> memref<125x80xi32, #tpu.memory_space<hbm>>
      tpu.wait_dma2 semaphore(%run_scoped3A_41 : memref<!tpu.dma_semaphore, #tpu.memory_space<semaphore_mem>>) src(%dma_wait3A_57 : memref<125x80xi32, #tpu.memory_space<hbm>>) dst(%arg11 : memref<125x80xi32, #tpu.memory_space<vmem>>)
      tpu.yield
    }) : () -> ()
    "tpu.region"() ({
      %run_scoped3A_41 = tpu.sem_alloc : memref<!tpu.dma_semaphore, #tpu.memory_space<semaphore_mem>>
      tpu.enqueue_dma source(%arg3 : memref<10000xf32, #tpu.memory_space<hbm>>) target(%arg15 : memref<10000xf32, #tpu.memory_space<vmem>>) target_semaphore(%run_scoped3A_41 : memref<!tpu.dma_semaphore, #tpu.memory_space<semaphore_mem>>)
      tpu.wait_dma2 semaphore(%run_scoped3A_41 : memref<!tpu.dma_semaphore, #tpu.memory_space<semaphore_mem>>) src(%arg3 : memref<10000xf32, #tpu.memory_space<hbm>>) dst(%arg15 : memref<10000xf32, #tpu.memory_space<vmem>>)
      tpu.yield
    }) : () -> ()
    "tpu.region"() ({
      %run_scoped3A_41 = tpu.sem_alloc : memref<!tpu.dma_semaphore, #tpu.memory_space<semaphore_mem>>
      tpu.enqueue_dma source(%arg4 : memref<10000xf32, #tpu.memory_space<hbm>>) target(%arg16 : memref<10000xf32, #tpu.memory_space<vmem>>) target_semaphore(%run_scoped3A_41 : memref<!tpu.dma_semaphore, #tpu.memory_space<semaphore_mem>>)
      tpu.wait_dma2 semaphore(%run_scoped3A_41 : memref<!tpu.dma_semaphore, #tpu.memory_space<semaphore_mem>>) src(%arg4 : memref<10000xf32, #tpu.memory_space<hbm>>) dst(%arg16 : memref<10000xf32, #tpu.memory_space<vmem>>)
      tpu.yield
    }) : () -> ()
    "tpu.region"() ({
      %run_scoped3A_41 = tpu.sem_alloc : memref<!tpu.dma_semaphore, #tpu.memory_space<semaphore_mem>>
      tpu.enqueue_dma source(%arg5 : memref<16xf32, #tpu.memory_space<hbm>>) target(%arg17 : memref<16xf32, #tpu.memory_space<vmem>>) target_semaphore(%run_scoped3A_41 : memref<!tpu.dma_semaphore, #tpu.memory_space<semaphore_mem>>)
      tpu.wait_dma2 semaphore(%run_scoped3A_41 : memref<!tpu.dma_semaphore, #tpu.memory_space<semaphore_mem>>) src(%arg5 : memref<16xf32, #tpu.memory_space<hbm>>) dst(%arg17 : memref<16xf32, #tpu.memory_space<vmem>>)
      tpu.yield
    }) : () -> ()
    %mul3A_1 = arith.constant 656 : i32
    %mul3A_2 = arith.muli %arg1, %mul3A_1 : i32
    %mul3A_3 = arith.constant 656 : i32
    %mul3A_4 = arith.muli %arg1, %mul3A_3 : i32
    "tpu.region"() ({
      %run_scoped3A_41 = tpu.sem_alloc : memref<!tpu.dma_semaphore, #tpu.memory_space<semaphore_mem>>
      %dma_start3A_42 = arith.constant 0 : i32
      %dma_start3A_43 = tpu.memref_slice %arg18[%mul3A_4, %dma_start3A_42] : memref<10512x80xf32, #tpu.memory_space<vmem_shared>> -> memref<656x80xf32, #tpu.memory_space<vmem_shared>>
      %dma_start3A_44 = arith.constant 0 : i32
      %dma_start3A_45 = tpu.memref_slice %arg8[%mul3A_2, %dma_start3A_44] : memref<10512x80xf32, #tpu.memory_space<hbm>> -> memref<656x80xf32, #tpu.memory_space<hbm>>
      tpu.enqueue_dma source(%dma_start3A_45 : memref<656x80xf32, #tpu.memory_space<hbm>>) target(%dma_start3A_43 : memref<656x80xf32, #tpu.memory_space<vmem_shared>>) target_semaphore(%run_scoped3A_41 : memref<!tpu.dma_semaphore, #tpu.memory_space<semaphore_mem>>)
      %dma_wait3A_46 = arith.constant 0 : i32
      %dma_wait3A_47 = tpu.memref_slice %arg18[%mul3A_4, %dma_wait3A_46] : memref<10512x80xf32, #tpu.memory_space<vmem_shared>> -> memref<656x80xf32, #tpu.memory_space<vmem_shared>>
      %dma_wait3A_48 = arith.constant 0 : i32
      %dma_wait3A_49 = tpu.memref_slice %arg8[%mul3A_2, %dma_wait3A_48] : memref<10512x80xf32, #tpu.memory_space<hbm>> -> memref<656x80xf32, #tpu.memory_space<hbm>>
      tpu.wait_dma2 semaphore(%run_scoped3A_41 : memref<!tpu.dma_semaphore, #tpu.memory_space<semaphore_mem>>) src(%dma_wait3A_49 : memref<656x80xf32, #tpu.memory_space<hbm>>) dst(%dma_wait3A_47 : memref<656x80xf32, #tpu.memory_space<vmem_shared>>)
      tpu.yield
    }) : () -> ()
    %eq3A = arith.constant 0 : i32
    %eq3A_5 = arith.cmpi eq, %arg1, %eq3A : i32
    %convert_element_type3A = arith.extui %eq3A_5 : i1 to i32
    %cond3A = arith.constant 0 : i32
    %cond3A_6 = arith.cmpi ne, %convert_element_type3A, %cond3A : i32
    scf.if %cond3A_6 {
      "tpu.region"() ({
        %run_scoped3A_41 = tpu.sem_alloc : memref<!tpu.dma_semaphore, #tpu.memory_space<semaphore_mem>>
        %dma_start3A_42 = arith.constant 10496 : i32
        %dma_start3A_43 = arith.constant 0 : i32
        %dma_start3A_44 = tpu.memref_slice %arg18[%dma_start3A_42, %dma_start3A_43] : memref<10512x80xf32, #tpu.memory_space<vmem_shared>> -> memref<16x80xf32, #tpu.memory_space<vmem_shared>>
        %dma_start3A_45 = arith.constant 10496 : i32
        %dma_start3A_46 = arith.constant 0 : i32
        %dma_start3A_47 = tpu.memref_slice %arg8[%dma_start3A_45, %dma_start3A_46] : memref<10512x80xf32, #tpu.memory_space<hbm>> -> memref<16x80xf32, #tpu.memory_space<hbm>>
        tpu.enqueue_dma source(%dma_start3A_47 : memref<16x80xf32, #tpu.memory_space<hbm>>) target(%dma_start3A_44 : memref<16x80xf32, #tpu.memory_space<vmem_shared>>) target_semaphore(%run_scoped3A_41 : memref<!tpu.dma_semaphore, #tpu.memory_space<semaphore_mem>>)
        %dma_wait3A_48 = arith.constant 10496 : i32
        %dma_wait3A_49 = arith.constant 0 : i32
        %dma_wait3A_50 = tpu.memref_slice %arg18[%dma_wait3A_48, %dma_wait3A_49] : memref<10512x80xf32, #tpu.memory_space<vmem_shared>> -> memref<16x80xf32, #tpu.memory_space<vmem_shared>>
        %dma_wait3A_51 = arith.constant 10496 : i32
        %dma_wait3A_52 = arith.constant 0 : i32
        %dma_wait3A_53 = tpu.memref_slice %arg8[%dma_wait3A_51, %dma_wait3A_52] : memref<10512x80xf32, #tpu.memory_space<hbm>> -> memref<16x80xf32, #tpu.memory_space<hbm>>
        tpu.wait_dma2 semaphore(%run_scoped3A_41 : memref<!tpu.dma_semaphore, #tpu.memory_space<semaphore_mem>>) src(%dma_wait3A_53 : memref<16x80xf32, #tpu.memory_space<hbm>>) dst(%dma_wait3A_50 : memref<16x80xf32, #tpu.memory_space<vmem_shared>>)
        tpu.yield
      }) : () -> ()
    } else {
    }
    %get3A = arith.constant 0 : index
    %get3A_7 = tpu.vector_load %arg17[%get3A] {strides = array<i32>} : memref<16xf32, #tpu.memory_space<vmem>>, vector<16xf32>,
    %gt3A = arith.constant 5.000000e-01 : f32
    %gt3A_8 = vector.broadcast %gt3A : f32 to vector<16xf32>
    %gt3A_9 = arith.cmpf ogt, %get3A_7, %gt3A_8 : vector<16xf32>
    %iota3A = tpu.iota {dimensions = array<i32: 0>} : vector<16xi32>
    %scan3A = arith.constant 0 : i32
    %scan3A_10 = arith.constant 125 : i32
    %scan3A_11 = arith.addi %scan3A, %scan3A_10 : i32
    %scan3A_12 = arith.constant 1 : i32
    scf.for %scan3A_41 = %scan3A to %scan3A_11 step %scan3A_12  : i32 {
      %mul3A_42 = arith.constant 1 : i32
      %mul3A_43 = arith.muli %scan3A_41, %mul3A_42 : i32
      %add3A_44 = arith.constant 0 : i32
      %add3A_45 = arith.addi %add3A_44, %mul3A_43 : i32
      %get3A_46 = arith.index_cast %add3A_45 : i32 to index
      %get3A_47 = arith.constant 0 : index
      %get3A_48 = tpu.vector_load %arg10[%get3A_46, %get3A_47] {strides = array<i32>} : memref<125x80xi32, #tpu.memory_space<vmem>>, vector<16xi32>,
      %get3A_49 = arith.index_cast %add3A_45 : i32 to index
      %get3A_50 = arith.constant 0 : index
      %get3A_51 = tpu.vector_load %arg11[%get3A_49, %get3A_50] {strides = array<i32>} : memref<125x80xi32, #tpu.memory_space<vmem>>, vector<16xi32>,
      %gather3A = tpu.vector_load_idx %arg15[%get3A_48] : memref<10000xf32, #tpu.memory_space<vmem>>[vector<16xi32>], vector<16xf32>,
      %gather3A_52 = tpu.vector_load_idx %arg16[%get3A_51] : memref<10000xf32, #tpu.memory_space<vmem>>[vector<16xi32>], vector<16xf32>,
      %add3A_53 = arith.addf %gather3A, %gather3A_52 : vector<16xf32>
      %gt3A_54 = arith.constant 0.000000e+00 : f32
      %gt3A_55 = vector.broadcast %gt3A_54 : f32 to vector<16xf32>
      %gt3A_56 = arith.cmpf ogt, %add3A_53, %gt3A_55 : vector<16xf32>
      %xor3A = arith.xori %gt3A_56, %gt3A_9 : vector<16xi1>
      %mul3A_57 = arith.constant 5 : i32
      %mul3A_58 = arith.muli %add3A_45, %mul3A_57 : i32
      %add3A_59 = arith.constant 0 : i32
      %add3A_60 = arith.addi %mul3A_58, %add3A_59 : i32
      %jit3A = arith.constant 32 : i32
      %eq3A_61 = arith.constant 0 : i32
      %eq3A_62 = arith.cmpi eq, %jit3A, %eq3A_61 : i32
      %jit3A_63 = arith.constant 1 : i32
      %select_n3A = arith.select %eq3A_62, %jit3A_63, %jit3A : i32
      %rem3A = arith.remsi %add3A_60, %select_n3A : i32
      %ne3A = arith.constant 0 : i32
      %ne3A_64 = arith.cmpi ne, %rem3A, %ne3A : i32
      %lt3A = arith.constant 0 : i32
      %lt3A_65 = arith.cmpi slt, %rem3A, %lt3A : i32
      %lt3A_66 = arith.constant 0 : i32
      %lt3A_67 = arith.cmpi slt, %select_n3A, %lt3A_66 : i32
      %ne3A_68 = arith.xori %lt3A_65, %lt3A_67 : i1
      %and3A = arith.andi %ne3A_68, %ne3A_64 : i1
      %add3A_69 = arith.addi %rem3A, %select_n3A : i32
      %select_n3A_70 = arith.select %and3A, %add3A_69, %rem3A : i32
      %mul3A_71 = arith.constant 16 : i32
      %mul3A_72 = arith.muli %select_n3A_70, %mul3A_71 : i32
      %add3A_73 = arith.constant 10000 : i32
      %add3A_74 = arith.addi %add3A_73, %mul3A_72 : i32
      %add3A_75 = vector.broadcast %add3A_74 : i32 to vector<16xi32>
      %add3A_76 = arith.addi %add3A_75, %iota3A : vector<16xi32>
      %select_n3A_77 = arith.select %xor3A, %get3A_51, %add3A_76 : vector<16xi1>, vector<16xi32>
      %swap3A = arith.index_cast %add3A_45 : i32 to index
      %swap3A_78 = arith.constant 0 : index
      %swap3A_79 = tpu.vector_load %arg12[%swap3A, %swap3A_78] {strides = array<i32>} : memref<125x80xi32, #tpu.memory_space<vmem>>, vector<16xi32>,
      tpu.vector_store %arg12[%swap3A, %swap3A_78], %select_n3A_77 {strides = array<i32>} : memref<125x80xi32, #tpu.memory_space<vmem>>, vector<16xi32>,
      %get3A_80 = arith.index_cast %add3A_45 : i32 to index
      %get3A_81 = arith.constant 16 : index
      %get3A_82 = tpu.vector_load %arg10[%get3A_80, %get3A_81] {strides = array<i32>} : memref<125x80xi32, #tpu.memory_space<vmem>>, vector<16xi32>,
      %get3A_83 = arith.index_cast %add3A_45 : i32 to index
      %get3A_84 = arith.constant 16 : index
      %get3A_85 = tpu.vector_load %arg11[%get3A_83, %get3A_84] {strides = array<i32>} : memref<125x80xi32, #tpu.memory_space<vmem>>, vector<16xi32>,
      %gather3A_86 = tpu.vector_load_idx %arg15[%get3A_82] : memref<10000xf32, #tpu.memory_space<vmem>>[vector<16xi32>], vector<16xf32>,
      %gather3A_87 = tpu.vector_load_idx %arg16[%get3A_85] : memref<10000xf32, #tpu.memory_space<vmem>>[vector<16xi32>], vector<16xf32>,
      %add3A_88 = arith.addf %gather3A_86, %gather3A_87 : vector<16xf32>
      %gt3A_89 = arith.constant 0.000000e+00 : f32
      %gt3A_90 = vector.broadcast %gt3A_89 : f32 to vector<16xf32>
      %gt3A_91 = arith.cmpf ogt, %add3A_88, %gt3A_90 : vector<16xf32>
      %xor3A_92 = arith.xori %gt3A_91, %gt3A_9 : vector<16xi1>
      %mul3A_93 = arith.constant 5 : i32
      %mul3A_94 = arith.muli %add3A_45, %mul3A_93 : i32
      %add3A_95 = arith.constant 1 : i32
      %add3A_96 = arith.addi %mul3A_94, %add3A_95 : i32
      %jit3A_97 = arith.constant 32 : i32
      %eq3A_98 = arith.constant 0 : i32
      %eq3A_99 = arith.cmpi eq, %jit3A_97, %eq3A_98 : i32
      %jit3A_100 = arith.constant 1 : i32
      %select_n3A_101 = arith.select %eq3A_99, %jit3A_100, %jit3A_97 : i32
      %rem3A_102 = arith.remsi %add3A_96, %select_n3A_101 : i32
      %ne3A_103 = arith.constant 0 : i32
      %ne3A_104 = arith.cmpi ne, %rem3A_102, %ne3A_103 : i32
      %lt3A_105 = arith.constant 0 : i32
      %lt3A_106 = arith.cmpi slt, %rem3A_102, %lt3A_105 : i32
      %lt3A_107 = arith.constant 0 : i32
      %lt3A_108 = arith.cmpi slt, %select_n3A_101, %lt3A_107 : i32
      %ne3A_109 = arith.xori %lt3A_106, %lt3A_108 : i1
      %and3A_110 = arith.andi %ne3A_109, %ne3A_104 : i1
      %add3A_111 = arith.addi %rem3A_102, %select_n3A_101 : i32
      %select_n3A_112 = arith.select %and3A_110, %add3A_111, %rem3A_102 : i32
      %mul3A_113 = arith.constant 16 : i32
      %mul3A_114 = arith.muli %select_n3A_112, %mul3A_113 : i32
      %add3A_115 = arith.constant 10000 : i32
      %add3A_116 = arith.addi %add3A_115, %mul3A_114 : i32
      %add3A_117 = vector.broadcast %add3A_116 : i32 to vector<16xi32>
      %add3A_118 = arith.addi %add3A_117, %iota3A : vector<16xi32>
      %select_n3A_119 = arith.select %xor3A_92, %get3A_85, %add3A_118 : vector<16xi1>, vector<16xi32>
      %swap3A_120 = arith.index_cast %add3A_45 : i32 to index
      %swap3A_121 = arith.constant 16 : index
      %swap3A_122 = tpu.vector_load %arg12[%swap3A_120, %swap3A_121] {strides = array<i32>} : memref<125x80xi32, #tpu.memory_space<vmem>>, vector<16xi32>,
      tpu.vector_store %arg12[%swap3A_120, %swap3A_121], %select_n3A_119 {strides = array<i32>} : memref<125x80xi32, #tpu.memory_space<vmem>>, vector<16xi32>,
      %get3A_123 = arith.index_cast %add3A_45 : i32 to index
      %get3A_124 = arith.constant 32 : index
      %get3A_125 = tpu.vector_load %arg10[%get3A_123, %get3A_124] {strides = array<i32>} : memref<125x80xi32, #tpu.memory_space<vmem>>, vector<16xi32>,
      %get3A_126 = arith.index_cast %add3A_45 : i32 to index
      %get3A_127 = arith.constant 32 : index
      %get3A_128 = tpu.vector_load %arg11[%get3A_126, %get3A_127] {strides = array<i32>} : memref<125x80xi32, #tpu.memory_space<vmem>>, vector<16xi32>,
      %gather3A_129 = tpu.vector_load_idx %arg15[%get3A_125] : memref<10000xf32, #tpu.memory_space<vmem>>[vector<16xi32>], vector<16xf32>,
      %gather3A_130 = tpu.vector_load_idx %arg16[%get3A_128] : memref<10000xf32, #tpu.memory_space<vmem>>[vector<16xi32>], vector<16xf32>,
      %add3A_131 = arith.addf %gather3A_129, %gather3A_130 : vector<16xf32>
      %gt3A_132 = arith.constant 0.000000e+00 : f32
      %gt3A_133 = vector.broadcast %gt3A_132 : f32 to vector<16xf32>
      %gt3A_134 = arith.cmpf ogt, %add3A_131, %gt3A_133 : vector<16xf32>
      %xor3A_135 = arith.xori %gt3A_134, %gt3A_9 : vector<16xi1>
      %mul3A_136 = arith.constant 5 : i32
      %mul3A_137 = arith.muli %add3A_45, %mul3A_136 : i32
      %add3A_138 = arith.constant 2 : i32
      %add3A_139 = arith.addi %mul3A_137, %add3A_138 : i32
      %jit3A_140 = arith.constant 32 : i32
      %eq3A_141 = arith.constant 0 : i32
      %eq3A_142 = arith.cmpi eq, %jit3A_140, %eq3A_141 : i32
      %jit3A_143 = arith.constant 1 : i32
      %select_n3A_144 = arith.select %eq3A_142, %jit3A_143, %jit3A_140 : i32
      %rem3A_145 = arith.remsi %add3A_139, %select_n3A_144 : i32
      %ne3A_146 = arith.constant 0 : i32
      %ne3A_147 = arith.cmpi ne, %rem3A_145, %ne3A_146 : i32
      %lt3A_148 = arith.constant 0 : i32
      %lt3A_149 = arith.cmpi slt, %rem3A_145, %lt3A_148 : i32
      %lt3A_150 = arith.constant 0 : i32
      %lt3A_151 = arith.cmpi slt, %select_n3A_144, %lt3A_150 : i32
      %ne3A_152 = arith.xori %lt3A_149, %lt3A_151 : i1
      %and3A_153 = arith.andi %ne3A_152, %ne3A_147 : i1
      %add3A_154 = arith.addi %rem3A_145, %select_n3A_144 : i32
      %select_n3A_155 = arith.select %and3A_153, %add3A_154, %rem3A_145 : i32
      %mul3A_156 = arith.constant 16 : i32
      %mul3A_157 = arith.muli %select_n3A_155, %mul3A_156 : i32
      %add3A_158 = arith.constant 10000 : i32
      %add3A_159 = arith.addi %add3A_158, %mul3A_157 : i32
      %add3A_160 = vector.broadcast %add3A_159 : i32 to vector<16xi32>
      %add3A_161 = arith.addi %add3A_160, %iota3A : vector<16xi32>
      %select_n3A_162 = arith.select %xor3A_135, %get3A_128, %add3A_161 : vector<16xi1>, vector<16xi32>
      %swap3A_163 = arith.index_cast %add3A_45 : i32 to index
      %swap3A_164 = arith.constant 32 : index
      %swap3A_165 = tpu.vector_load %arg12[%swap3A_163, %swap3A_164] {strides = array<i32>} : memref<125x80xi32, #tpu.memory_space<vmem>>, vector<16xi32>,
      tpu.vector_store %arg12[%swap3A_163, %swap3A_164], %select_n3A_162 {strides = array<i32>} : memref<125x80xi32, #tpu.memory_space<vmem>>, vector<16xi32>,
      %get3A_166 = arith.index_cast %add3A_45 : i32 to index
      %get3A_167 = arith.constant 48 : index
      %get3A_168 = tpu.vector_load %arg10[%get3A_166, %get3A_167] {strides = array<i32>} : memref<125x80xi32, #tpu.memory_space<vmem>>, vector<16xi32>,
      %get3A_169 = arith.index_cast %add3A_45 : i32 to index
      %get3A_170 = arith.constant 48 : index
      %get3A_171 = tpu.vector_load %arg11[%get3A_169, %get3A_170] {strides = array<i32>} : memref<125x80xi32, #tpu.memory_space<vmem>>, vector<16xi32>,
      %gather3A_172 = tpu.vector_load_idx %arg15[%get3A_168] : memref<10000xf32, #tpu.memory_space<vmem>>[vector<16xi32>], vector<16xf32>,
      %gather3A_173 = tpu.vector_load_idx %arg16[%get3A_171] : memref<10000xf32, #tpu.memory_space<vmem>>[vector<16xi32>], vector<16xf32>,
      %add3A_174 = arith.addf %gather3A_172, %gather3A_173 : vector<16xf32>
      %gt3A_175 = arith.constant 0.000000e+00 : f32
      %gt3A_176 = vector.broadcast %gt3A_175 : f32 to vector<16xf32>
      %gt3A_177 = arith.cmpf ogt, %add3A_174, %gt3A_176 : vector<16xf32>
      %xor3A_178 = arith.xori %gt3A_177, %gt3A_9 : vector<16xi1>
      %mul3A_179 = arith.constant 5 : i32
      %mul3A_180 = arith.muli %add3A_45, %mul3A_179 : i32
      %add3A_181 = arith.constant 3 : i32
      %add3A_182 = arith.addi %mul3A_180, %add3A_181 : i32
      %jit3A_183 = arith.constant 32 : i32
      %eq3A_184 = arith.constant 0 : i32
      %eq3A_185 = arith.cmpi eq, %jit3A_183, %eq3A_184 : i32
      %jit3A_186 = arith.constant 1 : i32
      %select_n3A_187 = arith.select %eq3A_185, %jit3A_186, %jit3A_183 : i32
      %rem3A_188 = arith.remsi %add3A_182, %select_n3A_187 : i32
      %ne3A_189 = arith.constant 0 : i32
      %ne3A_190 = arith.cmpi ne, %rem3A_188, %ne3A_189 : i32
      %lt3A_191 = arith.constant 0 : i32
      %lt3A_192 = arith.cmpi slt, %rem3A_188, %lt3A_191 : i32
      %lt3A_193 = arith.constant 0 : i32
      %lt3A_194 = arith.cmpi slt, %select_n3A_187, %lt3A_193 : i32
      %ne3A_195 = arith.xori %lt3A_192, %lt3A_194 : i1
      %and3A_196 = arith.andi %ne3A_195, %ne3A_190 : i1
      %add3A_197 = arith.addi %rem3A_188, %select_n3A_187 : i32
      %select_n3A_198 = arith.select %and3A_196, %add3A_197, %rem3A_188 : i32
      %mul3A_199 = arith.constant 16 : i32
      %mul3A_200 = arith.muli %select_n3A_198, %mul3A_199 : i32
      %add3A_201 = arith.constant 10000 : i32
      %add3A_202 = arith.addi %add3A_201, %mul3A_200 : i32
      %add3A_203 = vector.broadcast %add3A_202 : i32 to vector<16xi32>
      %add3A_204 = arith.addi %add3A_203, %iota3A : vector<16xi32>
      %select_n3A_205 = arith.select %xor3A_178, %get3A_171, %add3A_204 : vector<16xi1>, vector<16xi32>
      %swap3A_206 = arith.index_cast %add3A_45 : i32 to index
      %swap3A_207 = arith.constant 48 : index
      %swap3A_208 = tpu.vector_load %arg12[%swap3A_206, %swap3A_207] {strides = array<i32>} : memref<125x80xi32, #tpu.memory_space<vmem>>, vector<16xi32>,
      tpu.vector_store %arg12[%swap3A_206, %swap3A_207], %select_n3A_205 {strides = array<i32>} : memref<125x80xi32, #tpu.memory_space<vmem>>, vector<16xi32>,
      %get3A_209 = arith.index_cast %add3A_45 : i32 to index
      %get3A_210 = arith.constant 64 : index
      %get3A_211 = tpu.vector_load %arg10[%get3A_209, %get3A_210] {strides = array<i32>} : memref<125x80xi32, #tpu.memory_space<vmem>>, vector<16xi32>,
      %get3A_212 = arith.index_cast %add3A_45 : i32 to index
      %get3A_213 = arith.constant 64 : index
      %get3A_214 = tpu.vector_load %arg11[%get3A_212, %get3A_213] {strides = array<i32>} : memref<125x80xi32, #tpu.memory_space<vmem>>, vector<16xi32>,
      %gather3A_215 = tpu.vector_load_idx %arg15[%get3A_211] : memref<10000xf32, #tpu.memory_space<vmem>>[vector<16xi32>], vector<16xf32>,
      %gather3A_216 = tpu.vector_load_idx %arg16[%get3A_214] : memref<10000xf32, #tpu.memory_space<vmem>>[vector<16xi32>], vector<16xf32>,
      %add3A_217 = arith.addf %gather3A_215, %gather3A_216 : vector<16xf32>
      %gt3A_218 = arith.constant 0.000000e+00 : f32
      %gt3A_219 = vector.broadcast %gt3A_218 : f32 to vector<16xf32>
      %gt3A_220 = arith.cmpf ogt, %add3A_217, %gt3A_219 : vector<16xf32>
      %xor3A_221 = arith.xori %gt3A_220, %gt3A_9 : vector<16xi1>
      %mul3A_222 = arith.constant 5 : i32
      %mul3A_223 = arith.muli %add3A_45, %mul3A_222 : i32
      %add3A_224 = arith.constant 4 : i32
      %add3A_225 = arith.addi %mul3A_223, %add3A_224 : i32
      %jit3A_226 = arith.constant 32 : i32
      %eq3A_227 = arith.constant 0 : i32
      %eq3A_228 = arith.cmpi eq, %jit3A_226, %eq3A_227 : i32
      %jit3A_229 = arith.constant 1 : i32
      %select_n3A_230 = arith.select %eq3A_228, %jit3A_229, %jit3A_226 : i32
      %rem3A_231 = arith.remsi %add3A_225, %select_n3A_230 : i32
      %ne3A_232 = arith.constant 0 : i32
      %ne3A_233 = arith.cmpi ne, %rem3A_231, %ne3A_232 : i32
      %lt3A_234 = arith.constant 0 : i32
      %lt3A_235 = arith.cmpi slt, %rem3A_231, %lt3A_234 : i32
      %lt3A_236 = arith.constant 0 : i32
      %lt3A_237 = arith.cmpi slt, %select_n3A_230, %lt3A_236 : i32
      %ne3A_238 = arith.xori %lt3A_235, %lt3A_237 : i1
      %and3A_239 = arith.andi %ne3A_238, %ne3A_233 : i1
      %add3A_240 = arith.addi %rem3A_231, %select_n3A_230 : i32
      %select_n3A_241 = arith.select %and3A_239, %add3A_240, %rem3A_231 : i32
      %mul3A_242 = arith.constant 16 : i32
      %mul3A_243 = arith.muli %select_n3A_241, %mul3A_242 : i32
      %add3A_244 = arith.constant 10000 : i32
      %add3A_245 = arith.addi %add3A_244, %mul3A_243 : i32
      %add3A_246 = vector.broadcast %add3A_245 : i32 to vector<16xi32>
      %add3A_247 = arith.addi %add3A_246, %iota3A : vector<16xi32>
      %select_n3A_248 = arith.select %xor3A_221, %get3A_214, %add3A_247 : vector<16xi1>, vector<16xi32>
      %swap3A_249 = arith.index_cast %add3A_45 : i32 to index
      %swap3A_250 = arith.constant 64 : index
      %swap3A_251 = tpu.vector_load %arg12[%swap3A_249, %swap3A_250] {strides = array<i32>} : memref<125x80xi32, #tpu.memory_space<vmem>>, vector<16xi32>,
      tpu.vector_store %arg12[%swap3A_249, %swap3A_250], %select_n3A_248 {strides = array<i32>} : memref<125x80xi32, #tpu.memory_space<vmem>>, vector<16xi32>,
    }
    %scan3A_13 = arith.constant 125 : i32
    %barrier3A = arith.constant 0 : index
    tpu.barrier barrier_id(%barrier3A)
    %dma_start3A = arith.constant 0 : i32
    %dma_start3A_14 = arith.constant 0 : i32
    %dma_start3A_15 = tpu.memref_slice %arg10[%dma_start3A, %dma_start3A_14] : memref<125x80xi32, #tpu.memory_space<vmem>> -> memref<1x80xi32, #tpu.memory_space<vmem>>
    %dma_start3A_16 = tpu.memref_squeeze %dma_start3A_15 : memref<1x80xi32, #tpu.memory_space<vmem>> -> memref<80xi32, #tpu.memory_space<vmem>>
    %dma_start3A_17 = arith.constant 0 : i32
    %dma_start3A_18 = arith.constant 0 : i32
    %dma_start3A_19 = tpu.memref_slice %arg2[%dma_start3A_17, %dma_start3A_18] : memref<10000x80xf32, #tpu.memory_space<hbm>> -> memref<10000x80xf32, #tpu.memory_space<hbm>>
    tpu.enqueue_indirect_dma source(%dma_start3A_19 : memref<10000x80xf32, #tpu.memory_space<hbm>>) target(%arg13 : memref<80x80xf32, #tpu.memory_space<vmem>>) offsets(%dma_start3A_16 : memref<80xi32, #tpu.memory_space<vmem>>) semaphore(%arg19 : memref<!tpu.dma_semaphore, #tpu.memory_space<semaphore_mem>>)
    %scan3A_20 = arith.constant 0 : i32
    %scan3A_21 = arith.constant 62 : i32
    %scan3A_22 = arith.addi %scan3A_20, %scan3A_21 : i32
    %scan3A_23 = arith.constant 1 : i32
    scf.for %scan3A_41 = %scan3A_20 to %scan3A_22 step %scan3A_23  : i32 {
      %mul3A_42 = arith.constant 2 : i32
      %mul3A_43 = arith.muli %scan3A_41, %mul3A_42 : i32
      %add3A_44 = arith.constant 0 : i32
      %add3A_45 = arith.addi %add3A_44, %mul3A_43 : i32
      %dma_wait3A_46 = arith.constant 0 : i32
      %dma_wait3A_47 = tpu.memref_slice %arg10[%add3A_45, %dma_wait3A_46] : memref<125x80xi32, #tpu.memory_space<vmem>> -> memref<1x80xi32, #tpu.memory_space<vmem>>
      %dma_wait3A_48 = tpu.memref_squeeze %dma_wait3A_47 : memref<1x80xi32, #tpu.memory_space<vmem>> -> memref<80xi32, #tpu.memory_space<vmem>>
      %dma_wait3A_49 = arith.constant 0 : i32
      %dma_wait3A_50 = arith.constant 0 : i32
      %dma_wait3A_51 = tpu.memref_slice %arg2[%dma_wait3A_49, %dma_wait3A_50] : memref<10000x80xf32, #tpu.memory_space<hbm>> -> memref<10000x80xf32, #tpu.memory_space<hbm>>
      tpu.wait_indirect_dma semaphore(%arg19 : memref<!tpu.dma_semaphore, #tpu.memory_space<semaphore_mem>>) src(%dma_wait3A_51 : memref<10000x80xf32, #tpu.memory_space<hbm>>) dst(%arg13 : memref<80x80xf32, #tpu.memory_space<vmem>>)
      %add3A_52 = arith.constant 1 : i32
      %add3A_53 = arith.addi %add3A_45, %add3A_52 : i32
      %dma_start3A_54 = arith.constant 0 : i32
      %dma_start3A_55 = tpu.memref_slice %arg10[%add3A_53, %dma_start3A_54] : memref<125x80xi32, #tpu.memory_space<vmem>> -> memref<1x80xi32, #tpu.memory_space<vmem>>
      %dma_start3A_56 = tpu.memref_squeeze %dma_start3A_55 : memref<1x80xi32, #tpu.memory_space<vmem>> -> memref<80xi32, #tpu.memory_space<vmem>>
      %dma_start3A_57 = arith.constant 0 : i32
      %dma_start3A_58 = arith.constant 0 : i32
      %dma_start3A_59 = tpu.memref_slice %arg2[%dma_start3A_57, %dma_start3A_58] : memref<10000x80xf32, #tpu.memory_space<hbm>> -> memref<10000x80xf32, #tpu.memory_space<hbm>>
      tpu.enqueue_indirect_dma source(%dma_start3A_59 : memref<10000x80xf32, #tpu.memory_space<hbm>>) target(%arg14 : memref<80x80xf32, #tpu.memory_space<vmem>>) offsets(%dma_start3A_56 : memref<80xi32, #tpu.memory_space<vmem>>) semaphore(%arg20 : memref<!tpu.dma_semaphore, #tpu.memory_space<semaphore_mem>>)
      "tpu.region"() ({
        %run_scoped3A_78 = tpu.sem_alloc : memref<!tpu.dma_semaphore, #tpu.memory_space<semaphore_mem>>
        %dma_start3A_79 = arith.constant 0 : i32
        %dma_start3A_80 = tpu.memref_slice %arg12[%add3A_45, %dma_start3A_79] : memref<125x80xi32, #tpu.memory_space<vmem>> -> memref<1x80xi32, #tpu.memory_space<vmem>>
        %dma_start3A_81 = tpu.memref_squeeze %dma_start3A_80 : memref<1x80xi32, #tpu.memory_space<vmem>> -> memref<80xi32, #tpu.memory_space<vmem>>
        %dma_start3A_82 = arith.constant 0 : i32
        %dma_start3A_83 = arith.constant 0 : i32
        %dma_start3A_84 = tpu.memref_slice %arg18[%dma_start3A_82, %dma_start3A_83] : memref<10512x80xf32, #tpu.memory_space<vmem_shared>> -> memref<10512x80xf32, #tpu.memory_space<vmem_shared>>
        tpu.enqueue_indirect_dma source(%arg13 : memref<80x80xf32, #tpu.memory_space<vmem>>) target(%dma_start3A_84 : memref<10512x80xf32, #tpu.memory_space<vmem_shared>>) offsets(%dma_start3A_81 : memref<80xi32, #tpu.memory_space<vmem>>) semaphore(%run_scoped3A_78 : memref<!tpu.dma_semaphore, #tpu.memory_space<semaphore_mem>>) {add = true}
        %dma_wait3A_85 = arith.constant 0 : i32
        %dma_wait3A_86 = tpu.memref_slice %arg12[%add3A_45, %dma_wait3A_85] : memref<125x80xi32, #tpu.memory_space<vmem>> -> memref<1x80xi32, #tpu.memory_space<vmem>>
        %dma_wait3A_87 = tpu.memref_squeeze %dma_wait3A_86 : memref<1x80xi32, #tpu.memory_space<vmem>> -> memref<80xi32, #tpu.memory_space<vmem>>
        %dma_wait3A_88 = arith.constant 0 : i32
        %dma_wait3A_89 = arith.constant 0 : i32
        %dma_wait3A_90 = tpu.memref_slice %arg18[%dma_wait3A_88, %dma_wait3A_89] : memref<10512x80xf32, #tpu.memory_space<vmem_shared>> -> memref<10512x80xf32, #tpu.memory_space<vmem_shared>>
        tpu.wait_indirect_dma semaphore(%run_scoped3A_78 : memref<!tpu.dma_semaphore, #tpu.memory_space<semaphore_mem>>) src(%arg13 : memref<80x80xf32, #tpu.memory_space<vmem>>) dst(%dma_wait3A_90 : memref<10512x80xf32, #tpu.memory_space<vmem_shared>>)
        tpu.yield
      }) : () -> ()
      %add3A_60 = arith.constant 1 : i32
      %add3A_61 = arith.addi %add3A_45, %add3A_60 : i32
      %dma_wait3A_62 = arith.constant 0 : i32
      %dma_wait3A_63 = tpu.memref_slice %arg10[%add3A_61, %dma_wait3A_62] : memref<125x80xi32, #tpu.memory_space<vmem>> -> memref<1x80xi32, #tpu.memory_space<vmem>>
      %dma_wait3A_64 = tpu.memref_squeeze %dma_wait3A_63 : memref<1x80xi32, #tpu.memory_space<vmem>> -> memref<80xi32, #tpu.memory_space<vmem>>
      %dma_wait3A_65 = arith.constant 0 : i32
      %dma_wait3A_66 = arith.constant 0 : i32
      %dma_wait3A_67 = tpu.memref_slice %arg2[%dma_wait3A_65, %dma_wait3A_66] : memref<10000x80xf32, #tpu.memory_space<hbm>> -> memref<10000x80xf32, #tpu.memory_space<hbm>>
      tpu.wait_indirect_dma semaphore(%arg20 : memref<!tpu.dma_semaphore, #tpu.memory_space<semaphore_mem>>) src(%dma_wait3A_67 : memref<10000x80xf32, #tpu.memory_space<hbm>>) dst(%arg14 : memref<80x80xf32, #tpu.memory_space<vmem>>)
      %add3A_68 = arith.constant 2 : i32
      %add3A_69 = arith.addi %add3A_45, %add3A_68 : i32
      %dma_start3A_70 = arith.constant 0 : i32
      %dma_start3A_71 = tpu.memref_slice %arg10[%add3A_69, %dma_start3A_70] : memref<125x80xi32, #tpu.memory_space<vmem>> -> memref<1x80xi32, #tpu.memory_space<vmem>>
      %dma_start3A_72 = tpu.memref_squeeze %dma_start3A_71 : memref<1x80xi32, #tpu.memory_space<vmem>> -> memref<80xi32, #tpu.memory_space<vmem>>
      %dma_start3A_73 = arith.constant 0 : i32
      %dma_start3A_74 = arith.constant 0 : i32
      %dma_start3A_75 = tpu.memref_slice %arg2[%dma_start3A_73, %dma_start3A_74] : memref<10000x80xf32, #tpu.memory_space<hbm>> -> memref<10000x80xf32, #tpu.memory_space<hbm>>
      tpu.enqueue_indirect_dma source(%dma_start3A_75 : memref<10000x80xf32, #tpu.memory_space<hbm>>) target(%arg13 : memref<80x80xf32, #tpu.memory_space<vmem>>) offsets(%dma_start3A_72 : memref<80xi32, #tpu.memory_space<vmem>>) semaphore(%arg19 : memref<!tpu.dma_semaphore, #tpu.memory_space<semaphore_mem>>)
      %add3A_76 = arith.constant 1 : i32
      %add3A_77 = arith.addi %add3A_45, %add3A_76 : i32
      "tpu.region"() ({
        %run_scoped3A_78 = tpu.sem_alloc : memref<!tpu.dma_semaphore, #tpu.memory_space<semaphore_mem>>
        %dma_start3A_79 = arith.constant 0 : i32
        %dma_start3A_80 = tpu.memref_slice %arg12[%add3A_77, %dma_start3A_79] : memref<125x80xi32, #tpu.memory_space<vmem>> -> memref<1x80xi32, #tpu.memory_space<vmem>>
        %dma_start3A_81 = tpu.memref_squeeze %dma_start3A_80 : memref<1x80xi32, #tpu.memory_space<vmem>> -> memref<80xi32, #tpu.memory_space<vmem>>
        %dma_start3A_82 = arith.constant 0 : i32
        %dma_start3A_83 = arith.constant 0 : i32
        %dma_start3A_84 = tpu.memref_slice %arg18[%dma_start3A_82, %dma_start3A_83] : memref<10512x80xf32, #tpu.memory_space<vmem_shared>> -> memref<10512x80xf32, #tpu.memory_space<vmem_shared>>
        tpu.enqueue_indirect_dma source(%arg14 : memref<80x80xf32, #tpu.memory_space<vmem>>) target(%dma_start3A_84 : memref<10512x80xf32, #tpu.memory_space<vmem_shared>>) offsets(%dma_start3A_81 : memref<80xi32, #tpu.memory_space<vmem>>) semaphore(%run_scoped3A_78 : memref<!tpu.dma_semaphore, #tpu.memory_space<semaphore_mem>>) {add = true}
        %dma_wait3A_85 = arith.constant 0 : i32
        %dma_wait3A_86 = tpu.memref_slice %arg12[%add3A_77, %dma_wait3A_85] : memref<125x80xi32, #tpu.memory_space<vmem>> -> memref<1x80xi32, #tpu.memory_space<vmem>>
        %dma_wait3A_87 = tpu.memref_squeeze %dma_wait3A_86 : memref<1x80xi32, #tpu.memory_space<vmem>> -> memref<80xi32, #tpu.memory_space<vmem>>
        %dma_wait3A_88 = arith.constant 0 : i32
        %dma_wait3A_89 = arith.constant 0 : i32
        %dma_wait3A_90 = tpu.memref_slice %arg18[%dma_wait3A_88, %dma_wait3A_89] : memref<10512x80xf32, #tpu.memory_space<vmem_shared>> -> memref<10512x80xf32, #tpu.memory_space<vmem_shared>>
        tpu.wait_indirect_dma semaphore(%run_scoped3A_78 : memref<!tpu.dma_semaphore, #tpu.memory_space<semaphore_mem>>) src(%arg14 : memref<80x80xf32, #tpu.memory_space<vmem>>) dst(%dma_wait3A_90 : memref<10512x80xf32, #tpu.memory_space<vmem_shared>>)
        tpu.yield
      }) : () -> ()
    }
    %scan3A_24 = arith.constant 62 : i32
    %dma_wait3A = arith.constant 124 : i32
    %dma_wait3A_25 = arith.constant 0 : i32
    %dma_wait3A_26 = tpu.memref_slice %arg10[%dma_wait3A, %dma_wait3A_25] : memref<125x80xi32, #tpu.memory_space<vmem>> -> memref<1x80xi32, #tpu.memory_space<vmem>>
    %dma_wait3A_27 = tpu.memref_squeeze %dma_wait3A_26 : memref<1x80xi32, #tpu.memory_space<vmem>> -> memref<80xi32, #tpu.memory_space<vmem>>
    %dma_wait3A_28 = arith.constant 0 : i32
    %dma_wait3A_29 = arith.constant 0 : i32
    %dma_wait3A_30 = tpu.memref_slice %arg2[%dma_wait3A_28, %dma_wait3A_29] : memref<10000x80xf32, #tpu.memory_space<hbm>> -> memref<10000x80xf32, #tpu.memory_space<hbm>>
    tpu.wait_indirect_dma semaphore(%arg19 : memref<!tpu.dma_semaphore, #tpu.memory_space<semaphore_mem>>) src(%dma_wait3A_30 : memref<10000x80xf32, #tpu.memory_space<hbm>>) dst(%arg13 : memref<80x80xf32, #tpu.memory_space<vmem>>)
    %run_scoped3A = arith.constant 124 : i32
    "tpu.region"() ({
      %run_scoped3A_41 = tpu.sem_alloc : memref<!tpu.dma_semaphore, #tpu.memory_space<semaphore_mem>>
      %dma_start3A_42 = arith.constant 0 : i32
      %dma_start3A_43 = tpu.memref_slice %arg12[%run_scoped3A, %dma_start3A_42] : memref<125x80xi32, #tpu.memory_space<vmem>> -> memref<1x80xi32, #tpu.memory_space<vmem>>
      %dma_start3A_44 = tpu.memref_squeeze %dma_start3A_43 : memref<1x80xi32, #tpu.memory_space<vmem>> -> memref<80xi32, #tpu.memory_space<vmem>>
      %dma_start3A_45 = arith.constant 0 : i32
      %dma_start3A_46 = arith.constant 0 : i32
      %dma_start3A_47 = tpu.memref_slice %arg18[%dma_start3A_45, %dma_start3A_46] : memref<10512x80xf32, #tpu.memory_space<vmem_shared>> -> memref<10512x80xf32, #tpu.memory_space<vmem_shared>>
      tpu.enqueue_indirect_dma source(%arg13 : memref<80x80xf32, #tpu.memory_space<vmem>>) target(%dma_start3A_47 : memref<10512x80xf32, #tpu.memory_space<vmem_shared>>) offsets(%dma_start3A_44 : memref<80xi32, #tpu.memory_space<vmem>>) semaphore(%run_scoped3A_41 : memref<!tpu.dma_semaphore, #tpu.memory_space<semaphore_mem>>) {add = true}
      %dma_wait3A_48 = arith.constant 0 : i32
      %dma_wait3A_49 = tpu.memref_slice %arg12[%run_scoped3A, %dma_wait3A_48] : memref<125x80xi32, #tpu.memory_space<vmem>> -> memref<1x80xi32, #tpu.memory_space<vmem>>
      %dma_wait3A_50 = tpu.memref_squeeze %dma_wait3A_49 : memref<1x80xi32, #tpu.memory_space<vmem>> -> memref<80xi32, #tpu.memory_space<vmem>>
      %dma_wait3A_51 = arith.constant 0 : i32
      %dma_wait3A_52 = arith.constant 0 : i32
      %dma_wait3A_53 = tpu.memref_slice %arg18[%dma_wait3A_51, %dma_wait3A_52] : memref<10512x80xf32, #tpu.memory_space<vmem_shared>> -> memref<10512x80xf32, #tpu.memory_space<vmem_shared>>
      tpu.wait_indirect_dma semaphore(%run_scoped3A_41 : memref<!tpu.dma_semaphore, #tpu.memory_space<semaphore_mem>>) src(%arg13 : memref<80x80xf32, #tpu.memory_space<vmem>>) dst(%dma_wait3A_53 : memref<10512x80xf32, #tpu.memory_space<vmem_shared>>)
      tpu.yield
    }) : () -> ()
    %barrier3A_31 = arith.constant 0 : index
    tpu.barrier barrier_id(%barrier3A_31)
    %mul3A_32 = arith.constant 656 : i32
    %mul3A_33 = arith.muli %arg1, %mul3A_32 : i32
    %mul3A_34 = arith.constant 656 : i32
    %mul3A_35 = arith.muli %arg1, %mul3A_34 : i32
    "tpu.region"() ({
      %run_scoped3A_41 = tpu.sem_alloc : memref<!tpu.dma_semaphore, #tpu.memory_space<semaphore_mem>>
      %dma_start3A_42 = arith.constant 0 : i32
      %dma_start3A_43 = arith.constant 0 : i32
      %dma_start3A_44 = tpu.memref_slice %arg9[%arg0, %dma_start3A_42, %dma_start3A_43] : memref<2x10512x80xf32, #tpu.memory_space<hbm>> -> memref<1x10512x80xf32, #tpu.memory_space<hbm>>
      %dma_start3A_45 = tpu.memref_squeeze %dma_start3A_44 : memref<1x10512x80xf32, #tpu.memory_space<hbm>> -> memref<10512x80xf32, #tpu.memory_space<hbm>>
      %dma_start3A_46 = arith.constant 0 : i32
      %dma_start3A_47 = tpu.memref_slice %dma_start3A_45[%mul3A_35, %dma_start3A_46] : memref<10512x80xf32, #tpu.memory_space<hbm>> -> memref<656x80xf32, #tpu.memory_space<hbm>>
      %dma_start3A_48 = arith.constant 0 : i32
      %dma_start3A_49 = tpu.memref_slice %arg18[%mul3A_33, %dma_start3A_48] : memref<10512x80xf32, #tpu.memory_space<vmem_shared>> -> memref<656x80xf32, #tpu.memory_space<vmem_shared>>
      tpu.enqueue_dma source(%dma_start3A_49 : memref<656x80xf32, #tpu.memory_space<vmem_shared>>) target(%dma_start3A_47 : memref<656x80xf32, #tpu.memory_space<hbm>>) target_semaphore(%run_scoped3A_41 : memref<!tpu.dma_semaphore, #tpu.memory_space<semaphore_mem>>)
      %dma_wait3A_50 = arith.constant 0 : i32
      %dma_wait3A_51 = arith.constant 0 : i32
      %dma_wait3A_52 = tpu.memref_slice %arg9[%arg0, %dma_wait3A_50, %dma_wait3A_51] : memref<2x10512x80xf32, #tpu.memory_space<hbm>> -> memref<1x10512x80xf32, #tpu.memory_space<hbm>>
      %dma_wait3A_53 = tpu.memref_squeeze %dma_wait3A_52 : memref<1x10512x80xf32, #tpu.memory_space<hbm>> -> memref<10512x80xf32, #tpu.memory_space<hbm>>
      %dma_wait3A_54 = arith.constant 0 : i32
      %dma_wait3A_55 = tpu.memref_slice %dma_wait3A_53[%mul3A_35, %dma_wait3A_54] : memref<10512x80xf32, #tpu.memory_space<hbm>> -> memref<656x80xf32, #tpu.memory_space<hbm>>
      %dma_wait3A_56 = arith.constant 0 : i32
      %dma_wait3A_57 = tpu.memref_slice %arg18[%mul3A_33, %dma_wait3A_56] : memref<10512x80xf32, #tpu.memory_space<vmem_shared>> -> memref<656x80xf32, #tpu.memory_space<vmem_shared>>
      tpu.wait_dma2 semaphore(%run_scoped3A_41 : memref<!tpu.dma_semaphore, #tpu.memory_space<semaphore_mem>>) src(%dma_wait3A_57 : memref<656x80xf32, #tpu.memory_space<vmem_shared>>) dst(%dma_wait3A_55 : memref<656x80xf32, #tpu.memory_space<hbm>>)
      tpu.yield
    }) : () -> ()
    %eq3A_36 = arith.constant 0 : i32
    %eq3A_37 = arith.cmpi eq, %arg1, %eq3A_36 : i32
    %convert_element_type3A_38 = arith.extui %eq3A_37 : i1 to i32
    %cond3A_39 = arith.constant 0 : i32
    %cond3A_40 = arith.cmpi ne, %convert_element_type3A_38, %cond3A_39 : i32
    scf.if %cond3A_40 {
      "tpu.region"() ({
        %run_scoped3A_41 = tpu.sem_alloc : memref<!tpu.dma_semaphore, #tpu.memory_space<semaphore_mem>>
        %dma_start3A_42 = arith.constant 0 : i32
        %dma_start3A_43 = arith.constant 0 : i32
        %dma_start3A_44 = tpu.memref_slice %arg9[%arg0, %dma_start3A_42, %dma_start3A_43] : memref<2x10512x80xf32, #tpu.memory_space<hbm>> -> memref<1x10512x80xf32, #tpu.memory_space<hbm>>
        %dma_start3A_45 = tpu.memref_squeeze %dma_start3A_44 : memref<1x10512x80xf32, #tpu.memory_space<hbm>> -> memref<10512x80xf32, #tpu.memory_space<hbm>>
        %dma_start3A_46 = arith.constant 10496 : i32
        %dma_start3A_47 = arith.constant 0 : i32
        %dma_start3A_48 = tpu.memref_slice %dma_start3A_45[%dma_start3A_46, %dma_start3A_47] : memref<10512x80xf32, #tpu.memory_space<hbm>> -> memref<16x80xf32, #tpu.memory_space<hbm>>
        %dma_start3A_49 = arith.constant 10496 : i32
        %dma_start3A_50 = arith.constant 0 : i32
        %dma_start3A_51 = tpu.memref_slice %arg18[%dma_start3A_49, %dma_start3A_50] : memref<10512x80xf32, #tpu.memory_space<vmem_shared>> -> memref<16x80xf32, #tpu.memory_space<vmem_shared>>
        tpu.enqueue_dma source(%dma_start3A_51 : memref<16x80xf32, #tpu.memory_space<vmem_shared>>) target(%dma_start3A_48 : memref<16x80xf32, #tpu.memory_space<hbm>>) target_semaphore(%run_scoped3A_41 : memref<!tpu.dma_semaphore, #tpu.memory_space<semaphore_mem>>)
        %dma_wait3A_52 = arith.constant 0 : i32
        %dma_wait3A_53 = arith.constant 0 : i32
        %dma_wait3A_54 = tpu.memref_slice %arg9[%arg0, %dma_wait3A_52, %dma_wait3A_53] : memref<2x10512x80xf32, #tpu.memory_space<hbm>> -> memref<1x10512x80xf32, #tpu.memory_space<hbm>>
        %dma_wait3A_55 = tpu.memref_squeeze %dma_wait3A_54 : memref<1x10512x80xf32, #tpu.memory_space<hbm>> -> memref<10512x80xf32, #tpu.memory_space<hbm>>
        %dma_wait3A_56 = arith.constant 10496 : i32
        %dma_wait3A_57 = arith.constant 0 : i32
        %dma_wait3A_58 = tpu.memref_slice %dma_wait3A_55[%dma_wait3A_56, %dma_wait3A_57] : memref<10512x80xf32, #tpu.memory_space<hbm>> -> memref<16x80xf32, #tpu.memory_space<hbm>>
        %dma_wait3A_59 = arith.constant 10496 : i32
        %dma_wait3A_60 = arith.constant 0 : i32
        %dma_wait3A_61 = tpu.memref_slice %arg18[%dma_wait3A_59, %dma_wait3A_60] : memref<10512x80xf32, #tpu.memory_space<vmem_shared>> -> memref<16x80xf32, #tpu.memory_space<vmem_shared>>
        tpu.wait_dma2 semaphore(%run_scoped3A_41 : memref<!tpu.dma_semaphore, #tpu.memory_space<semaphore_mem>>) src(%dma_wait3A_61 : memref<16x80xf32, #tpu.memory_space<vmem_shared>>) dst(%dma_wait3A_58 : memref<16x80xf32, #tpu.memory_space<hbm>>)
        tpu.yield
      }) : () -> ()
    } else {
    }
    return
  }
}

#map = affine_map<(d0, d1) -> (0, 0)>
#map1 = affine_map<(d0, d1) -> (0)>
#map2 = affine_map<(d0, d1) -> (0, 0, 0)>
module attributes {stable_mosaic.version = 14 : i64} {
  func.func @_edge_kernel_body(%arg0: i32, %arg1: i32, %arg2: memref<10000x80xf32, #tpu.memory_space<hbm>>, %arg3: memref<10000xf32, #tpu.memory_space<hbm>>, %arg4: memref<10000xf32, #tpu.memory_space<hbm>>, %arg5: memref<16xf32, #tpu.memory_space<hbm>>, %arg6: memref<32x125x80xi32, #tpu.memory_space<hbm>>, %arg7: memref<32x125x80xi32, #tpu.memory_space<hbm>>, %arg8: memref<10512x80xf32, #tpu.memory_space<hbm>>, %arg9: memref<2x10512x80xf32, #tpu.memory_space<hbm>>, %arg10: memref<125x80xi32, #tpu.memory_space<vmem>>, %arg11: memref<125x80xi32, #tpu.memory_space<vmem>>, %arg12: memref<125x80xi32, #tpu.memory_space<vmem>>, %arg13: memref<80x80xf32, #tpu.memory_space<vmem>>, %arg14: memref<80x80xf32, #tpu.memory_space<vmem>>, %arg15: memref<10000xf32, #tpu.memory_space<vmem>>, %arg16: memref<10000xf32, #tpu.memory_space<vmem>>, %arg17: memref<16xf32, #tpu.memory_space<vmem>>, %arg18: memref<10512x80xf32, #tpu.memory_space<vmem_shared>>, %arg19: memref<!tpu.dma_semaphore, #tpu.memory_space<semaphore_mem>>, %arg20: memref<!tpu.dma_semaphore, #tpu.memory_space<semaphore_mem>>) attributes {dimension_semantics = [#tpu.dimension_semantics<core_parallel>, #tpu.dimension_semantics<subcore_parallel>], iteration_bounds = array<i64: 2, 16>, scalar_prefetch = 0 : i64, scratch_operands = 11 : i64, tpu.core_type = #tpu.core_type<sc_vector_subcore>, window_params = [{transform_indices = #map}, {transform_indices = #map1}, {transform_indices = #map1}, {transform_indices = #map1}, {transform_indices = #map2}, {transform_indices = #map2}, {transform_indices = #map}, {transform_indices = #map2}]} {
    %mul3A = arith.constant 2 : i32
    %mul3A_0 = arith.muli %arg1, %mul3A : i32
    %add3A = arith.addi %mul3A_0, %arg0 : i32
    "tpu.region"() ({
      %run_scoped3A_41 = tpu.sem_alloc : memref<!tpu.dma_semaphore, #tpu.memory_space<semaphore_mem>>
      %dma_start3A_42 = arith.constant 0 : i32
      %dma_start3A_43 = arith.constant 0 : i32
      %dma_start3A_44 = tpu.memref_slice %arg6[%add3A, %dma_start3A_42, %dma_start3A_43] : memref<32x125x80xi32, #tpu.memory_space<hbm>> -> memref<1x125x80xi32, #tpu.memory_space<hbm>>
      %dma_start3A_45 = tpu.memref_squeeze %dma_start3A_44 : memref<1x125x80xi32, #tpu.memory_space<hbm>> -> memref<125x80xi32, #tpu.memory_space<hbm>>
      %dma_start3A_46 = arith.constant 0 : i32
      %dma_start3A_47 = arith.constant 0 : i32
      %dma_start3A_48 = tpu.memref_slice %arg6[%add3A, %dma_start3A_46, %dma_start3A_47] : memref<32x125x80xi32, #tpu.memory_space<hbm>> -> memref<1x125x80xi32, #tpu.memory_space<hbm>>
      %dma_start3A_49 = tpu.memref_squeeze %dma_start3A_48 : memref<1x125x80xi32, #tpu.memory_space<hbm>> -> memref<125x80xi32, #tpu.memory_space<hbm>>
      tpu.enqueue_dma source(%dma_start3A_49 : memref<125x80xi32, #tpu.memory_space<hbm>>) target(%arg10 : memref<125x80xi32, #tpu.memory_space<vmem>>) target_semaphore(%run_scoped3A_41 : memref<!tpu.dma_semaphore, #tpu.memory_space<semaphore_mem>>)
      %dma_wait3A_50 = arith.constant 0 : i32
      %dma_wait3A_51 = arith.constant 0 : i32
      %dma_wait3A_52 = tpu.memref_slice %arg6[%add3A, %dma_wait3A_50, %dma_wait3A_51] : memref<32x125x80xi32, #tpu.memory_space<hbm>> -> memref<1x125x80xi32, #tpu.memory_space<hbm>>
      %dma_wait3A_53 = tpu.memref_squeeze %dma_wait3A_52 : memref<1x125x80xi32, #tpu.memory_space<hbm>> -> memref<125x80xi32, #tpu.memory_space<hbm>>
      %dma_wait3A_54 = arith.constant 0 : i32
      %dma_wait3A_55 = arith.constant 0 : i32
      %dma_wait3A_56 = tpu.memref_slice %arg6[%add3A, %dma_wait3A_54, %dma_wait3A_55] : memref<32x125x80xi32, #tpu.memory_space<hbm>> -> memref<1x125x80xi32, #tpu.memory_space<hbm>>
      %dma_wait3A_57 = tpu.memref_squeeze %dma_wait3A_56 : memref<1x125x80xi32, #tpu.memory_space<hbm>> -> memref<125x80xi32, #tpu.memory_space<hbm>>
      tpu.wait_dma2 semaphore(%run_scoped3A_41 : memref<!tpu.dma_semaphore, #tpu.memory_space<semaphore_mem>>) src(%dma_wait3A_57 : memref<125x80xi32, #tpu.memory_space<hbm>>) dst(%arg10 : memref<125x80xi32, #tpu.memory_space<vmem>>)
      tpu.yield
    }) : () -> ()
    "tpu.region"() ({
      %run_scoped3A_41 = tpu.sem_alloc : memref<!tpu.dma_semaphore, #tpu.memory_space<semaphore_mem>>
      %dma_start3A_42 = arith.constant 0 : i32
      %dma_start3A_43 = arith.constant 0 : i32
      %dma_start3A_44 = tpu.memref_slice %arg7[%add3A, %dma_start3A_42, %dma_start3A_43] : memref<32x125x80xi32, #tpu.memory_space<hbm>> -> memref<1x125x80xi32, #tpu.memory_space<hbm>>
      %dma_start3A_45 = tpu.memref_squeeze %dma_start3A_44 : memref<1x125x80xi32, #tpu.memory_space<hbm>> -> memref<125x80xi32, #tpu.memory_space<hbm>>
      %dma_start3A_46 = arith.constant 0 : i32
      %dma_start3A_47 = arith.constant 0 : i32
      %dma_start3A_48 = tpu.memref_slice %arg7[%add3A, %dma_start3A_46, %dma_start3A_47] : memref<32x125x80xi32, #tpu.memory_space<hbm>> -> memref<1x125x80xi32, #tpu.memory_space<hbm>>
      %dma_start3A_49 = tpu.memref_squeeze %dma_start3A_48 : memref<1x125x80xi32, #tpu.memory_space<hbm>> -> memref<125x80xi32, #tpu.memory_space<hbm>>
      tpu.enqueue_dma source(%dma_start3A_49 : memref<125x80xi32, #tpu.memory_space<hbm>>) target(%arg11 : memref<125x80xi32, #tpu.memory_space<vmem>>) target_semaphore(%run_scoped3A_41 : memref<!tpu.dma_semaphore, #tpu.memory_space<semaphore_mem>>)
      %dma_wait3A_50 = arith.constant 0 : i32
      %dma_wait3A_51 = arith.constant 0 : i32
      %dma_wait3A_52 = tpu.memref_slice %arg7[%add3A, %dma_wait3A_50, %dma_wait3A_51] : memref<32x125x80xi32, #tpu.memory_space<hbm>> -> memref<1x125x80xi32, #tpu.memory_space<hbm>>
      %dma_wait3A_53 = tpu.memref_squeeze %dma_wait3A_52 : memref<1x125x80xi32, #tpu.memory_space<hbm>> -> memref<125x80xi32, #tpu.memory_space<hbm>>
      %dma_wait3A_54 = arith.constant 0 : i32
      %dma_wait3A_55 = arith.constant 0 : i32
      %dma_wait3A_56 = tpu.memref_slice %arg7[%add3A, %dma_wait3A_54, %dma_wait3A_55] : memref<32x125x80xi32, #tpu.memory_space<hbm>> -> memref<1x125x80xi32, #tpu.memory_space<hbm>>
      %dma_wait3A_57 = tpu.memref_squeeze %dma_wait3A_56 : memref<1x125x80xi32, #tpu.memory_space<hbm>> -> memref<125x80xi32, #tpu.memory_space<hbm>>
      tpu.wait_dma2 semaphore(%run_scoped3A_41 : memref<!tpu.dma_semaphore, #tpu.memory_space<semaphore_mem>>) src(%dma_wait3A_57 : memref<125x80xi32, #tpu.memory_space<hbm>>) dst(%arg11 : memref<125x80xi32, #tpu.memory_space<vmem>>)
      tpu.yield
    }) : () -> ()
    "tpu.region"() ({
      %run_scoped3A_41 = tpu.sem_alloc : memref<!tpu.dma_semaphore, #tpu.memory_space<semaphore_mem>>
      tpu.enqueue_dma source(%arg3 : memref<10000xf32, #tpu.memory_space<hbm>>) target(%arg15 : memref<10000xf32, #tpu.memory_space<vmem>>) target_semaphore(%run_scoped3A_41 : memref<!tpu.dma_semaphore, #tpu.memory_space<semaphore_mem>>)
      tpu.wait_dma2 semaphore(%run_scoped3A_41 : memref<!tpu.dma_semaphore, #tpu.memory_space<semaphore_mem>>) src(%arg3 : memref<10000xf32, #tpu.memory_space<hbm>>) dst(%arg15 : memref<10000xf32, #tpu.memory_space<vmem>>)
      tpu.yield
    }) : () -> ()
    "tpu.region"() ({
      %run_scoped3A_41 = tpu.sem_alloc : memref<!tpu.dma_semaphore, #tpu.memory_space<semaphore_mem>>
      tpu.enqueue_dma source(%arg4 : memref<10000xf32, #tpu.memory_space<hbm>>) target(%arg16 : memref<10000xf32, #tpu.memory_space<vmem>>) target_semaphore(%run_scoped3A_41 : memref<!tpu.dma_semaphore, #tpu.memory_space<semaphore_mem>>)
      tpu.wait_dma2 semaphore(%run_scoped3A_41 : memref<!tpu.dma_semaphore, #tpu.memory_space<semaphore_mem>>) src(%arg4 : memref<10000xf32, #tpu.memory_space<hbm>>) dst(%arg16 : memref<10000xf32, #tpu.memory_space<vmem>>)
      tpu.yield
    }) : () -> ()
    "tpu.region"() ({
      %run_scoped3A_41 = tpu.sem_alloc : memref<!tpu.dma_semaphore, #tpu.memory_space<semaphore_mem>>
      tpu.enqueue_dma source(%arg5 : memref<16xf32, #tpu.memory_space<hbm>>) target(%arg17 : memref<16xf32, #tpu.memory_space<vmem>>) target_semaphore(%run_scoped3A_41 : memref<!tpu.dma_semaphore, #tpu.memory_space<semaphore_mem>>)
      tpu.wait_dma2 semaphore(%run_scoped3A_41 : memref<!tpu.dma_semaphore, #tpu.memory_space<semaphore_mem>>) src(%arg5 : memref<16xf32, #tpu.memory_space<hbm>>) dst(%arg17 : memref<16xf32, #tpu.memory_space<vmem>>)
      tpu.yield
    }) : () -> ()
    %mul3A_1 = arith.constant 656 : i32
    %mul3A_2 = arith.muli %arg1, %mul3A_1 : i32
    %mul3A_3 = arith.constant 656 : i32
    %mul3A_4 = arith.muli %arg1, %mul3A_3 : i32
    "tpu.region"() ({
      %run_scoped3A_41 = tpu.sem_alloc : memref<!tpu.dma_semaphore, #tpu.memory_space<semaphore_mem>>
      %dma_start3A_42 = arith.constant 0 : i32
      %dma_start3A_43 = tpu.memref_slice %arg18[%mul3A_4, %dma_start3A_42] : memref<10512x80xf32, #tpu.memory_space<vmem_shared>> -> memref<656x80xf32, #tpu.memory_space<vmem_shared>>
      %dma_start3A_44 = arith.constant 0 : i32
      %dma_start3A_45 = tpu.memref_slice %arg8[%mul3A_2, %dma_start3A_44] : memref<10512x80xf32, #tpu.memory_space<hbm>> -> memref<656x80xf32, #tpu.memory_space<hbm>>
      tpu.enqueue_dma source(%dma_start3A_45 : memref<656x80xf32, #tpu.memory_space<hbm>>) target(%dma_start3A_43 : memref<656x80xf32, #tpu.memory_space<vmem_shared>>) target_semaphore(%run_scoped3A_41 : memref<!tpu.dma_semaphore, #tpu.memory_space<semaphore_mem>>)
      %dma_wait3A_46 = arith.constant 0 : i32
      %dma_wait3A_47 = tpu.memref_slice %arg18[%mul3A_4, %dma_wait3A_46] : memref<10512x80xf32, #tpu.memory_space<vmem_shared>> -> memref<656x80xf32, #tpu.memory_space<vmem_shared>>
      %dma_wait3A_48 = arith.constant 0 : i32
      %dma_wait3A_49 = tpu.memref_slice %arg8[%mul3A_2, %dma_wait3A_48] : memref<10512x80xf32, #tpu.memory_space<hbm>> -> memref<656x80xf32, #tpu.memory_space<hbm>>
      tpu.wait_dma2 semaphore(%run_scoped3A_41 : memref<!tpu.dma_semaphore, #tpu.memory_space<semaphore_mem>>) src(%dma_wait3A_49 : memref<656x80xf32, #tpu.memory_space<hbm>>) dst(%dma_wait3A_47 : memref<656x80xf32, #tpu.memory_space<vmem_shared>>)
      tpu.yield
    }) : () -> ()
    %eq3A = arith.constant 0 : i32
    %eq3A_5 = arith.cmpi eq, %arg1, %eq3A : i32
    %convert_element_type3A = arith.extui %eq3A_5 : i1 to i32
    %cond3A = arith.constant 0 : i32
    %cond3A_6 = arith.cmpi ne, %convert_element_type3A, %cond3A : i32
    scf.if %cond3A_6 {
      "tpu.region"() ({
        %run_scoped3A_41 = tpu.sem_alloc : memref<!tpu.dma_semaphore, #tpu.memory_space<semaphore_mem>>
        %dma_start3A_42 = arith.constant 10496 : i32
        %dma_start3A_43 = arith.constant 0 : i32
        %dma_start3A_44 = tpu.memref_slice %arg18[%dma_start3A_42, %dma_start3A_43] : memref<10512x80xf32, #tpu.memory_space<vmem_shared>> -> memref<16x80xf32, #tpu.memory_space<vmem_shared>>
        %dma_start3A_45 = arith.constant 10496 : i32
        %dma_start3A_46 = arith.constant 0 : i32
        %dma_start3A_47 = tpu.memref_slice %arg8[%dma_start3A_45, %dma_start3A_46] : memref<10512x80xf32, #tpu.memory_space<hbm>> -> memref<16x80xf32, #tpu.memory_space<hbm>>
        tpu.enqueue_dma source(%dma_start3A_47 : memref<16x80xf32, #tpu.memory_space<hbm>>) target(%dma_start3A_44 : memref<16x80xf32, #tpu.memory_space<vmem_shared>>) target_semaphore(%run_scoped3A_41 : memref<!tpu.dma_semaphore, #tpu.memory_space<semaphore_mem>>)
        %dma_wait3A_48 = arith.constant 10496 : i32
        %dma_wait3A_49 = arith.constant 0 : i32
        %dma_wait3A_50 = tpu.memref_slice %arg18[%dma_wait3A_48, %dma_wait3A_49] : memref<10512x80xf32, #tpu.memory_space<vmem_shared>> -> memref<16x80xf32, #tpu.memory_space<vmem_shared>>
        %dma_wait3A_51 = arith.constant 10496 : i32
        %dma_wait3A_52 = arith.constant 0 : i32
        %dma_wait3A_53 = tpu.memref_slice %arg8[%dma_wait3A_51, %dma_wait3A_52] : memref<10512x80xf32, #tpu.memory_space<hbm>> -> memref<16x80xf32, #tpu.memory_space<hbm>>
        tpu.wait_dma2 semaphore(%run_scoped3A_41 : memref<!tpu.dma_semaphore, #tpu.memory_space<semaphore_mem>>) src(%dma_wait3A_53 : memref<16x80xf32, #tpu.memory_space<hbm>>) dst(%dma_wait3A_50 : memref<16x80xf32, #tpu.memory_space<vmem_shared>>)
        tpu.yield
      }) : () -> ()
    } else {
    }
    %get3A = arith.constant 0 : index
    %get3A_7 = tpu.vector_load %arg17[%get3A] {strides = array<i32>} : memref<16xf32, #tpu.memory_space<vmem>>, vector<16xf32>,
    %gt3A = arith.constant 5.000000e-01 : f32
    %gt3A_8 = vector.broadcast %gt3A : f32 to vector<16xf32>
    %gt3A_9 = arith.cmpf ogt, %get3A_7, %gt3A_8 : vector<16xf32>
    %iota3A = tpu.iota {dimensions = array<i32: 0>} : vector<16xi32>
    %scan3A = arith.constant 0 : i32
    %scan3A_10 = arith.constant 125 : i32
    %scan3A_11 = arith.addi %scan3A, %scan3A_10 : i32
    %scan3A_12 = arith.constant 1 : i32
    scf.for %scan3A_41 = %scan3A to %scan3A_11 step %scan3A_12  : i32 {
      %mul3A_42 = arith.constant 1 : i32
      %mul3A_43 = arith.muli %scan3A_41, %mul3A_42 : i32
      %add3A_44 = arith.constant 0 : i32
      %add3A_45 = arith.addi %add3A_44, %mul3A_43 : i32
      %get3A_46 = arith.index_cast %add3A_45 : i32 to index
      %get3A_47 = arith.constant 0 : index
      %get3A_48 = tpu.vector_load %arg10[%get3A_46, %get3A_47] {strides = array<i32>} : memref<125x80xi32, #tpu.memory_space<vmem>>, vector<16xi32>,
      %get3A_49 = arith.index_cast %add3A_45 : i32 to index
      %get3A_50 = arith.constant 0 : index
      %get3A_51 = tpu.vector_load %arg11[%get3A_49, %get3A_50] {strides = array<i32>} : memref<125x80xi32, #tpu.memory_space<vmem>>, vector<16xi32>,
      %gather3A = tpu.vector_load_idx %arg15[%get3A_48] : memref<10000xf32, #tpu.memory_space<vmem>>[vector<16xi32>], vector<16xf32>,
      %gather3A_52 = tpu.vector_load_idx %arg16[%get3A_51] : memref<10000xf32, #tpu.memory_space<vmem>>[vector<16xi32>], vector<16xf32>,
      %add3A_53 = arith.addf %gather3A, %gather3A_52 : vector<16xf32>
      %gt3A_54 = arith.constant 0.000000e+00 : f32
      %gt3A_55 = vector.broadcast %gt3A_54 : f32 to vector<16xf32>
      %gt3A_56 = arith.cmpf ogt, %add3A_53, %gt3A_55 : vector<16xf32>
      %xor3A = arith.xori %gt3A_56, %gt3A_9 : vector<16xi1>
      %mul3A_57 = arith.constant 5 : i32
      %mul3A_58 = arith.muli %add3A_45, %mul3A_57 : i32
      %add3A_59 = arith.constant 0 : i32
      %add3A_60 = arith.addi %mul3A_58, %add3A_59 : i32
      %jit3A = arith.constant 32 : i32
      %eq3A_61 = arith.constant 0 : i32
      %eq3A_62 = arith.cmpi eq, %jit3A, %eq3A_61 : i32
      %jit3A_63 = arith.constant 1 : i32
      %select_n3A = arith.select %eq3A_62, %jit3A_63, %jit3A : i32
      %rem3A = arith.remsi %add3A_60, %select_n3A : i32
      %ne3A = arith.constant 0 : i32
      %ne3A_64 = arith.cmpi ne, %rem3A, %ne3A : i32
      %lt3A = arith.constant 0 : i32
      %lt3A_65 = arith.cmpi slt, %rem3A, %lt3A : i32
      %lt3A_66 = arith.constant 0 : i32
      %lt3A_67 = arith.cmpi slt, %select_n3A, %lt3A_66 : i32
      %ne3A_68 = arith.xori %lt3A_65, %lt3A_67 : i1
      %and3A = arith.andi %ne3A_68, %ne3A_64 : i1
      %add3A_69 = arith.addi %rem3A, %select_n3A : i32
      %select_n3A_70 = arith.select %and3A, %add3A_69, %rem3A : i32
      %mul3A_71 = arith.constant 16 : i32
      %mul3A_72 = arith.muli %select_n3A_70, %mul3A_71 : i32
      %add3A_73 = arith.constant 10000 : i32
      %add3A_74 = arith.addi %add3A_73, %mul3A_72 : i32
      %add3A_75 = vector.broadcast %add3A_74 : i32 to vector<16xi32>
      %add3A_76 = arith.addi %add3A_75, %iota3A : vector<16xi32>
      %select_n3A_77 = arith.select %xor3A, %get3A_51, %add3A_76 : vector<16xi1>, vector<16xi32>
      %swap3A = arith.index_cast %add3A_45 : i32 to index
      %swap3A_78 = arith.constant 0 : index
      %swap3A_79 = tpu.vector_load %arg12[%swap3A, %swap3A_78] {strides = array<i32>} : memref<125x80xi32, #tpu.memory_space<vmem>>, vector<16xi32>,
      tpu.vector_store %arg12[%swap3A, %swap3A_78], %select_n3A_77 {strides = array<i32>} : memref<125x80xi32, #tpu.memory_space<vmem>>, vector<16xi32>,
      %get3A_80 = arith.index_cast %add3A_45 : i32 to index
      %get3A_81 = arith.constant 16 : index
      %get3A_82 = tpu.vector_load %arg10[%get3A_80, %get3A_81] {strides = array<i32>} : memref<125x80xi32, #tpu.memory_space<vmem>>, vector<16xi32>,
      %get3A_83 = arith.index_cast %add3A_45 : i32 to index
      %get3A_84 = arith.constant 16 : index
      %get3A_85 = tpu.vector_load %arg11[%get3A_83, %get3A_84] {strides = array<i32>} : memref<125x80xi32, #tpu.memory_space<vmem>>, vector<16xi32>,
      %gather3A_86 = tpu.vector_load_idx %arg15[%get3A_82] : memref<10000xf32, #tpu.memory_space<vmem>>[vector<16xi32>], vector<16xf32>,
      %gather3A_87 = tpu.vector_load_idx %arg16[%get3A_85] : memref<10000xf32, #tpu.memory_space<vmem>>[vector<16xi32>], vector<16xf32>,
      %add3A_88 = arith.addf %gather3A_86, %gather3A_87 : vector<16xf32>
      %gt3A_89 = arith.constant 0.000000e+00 : f32
      %gt3A_90 = vector.broadcast %gt3A_89 : f32 to vector<16xf32>
      %gt3A_91 = arith.cmpf ogt, %add3A_88, %gt3A_90 : vector<16xf32>
      %xor3A_92 = arith.xori %gt3A_91, %gt3A_9 : vector<16xi1>
      %mul3A_93 = arith.constant 5 : i32
      %mul3A_94 = arith.muli %add3A_45, %mul3A_93 : i32
      %add3A_95 = arith.constant 1 : i32
      %add3A_96 = arith.addi %mul3A_94, %add3A_95 : i32
      %jit3A_97 = arith.constant 32 : i32
      %eq3A_98 = arith.constant 0 : i32
      %eq3A_99 = arith.cmpi eq, %jit3A_97, %eq3A_98 : i32
      %jit3A_100 = arith.constant 1 : i32
      %select_n3A_101 = arith.select %eq3A_99, %jit3A_100, %jit3A_97 : i32
      %rem3A_102 = arith.remsi %add3A_96, %select_n3A_101 : i32
      %ne3A_103 = arith.constant 0 : i32
      %ne3A_104 = arith.cmpi ne, %rem3A_102, %ne3A_103 : i32
      %lt3A_105 = arith.constant 0 : i32
      %lt3A_106 = arith.cmpi slt, %rem3A_102, %lt3A_105 : i32
      %lt3A_107 = arith.constant 0 : i32
      %lt3A_108 = arith.cmpi slt, %select_n3A_101, %lt3A_107 : i32
      %ne3A_109 = arith.xori %lt3A_106, %lt3A_108 : i1
      %and3A_110 = arith.andi %ne3A_109, %ne3A_104 : i1
      %add3A_111 = arith.addi %rem3A_102, %select_n3A_101 : i32
      %select_n3A_112 = arith.select %and3A_110, %add3A_111, %rem3A_102 : i32
      %mul3A_113 = arith.constant 16 : i32
      %mul3A_114 = arith.muli %select_n3A_112, %mul3A_113 : i32
      %add3A_115 = arith.constant 10000 : i32
      %add3A_116 = arith.addi %add3A_115, %mul3A_114 : i32
      %add3A_117 = vector.broadcast %add3A_116 : i32 to vector<16xi32>
      %add3A_118 = arith.addi %add3A_117, %iota3A : vector<16xi32>
      %select_n3A_119 = arith.select %xor3A_92, %get3A_85, %add3A_118 : vector<16xi1>, vector<16xi32>
      %swap3A_120 = arith.index_cast %add3A_45 : i32 to index
      %swap3A_121 = arith.constant 16 : index
      %swap3A_122 = tpu.vector_load %arg12[%swap3A_120, %swap3A_121] {strides = array<i32>} : memref<125x80xi32, #tpu.memory_space<vmem>>, vector<16xi32>,
      tpu.vector_store %arg12[%swap3A_120, %swap3A_121], %select_n3A_119 {strides = array<i32>} : memref<125x80xi32, #tpu.memory_space<vmem>>, vector<16xi32>,
      %get3A_123 = arith.index_cast %add3A_45 : i32 to index
      %get3A_124 = arith.constant 32 : index
      %get3A_125 = tpu.vector_load %arg10[%get3A_123, %get3A_124] {strides = array<i32>} : memref<125x80xi32, #tpu.memory_space<vmem>>, vector<16xi32>,
      %get3A_126 = arith.index_cast %add3A_45 : i32 to index
      %get3A_127 = arith.constant 32 : index
      %get3A_128 = tpu.vector_load %arg11[%get3A_126, %get3A_127] {strides = array<i32>} : memref<125x80xi32, #tpu.memory_space<vmem>>, vector<16xi32>,
      %gather3A_129 = tpu.vector_load_idx %arg15[%get3A_125] : memref<10000xf32, #tpu.memory_space<vmem>>[vector<16xi32>], vector<16xf32>,
      %gather3A_130 = tpu.vector_load_idx %arg16[%get3A_128] : memref<10000xf32, #tpu.memory_space<vmem>>[vector<16xi32>], vector<16xf32>,
      %add3A_131 = arith.addf %gather3A_129, %gather3A_130 : vector<16xf32>
      %gt3A_132 = arith.constant 0.000000e+00 : f32
      %gt3A_133 = vector.broadcast %gt3A_132 : f32 to vector<16xf32>
      %gt3A_134 = arith.cmpf ogt, %add3A_131, %gt3A_133 : vector<16xf32>
      %xor3A_135 = arith.xori %gt3A_134, %gt3A_9 : vector<16xi1>
      %mul3A_136 = arith.constant 5 : i32
      %mul3A_137 = arith.muli %add3A_45, %mul3A_136 : i32
      %add3A_138 = arith.constant 2 : i32
      %add3A_139 = arith.addi %mul3A_137, %add3A_138 : i32
      %jit3A_140 = arith.constant 32 : i32
      %eq3A_141 = arith.constant 0 : i32
      %eq3A_142 = arith.cmpi eq, %jit3A_140, %eq3A_141 : i32
      %jit3A_143 = arith.constant 1 : i32
      %select_n3A_144 = arith.select %eq3A_142, %jit3A_143, %jit3A_140 : i32
      %rem3A_145 = arith.remsi %add3A_139, %select_n3A_144 : i32
      %ne3A_146 = arith.constant 0 : i32
      %ne3A_147 = arith.cmpi ne, %rem3A_145, %ne3A_146 : i32
      %lt3A_148 = arith.constant 0 : i32
      %lt3A_149 = arith.cmpi slt, %rem3A_145, %lt3A_148 : i32
      %lt3A_150 = arith.constant 0 : i32
      %lt3A_151 = arith.cmpi slt, %select_n3A_144, %lt3A_150 : i32
      %ne3A_152 = arith.xori %lt3A_149, %lt3A_151 : i1
      %and3A_153 = arith.andi %ne3A_152, %ne3A_147 : i1
      %add3A_154 = arith.addi %rem3A_145, %select_n3A_144 : i32
      %select_n3A_155 = arith.select %and3A_153, %add3A_154, %rem3A_145 : i32
      %mul3A_156 = arith.constant 16 : i32
      %mul3A_157 = arith.muli %select_n3A_155, %mul3A_156 : i32
      %add3A_158 = arith.constant 10000 : i32
      %add3A_159 = arith.addi %add3A_158, %mul3A_157 : i32
      %add3A_160 = vector.broadcast %add3A_159 : i32 to vector<16xi32>
      %add3A_161 = arith.addi %add3A_160, %iota3A : vector<16xi32>
      %select_n3A_162 = arith.select %xor3A_135, %get3A_128, %add3A_161 : vector<16xi1>, vector<16xi32>
      %swap3A_163 = arith.index_cast %add3A_45 : i32 to index
      %swap3A_164 = arith.constant 32 : index
      %swap3A_165 = tpu.vector_load %arg12[%swap3A_163, %swap3A_164] {strides = array<i32>} : memref<125x80xi32, #tpu.memory_space<vmem>>, vector<16xi32>,
      tpu.vector_store %arg12[%swap3A_163, %swap3A_164], %select_n3A_162 {strides = array<i32>} : memref<125x80xi32, #tpu.memory_space<vmem>>, vector<16xi32>,
      %get3A_166 = arith.index_cast %add3A_45 : i32 to index
      %get3A_167 = arith.constant 48 : index
      %get3A_168 = tpu.vector_load %arg10[%get3A_166, %get3A_167] {strides = array<i32>} : memref<125x80xi32, #tpu.memory_space<vmem>>, vector<16xi32>,
      %get3A_169 = arith.index_cast %add3A_45 : i32 to index
      %get3A_170 = arith.constant 48 : index
      %get3A_171 = tpu.vector_load %arg11[%get3A_169, %get3A_170] {strides = array<i32>} : memref<125x80xi32, #tpu.memory_space<vmem>>, vector<16xi32>,
      %gather3A_172 = tpu.vector_load_idx %arg15[%get3A_168] : memref<10000xf32, #tpu.memory_space<vmem>>[vector<16xi32>], vector<16xf32>,
      %gather3A_173 = tpu.vector_load_idx %arg16[%get3A_171] : memref<10000xf32, #tpu.memory_space<vmem>>[vector<16xi32>], vector<16xf32>,
      %add3A_174 = arith.addf %gather3A_172, %gather3A_173 : vector<16xf32>
      %gt3A_175 = arith.constant 0.000000e+00 : f32
      %gt3A_176 = vector.broadcast %gt3A_175 : f32 to vector<16xf32>
      %gt3A_177 = arith.cmpf ogt, %add3A_174, %gt3A_176 : vector<16xf32>
      %xor3A_178 = arith.xori %gt3A_177, %gt3A_9 : vector<16xi1>
      %mul3A_179 = arith.constant 5 : i32
      %mul3A_180 = arith.muli %add3A_45, %mul3A_179 : i32
      %add3A_181 = arith.constant 3 : i32
      %add3A_182 = arith.addi %mul3A_180, %add3A_181 : i32
      %jit3A_183 = arith.constant 32 : i32
      %eq3A_184 = arith.constant 0 : i32
      %eq3A_185 = arith.cmpi eq, %jit3A_183, %eq3A_184 : i32
      %jit3A_186 = arith.constant 1 : i32
      %select_n3A_187 = arith.select %eq3A_185, %jit3A_186, %jit3A_183 : i32
      %rem3A_188 = arith.remsi %add3A_182, %select_n3A_187 : i32
      %ne3A_189 = arith.constant 0 : i32
      %ne3A_190 = arith.cmpi ne, %rem3A_188, %ne3A_189 : i32
      %lt3A_191 = arith.constant 0 : i32
      %lt3A_192 = arith.cmpi slt, %rem3A_188, %lt3A_191 : i32
      %lt3A_193 = arith.constant 0 : i32
      %lt3A_194 = arith.cmpi slt, %select_n3A_187, %lt3A_193 : i32
      %ne3A_195 = arith.xori %lt3A_192, %lt3A_194 : i1
      %and3A_196 = arith.andi %ne3A_195, %ne3A_190 : i1
      %add3A_197 = arith.addi %rem3A_188, %select_n3A_187 : i32
      %select_n3A_198 = arith.select %and3A_196, %add3A_197, %rem3A_188 : i32
      %mul3A_199 = arith.constant 16 : i32
      %mul3A_200 = arith.muli %select_n3A_198, %mul3A_199 : i32
      %add3A_201 = arith.constant 10000 : i32
      %add3A_202 = arith.addi %add3A_201, %mul3A_200 : i32
      %add3A_203 = vector.broadcast %add3A_202 : i32 to vector<16xi32>
      %add3A_204 = arith.addi %add3A_203, %iota3A : vector<16xi32>
      %select_n3A_205 = arith.select %xor3A_178, %get3A_171, %add3A_204 : vector<16xi1>, vector<16xi32>
      %swap3A_206 = arith.index_cast %add3A_45 : i32 to index
      %swap3A_207 = arith.constant 48 : index
      %swap3A_208 = tpu.vector_load %arg12[%swap3A_206, %swap3A_207] {strides = array<i32>} : memref<125x80xi32, #tpu.memory_space<vmem>>, vector<16xi32>,
      tpu.vector_store %arg12[%swap3A_206, %swap3A_207], %select_n3A_205 {strides = array<i32>} : memref<125x80xi32, #tpu.memory_space<vmem>>, vector<16xi32>,
      %get3A_209 = arith.index_cast %add3A_45 : i32 to index
      %get3A_210 = arith.constant 64 : index
      %get3A_211 = tpu.vector_load %arg10[%get3A_209, %get3A_210] {strides = array<i32>} : memref<125x80xi32, #tpu.memory_space<vmem>>, vector<16xi32>,
      %get3A_212 = arith.index_cast %add3A_45 : i32 to index
      %get3A_213 = arith.constant 64 : index
      %get3A_214 = tpu.vector_load %arg11[%get3A_212, %get3A_213] {strides = array<i32>} : memref<125x80xi32, #tpu.memory_space<vmem>>, vector<16xi32>,
      %gather3A_215 = tpu.vector_load_idx %arg15[%get3A_211] : memref<10000xf32, #tpu.memory_space<vmem>>[vector<16xi32>], vector<16xf32>,
      %gather3A_216 = tpu.vector_load_idx %arg16[%get3A_214] : memref<10000xf32, #tpu.memory_space<vmem>>[vector<16xi32>], vector<16xf32>,
      %add3A_217 = arith.addf %gather3A_215, %gather3A_216 : vector<16xf32>
      %gt3A_218 = arith.constant 0.000000e+00 : f32
      %gt3A_219 = vector.broadcast %gt3A_218 : f32 to vector<16xf32>
      %gt3A_220 = arith.cmpf ogt, %add3A_217, %gt3A_219 : vector<16xf32>
      %xor3A_221 = arith.xori %gt3A_220, %gt3A_9 : vector<16xi1>
      %mul3A_222 = arith.constant 5 : i32
      %mul3A_223 = arith.muli %add3A_45, %mul3A_222 : i32
      %add3A_224 = arith.constant 4 : i32
      %add3A_225 = arith.addi %mul3A_223, %add3A_224 : i32
      %jit3A_226 = arith.constant 32 : i32
      %eq3A_227 = arith.constant 0 : i32
      %eq3A_228 = arith.cmpi eq, %jit3A_226, %eq3A_227 : i32
      %jit3A_229 = arith.constant 1 : i32
      %select_n3A_230 = arith.select %eq3A_228, %jit3A_229, %jit3A_226 : i32
      %rem3A_231 = arith.remsi %add3A_225, %select_n3A_230 : i32
      %ne3A_232 = arith.constant 0 : i32
      %ne3A_233 = arith.cmpi ne, %rem3A_231, %ne3A_232 : i32
      %lt3A_234 = arith.constant 0 : i32
      %lt3A_235 = arith.cmpi slt, %rem3A_231, %lt3A_234 : i32
      %lt3A_236 = arith.constant 0 : i32
      %lt3A_237 = arith.cmpi slt, %select_n3A_230, %lt3A_236 : i32
      %ne3A_238 = arith.xori %lt3A_235, %lt3A_237 : i1
      %and3A_239 = arith.andi %ne3A_238, %ne3A_233 : i1
      %add3A_240 = arith.addi %rem3A_231, %select_n3A_230 : i32
      %select_n3A_241 = arith.select %and3A_239, %add3A_240, %rem3A_231 : i32
      %mul3A_242 = arith.constant 16 : i32
      %mul3A_243 = arith.muli %select_n3A_241, %mul3A_242 : i32
      %add3A_244 = arith.constant 10000 : i32
      %add3A_245 = arith.addi %add3A_244, %mul3A_243 : i32
      %add3A_246 = vector.broadcast %add3A_245 : i32 to vector<16xi32>
      %add3A_247 = arith.addi %add3A_246, %iota3A : vector<16xi32>
      %select_n3A_248 = arith.select %xor3A_221, %get3A_214, %add3A_247 : vector<16xi1>, vector<16xi32>
      %swap3A_249 = arith.index_cast %add3A_45 : i32 to index
      %swap3A_250 = arith.constant 64 : index
      %swap3A_251 = tpu.vector_load %arg12[%swap3A_249, %swap3A_250] {strides = array<i32>} : memref<125x80xi32, #tpu.memory_space<vmem>>, vector<16xi32>,
      tpu.vector_store %arg12[%swap3A_249, %swap3A_250], %select_n3A_248 {strides = array<i32>} : memref<125x80xi32, #tpu.memory_space<vmem>>, vector<16xi32>,
    }
    %scan3A_13 = arith.constant 125 : i32
    %barrier3A = arith.constant 0 : index
    tpu.barrier barrier_id(%barrier3A)
    %dma_start3A = arith.constant 0 : i32
    %dma_start3A_14 = arith.constant 0 : i32
    %dma_start3A_15 = tpu.memref_slice %arg10[%dma_start3A, %dma_start3A_14] : memref<125x80xi32, #tpu.memory_space<vmem>> -> memref<1x80xi32, #tpu.memory_space<vmem>>
    %dma_start3A_16 = tpu.memref_squeeze %dma_start3A_15 : memref<1x80xi32, #tpu.memory_space<vmem>> -> memref<80xi32, #tpu.memory_space<vmem>>
    %dma_start3A_17 = arith.constant 0 : i32
    %dma_start3A_18 = arith.constant 0 : i32
    %dma_start3A_19 = tpu.memref_slice %arg2[%dma_start3A_17, %dma_start3A_18] : memref<10000x80xf32, #tpu.memory_space<hbm>> -> memref<10000x80xf32, #tpu.memory_space<hbm>>
    tpu.enqueue_indirect_dma source(%dma_start3A_19 : memref<10000x80xf32, #tpu.memory_space<hbm>>) target(%arg13 : memref<80x80xf32, #tpu.memory_space<vmem>>) offsets(%dma_start3A_16 : memref<80xi32, #tpu.memory_space<vmem>>) semaphore(%arg19 : memref<!tpu.dma_semaphore, #tpu.memory_space<semaphore_mem>>)
    %scan3A_20 = arith.constant 0 : i32
    %scan3A_21 = arith.constant 62 : i32
    %scan3A_22 = arith.addi %scan3A_20, %scan3A_21 : i32
    %scan3A_23 = arith.constant 1 : i32
    scf.for %scan3A_41 = %scan3A_20 to %scan3A_22 step %scan3A_23  : i32 {
      %mul3A_42 = arith.constant 2 : i32
      %mul3A_43 = arith.muli %scan3A_41, %mul3A_42 : i32
      %add3A_44 = arith.constant 0 : i32
      %add3A_45 = arith.addi %add3A_44, %mul3A_43 : i32
      %dma_wait3A_46 = arith.constant 0 : i32
      %dma_wait3A_47 = tpu.memref_slice %arg10[%add3A_45, %dma_wait3A_46] : memref<125x80xi32, #tpu.memory_space<vmem>> -> memref<1x80xi32, #tpu.memory_space<vmem>>
      %dma_wait3A_48 = tpu.memref_squeeze %dma_wait3A_47 : memref<1x80xi32, #tpu.memory_space<vmem>> -> memref<80xi32, #tpu.memory_space<vmem>>
      %dma_wait3A_49 = arith.constant 0 : i32
      %dma_wait3A_50 = arith.constant 0 : i32
      %dma_wait3A_51 = tpu.memref_slice %arg2[%dma_wait3A_49, %dma_wait3A_50] : memref<10000x80xf32, #tpu.memory_space<hbm>> -> memref<10000x80xf32, #tpu.memory_space<hbm>>
      tpu.wait_indirect_dma semaphore(%arg19 : memref<!tpu.dma_semaphore, #tpu.memory_space<semaphore_mem>>) src(%dma_wait3A_51 : memref<10000x80xf32, #tpu.memory_space<hbm>>) dst(%arg13 : memref<80x80xf32, #tpu.memory_space<vmem>>)
      %add3A_52 = arith.constant 1 : i32
      %add3A_53 = arith.addi %add3A_45, %add3A_52 : i32
      %dma_start3A_54 = arith.constant 0 : i32
      %dma_start3A_55 = tpu.memref_slice %arg10[%add3A_53, %dma_start3A_54] : memref<125x80xi32, #tpu.memory_space<vmem>> -> memref<1x80xi32, #tpu.memory_space<vmem>>
      %dma_start3A_56 = tpu.memref_squeeze %dma_start3A_55 : memref<1x80xi32, #tpu.memory_space<vmem>> -> memref<80xi32, #tpu.memory_space<vmem>>
      %dma_start3A_57 = arith.constant 0 : i32
      %dma_start3A_58 = arith.constant 0 : i32
      %dma_start3A_59 = tpu.memref_slice %arg2[%dma_start3A_57, %dma_start3A_58] : memref<10000x80xf32, #tpu.memory_space<hbm>> -> memref<10000x80xf32, #tpu.memory_space<hbm>>
      tpu.enqueue_indirect_dma source(%dma_start3A_59 : memref<10000x80xf32, #tpu.memory_space<hbm>>) target(%arg14 : memref<80x80xf32, #tpu.memory_space<vmem>>) offsets(%dma_start3A_56 : memref<80xi32, #tpu.memory_space<vmem>>) semaphore(%arg20 : memref<!tpu.dma_semaphore, #tpu.memory_space<semaphore_mem>>)
      "tpu.region"() ({
        %run_scoped3A_78 = tpu.sem_alloc : memref<!tpu.dma_semaphore, #tpu.memory_space<semaphore_mem>>
        %dma_start3A_79 = arith.constant 0 : i32
        %dma_start3A_80 = tpu.memref_slice %arg12[%add3A_45, %dma_start3A_79] : memref<125x80xi32, #tpu.memory_space<vmem>> -> memref<1x80xi32, #tpu.memory_space<vmem>>
        %dma_start3A_81 = tpu.memref_squeeze %dma_start3A_80 : memref<1x80xi32, #tpu.memory_space<vmem>> -> memref<80xi32, #tpu.memory_space<vmem>>
        %dma_start3A_82 = arith.constant 0 : i32
        %dma_start3A_83 = arith.constant 0 : i32
        %dma_start3A_84 = tpu.memref_slice %arg18[%dma_start3A_82, %dma_start3A_83] : memref<10512x80xf32, #tpu.memory_space<vmem_shared>> -> memref<10512x80xf32, #tpu.memory_space<vmem_shared>>
        tpu.enqueue_indirect_dma source(%arg13 : memref<80x80xf32, #tpu.memory_space<vmem>>) target(%dma_start3A_84 : memref<10512x80xf32, #tpu.memory_space<vmem_shared>>) offsets(%dma_start3A_81 : memref<80xi32, #tpu.memory_space<vmem>>) semaphore(%run_scoped3A_78 : memref<!tpu.dma_semaphore, #tpu.memory_space<semaphore_mem>>) {add = true}
        %dma_wait3A_85 = arith.constant 0 : i32
        %dma_wait3A_86 = tpu.memref_slice %arg12[%add3A_45, %dma_wait3A_85] : memref<125x80xi32, #tpu.memory_space<vmem>> -> memref<1x80xi32, #tpu.memory_space<vmem>>
        %dma_wait3A_87 = tpu.memref_squeeze %dma_wait3A_86 : memref<1x80xi32, #tpu.memory_space<vmem>> -> memref<80xi32, #tpu.memory_space<vmem>>
        %dma_wait3A_88 = arith.constant 0 : i32
        %dma_wait3A_89 = arith.constant 0 : i32
        %dma_wait3A_90 = tpu.memref_slice %arg18[%dma_wait3A_88, %dma_wait3A_89] : memref<10512x80xf32, #tpu.memory_space<vmem_shared>> -> memref<10512x80xf32, #tpu.memory_space<vmem_shared>>
        tpu.wait_indirect_dma semaphore(%run_scoped3A_78 : memref<!tpu.dma_semaphore, #tpu.memory_space<semaphore_mem>>) src(%arg13 : memref<80x80xf32, #tpu.memory_space<vmem>>) dst(%dma_wait3A_90 : memref<10512x80xf32, #tpu.memory_space<vmem_shared>>)
        tpu.yield
      }) : () -> ()
      %add3A_60 = arith.constant 1 : i32
      %add3A_61 = arith.addi %add3A_45, %add3A_60 : i32
      %dma_wait3A_62 = arith.constant 0 : i32
      %dma_wait3A_63 = tpu.memref_slice %arg10[%add3A_61, %dma_wait3A_62] : memref<125x80xi32, #tpu.memory_space<vmem>> -> memref<1x80xi32, #tpu.memory_space<vmem>>
      %dma_wait3A_64 = tpu.memref_squeeze %dma_wait3A_63 : memref<1x80xi32, #tpu.memory_space<vmem>> -> memref<80xi32, #tpu.memory_space<vmem>>
      %dma_wait3A_65 = arith.constant 0 : i32
      %dma_wait3A_66 = arith.constant 0 : i32
      %dma_wait3A_67 = tpu.memref_slice %arg2[%dma_wait3A_65, %dma_wait3A_66] : memref<10000x80xf32, #tpu.memory_space<hbm>> -> memref<10000x80xf32, #tpu.memory_space<hbm>>
      tpu.wait_indirect_dma semaphore(%arg20 : memref<!tpu.dma_semaphore, #tpu.memory_space<semaphore_mem>>) src(%dma_wait3A_67 : memref<10000x80xf32, #tpu.memory_space<hbm>>) dst(%arg14 : memref<80x80xf32, #tpu.memory_space<vmem>>)
      %add3A_68 = arith.constant 2 : i32
      %add3A_69 = arith.addi %add3A_45, %add3A_68 : i32
      %dma_start3A_70 = arith.constant 0 : i32
      %dma_start3A_71 = tpu.memref_slice %arg10[%add3A_69, %dma_start3A_70] : memref<125x80xi32, #tpu.memory_space<vmem>> -> memref<1x80xi32, #tpu.memory_space<vmem>>
      %dma_start3A_72 = tpu.memref_squeeze %dma_start3A_71 : memref<1x80xi32, #tpu.memory_space<vmem>> -> memref<80xi32, #tpu.memory_space<vmem>>
      %dma_start3A_73 = arith.constant 0 : i32
      %dma_start3A_74 = arith.constant 0 : i32
      %dma_start3A_75 = tpu.memref_slice %arg2[%dma_start3A_73, %dma_start3A_74] : memref<10000x80xf32, #tpu.memory_space<hbm>> -> memref<10000x80xf32, #tpu.memory_space<hbm>>
      tpu.enqueue_indirect_dma source(%dma_start3A_75 : memref<10000x80xf32, #tpu.memory_space<hbm>>) target(%arg13 : memref<80x80xf32, #tpu.memory_space<vmem>>) offsets(%dma_start3A_72 : memref<80xi32, #tpu.memory_space<vmem>>) semaphore(%arg19 : memref<!tpu.dma_semaphore, #tpu.memory_space<semaphore_mem>>)
      %add3A_76 = arith.constant 1 : i32
      %add3A_77 = arith.addi %add3A_45, %add3A_76 : i32
      "tpu.region"() ({
        %run_scoped3A_78 = tpu.sem_alloc : memref<!tpu.dma_semaphore, #tpu.memory_space<semaphore_mem>>
        %dma_start3A_79 = arith.constant 0 : i32
        %dma_start3A_80 = tpu.memref_slice %arg12[%add3A_77, %dma_start3A_79] : memref<125x80xi32, #tpu.memory_space<vmem>> -> memref<1x80xi32, #tpu.memory_space<vmem>>
        %dma_start3A_81 = tpu.memref_squeeze %dma_start3A_80 : memref<1x80xi32, #tpu.memory_space<vmem>> -> memref<80xi32, #tpu.memory_space<vmem>>
        %dma_start3A_82 = arith.constant 0 : i32
        %dma_start3A_83 = arith.constant 0 : i32
        %dma_start3A_84 = tpu.memref_slice %arg18[%dma_start3A_82, %dma_start3A_83] : memref<10512x80xf32, #tpu.memory_space<vmem_shared>> -> memref<10512x80xf32, #tpu.memory_space<vmem_shared>>
        tpu.enqueue_indirect_dma source(%arg14 : memref<80x80xf32, #tpu.memory_space<vmem>>) target(%dma_start3A_84 : memref<10512x80xf32, #tpu.memory_space<vmem_shared>>) offsets(%dma_start3A_81 : memref<80xi32, #tpu.memory_space<vmem>>) semaphore(%run_scoped3A_78 : memref<!tpu.dma_semaphore, #tpu.memory_space<semaphore_mem>>) {add = true}
        %dma_wait3A_85 = arith.constant 0 : i32
        %dma_wait3A_86 = tpu.memref_slice %arg12[%add3A_77, %dma_wait3A_85] : memref<125x80xi32, #tpu.memory_space<vmem>> -> memref<1x80xi32, #tpu.memory_space<vmem>>
        %dma_wait3A_87 = tpu.memref_squeeze %dma_wait3A_86 : memref<1x80xi32, #tpu.memory_space<vmem>> -> memref<80xi32, #tpu.memory_space<vmem>>
        %dma_wait3A_88 = arith.constant 0 : i32
        %dma_wait3A_89 = arith.constant 0 : i32
        %dma_wait3A_90 = tpu.memref_slice %arg18[%dma_wait3A_88, %dma_wait3A_89] : memref<10512x80xf32, #tpu.memory_space<vmem_shared>> -> memref<10512x80xf32, #tpu.memory_space<vmem_shared>>
        tpu.wait_indirect_dma semaphore(%run_scoped3A_78 : memref<!tpu.dma_semaphore, #tpu.memory_space<semaphore_mem>>) src(%arg14 : memref<80x80xf32, #tpu.memory_space<vmem>>) dst(%dma_wait3A_90 : memref<10512x80xf32, #tpu.memory_space<vmem_shared>>)
        tpu.yield
      }) : () -> ()
    }
    %scan3A_24 = arith.constant 62 : i32
    %dma_wait3A = arith.constant 124 : i32
    %dma_wait3A_25 = arith.constant 0 : i32
    %dma_wait3A_26 = tpu.memref_slice %arg10[%dma_wait3A, %dma_wait3A_25] : memref<125x80xi32, #tpu.memory_space<vmem>> -> memref<1x80xi32, #tpu.memory_space<vmem>>
    %dma_wait3A_27 = tpu.memref_squeeze %dma_wait3A_26 : memref<1x80xi32, #tpu.memory_space<vmem>> -> memref<80xi32, #tpu.memory_space<vmem>>
    %dma_wait3A_28 = arith.constant 0 : i32
    %dma_wait3A_29 = arith.constant 0 : i32
    %dma_wait3A_30 = tpu.memref_slice %arg2[%dma_wait3A_28, %dma_wait3A_29] : memref<10000x80xf32, #tpu.memory_space<hbm>> -> memref<10000x80xf32, #tpu.memory_space<hbm>>
    tpu.wait_indirect_dma semaphore(%arg19 : memref<!tpu.dma_semaphore, #tpu.memory_space<semaphore_mem>>) src(%dma_wait3A_30 : memref<10000x80xf32, #tpu.memory_space<hbm>>) dst(%arg13 : memref<80x80xf32, #tpu.memory_space<vmem>>)
    %run_scoped3A = arith.constant 124 : i32
    "tpu.region"() ({
      %run_scoped3A_41 = tpu.sem_alloc : memref<!tpu.dma_semaphore, #tpu.memory_space<semaphore_mem>>
      %dma_start3A_42 = arith.constant 0 : i32
      %dma_start3A_43 = tpu.memref_slice %arg12[%run_scoped3A, %dma_start3A_42] : memref<125x80xi32, #tpu.memory_space<vmem>> -> memref<1x80xi32, #tpu.memory_space<vmem>>
      %dma_start3A_44 = tpu.memref_squeeze %dma_start3A_43 : memref<1x80xi32, #tpu.memory_space<vmem>> -> memref<80xi32, #tpu.memory_space<vmem>>
      %dma_start3A_45 = arith.constant 0 : i32
      %dma_start3A_46 = arith.constant 0 : i32
      %dma_start3A_47 = tpu.memref_slice %arg18[%dma_start3A_45, %dma_start3A_46] : memref<10512x80xf32, #tpu.memory_space<vmem_shared>> -> memref<10512x80xf32, #tpu.memory_space<vmem_shared>>
      tpu.enqueue_indirect_dma source(%arg13 : memref<80x80xf32, #tpu.memory_space<vmem>>) target(%dma_start3A_47 : memref<10512x80xf32, #tpu.memory_space<vmem_shared>>) offsets(%dma_start3A_44 : memref<80xi32, #tpu.memory_space<vmem>>) semaphore(%run_scoped3A_41 : memref<!tpu.dma_semaphore, #tpu.memory_space<semaphore_mem>>) {add = true}
      %dma_wait3A_48 = arith.constant 0 : i32
      %dma_wait3A_49 = tpu.memref_slice %arg12[%run_scoped3A, %dma_wait3A_48] : memref<125x80xi32, #tpu.memory_space<vmem>> -> memref<1x80xi32, #tpu.memory_space<vmem>>
      %dma_wait3A_50 = tpu.memref_squeeze %dma_wait3A_49 : memref<1x80xi32, #tpu.memory_space<vmem>> -> memref<80xi32, #tpu.memory_space<vmem>>
      %dma_wait3A_51 = arith.constant 0 : i32
      %dma_wait3A_52 = arith.constant 0 : i32
      %dma_wait3A_53 = tpu.memref_slice %arg18[%dma_wait3A_51, %dma_wait3A_52] : memref<10512x80xf32, #tpu.memory_space<vmem_shared>> -> memref<10512x80xf32, #tpu.memory_space<vmem_shared>>
      tpu.wait_indirect_dma semaphore(%run_scoped3A_41 : memref<!tpu.dma_semaphore, #tpu.memory_space<semaphore_mem>>) src(%arg13 : memref<80x80xf32, #tpu.memory_space<vmem>>) dst(%dma_wait3A_53 : memref<10512x80xf32, #tpu.memory_space<vmem_shared>>)
      tpu.yield
    }) : () -> ()
    %barrier3A_31 = arith.constant 0 : index
    tpu.barrier barrier_id(%barrier3A_31)
    %mul3A_32 = arith.constant 656 : i32
    %mul3A_33 = arith.muli %arg1, %mul3A_32 : i32
    %mul3A_34 = arith.constant 656 : i32
    %mul3A_35 = arith.muli %arg1, %mul3A_34 : i32
    "tpu.region"() ({
      %run_scoped3A_41 = tpu.sem_alloc : memref<!tpu.dma_semaphore, #tpu.memory_space<semaphore_mem>>
      %dma_start3A_42 = arith.constant 0 : i32
      %dma_start3A_43 = arith.constant 0 : i32
      %dma_start3A_44 = tpu.memref_slice %arg9[%arg0, %dma_start3A_42, %dma_start3A_43] : memref<2x10512x80xf32, #tpu.memory_space<hbm>> -> memref<1x10512x80xf32, #tpu.memory_space<hbm>>
      %dma_start3A_45 = tpu.memref_squeeze %dma_start3A_44 : memref<1x10512x80xf32, #tpu.memory_space<hbm>> -> memref<10512x80xf32, #tpu.memory_space<hbm>>
      %dma_start3A_46 = arith.constant 0 : i32
      %dma_start3A_47 = tpu.memref_slice %dma_start3A_45[%mul3A_35, %dma_start3A_46] : memref<10512x80xf32, #tpu.memory_space<hbm>> -> memref<656x80xf32, #tpu.memory_space<hbm>>
      %dma_start3A_48 = arith.constant 0 : i32
      %dma_start3A_49 = tpu.memref_slice %arg18[%mul3A_33, %dma_start3A_48] : memref<10512x80xf32, #tpu.memory_space<vmem_shared>> -> memref<656x80xf32, #tpu.memory_space<vmem_shared>>
      tpu.enqueue_dma source(%dma_start3A_49 : memref<656x80xf32, #tpu.memory_space<vmem_shared>>) target(%dma_start3A_47 : memref<656x80xf32, #tpu.memory_space<hbm>>) target_semaphore(%run_scoped3A_41 : memref<!tpu.dma_semaphore, #tpu.memory_space<semaphore_mem>>)
      %dma_wait3A_50 = arith.constant 0 : i32
      %dma_wait3A_51 = arith.constant 0 : i32
      %dma_wait3A_52 = tpu.memref_slice %arg9[%arg0, %dma_wait3A_50, %dma_wait3A_51] : memref<2x10512x80xf32, #tpu.memory_space<hbm>> -> memref<1x10512x80xf32, #tpu.memory_space<hbm>>
      %dma_wait3A_53 = tpu.memref_squeeze %dma_wait3A_52 : memref<1x10512x80xf32, #tpu.memory_space<hbm>> -> memref<10512x80xf32, #tpu.memory_space<hbm>>
      %dma_wait3A_54 = arith.constant 0 : i32
      %dma_wait3A_55 = tpu.memref_slice %dma_wait3A_53[%mul3A_35, %dma_wait3A_54] : memref<10512x80xf32, #tpu.memory_space<hbm>> -> memref<656x80xf32, #tpu.memory_space<hbm>>
      %dma_wait3A_56 = arith.constant 0 : i32
      %dma_wait3A_57 = tpu.memref_slice %arg18[%mul3A_33, %dma_wait3A_56] : memref<10512x80xf32, #tpu.memory_space<vmem_shared>> -> memref<656x80xf32, #tpu.memory_space<vmem_shared>>
      tpu.wait_dma2 semaphore(%run_scoped3A_41 : memref<!tpu.dma_semaphore, #tpu.memory_space<semaphore_mem>>) src(%dma_wait3A_57 : memref<656x80xf32, #tpu.memory_space<vmem_shared>>) dst(%dma_wait3A_55 : memref<656x80xf32, #tpu.memory_space<hbm>>)
      tpu.yield
    }) : () -> ()
    %eq3A_36 = arith.constant 0 : i32
    %eq3A_37 = arith.cmpi eq, %arg1, %eq3A_36 : i32
    %convert_element_type3A_38 = arith.extui %eq3A_37 : i1 to i32
    %cond3A_39 = arith.constant 0 : i32
    %cond3A_40 = arith.cmpi ne, %convert_element_type3A_38, %cond3A_39 : i32
    scf.if %cond3A_40 {
      "tpu.region"() ({
        %run_scoped3A_41 = tpu.sem_alloc : memref<!tpu.dma_semaphore, #tpu.memory_space<semaphore_mem>>
        %dma_start3A_42 = arith.constant 0 : i32
        %dma_start3A_43 = arith.constant 0 : i32
        %dma_start3A_44 = tpu.memref_slice %arg9[%arg0, %dma_start3A_42, %dma_start3A_43] : memref<2x10512x80xf32, #tpu.memory_space<hbm>> -> memref<1x10512x80xf32, #tpu.memory_space<hbm>>
        %dma_start3A_45 = tpu.memref_squeeze %dma_start3A_44 : memref<1x10512x80xf32, #tpu.memory_space<hbm>> -> memref<10512x80xf32, #tpu.memory_space<hbm>>
        %dma_start3A_46 = arith.constant 10496 : i32
        %dma_start3A_47 = arith.constant 0 : i32
        %dma_start3A_48 = tpu.memref_slice %dma_start3A_45[%dma_start3A_46, %dma_start3A_47] : memref<10512x80xf32, #tpu.memory_space<hbm>> -> memref<16x80xf32, #tpu.memory_space<hbm>>
        %dma_start3A_49 = arith.constant 10496 : i32
        %dma_start3A_50 = arith.constant 0 : i32
        %dma_start3A_51 = tpu.memref_slice %arg18[%dma_start3A_49, %dma_start3A_50] : memref<10512x80xf32, #tpu.memory_space<vmem_shared>> -> memref<16x80xf32, #tpu.memory_space<vmem_shared>>
        tpu.enqueue_dma source(%dma_start3A_51 : memref<16x80xf32, #tpu.memory_space<vmem_shared>>) target(%dma_start3A_48 : memref<16x80xf32, #tpu.memory_space<hbm>>) target_semaphore(%run_scoped3A_41 : memref<!tpu.dma_semaphore, #tpu.memory_space<semaphore_mem>>)
        %dma_wait3A_52 = arith.constant 0 : i32
        %dma_wait3A_53 = arith.constant 0 : i32
        %dma_wait3A_54 = tpu.memref_slice %arg9[%arg0, %dma_wait3A_52, %dma_wait3A_53] : memref<2x10512x80xf32, #tpu.memory_space<hbm>> -> memref<1x10512x80xf32, #tpu.memory_space<hbm>>
        %dma_wait3A_55 = tpu.memref_squeeze %dma_wait3A_54 : memref<1x10512x80xf32, #tpu.memory_space<hbm>> -> memref<10512x80xf32, #tpu.memory_space<hbm>>
        %dma_wait3A_56 = arith.constant 10496 : i32
        %dma_wait3A_57 = arith.constant 0 : i32
        %dma_wait3A_58 = tpu.memref_slice %dma_wait3A_55[%dma_wait3A_56, %dma_wait3A_57] : memref<10512x80xf32, #tpu.memory_space<hbm>> -> memref<16x80xf32, #tpu.memory_space<hbm>>
        %dma_wait3A_59 = arith.constant 10496 : i32
        %dma_wait3A_60 = arith.constant 0 : i32
        %dma_wait3A_61 = tpu.memref_slice %arg18[%dma_wait3A_59, %dma_wait3A_60] : memref<10512x80xf32, #tpu.memory_space<vmem_shared>> -> memref<16x80xf32, #tpu.memory_space<vmem_shared>>
        tpu.wait_dma2 semaphore(%run_scoped3A_41 : memref<!tpu.dma_semaphore, #tpu.memory_space<semaphore_mem>>) src(%dma_wait3A_61 : memref<16x80xf32, #tpu.memory_space<vmem_shared>>) dst(%dma_wait3A_58 : memref<16x80xf32, #tpu.memory_space<hbm>>)
        tpu.yield
      }) : () -> ()
    } else {
    }
    return
  }
}

module attributes {stable_mosaic.version = 14 : i64} {
  func.func @_h0_body(%arg0: i32, %arg1: memref<2000x128xf32, #tpu.memory_space<vmem>>, %arg2: memref<2000x128xf32, #tpu.memory_space<vmem>>, %arg3: memref<64x128xf32, #tpu.memory_space<vmem>>, %arg4: memref<1x64xf32, #tpu.memory_space<vmem>>, %arg5: memref<64x192xf32, #tpu.memory_space<vmem>>, %arg6: memref<1x64xf32, #tpu.memory_space<vmem>>, %arg7: memref<64x192xf32, #tpu.memory_space<vmem>>, %arg8: memref<1x64xf32, #tpu.memory_space<vmem>>, %arg9: memref<2000x64xf32, #tpu.memory_space<vmem>>) attributes {dimension_semantics = [#tpu.dimension_semantics<arbitrary>], iteration_bounds = array<i64: 5>, scalar_prefetch = 0 : i64, scratch_operands = 0 : i64, tpu.core_type = #tpu.core_type<tc>, window_params = [{transform_indices = @transform_0, window_bounds = array<i64: 2000, 128>}, {transform_indices = @transform_1, window_bounds = array<i64: 2000, 128>}, {pipeline_mode = #tpu.pipeline_mode<synchronous>, transform_indices = @transform_2, window_bounds = array<i64: 64, 128>}, {pipeline_mode = #tpu.pipeline_mode<synchronous>, transform_indices = @transform_3, window_bounds = array<i64: 1, 64>}, {pipeline_mode = #tpu.pipeline_mode<synchronous>, transform_indices = @transform_4, window_bounds = array<i64: 64, 192>}, {pipeline_mode = #tpu.pipeline_mode<synchronous>, transform_indices = @transform_5, window_bounds = array<i64: 1, 64>}, {pipeline_mode = #tpu.pipeline_mode<synchronous>, transform_indices = @transform_6, window_bounds = array<i64: 64, 192>}, {pipeline_mode = #tpu.pipeline_mode<synchronous>, transform_indices = @transform_7, window_bounds = array<i64: 1, 64>}, {transform_indices = @transform_8, window_bounds = array<i64: 2000, 64>}]} {
    %get3A = arith.constant 0 : index
    %get3A_0 = arith.constant 0 : index
    %get3A_1 = vector.load %arg1[%get3A, %get3A_0] : memref<2000x128xf32, #tpu.memory_space<vmem>>, vector<2000x128xf32>
    %get3A_2 = arith.constant 0 : index
    %get3A_3 = arith.constant 0 : index
    %get3A_4 = vector.load %arg2[%get3A_2, %get3A_3] : memref<2000x128xf32, #tpu.memory_space<vmem>>, vector<2000x128xf32>
    %get3A_5 = arith.constant 0 : index
    %get3A_6 = arith.constant 0 : index
    %get3A_7 = vector.load %arg3[%get3A_5, %get3A_6] : memref<64x128xf32, #tpu.memory_space<vmem>>, vector<64x128xf32>
    %transpose3A = tpu.transpose %get3A_7, [1, 0] : vector<64x128xf32> -> vector<128x64xf32>
    %dot_general3A = arith.constant dense<0.000000e+00> : vector<2000x64xf32>
    %dot_general3A_8 = tpu.matmul %get3A_4, %transpose3A, %dot_general3A {dimension_numbers = #tpu.dot_dimension_numbers<[1], [0], [0], [1], [0, 0, 1, 1], [], []>, transpose_lhs_hint = false} : vector<2000x128xf32>, vector<128x64xf32>, vector<2000x64xf32> -> vector<2000x64xf32>
    %get3A_9 = arith.constant 0 : index
    %get3A_10 = arith.constant 0 : index
    %get3A_11 = vector.load %arg4[%get3A_9, %get3A_10] : memref<1x64xf32, #tpu.memory_space<vmem>>, vector<1x64xf32>
    %add3A = vector.broadcast %get3A_11 : vector<1x64xf32> to vector<2000x64xf32>
    %add3A_12 = arith.addf %dot_general3A_8, %add3A : vector<2000x64xf32>
    %get3A_13 = arith.constant 0 : index
    %get3A_14 = arith.constant 0 : index
    %get3A_15 = vector.load %arg5[%get3A_13, %get3A_14] : memref<64x192xf32, #tpu.memory_space<vmem>>, vector<64x192xf32>
    %slice3A = vector.extract_strided_slice %get3A_15 {offsets = [0, 0], sizes = [64, 128], strides = [1, 1]} : vector<64x192xf32> to vector<64x128xf32>
    %transpose3A_16 = tpu.transpose %slice3A, [1, 0] : vector<64x128xf32> -> vector<128x64xf32>
    %dot_general3A_17 = arith.constant dense<0.000000e+00> : vector<2000x64xf32>
    %dot_general3A_18 = tpu.matmul %get3A_1, %transpose3A_16, %dot_general3A_17 {dimension_numbers = #tpu.dot_dimension_numbers<[1], [0], [0], [1], [0, 0, 1, 1], [], []>, transpose_lhs_hint = false} : vector<2000x128xf32>, vector<128x64xf32>, vector<2000x64xf32> -> vector<2000x64xf32>
    %get3A_19 = arith.constant 0 : index
    %get3A_20 = arith.constant 0 : index
    %get3A_21 = vector.load %arg6[%get3A_19, %get3A_20] : memref<1x64xf32, #tpu.memory_space<vmem>>, vector<1x64xf32>
    %add3A_22 = vector.broadcast %get3A_21 : vector<1x64xf32> to vector<2000x64xf32>
    %add3A_23 = arith.addf %dot_general3A_18, %add3A_22 : vector<2000x64xf32>
    %slice3A_24 = vector.extract_strided_slice %get3A_15 {offsets = [0, 128], sizes = [64, 64], strides = [1, 1]} : vector<64x192xf32> to vector<64x64xf32>
    %transpose3A_25 = tpu.transpose %slice3A_24, [1, 0] : vector<64x64xf32> -> vector<64x64xf32>
    %dot_general3A_26 = arith.constant dense<0.000000e+00> : vector<2000x64xf32>
    %dot_general3A_27 = tpu.matmul %add3A_12, %transpose3A_25, %dot_general3A_26 {dimension_numbers = #tpu.dot_dimension_numbers<[1], [0], [0], [1], [0, 0, 1, 1], [], []>, transpose_lhs_hint = false} : vector<2000x64xf32>, vector<64x64xf32>, vector<2000x64xf32> -> vector<2000x64xf32>
    %add3A_28 = arith.addf %add3A_23, %dot_general3A_27 : vector<2000x64xf32>
    %get3A_29 = arith.constant 0 : index
    %get3A_30 = arith.constant 0 : index
    %get3A_31 = vector.load %arg7[%get3A_29, %get3A_30] : memref<64x192xf32, #tpu.memory_space<vmem>>, vector<64x192xf32>
    %slice3A_32 = vector.extract_strided_slice %get3A_31 {offsets = [0, 0], sizes = [64, 128], strides = [1, 1]} : vector<64x192xf32> to vector<64x128xf32>
    %transpose3A_33 = tpu.transpose %slice3A_32, [1, 0] : vector<64x128xf32> -> vector<128x64xf32>
    %dot_general3A_34 = arith.constant dense<0.000000e+00> : vector<2000x64xf32>
    %dot_general3A_35 = tpu.matmul %get3A_1, %transpose3A_33, %dot_general3A_34 {dimension_numbers = #tpu.dot_dimension_numbers<[1], [0], [0], [1], [0, 0, 1, 1], [], []>, transpose_lhs_hint = false} : vector<2000x128xf32>, vector<128x64xf32>, vector<2000x64xf32> -> vector<2000x64xf32>
    %slice3A_36 = vector.extract_strided_slice %get3A_31 {offsets = [0, 128], sizes = [64, 64], strides = [1, 1]} : vector<64x192xf32> to vector<64x64xf32>
    %transpose3A_37 = tpu.transpose %slice3A_36, [1, 0] : vector<64x64xf32> -> vector<64x64xf32>
    %dot_general3A_38 = arith.constant dense<0.000000e+00> : vector<2000x64xf32>
    %dot_general3A_39 = tpu.matmul %add3A_12, %transpose3A_37, %dot_general3A_38 {dimension_numbers = #tpu.dot_dimension_numbers<[1], [0], [0], [1], [0, 0, 1, 1], [], []>, transpose_lhs_hint = false} : vector<2000x64xf32>, vector<64x64xf32>, vector<2000x64xf32> -> vector<2000x64xf32>
    %add3A_40 = arith.addf %dot_general3A_35, %dot_general3A_39 : vector<2000x64xf32>
    %get3A_41 = arith.constant 0 : index
    %get3A_42 = arith.constant 0 : index
    %get3A_43 = vector.load %arg8[%get3A_41, %get3A_42] : memref<1x64xf32, #tpu.memory_space<vmem>>, vector<1x64xf32>
    %add3A_44 = vector.broadcast %get3A_43 : vector<1x64xf32> to vector<2000x64xf32>
    %add3A_45 = arith.addf %add3A_40, %add3A_44 : vector<2000x64xf32>
    %logistic3A = arith.negf %add3A_45 : vector<2000x64xf32>
    %logistic3A_46 = math.exp %logistic3A : vector<2000x64xf32>
    %logistic3A_47 = arith.constant 1.000000e+00 : f32
    %logistic3A_48 = vector.broadcast %logistic3A_47 : f32 to vector<2000x64xf32>
    %logistic3A_49 = arith.addf %logistic3A_48, %logistic3A_46 : vector<2000x64xf32>
    %logistic3A_50 = arith.divf %logistic3A_48, %logistic3A_49 : vector<2000x64xf32>
    %mul3A = arith.mulf %logistic3A_50, %add3A_28 : vector<2000x64xf32>
    %sub3A = arith.constant 1.000000e+00 : f32
    %sub3A_51 = vector.broadcast %sub3A : f32 to vector<2000x64xf32>
    %sub3A_52 = arith.subf %sub3A_51, %logistic3A_50 : vector<2000x64xf32>
    %mul3A_53 = arith.mulf %sub3A_52, %add3A_23 : vector<2000x64xf32>
    %add3A_54 = arith.addf %mul3A, %mul3A_53 : vector<2000x64xf32>
    %swap3A = arith.constant 0 : index
    %swap3A_55 = arith.constant 0 : index
    %swap3A_56 = vector.load %arg9[%swap3A, %swap3A_55] : memref<2000x64xf32, #tpu.memory_space<vmem>>, vector<2000x64xf32>
    tpu.vector_store %arg9[%swap3A, %swap3A_55], %add3A_54 {strides = array<i32>} : memref<2000x64xf32, #tpu.memory_space<vmem>>, vector<2000x64xf32>,
    return
  }
  func.func @transform_0(%arg0: i32) -> (i32, i32) {
    %c0_i32 = arith.constant 0 : i32
    %c0_i32_0 = arith.constant 0 : i32
    return %arg0, %c0_i32 : i32, i32
  }
  func.func @transform_1(%arg0: i32) -> (i32, i32) {
    %c0_i32 = arith.constant 0 : i32
    %c0_i32_0 = arith.constant 0 : i32
    return %arg0, %c0_i32 : i32, i32
  }
  func.func @transform_2(%arg0: i32) -> (i32, i32) {
    %c0_i32 = arith.constant 0 : i32
    %c0_i32_0 = arith.constant 0 : i32
    %c0_i32_1 = arith.constant 0 : i32
    return %c0_i32, %c0_i32_0 : i32, i32
  }
  func.func @transform_3(%arg0: i32) -> (i32, i32) {
    %c0_i32 = arith.constant 0 : i32
    %c0_i32_0 = arith.constant 0 : i32
    %c0_i32_1 = arith.constant 0 : i32
    return %c0_i32, %c0_i32_0 : i32, i32
  }
  func.func @transform_4(%arg0: i32) -> (i32, i32) {
    %c0_i32 = arith.constant 0 : i32
    %c0_i32_0 = arith.constant 0 : i32
    %c0_i32_1 = arith.constant 0 : i32
    return %c0_i32, %c0_i32_0 : i32, i32
  }
  func.func @transform_5(%arg0: i32) -> (i32, i32) {
    %c0_i32 = arith.constant 0 : i32
    %c0_i32_0 = arith.constant 0 : i32
    %c0_i32_1 = arith.constant 0 : i32
    return %c0_i32, %c0_i32_0 : i32, i32
  }
  func.func @transform_6(%arg0: i32) -> (i32, i32) {
    %c0_i32 = arith.constant 0 : i32
    %c0_i32_0 = arith.constant 0 : i32
    %c0_i32_1 = arith.constant 0 : i32
    return %c0_i32, %c0_i32_0 : i32, i32
  }
  func.func @transform_7(%arg0: i32) -> (i32, i32) {
    %c0_i32 = arith.constant 0 : i32
    %c0_i32_0 = arith.constant 0 : i32
    %c0_i32_1 = arith.constant 0 : i32
    return %c0_i32, %c0_i32_0 : i32, i32
  }
  func.func @transform_8(%arg0: i32) -> (i32, i32) {
    %c0_i32 = arith.constant 0 : i32
    %c0_i32_0 = arith.constant 0 : i32
    return %arg0, %c0_i32 : i32, i32
  }
}

</mosaic_0001>

<sc_bundles>
// kernel: kernel.10.cloned.1.call-start
scs
__scs_entry_jumppad:
0x0: {  	(pc) =	sbr.rel $0x88, $3  }
0x1: {  	(tag) =	ssettag $0x0;
	lr =	simm.s32 $0x1  }
0x2: {  	[smem:$0x3F8B] =	sst lr;
	_ =	strace $0xD0000000  }
0x3: {  	_ = 	snop  }
0x4: {  	_ = 	snop  }
0x5: {  	_ = 	snop  }
0x6: {  	_ = 	snop  }
0x7: {  	_ = 	snop  }
__scs_overlays_trampoline_lowered:
0x8: {  	[smem:$0x3F9A] =	sst s0  }
0x9: {  	[smem:$0x3F9B] =	sst s1  }
0xa: {  	[smem:$0x3F9C] =	sst s2  }
0xb: {  	[smem:$0x3F9D] =	sst s3  }
0xc: {  	[smem:$0x3F9E] =	sst s4  }
0xd: {  	[smem:$0x3F9F] =	sst s5  }
0xe: {  	[smem:$0x3FA0] =	sst s6  }
0xf: {  	[smem:$0x3FA1] =	sst s7  }
0x10: {  	[smem:$0x3FA2] =	sst s8  }
0x11: {  	[smem:$0x3FA3] =	sst s9;
	s0 =	simm.s32 @!p0 $0x0  }
0x12: {  	s1 =	sld [smem:$0x3F89];
	s0 =	simm.s32 @p0 $0x1  }
0x13: {  	[smem:$0x3FA4] =	sst s0;
	s0 =	simm.s32 @!p1 $0x0  }
0x14: {  	s2 =	sld [smem:$0x3F88];
	s0 =	simm.s32 @p1 $0x1  }
0x15: {  	[smem:$0x3FA5] =	sst s0;
	s0 =	simm.s32 @!p2 $0x0  }
0x16: {  	s3 =	sld [smem:$0x3FDB];
	s0 =	simm.s32 @p2 $0x1  }
0x17: {  	s4 =	simm.s32 $0x1BF5;
	[smem:$0x3FA7] =	sst s0  }
0x18: {  	s0 =	sld [smem:$0x3F8A];
	_ =	swait.ge [sflag:s4], $0x0  }
0x19: {  	s7 =	sld [smem:$0x3F8B]  }
0x1a: {  	s8 =	sadd.s32 $0xFFFFE003, lr  }
0x1b: {  	s9 =	sadd.s32 $0xFFFFFEF7, lr;
	s5 =	simm.s32 $0xFFFFFFFF;
	p2 =	slt.u32 s8, $0xFFFFF086  }
0x1c: {  	p1 =	slt.u32 s9, $0xF7A;
	s5 =	simm.s32 @!p2 $0x0  }
0x1d: {  	s5 =	simm.s32 @p1 $0x1;
	p0 =	seq.s32 s7, s2  }
0x1e: {  	s7 =	smul.u32 @!p0 $0xF7A, s2;
	p2 =	seq.s32 @!p0 s5, $0x0  }
0x1f: {  	s9 =	smul.u32 $0xF7A, s1;
	s8 =	simm.s32 @!p0 $0x1BF5;
	p2 =	por !p2, p0  }
0x20: {  	[sflag:s8] =	ssyncset.s32 @!p0 $0xFFFFF086;
	s6 =	sadd.s32 @!p0 s3, s7;
	s7 =	simm.s32 @!p0 $0x108  }
0x21: {  	s3 =	sadd.s32 s3, s9;
	s6 =	sadd.s32 @!p0 $0x88, s6;
	s7 =	simm.s32 @p2 $0x1082  }
0x22: {  	[simem:s7], [sflag:s8] =	dma.local @!p0 [hbm:s6], $0xF7A  }
0x23: {  	s9 =	sor.u32 $0xD0000000, s2;
	s6 =	simm.s32 $0x108;
	_ =	swait.ge @!p0 [sflag:s8], $0x0  }
0x24: {  	s3 =	sadd.s32 $0x88, s3;
	s6 =	simm.s32 @!p1 $0x1082;
	[sflag:s4] =	ssyncset.s32 $0xFFFFF086  }
0x25: {  	[simem:s6], [sflag:s4] =	dma.local [hbm:s3], $0xF7A  }
0x26: {  	[smem:$0x3F8B] =	sst s1;
	(tag) =	ssettag s2;
	_ =	strace s9  }
0x27: {  	s1 =	sld [smem:$0x3F9B]  }
0x28: {  	s2 =	sld [smem:$0x3F9C]  }
0x29: {  	s4 =	sld [smem:$0x3F9E]  }
0x2a: {  	p0 =	seq.s32 s5, $0x0;
	s5 =	sld [smem:$0x3F9F]  }
0x2b: {  	s6 =	sld [smem:$0x3FA0]  }
0x2c: {  	s7 =	sld [smem:$0x3FA1]  }
0x2d: {  	s3 =	simm.s32 $0x108;
	s8 =	sld [smem:$0x3FA2]  }
0x2e: {  	s3 =	simm.s32 @!p0 $0x1082;
	s9 =	sld [smem:$0x3FA3]  }
0x2f: {  	lr =	sadd.s32 s0, s3;
	s0 =	sld [smem:$0x3F9A]  }
0x30: {  	s3 =	sld [smem:$0x3F9D]  }
0x31: {  	[smem:$0x3FA6] =	sst s10  }
0x32: {  	s10 =	sld [smem:$0x3FA4];
	_ =	sdelay $0x3  }
0x33: {  	p0 =	seq.s32 s10, $0x1;
	s10 =	sld [smem:$0x3FA6];
	_ =	sdelay $0x3  }
0x34: {  	[smem:$0x3FA6] =	sst s10  }
0x35: {  	s10 =	sld [smem:$0x3FA5];
	_ =	sdelay $0x3  }
0x36: {  	p1 =	seq.s32 s10, $0x1;
	s10 =	sld [smem:$0x3FA6];
	_ =	sdelay $0x3  }
0x37: {  	[smem:$0x3FA6] =	sst s10  }
0x38: {  	s10 =	sld [smem:$0x3FA7]  }
0x39: {  	_ = 	snop;
	(pc) =	sbr.ind lr, $3  }
0x3a: {  	_ = 	snop  }
0x3b: {  	_ = 	snop  }
0x3c: {  	p2 =	seq.s32 s10, $0x1;
	s10 =	sld [smem:$0x3FA6]  }
0x3d: {  	_ =	shalt  }
0x3e: {  	_ =	shalt  }
0x3f: {  	_ =	shalt  }
0x40: {  	_ =	shalt  }
0x41: {  	_ =	shalt  }
0x42: {  	_ =	shalt  }
0x43: {  	_ =	shalt  }
0x44: {  	_ =	shalt  }
0x45: {  	_ =	shalt  }
0x46: {  	_ =	shalt  }
0x47: {  	_ =	shalt  }
0x48: {  	_ =	shalt  }
0x49: {  	_ =	shalt  }
0x4a: {  	_ =	shalt  }
0x4b: {  	_ =	shalt  }
0x4c: {  	_ =	shalt  }
0x4d: {  	_ =	shalt  }
0x4e: {  	_ =	shalt  }
0x4f: {  	_ =	shalt  }
0x50: {  	_ =	shalt  }
0x51: {  	_ =	shalt  }
0x52: {  	_ =	shalt  }
0x53: {  	_ =	shalt  }
0x54: {  	_ =	shalt  }
0x55: {  	_ =	shalt  }
0x56: {  	_ =	shalt  }
0x57: {  	_ =	shalt  }
0x58: {  	_ =	shalt  }
0x59: {  	_ =	shalt  }
0x5a: {  	_ =	shalt  }
0x5b: {  	_ =	shalt  }
0x5c: {  	_ =	shalt  }
0x5d: {  	_ =	shalt  }
0x5e: {  	_ =	shalt  }
0x5f: {  	_ =	shalt  }
0x60: {  	_ =	shalt  }
0x61: {  	_ =	shalt  }
0x62: {  	_ =	shalt  }
0x63: {  	_ =	shalt  }
0x64: {  	_ =	shalt  }
0x65: {  	_ =	shalt  }
0x66: {  	_ =	shalt  }
0x67: {  	_ =	shalt  }
0x68: {  	_ =	shalt  }
0x69: {  	_ =	shalt  }
0x6a: {  	_ =	shalt  }
0x6b: {  	_ =	shalt  }
0x6c: {  	_ =	shalt  }
0x6d: {  	_ =	shalt  }
0x6e: {  	_ =	shalt  }
0x6f: {  	_ =	shalt  }
0x70: {  	_ =	shalt  }
0x71: {  	_ =	shalt  }
0x72: {  	_ =	shalt  }
0x73: {  	_ =	shalt  }
0x74: {  	_ =	shalt  }
0x75: {  	_ =	shalt  }
0x76: {  	_ =	shalt  }
0x77: {  	_ =	shalt  }
0x78: {  	_ =	shalt  }
0x79: {  	_ =	shalt  }
0x7a: {  	_ =	shalt  }
0x7b: {  	_ =	shalt  }
0x7c: {  	_ =	shalt  }
0x7d: {  	_ =	shalt  }
0x7e: {  	_ =	shalt  }
0x7f: {  	_ =	shalt  }
0x80: {  	_ =	shalt  }
0x81: {  	_ =	shalt  }
0x82: {  	_ =	shalt  }
0x83: {  	_ =	shalt  }
0x84: {  	_ =	shalt  }
0x85: {  	_ =	shalt  }
0x86: {  	_ =	shalt  }
0x87: {  	_ =	shalt  }
.Lfunc_end0:
.L_simem_size_0:
called_computation_lowered:
.L_overlay_start_0:
0x88: {  	s2 =	sld [smem:$0x3FD9]  }
0x89: {  	s3 =	sld [smem:$0x3FFE];
	_ =	sdelay $0x1  }
0x8a: {  	s1 =	srdreg.scid  }
0x8b: {  	s0 =	sand.u32 $0x1, s1  }
0x8c: {  	s17 =	sshll.u32 s0, $0xA;
	s2 =	sadd.s32 s3, s2  }
0x8d: {  	s2 =	sadd.s32 s2, s17  }
0x8e: {  	[smem:$0x3FB2] =	sst s2  }
0x8f: {  	_ = 	snop  }
0x90: {  	s2 =	sld [smem:$0x3FD0];
	(tm) =	ssettm $0x1  }
0x91: {  	s18 =	sld [smem:$0x3FFB];
	_ =	sdelay $0x3  }
0x92: {  	_ =	strace s18  }
0x93: {  	s3 =	sld [smem:$0x3FFC];
	_ =	sdelay $0x3  }
0x94: {  	_ =	strace s3  }
0x95: {  	s3 =	sld [smem:$0x3FFD];
	_ =	sdelay $0x3  }
0x96: {  	_ =	strace s3  }
0x97: {  	_ =	strace $0x8FFFFFFF  }
0x98: {  	s19 =	sld [smem:$0x3FDB];
	_ =	sdelay $0x1  }
0x99: {  	s4 =	simm.s32 $_scs_section_size  }
0x9a: {  	s5 =	simm.s32 $_size__tile_overlayer_lowered;
	s6 =	simm.s32 $_tile_overlayer_lowered  }
0x9b: {  	s22 =	simm.s32 $0x1BFF;
	s21 =	sshll.u32 s6, $0x1;
	s3 =	sadd.s32 s4, s19  }
0x9c: {  	s7 =	simm.s32 $0x0;
	s20 =	sshll.u32 s5, $0x1;
	s5 =	sadd.s32 s21, s3  }
0x9d: {  	[timem:s7], [sflag:s22] =	dma.local [hbm:s5], s20  }
0x9e: {  	_ =	swait.ge [sflag:s22], s20  }
0x9f: {  	s4 =	ssub.s32 $0x0, s20;
	[sflag:s22] =	ssyncset.done $0x0  }
0xa0: {  	[sflag:s22] =	ssyncadd.s32 s4;
	_ =	sdelay $0x1  }
0xa1: {  	s23 =	simm.s32 $0x1B8B  }
0xa2: {  	_ =	swait.ge [sflag:s23], $0x1  }
0xa3: {  	[sflag:s23] =	ssyncset.done $0x0  }
0xa4: {  	s25 =	simm.s32 $0x1B8E;
	s24 =	sld [smem:$0x3FFE];
	[sflag:s23] =	ssyncadd.s32 $0xFFFFFFFF  }
0xa5: {  	s26 =	simm.s32 $execute0_lowered;
	[smem:$0x3FD2] =	sst s25  }
0xa6: {  	s5 =	sshll.u32 s26, $0x1;
	_ =	strace $0x80000046;
	[dreg:$0x1] =	wrdreg $0xFFFFFFFF  }
0xa7: {  	s28 =	simm.s32 $_size_execute0_lowered;
	s3 =	sadd.s32 s3, s5;
	[dreg:$0x0] =	wrdreg $0x0  }
0xa8: {  	s5 =	sshll.u32 s28, $0x1;
	[dreg:$0x2] =	wrdreg s3  }
0xa9: {  	[dreg:$0x3] =	wrdreg s5  }
0xaa: {  	[dreg:$0x4] =	wrdreg $0xC0  }
0xab: {  	_ =	task [dreg:s7], $0x5FFFF  }
0xac: {  	[dreg:$0x1] =	wrdreg $0xFFFFFFFF  }
0xad: {  	[dreg:$0x0] =	wrdreg $0x60  }
0xae: {  	[dreg:$0x2] =	wrdreg s24  }
0xaf: {  	[dreg:$0x3] =	wrdreg s2  }
0xb0: {  	[dreg:$0x4] =	wrdreg $0xF5600  }
0xb1: {  	[dreg:$0x5] =	wrdreg $0x9  }
0xb2: {  	_ =	task.clear_ibuf [dreg:s7], $0x6FFFF;
	_ =	strace $0x90000046  }
0xb3: {  	s29 =	simm.s32 $0x9;
	_ =	strace $0x80000048  }
0xb4: {  	_ =	swait.ge [sflag:s29], $0x1  }
0xb5: {  	[sflag:s29] =	ssyncadd.s32 $0xFFFFFFFF  }
0xb6: {  	_ =	strace $0x90000048  }
0xb7: {  	_ =	sfence  }
0xb8: {  	s30 =	sld [smem:$0x0];
	_ =	sdelay $0x2  }
0xb9: {  	s31 =	sshll.u32 s1, $0xD;
	s1 =	sshrl.u32 s1, $0x2  }
0xba: {  	s3 =	sand.u32 $0x4000, s31;
	s1 =	sadd.s32 s1, s30  }
0xbb: {  	s0 =	sor.u32 s3, s0;
	s1 =	sshll.u32 s1, $0x11  }
0xbc: {  	s0 =	sor.u32 s1, s0  }
0xbd: {  	s0 =	sadd.s32 $0x8F2B, s0  }
0xbe: {  	[sflag:s0] =	ssyncadd.remote.s32 $0x1  }
0xbf: {  	_ =	sfence.sel $0xFFFF  }
0xc0: {  	[dreg:$0x0] =	wrdreg $0xFFFFFFFF;
	(pc) =	sbr.abs _section_cstart, $3  }
0xc1: {  	[dreg:$0x1] =	wrdreg $0xFFFFFFFF  }
0xc2: {  	_ =	task.clear_ibuf [dreg:s7], $0x2FFFF;
	_ =	strace $0x9FFFFFFF  }
0xc3: {  	(tm) =	ssettm $0x7FFFFFFF  }
tec
execute0_lowered:
.L_overlay_start_1:
0x0: {  	(tag) =	ssettag $0x1  }
0x1: {  	s0 =	rddreg [dreg:$0x0]  }
0x2: {  	s8 =	rddreg [dreg:$0x1]  }
0x3: {  	s1 =	rddreg [dreg:$0x2]  }
0x4: {  	s2 =	simm.s32 $0x0;
	s3 =	srdreg.scid;
	s16 =	stileid.u32  }
0x5: {  	s15 =	simm.s32 $0xA730;
	s17 =	simm.s32 $0xF550;
	s21 =	simm.s32 $0x50  }
0x6: {  	s22 =	simm.s32 $0x7530;
	s23 =	simm.s32 $0x1;
	s24 =	simm.s32 $0x8E30  }
0x7: {  	s25 =	simm.s32 $0x2;
	s26 =	simm.s32 $0x74E0;
	s28 =	simm.s32 $0x0  }
0x8: {  	[smem:$0x7FF] =	sst s2;
	s7 =	sand.u32 $0x1, s3;
	s4 =	sshll.u32 s16, $0x1  }
0x9: {  	s3 =	sadd.s32 $0xAA00, s0;
	s9 =	smul.u32 $0xCD00, s16;
	s5 =	sadd.s32 $0x3CE00, s0  }
0xa: {  	s20 =	sadd.s32 $0xCD000, s1;
	p0 =	sne.s32 s16, $0x0;
	s31 =	sshll.u32 s16, $0x6  }
0xb: {  	s16 =	simm.s32 $0xCE40;
	_ =	strace $0x80000047;
	s6 =	sor.u32 s7, s4  }
0xc: {  	s4 =	sadd.s32 $0x3D000, s0;
	s11 =	smul.u32 $0x19AA0, s7;
	s7 =	ssub.s32 $0x2, s7  }
0xd: {  	s18 =	sor.u32 $0x1C03, s31;
	s20 =	sshrl.u32 @!p0 s20, $0x3;
	s10 =	smul.u32 $0x4E2, s6  }
0xe: {  	s6 =	sshrl.u32 s9, $0x3;
	s14 =	sshrl.u32 s7, $0x1;
	s19 =	sadd.s32 s9, s1  }
0xf: {  	s13 =	sadd.s32 s6, s0;
	s11 =	sadd.s32 s11, s0;
	s14 =	ssub.s32 s7, s14  }
0x10: {  	s19 =	sshrl.u32 s19, $0x3;
	s12 =	sadd.s32 s10, s0;
	s8 =	sadd.s32 s8, s10  }
0x11: {  	s9 =	sadd.s32 $0x23200, s13;
	s10 =	sadd.s32 $0x3CC00, s0;
	s11 =	sadd.s32 $0x3D600, s11  }
0x12: {  	v0 =	vlaneseq.u32;
	s13 =	simm.s32 $0x3;
	s7 =	sadd.s32 $0xC00, s12;
	s12 =	smax.u32 s14, $0x1  }
.LBB2_1:
0x13: {  	[tilespmem:s2], [sflag:$0x3] =	stream.linear.gather [hbm4b:s7+s2], $0x2710, $0x38;
	[tilespmem:$0x1C2B0] =	vst v63  }
0x14: {  	_ =	swait.ge [sflag:s13], $0x2710  }
0x15: {  	[sflag:s13] =	ssyncset.done $0x0  }
0x16: {  	s0 =	simm.s32 $0x2710;
	[sflag:s13] =	ssyncadd.s32 $0xFFFFD8F0  }
0x17: {  	[tilespmem:s0], [sflag:$0x3] =	stream.linear.gather [hbm4b:s8+s2], $0x2710, $0x38;
	[tilespmem:$0x1C2B0] =	vst v63  }
0x18: {  	_ =	swait.ge [sflag:s13], $0x2710  }
0x19: {  	[sflag:s13] =	ssyncset.done $0x0  }
0x1a: {  	[sflag:s13] =	ssyncadd.s32 $0xFFFFD8F0  }
0x1b: {  	[tilespmem:s15], [sflag:$0x3] =	stream.linear.gather [hbm4b:s4+s2], $0x2710, $0x38;
	[tilespmem:$0x1C2B0] =	vst v63  }
0x1c: {  	_ =	swait.ge [sflag:s13], $0x2710  }
0x1d: {  	[sflag:s13] =	ssyncset.done $0x0  }
0x1e: {  	[sflag:s13] =	ssyncadd.s32 $0xFFFFD8F0  }
0x1f: {  	[tilespmem:s16], [sflag:$0x3] =	stream.linear.gather [hbm4b:s4+s2], $0x2710, $0x38;
	[tilespmem:$0x1C2B0] =	vst v63  }
0x20: {  	_ =	swait.ge [sflag:s13], $0x2710  }
0x21: {  	[sflag:s13] =	ssyncset.done $0x0  }
0x22: {  	[sflag:s13] =	ssyncadd.s32 $0xFFFFD8F0  }
0x23: {  	[tilespmem:s17], [sflag:$0x3] =	stream.linear.gather [hbm4b:s5+s2], $0x10, $0x38;
	[tilespmem:$0x1C2B0] =	vst v63  }
0x24: {  	_ =	swait.ge [sflag:s13], $0x10  }
0x25: {  	[sflag:s13] =	ssyncset.done $0x0  }
0x26: {  	[sflag:s13] =	ssyncadd.s32 $0xFFFFFFF0  }
0x27: {  	[spmem:s19], [sflag:s18] =	dma.local [hbm:s9], $0x19A0  }
0x28: {  	_ =	swait.ge [sflag:s13], $0x19A0  }
0x29: {  	[sflag:s13] =	ssyncset.done $0x0  }
0x2a: {  	s0 =	simm.s32 @!p0 $0x3;
	[sflag:s13] =	ssyncadd.s32 $0xFFFFE660  }
0x2b: {  	[spmem:s20], [sflag:s18] =	dma.local @!p0 [hbm:s10], $0xA0  }
0x2c: {  	_ =	swait.ge @!p0 [sflag:s0], $0xA0  }
0x2d: {  	[sflag:s0] =	ssyncset.done @!p0 $0x0  }
0x2e: {  	[sflag:s0] =	ssyncadd.s32 @!p0 $0xFFFFFF60  }
0x2f: {  	v1 =	vld [tilespmem:$0xF550];
	_ =	sdelay $0x3  }
0x30: {  	s29 =	simm.s32 $0x2730  }
0x31: {  	s30 =	simm.s32 $0x20;
	s31 =	simm.s32 $0x4E40;
	s0 =	simm.s32 $0x0;
	vm0 =	vgt.f32 v1, $5.000000000e-01  }
.LBB2_2:
0x32: {  	v1 =	vld [tilespmem:s30+$0xFFFFFFE0]  }
0x33: {  	v2 =	vld [tilespmem:s29+$0xFFFFFFE0];
	_ =	sdelay $0x6  }
0x34: {  	v1 =	vld.idx.msk [tilespmem:v1+s15+$0x0], $0xffff  }
0x35: {  	v3 =	vld.idx.msk [tilespmem:v2+s16+$0x0], $0xffff;
	_ =	sdelay $0x4  }
0x36: {  	v1 =	vadd.f32 v3, v1  }
0x37: {  	s14 =	sand.u32 $0x1F0, s0  }
0x38: {  	s14 =	sadd.s32 $0x2710, s14;
	vm1 =	vgt.f32 v1, $0.0e+00  }
0x39: {  	v1 =	vor.u32 s14, v0;
	vm1 =	vmxor vm0, vm1  }
0x3a: {  	v1 =	vsel vm1, v2, v1  }
0x3b: {  	[tilespmem:s31+$0xFFFFFFE0] =	vst v1  }
0x3c: {  	v1 =	vld [tilespmem:s30+$0xFFFFFFF0]  }
0x3d: {  	v2 =	vld [tilespmem:s29+$0xFFFFFFF0];
	_ =	sdelay $0x6  }
0x3e: {  	v1 =	vld.idx.msk [tilespmem:v1+s15+$0x0], $0xffff  }
0x3f: {  	v3 =	vld.idx.msk [tilespmem:v2+s16+$0x0], $0xffff;
	_ =	sdelay $0x4  }
0x40: {  	s14 =	sadd.s32 $0x10, s0;
	v1 =	vadd.f32 v3, v1  }
0x41: {  	s14 =	sand.u32 $0x1F0, s14  }
0x42: {  	s14 =	sadd.s32 $0x2710, s14;
	vm1 =	vgt.f32 v1, $0.0e+00  }
0x43: {  	v1 =	vor.u32 s14, v0;
	vm1 =	vmxor vm0, vm1  }
0x44: {  	v1 =	vsel vm1, v2, v1  }
0x45: {  	[tilespmem:s31+$0xFFFFFFF0] =	vst v1  }
0x46: {  	v1 =	vld [tilespmem:s30+$0x0]  }
0x47: {  	v2 =	vld [tilespmem:s29+$0x0];
	_ =	sdelay $0x6  }
0x48: {  	v1 =	vld.idx.msk [tilespmem:v1+s15+$0x0], $0xffff  }
0x49: {  	v3 =	vld.idx.msk [tilespmem:v2+s16+$0x0], $0xffff;
	_ =	sdelay $0x4  }
0x4a: {  	s14 =	sadd.s32 $0x20, s0;
	v1 =	vadd.f32 v3, v1  }
0x4b: {  	s14 =	sand.u32 $0x1F0, s14  }
0x4c: {  	s14 =	sadd.s32 $0x2710, s14;
	vm1 =	vgt.f32 v1, $0.0e+00  }
0x4d: {  	v1 =	vor.u32 s14, v0;
	vm1 =	vmxor vm0, vm1  }
0x4e: {  	v1 =	vsel vm1, v2, v1  }
0x4f: {  	[tilespmem:s31+$0x0] =	vst v1  }
0x50: {  	v1 =	vld [tilespmem:s30+$0x10]  }
0x51: {  	v2 =	vld [tilespmem:s29+$0x10];
	_ =	sdelay $0x6  }
0x52: {  	v1 =	vld.idx.msk [tilespmem:v1+s15+$0x0], $0xffff  }
0x53: {  	v3 =	vld.idx.msk [tilespmem:v2+s16+$0x0], $0xffff;
	_ =	sdelay $0x4  }
0x54: {  	s14 =	sadd.s32 $0x30, s0;
	v1 =	vadd.f32 v3, v1  }
0x55: {  	s14 =	sand.u32 $0x1F0, s14  }
0x56: {  	s14 =	sadd.s32 $0x2710, s14;
	vm1 =	vgt.f32 v1, $0.0e+00  }
0x57: {  	v1 =	vor.u32 s14, v0;
	vm1 =	vmxor vm0, vm1  }
0x58: {  	v1 =	vsel vm1, v2, v1  }
0x59: {  	[tilespmem:s31+$0x10] =	vst v1  }
0x5a: {  	v1 =	vld [tilespmem:s30+$0x20]  }
0x5b: {  	v2 =	vld [tilespmem:s29+$0x20];
	_ =	sdelay $0x6  }
0x5c: {  	v1 =	vld.idx.msk [tilespmem:v1+s15+$0x0], $0xffff  }
0x5d: {  	v3 =	vld.idx.msk [tilespmem:v2+s16+$0x0], $0xffff;
	_ =	sdelay $0x4  }
0x5e: {  	p1 =	sne.s32 s0, $0x26C0;
	s14 =	sadd.s32 $0x40, s0;
	v1 =	vadd.f32 v3, v1  }
.Ltmp0:
0x5f: {  	s14 =	sand.u32 $0x1F0, s14;
	(pc) =	sbr.rel @p1 .LBB2_2-.Ltmp0, $4  }
0x60: {  	s14 =	sadd.s32 $0x2710, s14;
	vm1 =	vgt.f32 v1, $0.0e+00  }
0x61: {  	v1 =	vor.u32 s14, v0;
	vm1 =	vmxor vm0, vm1  }
0x62: {  	s0 =	sadd.s32 $0x50, s0;
	v1 =	vsel vm1, v2, v1  }
0x63: {  	s29 =	sadd.s32 $0x50, s29;
	s30 =	sadd.s32 $0x50, s30;
	[tilespmem:s31+$0x20] =	vst v1;
	s31 =	sadd.s32 $0x50, s31  }
0x64: {  	[bflag:$0x0] =	sbarrier.arrive $0xFFFF;
	s0 =	simm.s32 $0x0  }
0x65: {  	[tilespmem:s22], [sflag:$0x1] =	stream.indirect.gather [hbm4b:s3+s21], $0x50, s0, s21, $0xb8;
	[tilespmem:$0x1C2B0] =	vst v63  }
0x66: {  	_ =	swait.ge [sflag:s23], $0x1900  }
0x67: {  	[sflag:s23] =	ssyncset.done $0x0  }
0x68: {  	s14 =	simm.s32 $0x50;
	[sflag:s23] =	ssyncadd.s32 $0xFFFFE700  }
0x69: {  	[tilespmem:s24], [sflag:$0x2] =	stream.indirect.gather [hbm4b:s3+s21], $0x50, s14, s21, $0xb8;
	[tilespmem:$0x1C2B0] =	vst v63  }
0x6a: {  	s29 =	simm.s32 $0x4E20  }
0x6b: {  	[spmem:s1] =	stream.indirect.scatter.add.f32 [tilespmem:s22], [sflag:$0x3], $0x50, s29, s21, $0xb8;
	[tilespmem:$0x1C2B0] =	vst v63  }
0x6c: {  	_ =	swait.ge [sflag:s13], $0x1900  }
0x6d: {  	[sflag:s13] =	ssyncset.done $0x0  }
0x6e: {  	[sflag:s13] =	ssyncadd.s32 $0xFFFFE700  }
0x6f: {  	_ =	swait.ge [sflag:s25], $0x1900  }
0x70: {  	[sflag:s25] =	ssyncset.done $0x0  }
0x71: {  	s30 =	simm.s32 $0xA0;
	[sflag:s25] =	ssyncadd.s32 $0xFFFFE700  }
0x72: {  	[tilespmem:s22], [sflag:$0x1] =	stream.indirect.gather [hbm4b:s3+s21], $0x50, s30, s21, $0xb8;
	[tilespmem:$0x1C2B0] =	vst v63  }
0x73: {  	s31 =	simm.s32 $0x4E70  }
0x74: {  	[spmem:s1] =	stream.indirect.scatter.add.f32 [tilespmem:s24], [sflag:$0x3], $0x50, s31, s21, $0xb8;
	[tilespmem:$0x1C2B0] =	vst v63  }
0x75: {  	_ =	swait.ge [sflag:s13], $0x1900  }
0x76: {  	s0 =	simm.s32 $0x280;
	[sflag:s13] =	ssyncset.done $0x0  }
.LBB2_4:
0x77: {  	p1 =	sne.s32 s0, $0x9880  }
0x78: {  	[sflag:s13] =	ssyncadd.s32 $0xFFFFE700;
	s14 =	smov.u32 s0;
	s0 =	sadd.s32 $0x280, s0  }
0x79: {  	_ = 	snop  }
0x7a: {  	_ =	swait.ge [sflag:s23], $0x1900  }
0x7b: {  	s14 =	sshra.s32 s14, $0x2;
	[sflag:s23] =	ssyncset.done $0x0  }
0x7c: {  	s29 =	sadd.s32 $0x50, s14;
	[sflag:s23] =	ssyncadd.s32 $0xFFFFE700  }
0x7d: {  	[tilespmem:s24], [sflag:$0x2] =	stream.indirect.gather [hbm4b:s3+s21], $0x50, s29, s21, $0xb8;
	[tilespmem:$0x1C2B0] =	vst v63  }
0x7e: {  	s29 =	sadd.s32 $0x4E20, s14  }
0x7f: {  	[spmem:s1] =	stream.indirect.scatter.add.f32 [tilespmem:s22], [sflag:$0x3], $0x50, s29, s21, $0xb8;
	[tilespmem:$0x1C2B0] =	vst v63  }
0x80: {  	_ =	swait.ge [sflag:s13], $0x1900  }
0x81: {  	[sflag:s13] =	ssyncset.done $0x0  }
0x82: {  	[sflag:s13] =	ssyncadd.s32 $0xFFFFE700  }
0x83: {  	_ =	swait.ge [sflag:s25], $0x1900  }
0x84: {  	[sflag:s25] =	ssyncset.done $0x0  }
0x85: {  	s29 =	sadd.s32 $0xA0, s14;
	[sflag:s25] =	ssyncadd.s32 $0xFFFFE700  }
0x86: {  	[tilespmem:s22], [sflag:$0x1] =	stream.indirect.gather [hbm4b:s3+s21], $0x50, s29, s21, $0xb8;
	[tilespmem:$0x1C2B0] =	vst v63  }
.Ltmp1:
0x87: {  	_ = 	snop;
	(pc) =	sbr.rel @p1 .LBB2_4-.Ltmp1, $4  }
0x88: {  	s14 =	sadd.s32 $0x4E70, s14  }
0x89: {  	[spmem:s1] =	stream.indirect.scatter.add.f32 [tilespmem:s24], [sflag:$0x3], $0x50, s14, s21, $0xb8;
	[tilespmem:$0x1C2B0] =	vst v63  }
0x8a: {  	_ =	swait.ge [sflag:s13], $0x1900  }
0x8b: {  	[sflag:s13] =	ssyncset.done $0x0  }
0x8c: {  	[sflag:s13] =	ssyncadd.s32 $0xFFFFE700  }
0x8d: {  	_ =	swait.ge [sflag:s23], $0x1900  }
0x8e: {  	[sflag:s23] =	ssyncset.done $0x0  }
0x8f: {  	[sflag:s23] =	ssyncadd.s32 $0xFFFFE700  }
0x90: {  	[spmem:s1] =	stream.indirect.scatter.add.f32 [tilespmem:s22], [sflag:$0x3], $0x50, s26, s21, $0xb8;
	[tilespmem:$0x1C2B0] =	vst v63  }
0x91: {  	_ =	swait.ge [sflag:s13], $0x1900  }
0x92: {  	[sflag:s13] =	ssyncset.done $0x0  }
0x93: {  	[sflag:s13] =	ssyncadd.s32 $0xFFFFE700  }
0x94: {  	s0 =	sadd.s32 s6, s11;
	[bflag:$0x0] =	sbarrier.arrive $0xFFFF  }
0x95: {  	[hbm:s0], [sflag:s18] =	dma.local [spmem:s19], $0x19A0  }
0x96: {  	_ =	swait.ge [sflag:s13], $0x19A0  }
0x97: {  	s28 =	sadd.s32 $0x1, s28;
	[sflag:s13] =	ssyncset.done $0x0  }
0x98: {  	p1 =	sne.s32 s28, s12;
	s0 =	sadd.s32 @!p0 $0x19A00, s11;
	[sflag:s13] =	ssyncadd.s32 $0xFFFFE660  }
0x99: {  	[hbm:s0], [sflag:s18] =	dma.local @!p0 [spmem:s20], $0xA0  }
.Ltmp2:
0x9a: {  	_ = 	snop;
	(pc) =	sbr.rel @p1 .LBB2_1-.Ltmp2, $4  }
0x9b: {  	s0 =	simm.s32 @!p0 $0x3  }
0x9c: {  	_ =	swait.ge @!p0 [sflag:s0], $0xA0  }
0x9d: {  	[sflag:s0] =	ssyncset.done @!p0 $0x0  }
0x9e: {  	[sflag:s0] =	ssyncadd.s32 @!p0 $0xFFFFFF60  }
0x9f: {  	_ =	sfence.sel $0x180000  }
0xa0: {  	[bflag:$0x0] =	sbarrier.arrive $0xFFFF  }
0xa1: {  	_ =	strace $0x90000047  }
0xa2: {  	[bflag:$0x2] =	sbarrier.arrive $0xFFFF  }
0xa3: {  	s0 =	rddreg [dreg:$0x3]  }
0xa4: {  	s0 =	sadd.s32 @!p0 $0x100000, s0  }
0xa5: {  	[sflag:s0] =	ssyncadd.tile.s32 @!p0 $0x1;
	_ =	shalt  }
.Lfunc_end2:
_tile_overlayer_lowered:
.L_overlay_start_2:
0xa6: {  	(tag) =	ssettag $0x2  }
0xa7: {  	s0 =	rddreg [dreg:$0x0];
	s2 =	stileid.u32  }
0xa8: {  	s1 =	rddreg [dreg:$0x1];
	p0 =	sne.s32 s2, $0x0  }
0xa9: {  	s3 =	rddreg [dreg:$0x2];
	[bflag:$0x3] =	sbarrier.arrive $0xFFFF;
	s2 =	simm.s32 @!p0 $0x1C03  }
0xaa: {  	[timem:s3], [sflag:s2] =	dma.local @!p0 [hbm:s0], s1  }
0xab: {  	s0 =	simm.s32 @!p0 $0x3  }
0xac: {  	_ =	swait.ge @!p0 [sflag:s0], s1  }
0xad: {  	s1 =	ssub.s32 @!p0 $0x0, s1;
	[sflag:s0] =	ssyncset.done @!p0 $0x0  }
0xae: {  	[sflag:s0] =	ssyncadd.s32 @!p0 s1  }
0xaf: {  	[bflag:$0x3] =	sbarrier.arrive $0xFFFF  }
0xb0: {  	_ =	shalt  }

// kernel: kernel.13.cloned.1.call-start
scs
__scs_entry_jumppad:
0x0: {  	(pc) =	sbr.rel $0x88, $3  }
0x1: {  	(tag) =	ssettag $0x0;
	lr =	simm.s32 $0x1  }
0x2: {  	[smem:$0x3F8B] =	sst lr;
	_ =	strace $0xD0000000  }
0x3: {  	_ = 	snop  }
0x4: {  	_ = 	snop  }
0x5: {  	_ = 	snop  }
0x6: {  	_ = 	snop  }
0x7: {  	_ = 	snop  }
__scs_overlays_trampoline_lowered:
0x8: {  	[smem:$0x3F9A] =	sst s0  }
0x9: {  	[smem:$0x3F9B] =	sst s1  }
0xa: {  	[smem:$0x3F9C] =	sst s2  }
0xb: {  	[smem:$0x3F9D] =	sst s3  }
0xc: {  	[smem:$0x3F9E] =	sst s4  }
0xd: {  	[smem:$0x3F9F] =	sst s5  }
0xe: {  	[smem:$0x3FA0] =	sst s6  }
0xf: {  	[smem:$0x3FA1] =	sst s7  }
0x10: {  	[smem:$0x3FA2] =	sst s8  }
0x11: {  	[smem:$0x3FA3] =	sst s9;
	s0 =	simm.s32 @!p0 $0x0  }
0x12: {  	s1 =	sld [smem:$0x3F89];
	s0 =	simm.s32 @p0 $0x1  }
0x13: {  	[smem:$0x3FA4] =	sst s0;
	s0 =	simm.s32 @!p1 $0x0  }
0x14: {  	s2 =	sld [smem:$0x3F88];
	s0 =	simm.s32 @p1 $0x1  }
0x15: {  	[smem:$0x3FA5] =	sst s0;
	s0 =	simm.s32 @!p2 $0x0  }
0x16: {  	s3 =	sld [smem:$0x3FDB];
	s0 =	simm.s32 @p2 $0x1  }
0x17: {  	s4 =	simm.s32 $0x1BF5;
	[smem:$0x3FA7] =	sst s0  }
0x18: {  	s0 =	sld [smem:$0x3F8A];
	_ =	swait.ge [sflag:s4], $0x0  }
0x19: {  	s7 =	sld [smem:$0x3F8B]  }
0x1a: {  	s8 =	sadd.s32 $0xFFFFE003, lr  }
0x1b: {  	s9 =	sadd.s32 $0xFFFFFEF7, lr;
	s5 =	simm.s32 $0xFFFFFFFF;
	p2 =	slt.u32 s8, $0xFFFFF086  }
0x1c: {  	p1 =	slt.u32 s9, $0xF7A;
	s5 =	simm.s32 @!p2 $0x0  }
0x1d: {  	s5 =	simm.s32 @p1 $0x1;
	p0 =	seq.s32 s7, s2  }
0x1e: {  	s7 =	smul.u32 @!p0 $0xF7A, s2;
	p2 =	seq.s32 @!p0 s5, $0x0  }
0x1f: {  	s9 =	smul.u32 $0xF7A, s1;
	s8 =	simm.s32 @!p0 $0x1BF5;
	p2 =	por !p2, p0  }
0x20: {  	[sflag:s8] =	ssyncset.s32 @!p0 $0xFFFFF086;
	s6 =	sadd.s32 @!p0 s3, s7;
	s7 =	simm.s32 @!p0 $0x108  }
0x21: {  	s3 =	sadd.s32 s3, s9;
	s6 =	sadd.s32 @!p0 $0x88, s6;
	s7 =	simm.s32 @p2 $0x1082  }
0x22: {  	[simem:s7], [sflag:s8] =	dma.local @!p0 [hbm:s6], $0xF7A  }
0x23: {  	s9 =	sor.u32 $0xD0000000, s2;
	s6 =	simm.s32 $0x108;
	_ =	swait.ge @!p0 [sflag:s8], $0x0  }
0x24: {  	s3 =	sadd.s32 $0x88, s3;
	s6 =	simm.s32 @!p1 $0x1082;
	[sflag:s4] =	ssyncset.s32 $0xFFFFF086  }
0x25: {  	[simem:s6], [sflag:s4] =	dma.local [hbm:s3], $0xF7A  }
0x26: {  	[smem:$0x3F8B] =	sst s1;
	(tag) =	ssettag s2;
	_ =	strace s9  }
0x27: {  	s1 =	sld [smem:$0x3F9B]  }
0x28: {  	s2 =	sld [smem:$0x3F9C]  }
0x29: {  	s4 =	sld [smem:$0x3F9E]  }
0x2a: {  	p0 =	seq.s32 s5, $0x0;
	s5 =	sld [smem:$0x3F9F]  }
0x2b: {  	s6 =	sld [smem:$0x3FA0]  }
0x2c: {  	s7 =	sld [smem:$0x3FA1]  }
0x2d: {  	s3 =	simm.s32 $0x108;
	s8 =	sld [smem:$0x3FA2]  }
0x2e: {  	s3 =	simm.s32 @!p0 $0x1082;
	s9 =	sld [smem:$0x3FA3]  }
0x2f: {  	lr =	sadd.s32 s0, s3;
	s0 =	sld [smem:$0x3F9A]  }
0x30: {  	s3 =	sld [smem:$0x3F9D]  }
0x31: {  	[smem:$0x3FA6] =	sst s10  }
0x32: {  	s10 =	sld [smem:$0x3FA4];
	_ =	sdelay $0x3  }
0x33: {  	p0 =	seq.s32 s10, $0x1;
	s10 =	sld [smem:$0x3FA6];
	_ =	sdelay $0x3  }
0x34: {  	[smem:$0x3FA6] =	sst s10  }
0x35: {  	s10 =	sld [smem:$0x3FA5];
	_ =	sdelay $0x3  }
0x36: {  	p1 =	seq.s32 s10, $0x1;
	s10 =	sld [smem:$0x3FA6];
	_ =	sdelay $0x3  }
0x37: {  	[smem:$0x3FA6] =	sst s10  }
0x38: {  	s10 =	sld [smem:$0x3FA7]  }
0x39: {  	_ = 	snop;
	(pc) =	sbr.ind lr, $3  }
0x3a: {  	_ = 	snop  }
0x3b: {  	_ = 	snop  }
0x3c: {  	p2 =	seq.s32 s10, $0x1;
	s10 =	sld [smem:$0x3FA6]  }
0x3d: {  	_ =	shalt  }
0x3e: {  	_ =	shalt  }
0x3f: {  	_ =	shalt  }
0x40: {  	_ =	shalt  }
0x41: {  	_ =	shalt  }
0x42: {  	_ =	shalt  }
0x43: {  	_ =	shalt  }
0x44: {  	_ =	shalt  }
0x45: {  	_ =	shalt  }
0x46: {  	_ =	shalt  }
0x47: {  	_ =	shalt  }
0x48: {  	_ =	shalt  }
0x49: {  	_ =	shalt  }
0x4a: {  	_ =	shalt  }
0x4b: {  	_ =	shalt  }
0x4c: {  	_ =	shalt  }
0x4d: {  	_ =	shalt  }
0x4e: {  	_ =	shalt  }
0x4f: {  	_ =	shalt  }
0x50: {  	_ =	shalt  }
0x51: {  	_ =	shalt  }
0x52: {  	_ =	shalt  }
0x53: {  	_ =	shalt  }
0x54: {  	_ =	shalt  }
0x55: {  	_ =	shalt  }
0x56: {  	_ =	shalt  }
0x57: {  	_ =	shalt  }
0x58: {  	_ =	shalt  }
0x59: {  	_ =	shalt  }
0x5a: {  	_ =	shalt  }
0x5b: {  	_ =	shalt  }
0x5c: {  	_ =	shalt  }
0x5d: {  	_ =	shalt  }
0x5e: {  	_ =	shalt  }
0x5f: {  	_ =	shalt  }
0x60: {  	_ =	shalt  }
0x61: {  	_ =	shalt  }
0x62: {  	_ =	shalt  }
0x63: {  	_ =	shalt  }
0x64: {  	_ =	shalt  }
0x65: {  	_ =	shalt  }
0x66: {  	_ =	shalt  }
0x67: {  	_ =	shalt  }
0x68: {  	_ =	shalt  }
0x69: {  	_ =	shalt  }
0x6a: {  	_ =	shalt  }
0x6b: {  	_ =	shalt  }
0x6c: {  	_ =	shalt  }
0x6d: {  	_ =	shalt  }
0x6e: {  	_ =	shalt  }
0x6f: {  	_ =	shalt  }
0x70: {  	_ =	shalt  }
0x71: {  	_ =	shalt  }
0x72: {  	_ =	shalt  }
0x73: {  	_ =	shalt  }
0x74: {  	_ =	shalt  }
0x75: {  	_ =	shalt  }
0x76: {  	_ =	shalt  }
0x77: {  	_ =	shalt  }
0x78: {  	_ =	shalt  }
0x79: {  	_ =	shalt  }
0x7a: {  	_ =	shalt  }
0x7b: {  	_ =	shalt  }
0x7c: {  	_ =	shalt  }
0x7d: {  	_ =	shalt  }
0x7e: {  	_ =	shalt  }
0x7f: {  	_ =	shalt  }
0x80: {  	_ =	shalt  }
0x81: {  	_ =	shalt  }
0x82: {  	_ =	shalt  }
0x83: {  	_ =	shalt  }
0x84: {  	_ =	shalt  }
0x85: {  	_ =	shalt  }
0x86: {  	_ =	shalt  }
0x87: {  	_ =	shalt  }
.Lfunc_end0:
.L_simem_size_0:
called_computation.1_lowered:
.L_overlay_start_0:
0x88: {  	s2 =	sld [smem:$0x3FD9]  }
0x89: {  	s3 =	sld [smem:$0x3FFE];
	_ =	sdelay $0x1  }
0x8a: {  	s1 =	srdreg.scid  }
0x8b: {  	s0 =	sand.u32 $0x1, s1  }
0x8c: {  	s17 =	sshll.u32 s0, $0xA;
	s2 =	sadd.s32 s3, s2  }
0x8d: {  	s2 =	sadd.s32 s2, s17  }
0x8e: {  	[smem:$0x3FB2] =	sst s2  }
0x8f: {  	_ = 	snop  }
0x90: {  	s2 =	sld [smem:$0x3FD0];
	(tm) =	ssettm $0x1  }
0x91: {  	s18 =	sld [smem:$0x3FFB];
	_ =	sdelay $0x3  }
0x92: {  	_ =	strace s18  }
0x93: {  	s3 =	sld [smem:$0x3FFC];
	_ =	sdelay $0x3  }
0x94: {  	_ =	strace s3  }
0x95: {  	s3 =	sld [smem:$0x3FFD];
	_ =	sdelay $0x3  }
0x96: {  	_ =	strace s3  }
0x97: {  	_ =	strace $0x8FFFFFFF  }
0x98: {  	s19 =	sld [smem:$0x3FDB];
	_ =	sdelay $0x1  }
0x99: {  	s4 =	simm.s32 $_scs_section_size  }
0x9a: {  	s5 =	simm.s32 $_size__tile_overlayer_lowered;
	s6 =	simm.s32 $_tile_overlayer_lowered  }
0x9b: {  	s22 =	simm.s32 $0x1BFF;
	s21 =	sshll.u32 s6, $0x1;
	s3 =	sadd.s32 s4, s19  }
0x9c: {  	s7 =	simm.s32 $0x0;
	s20 =	sshll.u32 s5, $0x1;
	s5 =	sadd.s32 s21, s3  }
0x9d: {  	[timem:s7], [sflag:s22] =	dma.local [hbm:s5], s20  }
0x9e: {  	_ =	swait.ge [sflag:s22], s20  }
0x9f: {  	s4 =	ssub.s32 $0x0, s20;
	[sflag:s22] =	ssyncset.done $0x0  }
0xa0: {  	[sflag:s22] =	ssyncadd.s32 s4;
	_ =	sdelay $0x1  }
0xa1: {  	s23 =	simm.s32 $0x1B8B  }
0xa2: {  	_ =	swait.ge [sflag:s23], $0x1  }
0xa3: {  	[sflag:s23] =	ssyncset.done $0x0  }
0xa4: {  	s25 =	simm.s32 $0x1B8E;
	s24 =	sld [smem:$0x3FFE];
	[sflag:s23] =	ssyncadd.s32 $0xFFFFFFFF  }
0xa5: {  	s26 =	simm.s32 $execute0_lowered;
	[smem:$0x3FD2] =	sst s25  }
0xa6: {  	s5 =	sshll.u32 s26, $0x1;
	_ =	strace $0x80000049;
	[dreg:$0x1] =	wrdreg $0xFFFFFFFF  }
0xa7: {  	s28 =	simm.s32 $_size_execute0_lowered;
	s3 =	sadd.s32 s3, s5;
	[dreg:$0x0] =	wrdreg $0x0  }
0xa8: {  	s5 =	sshll.u32 s28, $0x1;
	[dreg:$0x2] =	wrdreg s3  }
0xa9: {  	[dreg:$0x3] =	wrdreg s5  }
0xaa: {  	[dreg:$0x4] =	wrdreg $0xC0  }
0xab: {  	_ =	task [dreg:s7], $0x5FFFF  }
0xac: {  	[dreg:$0x1] =	wrdreg $0xFFFFFFFF  }
0xad: {  	[dreg:$0x0] =	wrdreg $0x60  }
0xae: {  	[dreg:$0x2] =	wrdreg s24  }
0xaf: {  	[dreg:$0x3] =	wrdreg s2  }
0xb0: {  	[dreg:$0x4] =	wrdreg $0xF5600  }
0xb1: {  	[dreg:$0x5] =	wrdreg $0x9  }
0xb2: {  	_ =	task.clear_ibuf [dreg:s7], $0x6FFFF;
	_ =	strace $0x90000049  }
0xb3: {  	s29 =	simm.s32 $0x9;
	_ =	strace $0x8000004B  }
0xb4: {  	_ =	swait.ge [sflag:s29], $0x1  }
0xb5: {  	[sflag:s29] =	ssyncadd.s32 $0xFFFFFFFF  }
0xb6: {  	_ =	strace $0x9000004B  }
0xb7: {  	_ =	sfence  }
0xb8: {  	s30 =	sld [smem:$0x0];
	_ =	sdelay $0x2  }
0xb9: {  	s31 =	sshll.u32 s1, $0xD;
	s1 =	sshrl.u32 s1, $0x2  }
0xba: {  	s3 =	sand.u32 $0x4000, s31;
	s1 =	sadd.s32 s1, s30  }
0xbb: {  	s0 =	sor.u32 s3, s0;
	s1 =	sshll.u32 s1, $0x11  }
0xbc: {  	s0 =	sor.u32 s1, s0  }
0xbd: {  	s0 =	sadd.s32 $0x8F2B, s0  }
0xbe: {  	[sflag:s0] =	ssyncadd.remote.s32 $0x1  }
0xbf: {  	_ =	sfence.sel $0xFFFF  }
0xc0: {  	[dreg:$0x0] =	wrdreg $0xFFFFFFFF;
	(pc) =	sbr.abs _section_cstart, $3  }
0xc1: {  	[dreg:$0x1] =	wrdreg $0xFFFFFFFF  }
0xc2: {  	_ =	task.clear_ibuf [dreg:s7], $0x2FFFF;
	_ =	strace $0x9FFFFFFF  }
0xc3: {  	(tm) =	ssettm $0x7FFFFFFF  }
tec
execute0_lowered:
.L_overlay_start_1:
0x0: {  	(tag) =	ssettag $0x1  }
0x1: {  	s0 =	rddreg [dreg:$0x0]  }
0x2: {  	s8 =	rddreg [dreg:$0x1]  }
0x3: {  	s1 =	rddreg [dreg:$0x2]  }
0x4: {  	s2 =	simm.s32 $0x0;
	s3 =	srdreg.scid;
	s16 =	stileid.u32  }
0x5: {  	s15 =	simm.s32 $0xA730;
	s17 =	simm.s32 $0xF550;
	s21 =	simm.s32 $0x50  }
0x6: {  	s22 =	simm.s32 $0x7530;
	s23 =	simm.s32 $0x1;
	s24 =	simm.s32 $0x8E30  }
0x7: {  	s25 =	simm.s32 $0x2;
	s26 =	simm.s32 $0x74E0;
	s28 =	simm.s32 $0x0  }
0x8: {  	[smem:$0x7FF] =	sst s2;
	s7 =	sand.u32 $0x1, s3;
	s4 =	sshll.u32 s16, $0x1  }
0x9: {  	s3 =	sadd.s32 $0x3D600, s0;
	s9 =	smul.u32 $0xCD00, s16;
	s5 =	sadd.s32 $0x3CE00, s0  }
0xa: {  	s20 =	sadd.s32 $0xCD000, s1;
	p0 =	sne.s32 s16, $0x0;
	s31 =	sshll.u32 s16, $0x6  }
0xb: {  	s16 =	simm.s32 $0xCE40;
	_ =	strace $0x8000004A;
	s6 =	sor.u32 s7, s4  }
0xc: {  	s4 =	sadd.s32 $0x3D000, s0;
	s11 =	smul.u32 $0x19AA0, s7;
	s7 =	ssub.s32 $0x2, s7  }
0xd: {  	s18 =	sor.u32 $0x1C03, s31;
	s20 =	sshrl.u32 @!p0 s20, $0x3;
	s10 =	smul.u32 $0x4E2, s6  }
0xe: {  	s6 =	sshrl.u32 s9, $0x3;
	s14 =	sshrl.u32 s7, $0x1;
	s19 =	sadd.s32 s9, s1  }
0xf: {  	s13 =	sadd.s32 s6, s0;
	s11 =	sadd.s32 s11, s0;
	s14 =	ssub.s32 s7, s14  }
0x10: {  	s19 =	sshrl.u32 s19, $0x3;
	s12 =	sadd.s32 s10, s0;
	s8 =	sadd.s32 s8, s10  }
0x11: {  	s9 =	sadd.s32 $0x23200, s13;
	s10 =	sadd.s32 $0x3CC00, s0;
	s11 =	sadd.s32 $0x55E00, s11  }
0x12: {  	v0 =	vlaneseq.u32;
	s13 =	simm.s32 $0x3;
	s7 =	sadd.s32 $0xC00, s12;
	s12 =	smax.u32 s14, $0x1  }
.LBB2_1:
0x13: {  	[tilespmem:s2], [sflag:$0x3] =	stream.linear.gather [hbm4b:s7+s2], $0x2710, $0x38;
	[tilespmem:$0x1C2B0] =	vst v63  }
0x14: {  	_ =	swait.ge [sflag:s13], $0x2710  }
0x15: {  	[sflag:s13] =	ssyncset.done $0x0  }
0x16: {  	s0 =	simm.s32 $0x2710;
	[sflag:s13] =	ssyncadd.s32 $0xFFFFD8F0  }
0x17: {  	[tilespmem:s0], [sflag:$0x3] =	stream.linear.gather [hbm4b:s8+s2], $0x2710, $0x38;
	[tilespmem:$0x1C2B0] =	vst v63  }
0x18: {  	_ =	swait.ge [sflag:s13], $0x2710  }
0x19: {  	[sflag:s13] =	ssyncset.done $0x0  }
0x1a: {  	[sflag:s13] =	ssyncadd.s32 $0xFFFFD8F0  }
0x1b: {  	[tilespmem:s15], [sflag:$0x3] =	stream.linear.gather [hbm4b:s4+s2], $0x2710, $0x38;
	[tilespmem:$0x1C2B0] =	vst v63  }
0x1c: {  	_ =	swait.ge [sflag:s13], $0x2710  }
0x1d: {  	[sflag:s13] =	ssyncset.done $0x0  }
0x1e: {  	[sflag:s13] =	ssyncadd.s32 $0xFFFFD8F0  }
0x1f: {  	[tilespmem:s16], [sflag:$0x3] =	stream.linear.gather [hbm4b:s4+s2], $0x2710, $0x38;
	[tilespmem:$0x1C2B0] =	vst v63  }
0x20: {  	_ =	swait.ge [sflag:s13], $0x2710  }
0x21: {  	[sflag:s13] =	ssyncset.done $0x0  }
0x22: {  	[sflag:s13] =	ssyncadd.s32 $0xFFFFD8F0  }
0x23: {  	[tilespmem:s17], [sflag:$0x3] =	stream.linear.gather [hbm4b:s5+s2], $0x10, $0x38;
	[tilespmem:$0x1C2B0] =	vst v63  }
0x24: {  	_ =	swait.ge [sflag:s13], $0x10  }
0x25: {  	[sflag:s13] =	ssyncset.done $0x0  }
0x26: {  	[sflag:s13] =	ssyncadd.s32 $0xFFFFFFF0  }
0x27: {  	[spmem:s19], [sflag:s18] =	dma.local [hbm:s9], $0x19A0  }
0x28: {  	_ =	swait.ge [sflag:s13], $0x19A0  }
0x29: {  	[sflag:s13] =	ssyncset.done $0x0  }
0x2a: {  	s0 =	simm.s32 @!p0 $0x3;
	[sflag:s13] =	ssyncadd.s32 $0xFFFFE660  }
0x2b: {  	[spmem:s20], [sflag:s18] =	dma.local @!p0 [hbm:s10], $0xA0  }
0x2c: {  	_ =	swait.ge @!p0 [sflag:s0], $0xA0  }
0x2d: {  	[sflag:s0] =	ssyncset.done @!p0 $0x0  }
0x2e: {  	[sflag:s0] =	ssyncadd.s32 @!p0 $0xFFFFFF60  }
0x2f: {  	v1 =	vld [tilespmem:$0xF550];
	_ =	sdelay $0x3  }
0x30: {  	s29 =	simm.s32 $0x2730  }
0x31: {  	s30 =	simm.s32 $0x20;
	s31 =	simm.s32 $0x4E40;
	s0 =	simm.s32 $0x0;
	vm0 =	vgt.f32 v1, $5.000000000e-01  }
.LBB2_2:
0x32: {  	v1 =	vld [tilespmem:s30+$0xFFFFFFE0]  }
0x33: {  	v2 =	vld [tilespmem:s29+$0xFFFFFFE0];
	_ =	sdelay $0x6  }
0x34: {  	v1 =	vld.idx.msk [tilespmem:v1+s15+$0x0], $0xffff  }
0x35: {  	v3 =	vld.idx.msk [tilespmem:v2+s16+$0x0], $0xffff;
	_ =	sdelay $0x4  }
0x36: {  	v1 =	vadd.f32 v3, v1  }
0x37: {  	s14 =	sand.u32 $0x1F0, s0  }
0x38: {  	s14 =	sadd.s32 $0x2710, s14;
	vm1 =	vgt.f32 v1, $0.0e+00  }
0x39: {  	v1 =	vor.u32 s14, v0;
	vm1 =	vmxor vm0, vm1  }
0x3a: {  	v1 =	vsel vm1, v2, v1  }
0x3b: {  	[tilespmem:s31+$0xFFFFFFE0] =	vst v1  }
0x3c: {  	v1 =	vld [tilespmem:s30+$0xFFFFFFF0]  }
0x3d: {  	v2 =	vld [tilespmem:s29+$0xFFFFFFF0];
	_ =	sdelay $0x6  }
0x3e: {  	v1 =	vld.idx.msk [tilespmem:v1+s15+$0x0], $0xffff  }
0x3f: {  	v3 =	vld.idx.msk [tilespmem:v2+s16+$0x0], $0xffff;
	_ =	sdelay $0x4  }
0x40: {  	s14 =	sadd.s32 $0x10, s0;
	v1 =	vadd.f32 v3, v1  }
0x41: {  	s14 =	sand.u32 $0x1F0, s14  }
0x42: {  	s14 =	sadd.s32 $0x2710, s14;
	vm1 =	vgt.f32 v1, $0.0e+00  }
0x43: {  	v1 =	vor.u32 s14, v0;
	vm1 =	vmxor vm0, vm1  }
0x44: {  	v1 =	vsel vm1, v2, v1  }
0x45: {  	[tilespmem:s31+$0xFFFFFFF0] =	vst v1  }
0x46: {  	v1 =	vld [tilespmem:s30+$0x0]  }
0x47: {  	v2 =	vld [tilespmem:s29+$0x0];
	_ =	sdelay $0x6  }
0x48: {  	v1 =	vld.idx.msk [tilespmem:v1+s15+$0x0], $0xffff  }
0x49: {  	v3 =	vld.idx.msk [tilespmem:v2+s16+$0x0], $0xffff;
	_ =	sdelay $0x4  }
0x4a: {  	s14 =	sadd.s32 $0x20, s0;
	v1 =	vadd.f32 v3, v1  }
0x4b: {  	s14 =	sand.u32 $0x1F0, s14  }
0x4c: {  	s14 =	sadd.s32 $0x2710, s14;
	vm1 =	vgt.f32 v1, $0.0e+00  }
0x4d: {  	v1 =	vor.u32 s14, v0;
	vm1 =	vmxor vm0, vm1  }
0x4e: {  	v1 =	vsel vm1, v2, v1  }
0x4f: {  	[tilespmem:s31+$0x0] =	vst v1  }
0x50: {  	v1 =	vld [tilespmem:s30+$0x10]  }
0x51: {  	v2 =	vld [tilespmem:s29+$0x10];
	_ =	sdelay $0x6  }
0x52: {  	v1 =	vld.idx.msk [tilespmem:v1+s15+$0x0], $0xffff  }
0x53: {  	v3 =	vld.idx.msk [tilespmem:v2+s16+$0x0], $0xffff;
	_ =	sdelay $0x4  }
0x54: {  	s14 =	sadd.s32 $0x30, s0;
	v1 =	vadd.f32 v3, v1  }
0x55: {  	s14 =	sand.u32 $0x1F0, s14  }
0x56: {  	s14 =	sadd.s32 $0x2710, s14;
	vm1 =	vgt.f32 v1, $0.0e+00  }
0x57: {  	v1 =	vor.u32 s14, v0;
	vm1 =	vmxor vm0, vm1  }
0x58: {  	v1 =	vsel vm1, v2, v1  }
0x59: {  	[tilespmem:s31+$0x10] =	vst v1  }
0x5a: {  	v1 =	vld [tilespmem:s30+$0x20]  }
0x5b: {  	v2 =	vld [tilespmem:s29+$0x20];
	_ =	sdelay $0x6  }
0x5c: {  	v1 =	vld.idx.msk [tilespmem:v1+s15+$0x0], $0xffff  }
0x5d: {  	v3 =	vld.idx.msk [tilespmem:v2+s16+$0x0], $0xffff;
	_ =	sdelay $0x4  }
0x5e: {  	p1 =	sne.s32 s0, $0x26C0;
	s14 =	sadd.s32 $0x40, s0;
	v1 =	vadd.f32 v3, v1  }
.Ltmp0:
0x5f: {  	s14 =	sand.u32 $0x1F0, s14;
	(pc) =	sbr.rel @p1 .LBB2_2-.Ltmp0, $4  }
0x60: {  	s14 =	sadd.s32 $0x2710, s14;
	vm1 =	vgt.f32 v1, $0.0e+00  }
0x61: {  	v1 =	vor.u32 s14, v0;
	vm1 =	vmxor vm0, vm1  }
0x62: {  	s0 =	sadd.s32 $0x50, s0;
	v1 =	vsel vm1, v2, v1  }
0x63: {  	s29 =	sadd.s32 $0x50, s29;
	s30 =	sadd.s32 $0x50, s30;
	[tilespmem:s31+$0x20] =	vst v1;
	s31 =	sadd.s32 $0x50, s31  }
0x64: {  	[bflag:$0x0] =	sbarrier.arrive $0xFFFF;
	s0 =	simm.s32 $0x0  }
0x65: {  	[tilespmem:s22], [sflag:$0x1] =	stream.indirect.gather [hbm4b:s3+s21], $0x50, s0, s21, $0xb8;
	[tilespmem:$0x1C2B0] =	vst v63  }
0x66: {  	_ =	swait.ge [sflag:s23], $0x1900  }
0x67: {  	[sflag:s23] =	ssyncset.done $0x0  }
0x68: {  	s14 =	simm.s32 $0x50;
	[sflag:s23] =	ssyncadd.s32 $0xFFFFE700  }
0x69: {  	[tilespmem:s24], [sflag:$0x2] =	stream.indirect.gather [hbm4b:s3+s21], $0x50, s14, s21, $0xb8;
	[tilespmem:$0x1C2B0] =	vst v63  }
0x6a: {  	s29 =	simm.s32 $0x4E20  }
0x6b: {  	[spmem:s1] =	stream.indirect.scatter.add.f32 [tilespmem:s22], [sflag:$0x3], $0x50, s29, s21, $0xb8;
	[tilespmem:$0x1C2B0] =	vst v63  }
0x6c: {  	_ =	swait.ge [sflag:s13], $0x1900  }
0x6d: {  	[sflag:s13] =	ssyncset.done $0x0  }
0x6e: {  	[sflag:s13] =	ssyncadd.s32 $0xFFFFE700  }
0x6f: {  	_ =	swait.ge [sflag:s25], $0x1900  }
0x70: {  	[sflag:s25] =	ssyncset.done $0x0  }
0x71: {  	s30 =	simm.s32 $0xA0;
	[sflag:s25] =	ssyncadd.s32 $0xFFFFE700  }
0x72: {  	[tilespmem:s22], [sflag:$0x1] =	stream.indirect.gather [hbm4b:s3+s21], $0x50, s30, s21, $0xb8;
	[tilespmem:$0x1C2B0] =	vst v63  }
0x73: {  	s31 =	simm.s32 $0x4E70  }
0x74: {  	[spmem:s1] =	stream.indirect.scatter.add.f32 [tilespmem:s24], [sflag:$0x3], $0x50, s31, s21, $0xb8;
	[tilespmem:$0x1C2B0] =	vst v63  }
0x75: {  	_ =	swait.ge [sflag:s13], $0x1900  }
0x76: {  	s0 =	simm.s32 $0x280;
	[sflag:s13] =	ssyncset.done $0x0  }
.LBB2_4:
0x77: {  	p1 =	sne.s32 s0, $0x9880  }
0x78: {  	[sflag:s13] =	ssyncadd.s32 $0xFFFFE700;
	s14 =	smov.u32 s0;
	s0 =	sadd.s32 $0x280, s0  }
0x79: {  	_ = 	snop  }
0x7a: {  	_ =	swait.ge [sflag:s23], $0x1900  }
0x7b: {  	s14 =	sshra.s32 s14, $0x2;
	[sflag:s23] =	ssyncset.done $0x0  }
0x7c: {  	s29 =	sadd.s32 $0x50, s14;
	[sflag:s23] =	ssyncadd.s32 $0xFFFFE700  }
0x7d: {  	[tilespmem:s24], [sflag:$0x2] =	stream.indirect.gather [hbm4b:s3+s21], $0x50, s29, s21, $0xb8;
	[tilespmem:$0x1C2B0] =	vst v63  }
0x7e: {  	s29 =	sadd.s32 $0x4E20, s14  }
0x7f: {  	[spmem:s1] =	stream.indirect.scatter.add.f32 [tilespmem:s22], [sflag:$0x3], $0x50, s29, s21, $0xb8;
	[tilespmem:$0x1C2B0] =	vst v63  }
0x80: {  	_ =	swait.ge [sflag:s13], $0x1900  }
0x81: {  	[sflag:s13] =	ssyncset.done $0x0  }
0x82: {  	[sflag:s13] =	ssyncadd.s32 $0xFFFFE700  }
0x83: {  	_ =	swait.ge [sflag:s25], $0x1900  }
0x84: {  	[sflag:s25] =	ssyncset.done $0x0  }
0x85: {  	s29 =	sadd.s32 $0xA0, s14;
	[sflag:s25] =	ssyncadd.s32 $0xFFFFE700  }
0x86: {  	[tilespmem:s22], [sflag:$0x1] =	stream.indirect.gather [hbm4b:s3+s21], $0x50, s29, s21, $0xb8;
	[tilespmem:$0x1C2B0] =	vst v63  }
.Ltmp1:
0x87: {  	_ = 	snop;
	(pc) =	sbr.rel @p1 .LBB2_4-.Ltmp1, $4  }
0x88: {  	s14 =	sadd.s32 $0x4E70, s14  }
0x89: {  	[spmem:s1] =	stream.indirect.scatter.add.f32 [tilespmem:s24], [sflag:$0x3], $0x50, s14, s21, $0xb8;
	[tilespmem:$0x1C2B0] =	vst v63  }
0x8a: {  	_ =	swait.ge [sflag:s13], $0x1900  }
0x8b: {  	[sflag:s13] =	ssyncset.done $0x0  }
0x8c: {  	[sflag:s13] =	ssyncadd.s32 $0xFFFFE700  }
0x8d: {  	_ =	swait.ge [sflag:s23], $0x1900  }
0x8e: {  	[sflag:s23] =	ssyncset.done $0x0  }
0x8f: {  	[sflag:s23] =	ssyncadd.s32 $0xFFFFE700  }
0x90: {  	[spmem:s1] =	stream.indirect.scatter.add.f32 [tilespmem:s22], [sflag:$0x3], $0x50, s26, s21, $0xb8;
	[tilespmem:$0x1C2B0] =	vst v63  }
0x91: {  	_ =	swait.ge [sflag:s13], $0x1900  }
0x92: {  	[sflag:s13] =	ssyncset.done $0x0  }
0x93: {  	[sflag:s13] =	ssyncadd.s32 $0xFFFFE700  }
0x94: {  	s0 =	sadd.s32 s6, s11;
	[bflag:$0x0] =	sbarrier.arrive $0xFFFF  }
0x95: {  	[hbm:s0], [sflag:s18] =	dma.local [spmem:s19], $0x19A0  }
0x96: {  	_ =	swait.ge [sflag:s13], $0x19A0  }
0x97: {  	s28 =	sadd.s32 $0x1, s28;
	[sflag:s13] =	ssyncset.done $0x0  }
0x98: {  	p1 =	sne.s32 s28, s12;
	s0 =	sadd.s32 @!p0 $0x19A00, s11;
	[sflag:s13] =	ssyncadd.s32 $0xFFFFE660  }
0x99: {  	[hbm:s0], [sflag:s18] =	dma.local @!p0 [spmem:s20], $0xA0  }
.Ltmp2:
0x9a: {  	_ = 	snop;
	(pc) =	sbr.rel @p1 .LBB2_1-.Ltmp2, $4  }
0x9b: {  	s0 =	simm.s32 @!p0 $0x3  }
0x9c: {  	_ =	swait.ge @!p0 [sflag:s0], $0xA0  }
0x9d: {  	[sflag:s0] =	ssyncset.done @!p0 $0x0  }
0x9e: {  	[sflag:s0] =	ssyncadd.s32 @!p0 $0xFFFFFF60  }
0x9f: {  	_ =	sfence.sel $0x180000  }
0xa0: {  	[bflag:$0x0] =	sbarrier.arrive $0xFFFF  }
0xa1: {  	_ =	strace $0x9000004A  }
0xa2: {  	[bflag:$0x2] =	sbarrier.arrive $0xFFFF  }
0xa3: {  	s0 =	rddreg [dreg:$0x3]  }
0xa4: {  	s0 =	sadd.s32 @!p0 $0x100000, s0  }
0xa5: {  	[sflag:s0] =	ssyncadd.tile.s32 @!p0 $0x1;
	_ =	shalt  }
.Lfunc_end2:
_tile_overlayer_lowered:
.L_overlay_start_2:
0xa6: {  	(tag) =	ssettag $0x2  }
0xa7: {  	s0 =	rddreg [dreg:$0x0];
	s2 =	stileid.u32  }
0xa8: {  	s1 =	rddreg [dreg:$0x1];
	p0 =	sne.s32 s2, $0x0  }
0xa9: {  	s3 =	rddreg [dreg:$0x2];
	[bflag:$0x3] =	sbarrier.arrive $0xFFFF;
	s2 =	simm.s32 @!p0 $0x1C03  }
0xaa: {  	[timem:s3], [sflag:s2] =	dma.local @!p0 [hbm:s0], s1  }
0xab: {  	s0 =	simm.s32 @!p0 $0x3  }
0xac: {  	_ =	swait.ge @!p0 [sflag:s0], s1  }
0xad: {  	s1 =	ssub.s32 @!p0 $0x0, s1;
	[sflag:s0] =	ssyncset.done @!p0 $0x0  }
0xae: {  	[sflag:s0] =	ssyncadd.s32 @!p0 s1  }
0xaf: {  	[bflag:$0x3] =	sbarrier.arrive $0xFFFF  }
0xb0: {  	_ =	shalt  }

// kernel: kernel.16.cloned.1.call-start
scs
__scs_entry_jumppad:
0x0: {  	(pc) =	sbr.rel $0x88, $3  }
0x1: {  	(tag) =	ssettag $0x0;
	lr =	simm.s32 $0x1  }
0x2: {  	[smem:$0x3F8B] =	sst lr;
	_ =	strace $0xD0000000  }
0x3: {  	_ = 	snop  }
0x4: {  	_ = 	snop  }
0x5: {  	_ = 	snop  }
0x6: {  	_ = 	snop  }
0x7: {  	_ = 	snop  }
__scs_overlays_trampoline_lowered:
0x8: {  	[smem:$0x3F9A] =	sst s0  }
0x9: {  	[smem:$0x3F9B] =	sst s1  }
0xa: {  	[smem:$0x3F9C] =	sst s2  }
0xb: {  	[smem:$0x3F9D] =	sst s3  }
0xc: {  	[smem:$0x3F9E] =	sst s4  }
0xd: {  	[smem:$0x3F9F] =	sst s5  }
0xe: {  	[smem:$0x3FA0] =	sst s6  }
0xf: {  	[smem:$0x3FA1] =	sst s7  }
0x10: {  	[smem:$0x3FA2] =	sst s8  }
0x11: {  	[smem:$0x3FA3] =	sst s9;
	s0 =	simm.s32 @!p0 $0x0  }
0x12: {  	s1 =	sld [smem:$0x3F89];
	s0 =	simm.s32 @p0 $0x1  }
0x13: {  	[smem:$0x3FA4] =	sst s0;
	s0 =	simm.s32 @!p1 $0x0  }
0x14: {  	s2 =	sld [smem:$0x3F88];
	s0 =	simm.s32 @p1 $0x1  }
0x15: {  	[smem:$0x3FA5] =	sst s0;
	s0 =	simm.s32 @!p2 $0x0  }
0x16: {  	s3 =	sld [smem:$0x3FDB];
	s0 =	simm.s32 @p2 $0x1  }
0x17: {  	s4 =	simm.s32 $0x1BF5;
	[smem:$0x3FA7] =	sst s0  }
0x18: {  	s0 =	sld [smem:$0x3F8A];
	_ =	swait.ge [sflag:s4], $0x0  }
0x19: {  	s7 =	sld [smem:$0x3F8B]  }
0x1a: {  	s8 =	sadd.s32 $0xFFFFE003, lr  }
0x1b: {  	s9 =	sadd.s32 $0xFFFFFEF7, lr;
	s5 =	simm.s32 $0xFFFFFFFF;
	p2 =	slt.u32 s8, $0xFFFFF086  }
0x1c: {  	p1 =	slt.u32 s9, $0xF7A;
	s5 =	simm.s32 @!p2 $0x0  }
0x1d: {  	s5 =	simm.s32 @p1 $0x1;
	p0 =	seq.s32 s7, s2  }
0x1e: {  	s7 =	smul.u32 @!p0 $0xF7A, s2;
	p2 =	seq.s32 @!p0 s5, $0x0  }
0x1f: {  	s9 =	smul.u32 $0xF7A, s1;
	s8 =	simm.s32 @!p0 $0x1BF5;
	p2 =	por !p2, p0  }
0x20: {  	[sflag:s8] =	ssyncset.s32 @!p0 $0xFFFFF086;
	s6 =	sadd.s32 @!p0 s3, s7;
	s7 =	simm.s32 @!p0 $0x108  }
0x21: {  	s3 =	sadd.s32 s3, s9;
	s6 =	sadd.s32 @!p0 $0x88, s6;
	s7 =	simm.s32 @p2 $0x1082  }
0x22: {  	[simem:s7], [sflag:s8] =	dma.local @!p0 [hbm:s6], $0xF7A  }
0x23: {  	s9 =	sor.u32 $0xD0000000, s2;
	s6 =	simm.s32 $0x108;
	_ =	swait.ge @!p0 [sflag:s8], $0x0  }
0x24: {  	s3 =	sadd.s32 $0x88, s3;
	s6 =	simm.s32 @!p1 $0x1082;
	[sflag:s4] =	ssyncset.s32 $0xFFFFF086  }
0x25: {  	[simem:s6], [sflag:s4] =	dma.local [hbm:s3], $0xF7A  }
0x26: {  	[smem:$0x3F8B] =	sst s1;
	(tag) =	ssettag s2;
	_ =	strace s9  }
0x27: {  	s1 =	sld [smem:$0x3F9B]  }
0x28: {  	s2 =	sld [smem:$0x3F9C]  }
0x29: {  	s4 =	sld [smem:$0x3F9E]  }
0x2a: {  	p0 =	seq.s32 s5, $0x0;
	s5 =	sld [smem:$0x3F9F]  }
0x2b: {  	s6 =	sld [smem:$0x3FA0]  }
0x2c: {  	s7 =	sld [smem:$0x3FA1]  }
0x2d: {  	s3 =	simm.s32 $0x108;
	s8 =	sld [smem:$0x3FA2]  }
0x2e: {  	s3 =	simm.s32 @!p0 $0x1082;
	s9 =	sld [smem:$0x3FA3]  }
0x2f: {  	lr =	sadd.s32 s0, s3;
	s0 =	sld [smem:$0x3F9A]  }
0x30: {  	s3 =	sld [smem:$0x3F9D]  }
0x31: {  	[smem:$0x3FA6] =	sst s10  }
0x32: {  	s10 =	sld [smem:$0x3FA4];
	_ =	sdelay $0x3  }
0x33: {  	p0 =	seq.s32 s10, $0x1;
	s10 =	sld [smem:$0x3FA6];
	_ =	sdelay $0x3  }
0x34: {  	[smem:$0x3FA6] =	sst s10  }
0x35: {  	s10 =	sld [smem:$0x3FA5];
	_ =	sdelay $0x3  }
0x36: {  	p1 =	seq.s32 s10, $0x1;
	s10 =	sld [smem:$0x3FA6];
	_ =	sdelay $0x3  }
0x37: {  	[smem:$0x3FA6] =	sst s10  }
0x38: {  	s10 =	sld [smem:$0x3FA7]  }
0x39: {  	_ = 	snop;
	(pc) =	sbr.ind lr, $3  }
0x3a: {  	_ = 	snop  }
0x3b: {  	_ = 	snop  }
0x3c: {  	p2 =	seq.s32 s10, $0x1;
	s10 =	sld [smem:$0x3FA6]  }
0x3d: {  	_ =	shalt  }
0x3e: {  	_ =	shalt  }
0x3f: {  	_ =	shalt  }
0x40: {  	_ =	shalt  }
0x41: {  	_ =	shalt  }
0x42: {  	_ =	shalt  }
0x43: {  	_ =	shalt  }
0x44: {  	_ =	shalt  }
0x45: {  	_ =	shalt  }
0x46: {  	_ =	shalt  }
0x47: {  	_ =	shalt  }
0x48: {  	_ =	shalt  }
0x49: {  	_ =	shalt  }
0x4a: {  	_ =	shalt  }
0x4b: {  	_ =	shalt  }
0x4c: {  	_ =	shalt  }
0x4d: {  	_ =	shalt  }
0x4e: {  	_ =	shalt  }
0x4f: {  	_ =	shalt  }
0x50: {  	_ =	shalt  }
0x51: {  	_ =	shalt  }
0x52: {  	_ =	shalt  }
0x53: {  	_ =	shalt  }
0x54: {  	_ =	shalt  }
0x55: {  	_ =	shalt  }
0x56: {  	_ =	shalt  }
0x57: {  	_ =	shalt  }
0x58: {  	_ =	shalt  }
0x59: {  	_ =	shalt  }
0x5a: {  	_ =	shalt  }
0x5b: {  	_ =	shalt  }
0x5c: {  	_ =	shalt  }
0x5d: {  	_ =	shalt  }
0x5e: {  	_ =	shalt  }
0x5f: {  	_ =	shalt  }
0x60: {  	_ =	shalt  }
0x61: {  	_ =	shalt  }
0x62: {  	_ =	shalt  }
0x63: {  	_ =	shalt  }
0x64: {  	_ =	shalt  }
0x65: {  	_ =	shalt  }
0x66: {  	_ =	shalt  }
0x67: {  	_ =	shalt  }
0x68: {  	_ =	shalt  }
0x69: {  	_ =	shalt  }
0x6a: {  	_ =	shalt  }
0x6b: {  	_ =	shalt  }
0x6c: {  	_ =	shalt  }
0x6d: {  	_ =	shalt  }
0x6e: {  	_ =	shalt  }
0x6f: {  	_ =	shalt  }
0x70: {  	_ =	shalt  }
0x71: {  	_ =	shalt  }
0x72: {  	_ =	shalt  }
0x73: {  	_ =	shalt  }
0x74: {  	_ =	shalt  }
0x75: {  	_ =	shalt  }
0x76: {  	_ =	shalt  }
0x77: {  	_ =	shalt  }
0x78: {  	_ =	shalt  }
0x79: {  	_ =	shalt  }
0x7a: {  	_ =	shalt  }
0x7b: {  	_ =	shalt  }
0x7c: {  	_ =	shalt  }
0x7d: {  	_ =	shalt  }
0x7e: {  	_ =	shalt  }
0x7f: {  	_ =	shalt  }
0x80: {  	_ =	shalt  }
0x81: {  	_ =	shalt  }
0x82: {  	_ =	shalt  }
0x83: {  	_ =	shalt  }
0x84: {  	_ =	shalt  }
0x85: {  	_ =	shalt  }
0x86: {  	_ =	shalt  }
0x87: {  	_ =	shalt  }
.Lfunc_end0:
.L_simem_size_0:
called_computation.2_lowered:
.L_overlay_start_0:
0x88: {  	s2 =	sld [smem:$0x3FD9]  }
0x89: {  	s3 =	sld [smem:$0x3FFE];
	_ =	sdelay $0x1  }
0x8a: {  	s1 =	srdreg.scid  }
0x8b: {  	s0 =	sand.u32 $0x1, s1  }
0x8c: {  	s17 =	sshll.u32 s0, $0xA;
	s2 =	sadd.s32 s3, s2  }
0x8d: {  	s2 =	sadd.s32 s2, s17  }
0x8e: {  	[smem:$0x3FB2] =	sst s2  }
0x8f: {  	_ = 	snop  }
0x90: {  	s2 =	sld [smem:$0x3FD0];
	(tm) =	ssettm $0x1  }
0x91: {  	s18 =	sld [smem:$0x3FFB];
	_ =	sdelay $0x3  }
0x92: {  	_ =	strace s18  }
0x93: {  	s3 =	sld [smem:$0x3FFC];
	_ =	sdelay $0x3  }
0x94: {  	_ =	strace s3  }
0x95: {  	s3 =	sld [smem:$0x3FFD];
	_ =	sdelay $0x3  }
0x96: {  	_ =	strace s3  }
0x97: {  	_ =	strace $0x8FFFFFFF  }
0x98: {  	s19 =	sld [smem:$0x3FDB];
	_ =	sdelay $0x1  }
0x99: {  	s4 =	simm.s32 $_scs_section_size  }
0x9a: {  	s5 =	simm.s32 $_size__tile_overlayer_lowered;
	s6 =	simm.s32 $_tile_overlayer_lowered  }
0x9b: {  	s22 =	simm.s32 $0x1BFF;
	s21 =	sshll.u32 s6, $0x1;
	s3 =	sadd.s32 s4, s19  }
0x9c: {  	s7 =	simm.s32 $0x0;
	s20 =	sshll.u32 s5, $0x1;
	s5 =	sadd.s32 s21, s3  }
0x9d: {  	[timem:s7], [sflag:s22] =	dma.local [hbm:s5], s20  }
0x9e: {  	_ =	swait.ge [sflag:s22], s20  }
0x9f: {  	s4 =	ssub.s32 $0x0, s20;
	[sflag:s22] =	ssyncset.done $0x0  }
0xa0: {  	[sflag:s22] =	ssyncadd.s32 s4;
	_ =	sdelay $0x1  }
0xa1: {  	s23 =	simm.s32 $0x1B8B  }
0xa2: {  	_ =	swait.ge [sflag:s23], $0x1  }
0xa3: {  	[sflag:s23] =	ssyncset.done $0x0  }
0xa4: {  	s25 =	simm.s32 $0x1B8E;
	s24 =	sld [smem:$0x3FFE];
	[sflag:s23] =	ssyncadd.s32 $0xFFFFFFFF  }
0xa5: {  	s26 =	simm.s32 $execute0_lowered;
	[smem:$0x3FD2] =	sst s25  }
0xa6: {  	s5 =	sshll.u32 s26, $0x1;
	_ =	strace $0x8000004C;
	[dreg:$0x1] =	wrdreg $0xFFFFFFFF  }
0xa7: {  	s28 =	simm.s32 $_size_execute0_lowered;
	s3 =	sadd.s32 s3, s5;
	[dreg:$0x0] =	wrdreg $0x0  }
0xa8: {  	s5 =	sshll.u32 s28, $0x1;
	[dreg:$0x2] =	wrdreg s3  }
0xa9: {  	[dreg:$0x3] =	wrdreg s5  }
0xaa: {  	[dreg:$0x4] =	wrdreg $0xC0  }
0xab: {  	_ =	task [dreg:s7], $0x5FFFF  }
0xac: {  	[dreg:$0x1] =	wrdreg $0xFFFFFFFF  }
0xad: {  	[dreg:$0x0] =	wrdreg $0x60  }
0xae: {  	[dreg:$0x2] =	wrdreg s24  }
0xaf: {  	[dreg:$0x3] =	wrdreg s2  }
0xb0: {  	[dreg:$0x4] =	wrdreg $0xF5600  }
0xb1: {  	[dreg:$0x5] =	wrdreg $0x9  }
0xb2: {  	_ =	task.clear_ibuf [dreg:s7], $0x6FFFF;
	_ =	strace $0x9000004C  }
0xb3: {  	s29 =	simm.s32 $0x9;
	_ =	strace $0x8000004E  }
0xb4: {  	_ =	swait.ge [sflag:s29], $0x1  }
0xb5: {  	[sflag:s29] =	ssyncadd.s32 $0xFFFFFFFF  }
0xb6: {  	_ =	strace $0x9000004E  }
0xb7: {  	_ =	sfence  }
0xb8: {  	s30 =	sld [smem:$0x0];
	_ =	sdelay $0x2  }
0xb9: {  	s31 =	sshll.u32 s1, $0xD;
	s1 =	sshrl.u32 s1, $0x2  }
0xba: {  	s3 =	sand.u32 $0x4000, s31;
	s1 =	sadd.s32 s1, s30  }
0xbb: {  	s0 =	sor.u32 s3, s0;
	s1 =	sshll.u32 s1, $0x11  }
0xbc: {  	s0 =	sor.u32 s1, s0  }
0xbd: {  	s0 =	sadd.s32 $0x8F2B, s0  }
0xbe: {  	[sflag:s0] =	ssyncadd.remote.s32 $0x1  }
0xbf: {  	_ =	sfence.sel $0xFFFF  }
0xc0: {  	[dreg:$0x0] =	wrdreg $0xFFFFFFFF;
	(pc) =	sbr.abs _section_cstart, $3  }
0xc1: {  	[dreg:$0x1] =	wrdreg $0xFFFFFFFF  }
0xc2: {  	_ =	task.clear_ibuf [dreg:s7], $0x2FFFF;
	_ =	strace $0x9FFFFFFF  }
0xc3: {  	(tm) =	ssettm $0x7FFFFFFF  }
tec
execute0_lowered:
.L_overlay_start_1:
0x0: {  	(tag) =	ssettag $0x1  }
0x1: {  	s0 =	rddreg [dreg:$0x0]  }
0x2: {  	s9 =	rddreg [dreg:$0x1]  }
0x3: {  	s1 =	rddreg [dreg:$0x2]  }
0x4: {  	s2 =	simm.s32 $0x0;
	s4 =	srdreg.scid;
	s15 =	stileid.u32  }
0x5: {  	s17 =	simm.s32 $0xCE40;
	s22 =	simm.s32 $0x50;
	s23 =	simm.s32 $0x7530  }
0x6: {  	s24 =	simm.s32 $0x1;
	s25 =	simm.s32 $0x8E30;
	s26 =	simm.s32 $0x2  }
0x7: {  	s28 =	simm.s32 $0x74E0;
	s29 =	simm.s32 $0x0;
	[smem:$0x7FF] =	sst s2  }
0x8: {  	s3 =	sadd.s32 $0x64800, s0;
	s8 =	sand.u32 $0x1, s4;
	s5 =	sshll.u32 s15, $0x1  }
0x9: {  	s4 =	sadd.s32 $0xB000, s0;
	s10 =	smul.u32 $0xCD00, s15;
	s6 =	sadd.s32 $0x3CE00, s0  }
0xa: {  	s21 =	sadd.s32 $0xCD000, s1;
	p0 =	sne.s32 s15, $0x0;
	s31 =	sshll.u32 s15, $0x6  }
0xb: {  	_ =	strace $0x8000004D;
	s7 =	sor.u32 s8, s5;
	s5 =	sadd.s32 $0xC000, s0  }
0xc: {  	s12 =	smul.u32 $0x19AA0, s8;
	s8 =	ssub.s32 $0x2, s8;
	s19 =	sor.u32 $0x1C03, s31  }
0xd: {  	s21 =	sshrl.u32 @!p0 s21, $0x3;
	s11 =	smul.u32 $0x4E2, s7;
	s7 =	sshrl.u32 s10, $0x3  }
0xe: {  	s16 =	sshrl.u32 s8, $0x1;
	s20 =	sadd.s32 s10, s1;
	s14 =	sadd.s32 s7, s0  }
0xf: {  	s12 =	sadd.s32 s12, s0;
	s16 =	ssub.s32 s8, s16;
	s20 =	sshrl.u32 s20, $0x3  }
0x10: {  	s13 =	sadd.s32 s11, s0;
	s9 =	sadd.s32 s9, s11;
	s10 =	sadd.s32 $0x23200, s14  }
0x11: {  	s11 =	sadd.s32 $0x3CC00, s0;
	s12 =	sadd.s32 $0x7D000, s12;
	s14 =	simm.s32 $0x3  }
0x12: {  	v0 =	vlaneseq.u32;
	s8 =	sadd.s32 $0xC00, s13;
	s13 =	smax.u32 s16, $0x1;
	s16 =	simm.s32 $0xA730  }
.LBB2_1:
0x13: {  	[tilespmem:s2], [sflag:$0x3] =	stream.linear.gather [hbm4b:s8+s2], $0x2710, $0x38;
	[tilespmem:$0x1C2B0] =	vst v63  }
0x14: {  	_ =	swait.ge [sflag:s14], $0x2710  }
0x15: {  	[sflag:s14] =	ssyncset.done $0x0  }
0x16: {  	s0 =	simm.s32 $0x2710;
	[sflag:s14] =	ssyncadd.s32 $0xFFFFD8F0  }
0x17: {  	[tilespmem:s0], [sflag:$0x3] =	stream.linear.gather [hbm4b:s9+s2], $0x2710, $0x38;
	[tilespmem:$0x1C2B0] =	vst v63  }
0x18: {  	_ =	swait.ge [sflag:s14], $0x2710  }
0x19: {  	[sflag:s14] =	ssyncset.done $0x0  }
0x1a: {  	[sflag:s14] =	ssyncadd.s32 $0xFFFFD8F0  }
0x1b: {  	[tilespmem:s16], [sflag:$0x3] =	stream.linear.gather [hbm4b:s4+s2], $0x2710, $0x38;
	[tilespmem:$0x1C2B0] =	vst v63  }
0x1c: {  	_ =	swait.ge [sflag:s14], $0x2710  }
0x1d: {  	[sflag:s14] =	ssyncset.done $0x0  }
0x1e: {  	[sflag:s14] =	ssyncadd.s32 $0xFFFFD8F0  }
0x1f: {  	[tilespmem:s17], [sflag:$0x3] =	stream.linear.gather [hbm4b:s5+s2], $0x2710, $0x38;
	[tilespmem:$0x1C2B0] =	vst v63  }
0x20: {  	_ =	swait.ge [sflag:s14], $0x2710  }
0x21: {  	[sflag:s14] =	ssyncset.done $0x0  }
0x22: {  	s18 =	simm.s32 $0xF550;
	[sflag:s14] =	ssyncadd.s32 $0xFFFFD8F0  }
0x23: {  	[tilespmem:s18], [sflag:$0x3] =	stream.linear.gather [hbm4b:s6+s2], $0x10, $0x38;
	[tilespmem:$0x1C2B0] =	vst v63  }
0x24: {  	_ =	swait.ge [sflag:s14], $0x10  }
0x25: {  	[sflag:s14] =	ssyncset.done $0x0  }
0x26: {  	[sflag:s14] =	ssyncadd.s32 $0xFFFFFFF0  }
0x27: {  	[spmem:s20], [sflag:s19] =	dma.local [hbm:s10], $0x19A0  }
0x28: {  	_ =	swait.ge [sflag:s14], $0x19A0  }
0x29: {  	[sflag:s14] =	ssyncset.done $0x0  }
0x2a: {  	s0 =	simm.s32 @!p0 $0x3;
	[sflag:s14] =	ssyncadd.s32 $0xFFFFE660  }
0x2b: {  	[spmem:s21], [sflag:s19] =	dma.local @!p0 [hbm:s11], $0xA0  }
0x2c: {  	_ =	swait.ge @!p0 [sflag:s0], $0xA0  }
0x2d: {  	[sflag:s0] =	ssyncset.done @!p0 $0x0  }
0x2e: {  	[sflag:s0] =	ssyncadd.s32 @!p0 $0xFFFFFF60  }
0x2f: {  	v1 =	vld [tilespmem:$0xF550];
	_ =	sdelay $0x3  }
0x30: {  	s30 =	simm.s32 $0x2730  }
0x31: {  	s31 =	simm.s32 $0x20;
	s15 =	simm.s32 $0x0;
	s0 =	simm.s32 $0x4E40;
	vm0 =	vgt.f32 v1, $5.000000000e-01  }
.LBB2_2:
0x32: {  	v1 =	vld [tilespmem:s31+$0xFFFFFFE0]  }
0x33: {  	v2 =	vld [tilespmem:s30+$0xFFFFFFE0];
	_ =	sdelay $0x6  }
0x34: {  	v1 =	vld.idx.msk [tilespmem:v1+s16+$0x0], $0xffff  }
0x35: {  	v3 =	vld.idx.msk [tilespmem:v2+s17+$0x0], $0xffff;
	_ =	sdelay $0x4  }
0x36: {  	v1 =	vadd.f32 v3, v1  }
0x37: {  	s18 =	sand.u32 $0x1F0, s15  }
0x38: {  	s18 =	sadd.s32 $0x2710, s18;
	vm1 =	vgt.f32 v1, $0.0e+00  }
0x39: {  	v1 =	vor.u32 s18, v0;
	vm1 =	vmxor vm0, vm1  }
0x3a: {  	v1 =	vsel vm1, v2, v1  }
0x3b: {  	[tilespmem:s0+$0xFFFFFFE0] =	vst v1  }
0x3c: {  	v1 =	vld [tilespmem:s31+$0xFFFFFFF0]  }
0x3d: {  	v2 =	vld [tilespmem:s30+$0xFFFFFFF0];
	_ =	sdelay $0x6  }
0x3e: {  	v1 =	vld.idx.msk [tilespmem:v1+s16+$0x0], $0xffff  }
0x3f: {  	v3 =	vld.idx.msk [tilespmem:v2+s17+$0x0], $0xffff;
	_ =	sdelay $0x4  }
0x40: {  	s18 =	sadd.s32 $0x10, s15;
	v1 =	vadd.f32 v3, v1  }
0x41: {  	s18 =	sand.u32 $0x1F0, s18  }
0x42: {  	s18 =	sadd.s32 $0x2710, s18;
	vm1 =	vgt.f32 v1, $0.0e+00  }
0x43: {  	v1 =	vor.u32 s18, v0;
	vm1 =	vmxor vm0, vm1  }
0x44: {  	v1 =	vsel vm1, v2, v1  }
0x45: {  	[tilespmem:s0+$0xFFFFFFF0] =	vst v1  }
0x46: {  	v1 =	vld [tilespmem:s31+$0x0]  }
0x47: {  	v2 =	vld [tilespmem:s30+$0x0];
	_ =	sdelay $0x6  }
0x48: {  	v1 =	vld.idx.msk [tilespmem:v1+s16+$0x0], $0xffff  }
0x49: {  	v3 =	vld.idx.msk [tilespmem:v2+s17+$0x0], $0xffff;
	_ =	sdelay $0x4  }
0x4a: {  	s18 =	sadd.s32 $0x20, s15;
	v1 =	vadd.f32 v3, v1  }
0x4b: {  	s18 =	sand.u32 $0x1F0, s18  }
0x4c: {  	s18 =	sadd.s32 $0x2710, s18;
	vm1 =	vgt.f32 v1, $0.0e+00  }
0x4d: {  	v1 =	vor.u32 s18, v0;
	vm1 =	vmxor vm0, vm1  }
0x4e: {  	v1 =	vsel vm1, v2, v1  }
0x4f: {  	[tilespmem:s0+$0x0] =	vst v1  }
0x50: {  	v1 =	vld [tilespmem:s31+$0x10]  }
0x51: {  	v2 =	vld [tilespmem:s30+$0x10];
	_ =	sdelay $0x6  }
0x52: {  	v1 =	vld.idx.msk [tilespmem:v1+s16+$0x0], $0xffff  }
0x53: {  	v3 =	vld.idx.msk [tilespmem:v2+s17+$0x0], $0xffff;
	_ =	sdelay $0x4  }
0x54: {  	s18 =	sadd.s32 $0x30, s15;
	v1 =	vadd.f32 v3, v1  }
0x55: {  	s18 =	sand.u32 $0x1F0, s18  }
0x56: {  	s18 =	sadd.s32 $0x2710, s18;
	vm1 =	vgt.f32 v1, $0.0e+00  }
0x57: {  	v1 =	vor.u32 s18, v0;
	vm1 =	vmxor vm0, vm1  }
0x58: {  	v1 =	vsel vm1, v2, v1  }
0x59: {  	[tilespmem:s0+$0x10] =	vst v1  }
0x5a: {  	v1 =	vld [tilespmem:s31+$0x20]  }
0x5b: {  	v2 =	vld [tilespmem:s30+$0x20];
	_ =	sdelay $0x6  }
0x5c: {  	v1 =	vld.idx.msk [tilespmem:v1+s16+$0x0], $0xffff  }
0x5d: {  	v3 =	vld.idx.msk [tilespmem:v2+s17+$0x0], $0xffff;
	_ =	sdelay $0x4  }
0x5e: {  	p1 =	sne.s32 s15, $0x26C0;
	s18 =	sadd.s32 $0x40, s15;
	v1 =	vadd.f32 v3, v1  }
.Ltmp0:
0x5f: {  	s18 =	sand.u32 $0x1F0, s18;
	(pc) =	sbr.rel @p1 .LBB2_2-.Ltmp0, $4  }
0x60: {  	s18 =	sadd.s32 $0x2710, s18;
	vm1 =	vgt.f32 v1, $0.0e+00  }
0x61: {  	v1 =	vor.u32 s18, v0;
	vm1 =	vmxor vm0, vm1  }
0x62: {  	s15 =	sadd.s32 $0x50, s15;
	v1 =	vsel vm1, v2, v1  }
0x63: {  	s30 =	sadd.s32 $0x50, s30;
	s31 =	sadd.s32 $0x50, s31;
	[tilespmem:s0+$0x20] =	vst v1;
	s0 =	sadd.s32 $0x50, s0  }
0x64: {  	[bflag:$0x0] =	sbarrier.arrive $0xFFFF;
	s0 =	simm.s32 $0x0  }
0x65: {  	[tilespmem:s23], [sflag:$0x1] =	stream.indirect.gather [hbm4b:s3+s22], $0x50, s0, s22, $0xb8;
	[tilespmem:$0x1C2B0] =	vst v63  }
0x66: {  	_ =	swait.ge [sflag:s24], $0x1900  }
0x67: {  	[sflag:s24] =	ssyncset.done $0x0  }
0x68: {  	s15 =	simm.s32 $0x50;
	[sflag:s24] =	ssyncadd.s32 $0xFFFFE700  }
0x69: {  	[tilespmem:s25], [sflag:$0x2] =	stream.indirect.gather [hbm4b:s3+s22], $0x50, s15, s22, $0xb8;
	[tilespmem:$0x1C2B0] =	vst v63  }
0x6a: {  	s18 =	simm.s32 $0x4E20  }
0x6b: {  	[spmem:s1] =	stream.indirect.scatter.add.f32 [tilespmem:s23], [sflag:$0x3], $0x50, s18, s22, $0xb8;
	[tilespmem:$0x1C2B0] =	vst v63  }
0x6c: {  	_ =	swait.ge [sflag:s14], $0x1900  }
0x6d: {  	[sflag:s14] =	ssyncset.done $0x0  }
0x6e: {  	[sflag:s14] =	ssyncadd.s32 $0xFFFFE700  }
0x6f: {  	_ =	swait.ge [sflag:s26], $0x1900  }
0x70: {  	[sflag:s26] =	ssyncset.done $0x0  }
0x71: {  	s30 =	simm.s32 $0xA0;
	[sflag:s26] =	ssyncadd.s32 $0xFFFFE700  }
0x72: {  	[tilespmem:s23], [sflag:$0x1] =	stream.indirect.gather [hbm4b:s3+s22], $0x50, s30, s22, $0xb8;
	[tilespmem:$0x1C2B0] =	vst v63  }
0x73: {  	s31 =	simm.s32 $0x4E70  }
0x74: {  	[spmem:s1] =	stream.indirect.scatter.add.f32 [tilespmem:s25], [sflag:$0x3], $0x50, s31, s22, $0xb8;
	[tilespmem:$0x1C2B0] =	vst v63  }
0x75: {  	_ =	swait.ge [sflag:s14], $0x1900  }
0x76: {  	s0 =	simm.s32 $0x280;
	[sflag:s14] =	ssyncset.done $0x0  }
.LBB2_4:
0x77: {  	p1 =	sne.s32 s0, $0x9880  }
0x78: {  	[sflag:s14] =	ssyncadd.s32 $0xFFFFE700;
	s15 =	smov.u32 s0;
	s0 =	sadd.s32 $0x280, s0  }
0x79: {  	_ = 	snop  }
0x7a: {  	_ =	swait.ge [sflag:s24], $0x1900  }
0x7b: {  	s15 =	sshra.s32 s15, $0x2;
	[sflag:s24] =	ssyncset.done $0x0  }
0x7c: {  	s18 =	sadd.s32 $0x50, s15;
	[sflag:s24] =	ssyncadd.s32 $0xFFFFE700  }
0x7d: {  	[tilespmem:s25], [sflag:$0x2] =	stream.indirect.gather [hbm4b:s3+s22], $0x50, s18, s22, $0xb8;
	[tilespmem:$0x1C2B0] =	vst v63  }
0x7e: {  	s18 =	sadd.s32 $0x4E20, s15  }
0x7f: {  	[spmem:s1] =	stream.indirect.scatter.add.f32 [tilespmem:s23], [sflag:$0x3], $0x50, s18, s22, $0xb8;
	[tilespmem:$0x1C2B0] =	vst v63  }
0x80: {  	_ =	swait.ge [sflag:s14], $0x1900  }
0x81: {  	[sflag:s14] =	ssyncset.done $0x0  }
0x82: {  	[sflag:s14] =	ssyncadd.s32 $0xFFFFE700  }
0x83: {  	_ =	swait.ge [sflag:s26], $0x1900  }
0x84: {  	[sflag:s26] =	ssyncset.done $0x0  }
0x85: {  	s18 =	sadd.s32 $0xA0, s15;
	[sflag:s26] =	ssyncadd.s32 $0xFFFFE700  }
0x86: {  	[tilespmem:s23], [sflag:$0x1] =	stream.indirect.gather [hbm4b:s3+s22], $0x50, s18, s22, $0xb8;
	[tilespmem:$0x1C2B0] =	vst v63  }
.Ltmp1:
0x87: {  	_ = 	snop;
	(pc) =	sbr.rel @p1 .LBB2_4-.Ltmp1, $4  }
0x88: {  	s15 =	sadd.s32 $0x4E70, s15  }
0x89: {  	[spmem:s1] =	stream.indirect.scatter.add.f32 [tilespmem:s25], [sflag:$0x3], $0x50, s15, s22, $0xb8;
	[tilespmem:$0x1C2B0] =	vst v63  }
0x8a: {  	_ =	swait.ge [sflag:s14], $0x1900  }
0x8b: {  	[sflag:s14] =	ssyncset.done $0x0  }
0x8c: {  	[sflag:s14] =	ssyncadd.s32 $0xFFFFE700  }
0x8d: {  	_ =	swait.ge [sflag:s24], $0x1900  }
0x8e: {  	[sflag:s24] =	ssyncset.done $0x0  }
0x8f: {  	[sflag:s24] =	ssyncadd.s32 $0xFFFFE700  }
0x90: {  	[spmem:s1] =	stream.indirect.scatter.add.f32 [tilespmem:s23], [sflag:$0x3], $0x50, s28, s22, $0xb8;
	[tilespmem:$0x1C2B0] =	vst v63  }
0x91: {  	_ =	swait.ge [sflag:s14], $0x1900  }
0x92: {  	[sflag:s14] =	ssyncset.done $0x0  }
0x93: {  	[sflag:s14] =	ssyncadd.s32 $0xFFFFE700  }
0x94: {  	s0 =	sadd.s32 s7, s12;
	[bflag:$0x0] =	sbarrier.arrive $0xFFFF  }
0x95: {  	[hbm:s0], [sflag:s19] =	dma.local [spmem:s20], $0x19A0  }
0x96: {  	_ =	swait.ge [sflag:s14], $0x19A0  }
0x97: {  	s29 =	sadd.s32 $0x1, s29;
	[sflag:s14] =	ssyncset.done $0x0  }
0x98: {  	p1 =	sne.s32 s29, s13;
	s0 =	sadd.s32 @!p0 $0x19A00, s12;
	[sflag:s14] =	ssyncadd.s32 $0xFFFFE660  }
0x99: {  	[hbm:s0], [sflag:s19] =	dma.local @!p0 [spmem:s21], $0xA0  }
.Ltmp2:
0x9a: {  	_ = 	snop;
	(pc) =	sbr.rel @p1 .LBB2_1-.Ltmp2, $4  }
0x9b: {  	s0 =	simm.s32 @!p0 $0x3  }
0x9c: {  	_ =	swait.ge @!p0 [sflag:s0], $0xA0  }
0x9d: {  	[sflag:s0] =	ssyncset.done @!p0 $0x0  }
0x9e: {  	[sflag:s0] =	ssyncadd.s32 @!p0 $0xFFFFFF60  }
0x9f: {  	_ =	sfence.sel $0x180000  }
0xa0: {  	[bflag:$0x0] =	sbarrier.arrive $0xFFFF  }
0xa1: {  	_ =	strace $0x9000004D  }
0xa2: {  	[bflag:$0x2] =	sbarrier.arrive $0xFFFF  }
0xa3: {  	s0 =	rddreg [dreg:$0x3]  }
0xa4: {  	s0 =	sadd.s32 @!p0 $0x100000, s0  }
0xa5: {  	[sflag:s0] =	ssyncadd.tile.s32 @!p0 $0x1;
	_ =	shalt  }
.Lfunc_end2:
_tile_overlayer_lowered:
.L_overlay_start_2:
0xa6: {  	(tag) =	ssettag $0x2  }
0xa7: {  	s0 =	rddreg [dreg:$0x0];
	s2 =	stileid.u32  }
0xa8: {  	s1 =	rddreg [dreg:$0x1];
	p0 =	sne.s32 s2, $0x0  }
0xa9: {  	s3 =	rddreg [dreg:$0x2];
	[bflag:$0x3] =	sbarrier.arrive $0xFFFF;
	s2 =	simm.s32 @!p0 $0x1C03  }
0xaa: {  	[timem:s3], [sflag:s2] =	dma.local @!p0 [hbm:s0], s1  }
0xab: {  	s0 =	simm.s32 @!p0 $0x3  }
0xac: {  	_ =	swait.ge @!p0 [sflag:s0], s1  }
0xad: {  	s1 =	ssub.s32 @!p0 $0x0, s1;
	[sflag:s0] =	ssyncset.done @!p0 $0x0  }
0xae: {  	[sflag:s0] =	ssyncadd.s32 @!p0 s1  }
0xaf: {  	[bflag:$0x3] =	sbarrier.arrive $0xFFFF  }
0xb0: {  	_ =	shalt  }

// kernel: kernel.19.cloned.1.call-start
scs
__scs_entry_jumppad:
0x0: {  	(pc) =	sbr.rel $0x88, $3  }
0x1: {  	(tag) =	ssettag $0x0;
	lr =	simm.s32 $0x1  }
0x2: {  	[smem:$0x3F8B] =	sst lr;
	_ =	strace $0xD0000000  }
0x3: {  	_ = 	snop  }
0x4: {  	_ = 	snop  }
0x5: {  	_ = 	snop  }
0x6: {  	_ = 	snop  }
0x7: {  	_ = 	snop  }
__scs_overlays_trampoline_lowered:
0x8: {  	[smem:$0x3F9A] =	sst s0  }
0x9: {  	[smem:$0x3F9B] =	sst s1  }
0xa: {  	[smem:$0x3F9C] =	sst s2  }
0xb: {  	[smem:$0x3F9D] =	sst s3  }
0xc: {  	[smem:$0x3F9E] =	sst s4  }
0xd: {  	[smem:$0x3F9F] =	sst s5  }
0xe: {  	[smem:$0x3FA0] =	sst s6  }
0xf: {  	[smem:$0x3FA1] =	sst s7  }
0x10: {  	[smem:$0x3FA2] =	sst s8  }
0x11: {  	[smem:$0x3FA3] =	sst s9;
	s0 =	simm.s32 @!p0 $0x0  }
0x12: {  	s1 =	sld [smem:$0x3F89];
	s0 =	simm.s32 @p0 $0x1  }
0x13: {  	[smem:$0x3FA4] =	sst s0;
	s0 =	simm.s32 @!p1 $0x0  }
0x14: {  	s2 =	sld [smem:$0x3F88];
	s0 =	simm.s32 @p1 $0x1  }
0x15: {  	[smem:$0x3FA5] =	sst s0;
	s0 =	simm.s32 @!p2 $0x0  }
0x16: {  	s3 =	sld [smem:$0x3FDB];
	s0 =	simm.s32 @p2 $0x1  }
0x17: {  	s4 =	simm.s32 $0x1BF5;
	[smem:$0x3FA7] =	sst s0  }
0x18: {  	s0 =	sld [smem:$0x3F8A];
	_ =	swait.ge [sflag:s4], $0x0  }
0x19: {  	s7 =	sld [smem:$0x3F8B]  }
0x1a: {  	s8 =	sadd.s32 $0xFFFFE003, lr  }
0x1b: {  	s9 =	sadd.s32 $0xFFFFFEF7, lr;
	s5 =	simm.s32 $0xFFFFFFFF;
	p2 =	slt.u32 s8, $0xFFFFF086  }
0x1c: {  	p1 =	slt.u32 s9, $0xF7A;
	s5 =	simm.s32 @!p2 $0x0  }
0x1d: {  	s5 =	simm.s32 @p1 $0x1;
	p0 =	seq.s32 s7, s2  }
0x1e: {  	s7 =	smul.u32 @!p0 $0xF7A, s2;
	p2 =	seq.s32 @!p0 s5, $0x0  }
0x1f: {  	s9 =	smul.u32 $0xF7A, s1;
	s8 =	simm.s32 @!p0 $0x1BF5;
	p2 =	por !p2, p0  }
0x20: {  	[sflag:s8] =	ssyncset.s32 @!p0 $0xFFFFF086;
	s6 =	sadd.s32 @!p0 s3, s7;
	s7 =	simm.s32 @!p0 $0x108  }
0x21: {  	s3 =	sadd.s32 s3, s9;
	s6 =	sadd.s32 @!p0 $0x88, s6;
	s7 =	simm.s32 @p2 $0x1082  }
0x22: {  	[simem:s7], [sflag:s8] =	dma.local @!p0 [hbm:s6], $0xF7A  }
0x23: {  	s9 =	sor.u32 $0xD0000000, s2;
	s6 =	simm.s32 $0x108;
	_ =	swait.ge @!p0 [sflag:s8], $0x0  }
0x24: {  	s3 =	sadd.s32 $0x88, s3;
	s6 =	simm.s32 @!p1 $0x1082;
	[sflag:s4] =	ssyncset.s32 $0xFFFFF086  }
0x25: {  	[simem:s6], [sflag:s4] =	dma.local [hbm:s3], $0xF7A  }
0x26: {  	[smem:$0x3F8B] =	sst s1;
	(tag) =	ssettag s2;
	_ =	strace s9  }
0x27: {  	s1 =	sld [smem:$0x3F9B]  }
0x28: {  	s2 =	sld [smem:$0x3F9C]  }
0x29: {  	s4 =	sld [smem:$0x3F9E]  }
0x2a: {  	p0 =	seq.s32 s5, $0x0;
	s5 =	sld [smem:$0x3F9F]  }
0x2b: {  	s6 =	sld [smem:$0x3FA0]  }
0x2c: {  	s7 =	sld [smem:$0x3FA1]  }
0x2d: {  	s3 =	simm.s32 $0x108;
	s8 =	sld [smem:$0x3FA2]  }
0x2e: {  	s3 =	simm.s32 @!p0 $0x1082;
	s9 =	sld [smem:$0x3FA3]  }
0x2f: {  	lr =	sadd.s32 s0, s3;
	s0 =	sld [smem:$0x3F9A]  }
0x30: {  	s3 =	sld [smem:$0x3F9D]  }
0x31: {  	[smem:$0x3FA6] =	sst s10  }
0x32: {  	s10 =	sld [smem:$0x3FA4];
	_ =	sdelay $0x3  }
0x33: {  	p0 =	seq.s32 s10, $0x1;
	s10 =	sld [smem:$0x3FA6];
	_ =	sdelay $0x3  }
0x34: {  	[smem:$0x3FA6] =	sst s10  }
0x35: {  	s10 =	sld [smem:$0x3FA5];
	_ =	sdelay $0x3  }
0x36: {  	p1 =	seq.s32 s10, $0x1;
	s10 =	sld [smem:$0x3FA6];
	_ =	sdelay $0x3  }
0x37: {  	[smem:$0x3FA6] =	sst s10  }
0x38: {  	s10 =	sld [smem:$0x3FA7]  }
0x39: {  	_ = 	snop;
	(pc) =	sbr.ind lr, $3  }
0x3a: {  	_ = 	snop  }
0x3b: {  	_ = 	snop  }
0x3c: {  	p2 =	seq.s32 s10, $0x1;
	s10 =	sld [smem:$0x3FA6]  }
0x3d: {  	_ =	shalt  }
0x3e: {  	_ =	shalt  }
0x3f: {  	_ =	shalt  }
0x40: {  	_ =	shalt  }
0x41: {  	_ =	shalt  }
0x42: {  	_ =	shalt  }
0x43: {  	_ =	shalt  }
0x44: {  	_ =	shalt  }
0x45: {  	_ =	shalt  }
0x46: {  	_ =	shalt  }
0x47: {  	_ =	shalt  }
0x48: {  	_ =	shalt  }
0x49: {  	_ =	shalt  }
0x4a: {  	_ =	shalt  }
0x4b: {  	_ =	shalt  }
0x4c: {  	_ =	shalt  }
0x4d: {  	_ =	shalt  }
0x4e: {  	_ =	shalt  }
0x4f: {  	_ =	shalt  }
0x50: {  	_ =	shalt  }
0x51: {  	_ =	shalt  }
0x52: {  	_ =	shalt  }
0x53: {  	_ =	shalt  }
0x54: {  	_ =	shalt  }
0x55: {  	_ =	shalt  }
0x56: {  	_ =	shalt  }
0x57: {  	_ =	shalt  }
0x58: {  	_ =	shalt  }
0x59: {  	_ =	shalt  }
0x5a: {  	_ =	shalt  }
0x5b: {  	_ =	shalt  }
0x5c: {  	_ =	shalt  }
0x5d: {  	_ =	shalt  }
0x5e: {  	_ =	shalt  }
0x5f: {  	_ =	shalt  }
0x60: {  	_ =	shalt  }
0x61: {  	_ =	shalt  }
0x62: {  	_ =	shalt  }
0x63: {  	_ =	shalt  }
0x64: {  	_ =	shalt  }
0x65: {  	_ =	shalt  }
0x66: {  	_ =	shalt  }
0x67: {  	_ =	shalt  }
0x68: {  	_ =	shalt  }
0x69: {  	_ =	shalt  }
0x6a: {  	_ =	shalt  }
0x6b: {  	_ =	shalt  }
0x6c: {  	_ =	shalt  }
0x6d: {  	_ =	shalt  }
0x6e: {  	_ =	shalt  }
0x6f: {  	_ =	shalt  }
0x70: {  	_ =	shalt  }
0x71: {  	_ =	shalt  }
0x72: {  	_ =	shalt  }
0x73: {  	_ =	shalt  }
0x74: {  	_ =	shalt  }
0x75: {  	_ =	shalt  }
0x76: {  	_ =	shalt  }
0x77: {  	_ =	shalt  }
0x78: {  	_ =	shalt  }
0x79: {  	_ =	shalt  }
0x7a: {  	_ =	shalt  }
0x7b: {  	_ =	shalt  }
0x7c: {  	_ =	shalt  }
0x7d: {  	_ =	shalt  }
0x7e: {  	_ =	shalt  }
0x7f: {  	_ =	shalt  }
0x80: {  	_ =	shalt  }
0x81: {  	_ =	shalt  }
0x82: {  	_ =	shalt  }
0x83: {  	_ =	shalt  }
0x84: {  	_ =	shalt  }
0x85: {  	_ =	shalt  }
0x86: {  	_ =	shalt  }
0x87: {  	_ =	shalt  }
.Lfunc_end0:
.L_simem_size_0:
called_computation.3_lowered:
.L_overlay_start_0:
0x88: {  	s2 =	sld [smem:$0x3FD9]  }
0x89: {  	s3 =	sld [smem:$0x3FFE];
	_ =	sdelay $0x1  }
0x8a: {  	s1 =	srdreg.scid  }
0x8b: {  	s0 =	sand.u32 $0x1, s1  }
0x8c: {  	s17 =	sshll.u32 s0, $0xA;
	s2 =	sadd.s32 s3, s2  }
0x8d: {  	s2 =	sadd.s32 s2, s17  }
0x8e: {  	[smem:$0x3FB2] =	sst s2  }
0x8f: {  	_ = 	snop  }
0x90: {  	s2 =	sld [smem:$0x3FD0];
	(tm) =	ssettm $0x1  }
0x91: {  	s18 =	sld [smem:$0x3FFB];
	_ =	sdelay $0x3  }
0x92: {  	_ =	strace s18  }
0x93: {  	s3 =	sld [smem:$0x3FFC];
	_ =	sdelay $0x3  }
0x94: {  	_ =	strace s3  }
0x95: {  	s3 =	sld [smem:$0x3FFD];
	_ =	sdelay $0x3  }
0x96: {  	_ =	strace s3  }
0x97: {  	_ =	strace $0x8FFFFFFF  }
0x98: {  	s19 =	sld [smem:$0x3FDB];
	_ =	sdelay $0x1  }
0x99: {  	s4 =	simm.s32 $_scs_section_size  }
0x9a: {  	s5 =	simm.s32 $_size__tile_overlayer_lowered;
	s6 =	simm.s32 $_tile_overlayer_lowered  }
0x9b: {  	s22 =	simm.s32 $0x1BFF;
	s21 =	sshll.u32 s6, $0x1;
	s3 =	sadd.s32 s4, s19  }
0x9c: {  	s7 =	simm.s32 $0x0;
	s20 =	sshll.u32 s5, $0x1;
	s5 =	sadd.s32 s21, s3  }
0x9d: {  	[timem:s7], [sflag:s22] =	dma.local [hbm:s5], s20  }
0x9e: {  	_ =	swait.ge [sflag:s22], s20  }
0x9f: {  	s4 =	ssub.s32 $0x0, s20;
	[sflag:s22] =	ssyncset.done $0x0  }
0xa0: {  	[sflag:s22] =	ssyncadd.s32 s4;
	_ =	sdelay $0x1  }
0xa1: {  	s23 =	simm.s32 $0x1B8B  }
0xa2: {  	_ =	swait.ge [sflag:s23], $0x1  }
0xa3: {  	[sflag:s23] =	ssyncset.done $0x0  }
0xa4: {  	s25 =	simm.s32 $0x1B8E;
	s24 =	sld [smem:$0x3FFE];
	[sflag:s23] =	ssyncadd.s32 $0xFFFFFFFF  }
0xa5: {  	s26 =	simm.s32 $execute0_lowered;
	[smem:$0x3FD2] =	sst s25  }
0xa6: {  	s5 =	sshll.u32 s26, $0x1;
	_ =	strace $0x8000004F;
	[dreg:$0x1] =	wrdreg $0xFFFFFFFF  }
0xa7: {  	s28 =	simm.s32 $_size_execute0_lowered;
	s3 =	sadd.s32 s3, s5;
	[dreg:$0x0] =	wrdreg $0x0  }
0xa8: {  	s5 =	sshll.u32 s28, $0x1;
	[dreg:$0x2] =	wrdreg s3  }
0xa9: {  	[dreg:$0x3] =	wrdreg s5  }
0xaa: {  	[dreg:$0x4] =	wrdreg $0xC0  }
0xab: {  	_ =	task [dreg:s7], $0x5FFFF  }
0xac: {  	[dreg:$0x1] =	wrdreg $0xFFFFFFFF  }
0xad: {  	[dreg:$0x0] =	wrdreg $0x60  }
0xae: {  	[dreg:$0x2] =	wrdreg s24  }
0xaf: {  	[dreg:$0x3] =	wrdreg s2  }
0xb0: {  	[dreg:$0x4] =	wrdreg $0xF5600  }
0xb1: {  	[dreg:$0x5] =	wrdreg $0x9  }
0xb2: {  	_ =	task.clear_ibuf [dreg:s7], $0x6FFFF;
	_ =	strace $0x9000004F  }
0xb3: {  	s29 =	simm.s32 $0x9;
	_ =	strace $0x80000051  }
0xb4: {  	_ =	swait.ge [sflag:s29], $0x1  }
0xb5: {  	[sflag:s29] =	ssyncadd.s32 $0xFFFFFFFF  }
0xb6: {  	_ =	strace $0x90000051  }
0xb7: {  	_ =	sfence  }
0xb8: {  	s30 =	sld [smem:$0x0];
	_ =	sdelay $0x2  }
0xb9: {  	s31 =	sshll.u32 s1, $0xD;
	s1 =	sshrl.u32 s1, $0x2  }
0xba: {  	s3 =	sand.u32 $0x4000, s31;
	s1 =	sadd.s32 s1, s30  }
0xbb: {  	s0 =	sor.u32 s3, s0;
	s1 =	sshll.u32 s1, $0x11  }
0xbc: {  	s0 =	sor.u32 s1, s0  }
0xbd: {  	s0 =	sadd.s32 $0x8F2B, s0  }
0xbe: {  	[sflag:s0] =	ssyncadd.remote.s32 $0x1  }
0xbf: {  	_ =	sfence.sel $0xFFFF  }
0xc0: {  	[dreg:$0x0] =	wrdreg $0xFFFFFFFF;
	(pc) =	sbr.abs _section_cstart, $3  }
0xc1: {  	[dreg:$0x1] =	wrdreg $0xFFFFFFFF  }
0xc2: {  	_ =	task.clear_ibuf [dreg:s7], $0x2FFFF;
	_ =	strace $0x9FFFFFFF  }
0xc3: {  	(tm) =	ssettm $0x7FFFFFFF  }
tec
execute0_lowered:
.L_overlay_start_1:
0x0: {  	(tag) =	ssettag $0x1  }
0x1: {  	s0 =	rddreg [dreg:$0x0]  }
0x2: {  	s9 =	rddreg [dreg:$0x1]  }
0x3: {  	s1 =	rddreg [dreg:$0x2]  }
0x4: {  	s2 =	simm.s32 $0x0;
	s4 =	srdreg.scid;
	s15 =	stileid.u32  }
0x5: {  	s17 =	simm.s32 $0xCE40;
	s22 =	simm.s32 $0x50;
	s23 =	simm.s32 $0x7530  }
0x6: {  	s24 =	simm.s32 $0x1;
	s25 =	simm.s32 $0x8E30;
	s26 =	simm.s32 $0x2  }
0x7: {  	s28 =	simm.s32 $0x74E0;
	s29 =	simm.s32 $0x0;
	[smem:$0x7FF] =	sst s2  }
0x8: {  	s3 =	sadd.s32 $0x3D600, s0;
	s8 =	sand.u32 $0x1, s4;
	s5 =	sshll.u32 s15, $0x1  }
0x9: {  	s4 =	sadd.s32 $0xB000, s0;
	s10 =	smul.u32 $0xCD00, s15;
	s6 =	sadd.s32 $0xBC00, s0  }
0xa: {  	s21 =	sadd.s32 $0xCD000, s1;
	p0 =	sne.s32 s15, $0x0;
	s31 =	sshll.u32 s15, $0x6  }
0xb: {  	_ =	strace $0x80000050;
	s7 =	sor.u32 s8, s5;
	s5 =	sadd.s32 $0xC000, s0  }
0xc: {  	s12 =	smul.u32 $0x19AA0, s8;
	s8 =	ssub.s32 $0x2, s8;
	s19 =	sor.u32 $0x1C03, s31  }
0xd: {  	s21 =	sshrl.u32 @!p0 s21, $0x3;
	s11 =	smul.u32 $0x4E2, s7;
	s7 =	sshrl.u32 s10, $0x3  }
0xe: {  	s16 =	sshrl.u32 s8, $0x1;
	s20 =	sadd.s32 s10, s1;
	s14 =	sadd.s32 s7, s0  }
0xf: {  	s12 =	sadd.s32 s12, s0;
	s16 =	ssub.s32 s8, s16;
	s20 =	sshrl.u32 s20, $0x3  }
0x10: {  	s13 =	sadd.s32 s11, s0;
	s9 =	sadd.s32 s9, s11;
	s10 =	sadd.s32 $0x23200, s14  }
0x11: {  	s11 =	sadd.s32 $0x3CC00, s0;
	s12 =	sadd.s32 $0x55E00, s12;
	s14 =	simm.s32 $0x3  }
0x12: {  	v0 =	vlaneseq.u32;
	s8 =	sadd.s32 $0xC00, s13;
	s13 =	smax.u32 s16, $0x1;
	s16 =	simm.s32 $0xA730  }
.LBB2_1:
0x13: {  	[tilespmem:s2], [sflag:$0x3] =	stream.linear.gather [hbm4b:s8+s2], $0x2710, $0x38;
	[tilespmem:$0x1C2B0] =	vst v63  }
0x14: {  	_ =	swait.ge [sflag:s14], $0x2710  }
0x15: {  	[sflag:s14] =	ssyncset.done $0x0  }
0x16: {  	s0 =	simm.s32 $0x2710;
	[sflag:s14] =	ssyncadd.s32 $0xFFFFD8F0  }
0x17: {  	[tilespmem:s0], [sflag:$0x3] =	stream.linear.gather [hbm4b:s9+s2], $0x2710, $0x38;
	[tilespmem:$0x1C2B0] =	vst v63  }
0x18: {  	_ =	swait.ge [sflag:s14], $0x2710  }
0x19: {  	[sflag:s14] =	ssyncset.done $0x0  }
0x1a: {  	[sflag:s14] =	ssyncadd.s32 $0xFFFFD8F0  }
0x1b: {  	[tilespmem:s16], [sflag:$0x3] =	stream.linear.gather [hbm4b:s4+s2], $0x2710, $0x38;
	[tilespmem:$0x1C2B0] =	vst v63  }
0x1c: {  	_ =	swait.ge [sflag:s14], $0x2710  }
0x1d: {  	[sflag:s14] =	ssyncset.done $0x0  }
0x1e: {  	[sflag:s14] =	ssyncadd.s32 $0xFFFFD8F0  }
0x1f: {  	[tilespmem:s17], [sflag:$0x3] =	stream.linear.gather [hbm4b:s5+s2], $0x2710, $0x38;
	[tilespmem:$0x1C2B0] =	vst v63  }
0x20: {  	_ =	swait.ge [sflag:s14], $0x2710  }
0x21: {  	[sflag:s14] =	ssyncset.done $0x0  }
0x22: {  	s18 =	simm.s32 $0xF550;
	[sflag:s14] =	ssyncadd.s32 $0xFFFFD8F0  }
0x23: {  	[tilespmem:s18], [sflag:$0x3] =	stream.linear.gather [hbm4b:s6+s2], $0x10, $0x38;
	[tilespmem:$0x1C2B0] =	vst v63  }
0x24: {  	_ =	swait.ge [sflag:s14], $0x10  }
0x25: {  	[sflag:s14] =	ssyncset.done $0x0  }
0x26: {  	[sflag:s14] =	ssyncadd.s32 $0xFFFFFFF0  }
0x27: {  	[spmem:s20], [sflag:s19] =	dma.local [hbm:s10], $0x19A0  }
0x28: {  	_ =	swait.ge [sflag:s14], $0x19A0  }
0x29: {  	[sflag:s14] =	ssyncset.done $0x0  }
0x2a: {  	s0 =	simm.s32 @!p0 $0x3;
	[sflag:s14] =	ssyncadd.s32 $0xFFFFE660  }
0x2b: {  	[spmem:s21], [sflag:s19] =	dma.local @!p0 [hbm:s11], $0xA0  }
0x2c: {  	_ =	swait.ge @!p0 [sflag:s0], $0xA0  }
0x2d: {  	[sflag:s0] =	ssyncset.done @!p0 $0x0  }
0x2e: {  	[sflag:s0] =	ssyncadd.s32 @!p0 $0xFFFFFF60  }
0x2f: {  	v1 =	vld [tilespmem:$0xF550];
	_ =	sdelay $0x3  }
0x30: {  	s30 =	simm.s32 $0x2730  }
0x31: {  	s31 =	simm.s32 $0x20;
	s15 =	simm.s32 $0x0;
	s0 =	simm.s32 $0x4E40;
	vm0 =	vgt.f32 v1, $5.000000000e-01  }
.LBB2_2:
0x32: {  	v1 =	vld [tilespmem:s31+$0xFFFFFFE0]  }
0x33: {  	v2 =	vld [tilespmem:s30+$0xFFFFFFE0];
	_ =	sdelay $0x6  }
0x34: {  	v1 =	vld.idx.msk [tilespmem:v1+s16+$0x0], $0xffff  }
0x35: {  	v3 =	vld.idx.msk [tilespmem:v2+s17+$0x0], $0xffff;
	_ =	sdelay $0x4  }
0x36: {  	v1 =	vadd.f32 v3, v1  }
0x37: {  	s18 =	sand.u32 $0x1F0, s15  }
0x38: {  	s18 =	sadd.s32 $0x2710, s18;
	vm1 =	vgt.f32 v1, $0.0e+00  }
0x39: {  	v1 =	vor.u32 s18, v0;
	vm1 =	vmxor vm0, vm1  }
0x3a: {  	v1 =	vsel vm1, v2, v1  }
0x3b: {  	[tilespmem:s0+$0xFFFFFFE0] =	vst v1  }
0x3c: {  	v1 =	vld [tilespmem:s31+$0xFFFFFFF0]  }
0x3d: {  	v2 =	vld [tilespmem:s30+$0xFFFFFFF0];
	_ =	sdelay $0x6  }
0x3e: {  	v1 =	vld.idx.msk [tilespmem:v1+s16+$0x0], $0xffff  }
0x3f: {  	v3 =	vld.idx.msk [tilespmem:v2+s17+$0x0], $0xffff;
	_ =	sdelay $0x4  }
0x40: {  	s18 =	sadd.s32 $0x10, s15;
	v1 =	vadd.f32 v3, v1  }
0x41: {  	s18 =	sand.u32 $0x1F0, s18  }
0x42: {  	s18 =	sadd.s32 $0x2710, s18;
	vm1 =	vgt.f32 v1, $0.0e+00  }
0x43: {  	v1 =	vor.u32 s18, v0;
	vm1 =	vmxor vm0, vm1  }
0x44: {  	v1 =	vsel vm1, v2, v1  }
0x45: {  	[tilespmem:s0+$0xFFFFFFF0] =	vst v1  }
0x46: {  	v1 =	vld [tilespmem:s31+$0x0]  }
0x47: {  	v2 =	vld [tilespmem:s30+$0x0];
	_ =	sdelay $0x6  }
0x48: {  	v1 =	vld.idx.msk [tilespmem:v1+s16+$0x0], $0xffff  }
0x49: {  	v3 =	vld.idx.msk [tilespmem:v2+s17+$0x0], $0xffff;
	_ =	sdelay $0x4  }
0x4a: {  	s18 =	sadd.s32 $0x20, s15;
	v1 =	vadd.f32 v3, v1  }
0x4b: {  	s18 =	sand.u32 $0x1F0, s18  }
0x4c: {  	s18 =	sadd.s32 $0x2710, s18;
	vm1 =	vgt.f32 v1, $0.0e+00  }
0x4d: {  	v1 =	vor.u32 s18, v0;
	vm1 =	vmxor vm0, vm1  }
0x4e: {  	v1 =	vsel vm1, v2, v1  }
0x4f: {  	[tilespmem:s0+$0x0] =	vst v1  }
0x50: {  	v1 =	vld [tilespmem:s31+$0x10]  }
0x51: {  	v2 =	vld [tilespmem:s30+$0x10];
	_ =	sdelay $0x6  }
0x52: {  	v1 =	vld.idx.msk [tilespmem:v1+s16+$0x0], $0xffff  }
0x53: {  	v3 =	vld.idx.msk [tilespmem:v2+s17+$0x0], $0xffff;
	_ =	sdelay $0x4  }
0x54: {  	s18 =	sadd.s32 $0x30, s15;
	v1 =	vadd.f32 v3, v1  }
0x55: {  	s18 =	sand.u32 $0x1F0, s18  }
0x56: {  	s18 =	sadd.s32 $0x2710, s18;
	vm1 =	vgt.f32 v1, $0.0e+00  }
0x57: {  	v1 =	vor.u32 s18, v0;
	vm1 =	vmxor vm0, vm1  }
0x58: {  	v1 =	vsel vm1, v2, v1  }
0x59: {  	[tilespmem:s0+$0x10] =	vst v1  }
0x5a: {  	v1 =	vld [tilespmem:s31+$0x20]  }
0x5b: {  	v2 =	vld [tilespmem:s30+$0x20];
	_ =	sdelay $0x6  }
0x5c: {  	v1 =	vld.idx.msk [tilespmem:v1+s16+$0x0], $0xffff  }
0x5d: {  	v3 =	vld.idx.msk [tilespmem:v2+s17+$0x0], $0xffff;
	_ =	sdelay $0x4  }
0x5e: {  	p1 =	sne.s32 s15, $0x26C0;
	s18 =	sadd.s32 $0x40, s15;
	v1 =	vadd.f32 v3, v1  }
.Ltmp0:
0x5f: {  	s18 =	sand.u32 $0x1F0, s18;
	(pc) =	sbr.rel @p1 .LBB2_2-.Ltmp0, $4  }
0x60: {  	s18 =	sadd.s32 $0x2710, s18;
	vm1 =	vgt.f32 v1, $0.0e+00  }
0x61: {  	v1 =	vor.u32 s18, v0;
	vm1 =	vmxor vm0, vm1  }
0x62: {  	s15 =	sadd.s32 $0x50, s15;
	v1 =	vsel vm1, v2, v1  }
0x63: {  	s30 =	sadd.s32 $0x50, s30;
	s31 =	sadd.s32 $0x50, s31;
	[tilespmem:s0+$0x20] =	vst v1;
	s0 =	sadd.s32 $0x50, s0  }
0x64: {  	[bflag:$0x0] =	sbarrier.arrive $0xFFFF;
	s0 =	simm.s32 $0x0  }
0x65: {  	[tilespmem:s23], [sflag:$0x1] =	stream.indirect.gather [hbm4b:s3+s22], $0x50, s0, s22, $0xb8;
	[tilespmem:$0x1C2B0] =	vst v63  }
0x66: {  	_ =	swait.ge [sflag:s24], $0x1900  }
0x67: {  	[sflag:s24] =	ssyncset.done $0x0  }
0x68: {  	s15 =	simm.s32 $0x50;
	[sflag:s24] =	ssyncadd.s32 $0xFFFFE700  }
0x69: {  	[tilespmem:s25], [sflag:$0x2] =	stream.indirect.gather [hbm4b:s3+s22], $0x50, s15, s22, $0xb8;
	[tilespmem:$0x1C2B0] =	vst v63  }
0x6a: {  	s18 =	simm.s32 $0x4E20  }
0x6b: {  	[spmem:s1] =	stream.indirect.scatter.add.f32 [tilespmem:s23], [sflag:$0x3], $0x50, s18, s22, $0xb8;
	[tilespmem:$0x1C2B0] =	vst v63  }
0x6c: {  	_ =	swait.ge [sflag:s14], $0x1900  }
0x6d: {  	[sflag:s14] =	ssyncset.done $0x0  }
0x6e: {  	[sflag:s14] =	ssyncadd.s32 $0xFFFFE700  }
0x6f: {  	_ =	swait.ge [sflag:s26], $0x1900  }
0x70: {  	[sflag:s26] =	ssyncset.done $0x0  }
0x71: {  	s30 =	simm.s32 $0xA0;
	[sflag:s26] =	ssyncadd.s32 $0xFFFFE700  }
0x72: {  	[tilespmem:s23], [sflag:$0x1] =	stream.indirect.gather [hbm4b:s3+s22], $0x50, s30, s22, $0xb8;
	[tilespmem:$0x1C2B0] =	vst v63  }
0x73: {  	s31 =	simm.s32 $0x4E70  }
0x74: {  	[spmem:s1] =	stream.indirect.scatter.add.f32 [tilespmem:s25], [sflag:$0x3], $0x50, s31, s22, $0xb8;
	[tilespmem:$0x1C2B0] =	vst v63  }
0x75: {  	_ =	swait.ge [sflag:s14], $0x1900  }
0x76: {  	s0 =	simm.s32 $0x280;
	[sflag:s14] =	ssyncset.done $0x0  }
.LBB2_4:
0x77: {  	p1 =	sne.s32 s0, $0x9880  }
0x78: {  	[sflag:s14] =	ssyncadd.s32 $0xFFFFE700;
	s15 =	smov.u32 s0;
	s0 =	sadd.s32 $0x280, s0  }
0x79: {  	_ = 	snop  }
0x7a: {  	_ =	swait.ge [sflag:s24], $0x1900  }
0x7b: {  	s15 =	sshra.s32 s15, $0x2;
	[sflag:s24] =	ssyncset.done $0x0  }
0x7c: {  	s18 =	sadd.s32 $0x50, s15;
	[sflag:s24] =	ssyncadd.s32 $0xFFFFE700  }
0x7d: {  	[tilespmem:s25], [sflag:$0x2] =	stream.indirect.gather [hbm4b:s3+s22], $0x50, s18, s22, $0xb8;
	[tilespmem:$0x1C2B0] =	vst v63  }
0x7e: {  	s18 =	sadd.s32 $0x4E20, s15  }
0x7f: {  	[spmem:s1] =	stream.indirect.scatter.add.f32 [tilespmem:s23], [sflag:$0x3], $0x50, s18, s22, $0xb8;
	[tilespmem:$0x1C2B0] =	vst v63  }
0x80: {  	_ =	swait.ge [sflag:s14], $0x1900  }
0x81: {  	[sflag:s14] =	ssyncset.done $0x0  }
0x82: {  	[sflag:s14] =	ssyncadd.s32 $0xFFFFE700  }
0x83: {  	_ =	swait.ge [sflag:s26], $0x1900  }
0x84: {  	[sflag:s26] =	ssyncset.done $0x0  }
0x85: {  	s18 =	sadd.s32 $0xA0, s15;
	[sflag:s26] =	ssyncadd.s32 $0xFFFFE700  }
0x86: {  	[tilespmem:s23], [sflag:$0x1] =	stream.indirect.gather [hbm4b:s3+s22], $0x50, s18, s22, $0xb8;
	[tilespmem:$0x1C2B0] =	vst v63  }
.Ltmp1:
0x87: {  	_ = 	snop;
	(pc) =	sbr.rel @p1 .LBB2_4-.Ltmp1, $4  }
0x88: {  	s15 =	sadd.s32 $0x4E70, s15  }
0x89: {  	[spmem:s1] =	stream.indirect.scatter.add.f32 [tilespmem:s25], [sflag:$0x3], $0x50, s15, s22, $0xb8;
	[tilespmem:$0x1C2B0] =	vst v63  }
0x8a: {  	_ =	swait.ge [sflag:s14], $0x1900  }
0x8b: {  	[sflag:s14] =	ssyncset.done $0x0  }
0x8c: {  	[sflag:s14] =	ssyncadd.s32 $0xFFFFE700  }
0x8d: {  	_ =	swait.ge [sflag:s24], $0x1900  }
0x8e: {  	[sflag:s24] =	ssyncset.done $0x0  }
0x8f: {  	[sflag:s24] =	ssyncadd.s32 $0xFFFFE700  }
0x90: {  	[spmem:s1] =	stream.indirect.scatter.add.f32 [tilespmem:s23], [sflag:$0x3], $0x50, s28, s22, $0xb8;
	[tilespmem:$0x1C2B0] =	vst v63  }
0x91: {  	_ =	swait.ge [sflag:s14], $0x1900  }
0x92: {  	[sflag:s14] =	ssyncset.done $0x0  }
0x93: {  	[sflag:s14] =	ssyncadd.s32 $0xFFFFE700  }
0x94: {  	s0 =	sadd.s32 s7, s12;
	[bflag:$0x0] =	sbarrier.arrive $0xFFFF  }
0x95: {  	[hbm:s0], [sflag:s19] =	dma.local [spmem:s20], $0x19A0  }
0x96: {  	_ =	swait.ge [sflag:s14], $0x19A0  }
0x97: {  	s29 =	sadd.s32 $0x1, s29;
	[sflag:s14] =	ssyncset.done $0x0  }
0x98: {  	p1 =	sne.s32 s29, s13;
	s0 =	sadd.s32 @!p0 $0x19A00, s12;
	[sflag:s14] =	ssyncadd.s32 $0xFFFFE660  }
0x99: {  	[hbm:s0], [sflag:s19] =	dma.local @!p0 [spmem:s21], $0xA0  }
.Ltmp2:
0x9a: {  	_ = 	snop;
	(pc) =	sbr.rel @p1 .LBB2_1-.Ltmp2, $4  }
0x9b: {  	s0 =	simm.s32 @!p0 $0x3  }
0x9c: {  	_ =	swait.ge @!p0 [sflag:s0], $0xA0  }
0x9d: {  	[sflag:s0] =	ssyncset.done @!p0 $0x0  }
0x9e: {  	[sflag:s0] =	ssyncadd.s32 @!p0 $0xFFFFFF60  }
0x9f: {  	_ =	sfence.sel $0x180000  }
0xa0: {  	[bflag:$0x0] =	sbarrier.arrive $0xFFFF  }
0xa1: {  	_ =	strace $0x90000050  }
0xa2: {  	[bflag:$0x2] =	sbarrier.arrive $0xFFFF  }
0xa3: {  	s0 =	rddreg [dreg:$0x3]  }
0xa4: {  	s0 =	sadd.s32 @!p0 $0x100000, s0  }
0xa5: {  	[sflag:s0] =	ssyncadd.tile.s32 @!p0 $0x1;
	_ =	shalt  }
.Lfunc_end2:
_tile_overlayer_lowered:
.L_overlay_start_2:
0xa6: {  	(tag) =	ssettag $0x2  }
0xa7: {  	s0 =	rddreg [dreg:$0x0];
	s2 =	stileid.u32  }
0xa8: {  	s1 =	rddreg [dreg:$0x1];
	p0 =	sne.s32 s2, $0x0  }
0xa9: {  	s3 =	rddreg [dreg:$0x2];
	[bflag:$0x3] =	sbarrier.arrive $0xFFFF;
	s2 =	simm.s32 @!p0 $0x1C03  }
0xaa: {  	[timem:s3], [sflag:s2] =	dma.local @!p0 [hbm:s0], s1  }
0xab: {  	s0 =	simm.s32 @!p0 $0x3  }
0xac: {  	_ =	swait.ge @!p0 [sflag:s0], s1  }
0xad: {  	s1 =	ssub.s32 @!p0 $0x0, s1;
	[sflag:s0] =	ssyncset.done @!p0 $0x0  }
0xae: {  	[sflag:s0] =	ssyncadd.s32 @!p0 s1  }
0xaf: {  	[bflag:$0x3] =	sbarrier.arrive $0xFFFF  }
0xb0: {  	_ =	shalt  }

// kernel: kernel.22.cloned.1.call-start
scs
__scs_entry_jumppad:
0x0: {  	(pc) =	sbr.rel $0x88, $3  }
0x1: {  	(tag) =	ssettag $0x0;
	lr =	simm.s32 $0x1  }
0x2: {  	[smem:$0x3F8B] =	sst lr;
	_ =	strace $0xD0000000  }
0x3: {  	_ = 	snop  }
0x4: {  	_ = 	snop  }
0x5: {  	_ = 	snop  }
0x6: {  	_ = 	snop  }
0x7: {  	_ = 	snop  }
__scs_overlays_trampoline_lowered:
0x8: {  	[smem:$0x3F9A] =	sst s0  }
0x9: {  	[smem:$0x3F9B] =	sst s1  }
0xa: {  	[smem:$0x3F9C] =	sst s2  }
0xb: {  	[smem:$0x3F9D] =	sst s3  }
0xc: {  	[smem:$0x3F9E] =	sst s4  }
0xd: {  	[smem:$0x3F9F] =	sst s5  }
0xe: {  	[smem:$0x3FA0] =	sst s6  }
0xf: {  	[smem:$0x3FA1] =	sst s7  }
0x10: {  	[smem:$0x3FA2] =	sst s8  }
0x11: {  	[smem:$0x3FA3] =	sst s9;
	s0 =	simm.s32 @!p0 $0x0  }
0x12: {  	s1 =	sld [smem:$0x3F89];
	s0 =	simm.s32 @p0 $0x1  }
0x13: {  	[smem:$0x3FA4] =	sst s0;
	s0 =	simm.s32 @!p1 $0x0  }
0x14: {  	s2 =	sld [smem:$0x3F88];
	s0 =	simm.s32 @p1 $0x1  }
0x15: {  	[smem:$0x3FA5] =	sst s0;
	s0 =	simm.s32 @!p2 $0x0  }
0x16: {  	s3 =	sld [smem:$0x3FDB];
	s0 =	simm.s32 @p2 $0x1  }
0x17: {  	s4 =	simm.s32 $0x1BF5;
	[smem:$0x3FA7] =	sst s0  }
0x18: {  	s0 =	sld [smem:$0x3F8A];
	_ =	swait.ge [sflag:s4], $0x0  }
0x19: {  	s7 =	sld [smem:$0x3F8B]  }
0x1a: {  	s8 =	sadd.s32 $0xFFFFE003, lr  }
0x1b: {  	s9 =	sadd.s32 $0xFFFFFEF7, lr;
	s5 =	simm.s32 $0xFFFFFFFF;
	p2 =	slt.u32 s8, $0xFFFFF086  }
0x1c: {  	p1 =	slt.u32 s9, $0xF7A;
	s5 =	simm.s32 @!p2 $0x0  }
0x1d: {  	s5 =	simm.s32 @p1 $0x1;
	p0 =	seq.s32 s7, s2  }
0x1e: {  	s7 =	smul.u32 @!p0 $0xF7A, s2;
	p2 =	seq.s32 @!p0 s5, $0x0  }
0x1f: {  	s9 =	smul.u32 $0xF7A, s1;
	s8 =	simm.s32 @!p0 $0x1BF5;
	p2 =	por !p2, p0  }
0x20: {  	[sflag:s8] =	ssyncset.s32 @!p0 $0xFFFFF086;
	s6 =	sadd.s32 @!p0 s3, s7;
	s7 =	simm.s32 @!p0 $0x108  }
0x21: {  	s3 =	sadd.s32 s3, s9;
	s6 =	sadd.s32 @!p0 $0x88, s6;
	s7 =	simm.s32 @p2 $0x1082  }
0x22: {  	[simem:s7], [sflag:s8] =	dma.local @!p0 [hbm:s6], $0xF7A  }
0x23: {  	s9 =	sor.u32 $0xD0000000, s2;
	s6 =	simm.s32 $0x108;
	_ =	swait.ge @!p0 [sflag:s8], $0x0  }
0x24: {  	s3 =	sadd.s32 $0x88, s3;
	s6 =	simm.s32 @!p1 $0x1082;
	[sflag:s4] =	ssyncset.s32 $0xFFFFF086  }
0x25: {  	[simem:s6], [sflag:s4] =	dma.local [hbm:s3], $0xF7A  }
0x26: {  	[smem:$0x3F8B] =	sst s1;
	(tag) =	ssettag s2;
	_ =	strace s9  }
0x27: {  	s1 =	sld [smem:$0x3F9B]  }
0x28: {  	s2 =	sld [smem:$0x3F9C]  }
0x29: {  	s4 =	sld [smem:$0x3F9E]  }
0x2a: {  	p0 =	seq.s32 s5, $0x0;
	s5 =	sld [smem:$0x3F9F]  }
0x2b: {  	s6 =	sld [smem:$0x3FA0]  }
0x2c: {  	s7 =	sld [smem:$0x3FA1]  }
0x2d: {  	s3 =	simm.s32 $0x108;
	s8 =	sld [smem:$0x3FA2]  }
0x2e: {  	s3 =	simm.s32 @!p0 $0x1082;
	s9 =	sld [smem:$0x3FA3]  }
0x2f: {  	lr =	sadd.s32 s0, s3;
	s0 =	sld [smem:$0x3F9A]  }
0x30: {  	s3 =	sld [smem:$0x3F9D]  }
0x31: {  	[smem:$0x3FA6] =	sst s10  }
0x32: {  	s10 =	sld [smem:$0x3FA4];
	_ =	sdelay $0x3  }
0x33: {  	p0 =	seq.s32 s10, $0x1;
	s10 =	sld [smem:$0x3FA6];
	_ =	sdelay $0x3  }
0x34: {  	[smem:$0x3FA6] =	sst s10  }
0x35: {  	s10 =	sld [smem:$0x3FA5];
	_ =	sdelay $0x3  }
0x36: {  	p1 =	seq.s32 s10, $0x1;
	s10 =	sld [smem:$0x3FA6];
	_ =	sdelay $0x3  }
0x37: {  	[smem:$0x3FA6] =	sst s10  }
0x38: {  	s10 =	sld [smem:$0x3FA7]  }
0x39: {  	_ = 	snop;
	(pc) =	sbr.ind lr, $3  }
0x3a: {  	_ = 	snop  }
0x3b: {  	_ = 	snop  }
0x3c: {  	p2 =	seq.s32 s10, $0x1;
	s10 =	sld [smem:$0x3FA6]  }
0x3d: {  	_ =	shalt  }
0x3e: {  	_ =	shalt  }
0x3f: {  	_ =	shalt  }
0x40: {  	_ =	shalt  }
0x41: {  	_ =	shalt  }
0x42: {  	_ =	shalt  }
0x43: {  	_ =	shalt  }
0x44: {  	_ =	shalt  }
0x45: {  	_ =	shalt  }
0x46: {  	_ =	shalt  }
0x47: {  	_ =	shalt  }
0x48: {  	_ =	shalt  }
0x49: {  	_ =	shalt  }
0x4a: {  	_ =	shalt  }
0x4b: {  	_ =	shalt  }
0x4c: {  	_ =	shalt  }
0x4d: {  	_ =	shalt  }
0x4e: {  	_ =	shalt  }
0x4f: {  	_ =	shalt  }
0x50: {  	_ =	shalt  }
0x51: {  	_ =	shalt  }
0x52: {  	_ =	shalt  }
0x53: {  	_ =	shalt  }
0x54: {  	_ =	shalt  }
0x55: {  	_ =	shalt  }
0x56: {  	_ =	shalt  }
0x57: {  	_ =	shalt  }
0x58: {  	_ =	shalt  }
0x59: {  	_ =	shalt  }
0x5a: {  	_ =	shalt  }
0x5b: {  	_ =	shalt  }
0x5c: {  	_ =	shalt  }
0x5d: {  	_ =	shalt  }
0x5e: {  	_ =	shalt  }
0x5f: {  	_ =	shalt  }
0x60: {  	_ =	shalt  }
0x61: {  	_ =	shalt  }
0x62: {  	_ =	shalt  }
0x63: {  	_ =	shalt  }
0x64: {  	_ =	shalt  }
0x65: {  	_ =	shalt  }
0x66: {  	_ =	shalt  }
0x67: {  	_ =	shalt  }
0x68: {  	_ =	shalt  }
0x69: {  	_ =	shalt  }
0x6a: {  	_ =	shalt  }
0x6b: {  	_ =	shalt  }
0x6c: {  	_ =	shalt  }
0x6d: {  	_ =	shalt  }
0x6e: {  	_ =	shalt  }
0x6f: {  	_ =	shalt  }
0x70: {  	_ =	shalt  }
0x71: {  	_ =	shalt  }
0x72: {  	_ =	shalt  }
0x73: {  	_ =	shalt  }
0x74: {  	_ =	shalt  }
0x75: {  	_ =	shalt  }
0x76: {  	_ =	shalt  }
0x77: {  	_ =	shalt  }
0x78: {  	_ =	shalt  }
0x79: {  	_ =	shalt  }
0x7a: {  	_ =	shalt  }
0x7b: {  	_ =	shalt  }
0x7c: {  	_ =	shalt  }
0x7d: {  	_ =	shalt  }
0x7e: {  	_ =	shalt  }
0x7f: {  	_ =	shalt  }
0x80: {  	_ =	shalt  }
0x81: {  	_ =	shalt  }
0x82: {  	_ =	shalt  }
0x83: {  	_ =	shalt  }
0x84: {  	_ =	shalt  }
0x85: {  	_ =	shalt  }
0x86: {  	_ =	shalt  }
0x87: {  	_ =	shalt  }
.Lfunc_end0:
.L_simem_size_0:
called_computation.4_lowered:
.L_overlay_start_0:
0x88: {  	s2 =	sld [smem:$0x3FD9]  }
0x89: {  	s3 =	sld [smem:$0x3FFE];
	_ =	sdelay $0x1  }
0x8a: {  	s1 =	srdreg.scid  }
0x8b: {  	s0 =	sand.u32 $0x1, s1  }
0x8c: {  	s17 =	sshll.u32 s0, $0xA;
	s2 =	sadd.s32 s3, s2  }
0x8d: {  	s2 =	sadd.s32 s2, s17  }
0x8e: {  	[smem:$0x3FB2] =	sst s2  }
0x8f: {  	_ = 	snop  }
0x90: {  	s2 =	sld [smem:$0x3FD0];
	(tm) =	ssettm $0x1  }
0x91: {  	s18 =	sld [smem:$0x3FFB];
	_ =	sdelay $0x3  }
0x92: {  	_ =	strace s18  }
0x93: {  	s3 =	sld [smem:$0x3FFC];
	_ =	sdelay $0x3  }
0x94: {  	_ =	strace s3  }
0x95: {  	s3 =	sld [smem:$0x3FFD];
	_ =	sdelay $0x3  }
0x96: {  	_ =	strace s3  }
0x97: {  	_ =	strace $0x8FFFFFFF  }
0x98: {  	s19 =	sld [smem:$0x3FDB];
	_ =	sdelay $0x1  }
0x99: {  	s4 =	simm.s32 $_scs_section_size  }
0x9a: {  	s5 =	simm.s32 $_size__tile_overlayer_lowered;
	s6 =	simm.s32 $_tile_overlayer_lowered  }
0x9b: {  	s22 =	simm.s32 $0x1BFF;
	s21 =	sshll.u32 s6, $0x1;
	s3 =	sadd.s32 s4, s19  }
0x9c: {  	s7 =	simm.s32 $0x0;
	s20 =	sshll.u32 s5, $0x1;
	s5 =	sadd.s32 s21, s3  }
0x9d: {  	[timem:s7], [sflag:s22] =	dma.local [hbm:s5], s20  }
0x9e: {  	_ =	swait.ge [sflag:s22], s20  }
0x9f: {  	s4 =	ssub.s32 $0x0, s20;
	[sflag:s22] =	ssyncset.done $0x0  }
0xa0: {  	[sflag:s22] =	ssyncadd.s32 s4;
	_ =	sdelay $0x1  }
0xa1: {  	s23 =	simm.s32 $0x1B8B  }
0xa2: {  	_ =	swait.ge [sflag:s23], $0x1  }
0xa3: {  	[sflag:s23] =	ssyncset.done $0x0  }
0xa4: {  	s25 =	simm.s32 $0x1B8E;
	s24 =	sld [smem:$0x3FFE];
	[sflag:s23] =	ssyncadd.s32 $0xFFFFFFFF  }
0xa5: {  	s26 =	simm.s32 $execute0_lowered;
	[smem:$0x3FD2] =	sst s25  }
0xa6: {  	s5 =	sshll.u32 s26, $0x1;
	_ =	strace $0x80000052;
	[dreg:$0x1] =	wrdreg $0xFFFFFFFF  }
0xa7: {  	s28 =	simm.s32 $_size_execute0_lowered;
	s3 =	sadd.s32 s3, s5;
	[dreg:$0x0] =	wrdreg $0x0  }
0xa8: {  	s5 =	sshll.u32 s28, $0x1;
	[dreg:$0x2] =	wrdreg s3  }
0xa9: {  	[dreg:$0x3] =	wrdreg s5  }
0xaa: {  	[dreg:$0x4] =	wrdreg $0xC0  }
0xab: {  	_ =	task [dreg:s7], $0x5FFFF  }
0xac: {  	[dreg:$0x1] =	wrdreg $0xFFFFFFFF  }
0xad: {  	[dreg:$0x0] =	wrdreg $0x60  }
0xae: {  	[dreg:$0x2] =	wrdreg s24  }
0xaf: {  	[dreg:$0x3] =	wrdreg s2  }
0xb0: {  	[dreg:$0x4] =	wrdreg $0xF5600  }
0xb1: {  	[dreg:$0x5] =	wrdreg $0x9  }
0xb2: {  	_ =	task.clear_ibuf [dreg:s7], $0x6FFFF;
	_ =	strace $0x90000052  }
0xb3: {  	s29 =	simm.s32 $0x9;
	_ =	strace $0x80000054  }
0xb4: {  	_ =	swait.ge [sflag:s29], $0x1  }
0xb5: {  	[sflag:s29] =	ssyncadd.s32 $0xFFFFFFFF  }
0xb6: {  	_ =	strace $0x90000054  }
0xb7: {  	_ =	sfence  }
0xb8: {  	s30 =	sld [smem:$0x0];
	_ =	sdelay $0x2  }
0xb9: {  	s31 =	sshll.u32 s1, $0xD;
	s1 =	sshrl.u32 s1, $0x2  }
0xba: {  	s3 =	sand.u32 $0x4000, s31;
	s1 =	sadd.s32 s1, s30  }
0xbb: {  	s0 =	sor.u32 s3, s0;
	s1 =	sshll.u32 s1, $0x11  }
0xbc: {  	s0 =	sor.u32 s1, s0  }
0xbd: {  	s0 =	sadd.s32 $0x8F2B, s0  }
0xbe: {  	[sflag:s0] =	ssyncadd.remote.s32 $0x1  }
0xbf: {  	_ =	sfence.sel $0xFFFF  }
0xc0: {  	[dreg:$0x0] =	wrdreg $0xFFFFFFFF;
	(pc) =	sbr.abs _section_cstart, $3  }
0xc1: {  	[dreg:$0x1] =	wrdreg $0xFFFFFFFF  }
0xc2: {  	_ =	task.clear_ibuf [dreg:s7], $0x2FFFF;
	_ =	strace $0x9FFFFFFF  }
0xc3: {  	(tm) =	ssettm $0x7FFFFFFF  }
tec
execute0_lowered:
.L_overlay_start_1:
0x0: {  	(tag) =	ssettag $0x1  }
0x1: {  	s0 =	rddreg [dreg:$0x0]  }
0x2: {  	s9 =	rddreg [dreg:$0x1]  }
0x3: {  	s1 =	rddreg [dreg:$0x2]  }
0x4: {  	s2 =	simm.s32 $0x0;
	s4 =	srdreg.scid;
	s15 =	stileid.u32  }
0x5: {  	s17 =	simm.s32 $0xCE40;
	s22 =	simm.s32 $0x50;
	s23 =	simm.s32 $0x7530  }
0x6: {  	s24 =	simm.s32 $0x1;
	s25 =	simm.s32 $0x8E30;
	s26 =	simm.s32 $0x2  }
0x7: {  	s28 =	simm.s32 $0x74E0;
	s29 =	simm.s32 $0x0;
	[smem:$0x7FF] =	sst s2  }
0x8: {  	s3 =	sadd.s32 $0x3D600, s0;
	s8 =	sand.u32 $0x1, s4;
	s5 =	sshll.u32 s15, $0x1  }
0x9: {  	s4 =	sadd.s32 $0xB600, s0;
	s10 =	smul.u32 $0xCD00, s15;
	s6 =	sadd.s32 $0x3CE00, s0  }
0xa: {  	s21 =	sadd.s32 $0xCD000, s1;
	p0 =	sne.s32 s15, $0x0;
	s31 =	sshll.u32 s15, $0x6  }
0xb: {  	_ =	strace $0x80000053;
	s7 =	sor.u32 s8, s5;
	s5 =	sadd.s32 $0xC800, s0  }
0xc: {  	s12 =	smul.u32 $0x19AA0, s8;
	s8 =	ssub.s32 $0x2, s8;
	s19 =	sor.u32 $0x1C03, s31  }
0xd: {  	s21 =	sshrl.u32 @!p0 s21, $0x3;
	s11 =	smul.u32 $0x4E2, s7;
	s7 =	sshrl.u32 s10, $0x3  }
0xe: {  	s16 =	sshrl.u32 s8, $0x1;
	s20 =	sadd.s32 s10, s1;
	s14 =	sadd.s32 s7, s0  }
0xf: {  	s12 =	sadd.s32 s12, s0;
	s16 =	ssub.s32 s8, s16;
	s20 =	sshrl.u32 s20, $0x3  }
0x10: {  	s13 =	sadd.s32 s11, s0;
	s9 =	sadd.s32 s9, s11;
	s10 =	sadd.s32 $0x23200, s14  }
0x11: {  	s11 =	sadd.s32 $0x3CC00, s0;
	s12 =	sadd.s32 $0x55E00, s12;
	s14 =	simm.s32 $0x3  }
0x12: {  	v0 =	vlaneseq.u32;
	s8 =	sadd.s32 $0xC00, s13;
	s13 =	smax.u32 s16, $0x1;
	s16 =	simm.s32 $0xA730  }
.LBB2_1:
0x13: {  	[tilespmem:s2], [sflag:$0x3] =	stream.linear.gather [hbm4b:s8+s2], $0x2710, $0x38;
	[tilespmem:$0x1C2B0] =	vst v63  }
0x14: {  	_ =	swait.ge [sflag:s14], $0x2710  }
0x15: {  	[sflag:s14] =	ssyncset.done $0x0  }
0x16: {  	s0 =	simm.s32 $0x2710;
	[sflag:s14] =	ssyncadd.s32 $0xFFFFD8F0  }
0x17: {  	[tilespmem:s0], [sflag:$0x3] =	stream.linear.gather [hbm4b:s9+s2], $0x2710, $0x38;
	[tilespmem:$0x1C2B0] =	vst v63  }
0x18: {  	_ =	swait.ge [sflag:s14], $0x2710  }
0x19: {  	[sflag:s14] =	ssyncset.done $0x0  }
0x1a: {  	[sflag:s14] =	ssyncadd.s32 $0xFFFFD8F0  }
0x1b: {  	[tilespmem:s16], [sflag:$0x3] =	stream.linear.gather [hbm4b:s4+s2], $0x2710, $0x38;
	[tilespmem:$0x1C2B0] =	vst v63  }
0x1c: {  	_ =	swait.ge [sflag:s14], $0x2710  }
0x1d: {  	[sflag:s14] =	ssyncset.done $0x0  }
0x1e: {  	[sflag:s14] =	ssyncadd.s32 $0xFFFFD8F0  }
0x1f: {  	[tilespmem:s17], [sflag:$0x3] =	stream.linear.gather [hbm4b:s5+s2], $0x2710, $0x38;
	[tilespmem:$0x1C2B0] =	vst v63  }
0x20: {  	_ =	swait.ge [sflag:s14], $0x2710  }
0x21: {  	[sflag:s14] =	ssyncset.done $0x0  }
0x22: {  	s18 =	simm.s32 $0xF550;
	[sflag:s14] =	ssyncadd.s32 $0xFFFFD8F0  }
0x23: {  	[tilespmem:s18], [sflag:$0x3] =	stream.linear.gather [hbm4b:s6+s2], $0x10, $0x38;
	[tilespmem:$0x1C2B0] =	vst v63  }
0x24: {  	_ =	swait.ge [sflag:s14], $0x10  }
0x25: {  	[sflag:s14] =	ssyncset.done $0x0  }
0x26: {  	[sflag:s14] =	ssyncadd.s32 $0xFFFFFFF0  }
0x27: {  	[spmem:s20], [sflag:s19] =	dma.local [hbm:s10], $0x19A0  }
0x28: {  	_ =	swait.ge [sflag:s14], $0x19A0  }
0x29: {  	[sflag:s14] =	ssyncset.done $0x0  }
0x2a: {  	s0 =	simm.s32 @!p0 $0x3;
	[sflag:s14] =	ssyncadd.s32 $0xFFFFE660  }
0x2b: {  	[spmem:s21], [sflag:s19] =	dma.local @!p0 [hbm:s11], $0xA0  }
0x2c: {  	_ =	swait.ge @!p0 [sflag:s0], $0xA0  }
0x2d: {  	[sflag:s0] =	ssyncset.done @!p0 $0x0  }
0x2e: {  	[sflag:s0] =	ssyncadd.s32 @!p0 $0xFFFFFF60  }
0x2f: {  	v1 =	vld [tilespmem:$0xF550];
	_ =	sdelay $0x3  }
0x30: {  	s30 =	simm.s32 $0x2730  }
0x31: {  	s31 =	simm.s32 $0x20;
	s15 =	simm.s32 $0x0;
	s0 =	simm.s32 $0x4E40;
	vm0 =	vgt.f32 v1, $5.000000000e-01  }
.LBB2_2:
0x32: {  	v1 =	vld [tilespmem:s31+$0xFFFFFFE0]  }
0x33: {  	v2 =	vld [tilespmem:s30+$0xFFFFFFE0];
	_ =	sdelay $0x6  }
0x34: {  	v1 =	vld.idx.msk [tilespmem:v1+s16+$0x0], $0xffff  }
0x35: {  	v3 =	vld.idx.msk [tilespmem:v2+s17+$0x0], $0xffff;
	_ =	sdelay $0x4  }
0x36: {  	v1 =	vadd.f32 v3, v1  }
0x37: {  	s18 =	sand.u32 $0x1F0, s15  }
0x38: {  	s18 =	sadd.s32 $0x2710, s18;
	vm1 =	vgt.f32 v1, $0.0e+00  }
0x39: {  	v1 =	vor.u32 s18, v0;
	vm1 =	vmxor vm0, vm1  }
0x3a: {  	v1 =	vsel vm1, v2, v1  }
0x3b: {  	[tilespmem:s0+$0xFFFFFFE0] =	vst v1  }
0x3c: {  	v1 =	vld [tilespmem:s31+$0xFFFFFFF0]  }
0x3d: {  	v2 =	vld [tilespmem:s30+$0xFFFFFFF0];
	_ =	sdelay $0x6  }
0x3e: {  	v1 =	vld.idx.msk [tilespmem:v1+s16+$0x0], $0xffff  }
0x3f: {  	v3 =	vld.idx.msk [tilespmem:v2+s17+$0x0], $0xffff;
	_ =	sdelay $0x4  }
0x40: {  	s18 =	sadd.s32 $0x10, s15;
	v1 =	vadd.f32 v3, v1  }
0x41: {  	s18 =	sand.u32 $0x1F0, s18  }
0x42: {  	s18 =	sadd.s32 $0x2710, s18;
	vm1 =	vgt.f32 v1, $0.0e+00  }
0x43: {  	v1 =	vor.u32 s18, v0;
	vm1 =	vmxor vm0, vm1  }
0x44: {  	v1 =	vsel vm1, v2, v1  }
0x45: {  	[tilespmem:s0+$0xFFFFFFF0] =	vst v1  }
0x46: {  	v1 =	vld [tilespmem:s31+$0x0]  }
0x47: {  	v2 =	vld [tilespmem:s30+$0x0];
	_ =	sdelay $0x6  }
0x48: {  	v1 =	vld.idx.msk [tilespmem:v1+s16+$0x0], $0xffff  }
0x49: {  	v3 =	vld.idx.msk [tilespmem:v2+s17+$0x0], $0xffff;
	_ =	sdelay $0x4  }
0x4a: {  	s18 =	sadd.s32 $0x20, s15;
	v1 =	vadd.f32 v3, v1  }
0x4b: {  	s18 =	sand.u32 $0x1F0, s18  }
0x4c: {  	s18 =	sadd.s32 $0x2710, s18;
	vm1 =	vgt.f32 v1, $0.0e+00  }
0x4d: {  	v1 =	vor.u32 s18, v0;
	vm1 =	vmxor vm0, vm1  }
0x4e: {  	v1 =	vsel vm1, v2, v1  }
0x4f: {  	[tilespmem:s0+$0x0] =	vst v1  }
0x50: {  	v1 =	vld [tilespmem:s31+$0x10]  }
0x51: {  	v2 =	vld [tilespmem:s30+$0x10];
	_ =	sdelay $0x6  }
0x52: {  	v1 =	vld.idx.msk [tilespmem:v1+s16+$0x0], $0xffff  }
0x53: {  	v3 =	vld.idx.msk [tilespmem:v2+s17+$0x0], $0xffff;
	_ =	sdelay $0x4  }
0x54: {  	s18 =	sadd.s32 $0x30, s15;
	v1 =	vadd.f32 v3, v1  }
0x55: {  	s18 =	sand.u32 $0x1F0, s18  }
0x56: {  	s18 =	sadd.s32 $0x2710, s18;
	vm1 =	vgt.f32 v1, $0.0e+00  }
0x57: {  	v1 =	vor.u32 s18, v0;
	vm1 =	vmxor vm0, vm1  }
0x58: {  	v1 =	vsel vm1, v2, v1  }
0x59: {  	[tilespmem:s0+$0x10] =	vst v1  }
0x5a: {  	v1 =	vld [tilespmem:s31+$0x20]  }
0x5b: {  	v2 =	vld [tilespmem:s30+$0x20];
	_ =	sdelay $0x6  }
0x5c: {  	v1 =	vld.idx.msk [tilespmem:v1+s16+$0x0], $0xffff  }
0x5d: {  	v3 =	vld.idx.msk [tilespmem:v2+s17+$0x0], $0xffff;
	_ =	sdelay $0x4  }
0x5e: {  	p1 =	sne.s32 s15, $0x26C0;
	s18 =	sadd.s32 $0x40, s15;
	v1 =	vadd.f32 v3, v1  }
.Ltmp0:
0x5f: {  	s18 =	sand.u32 $0x1F0, s18;
	(pc) =	sbr.rel @p1 .LBB2_2-.Ltmp0, $4  }
0x60: {  	s18 =	sadd.s32 $0x2710, s18;
	vm1 =	vgt.f32 v1, $0.0e+00  }
0x61: {  	v1 =	vor.u32 s18, v0;
	vm1 =	vmxor vm0, vm1  }
0x62: {  	s15 =	sadd.s32 $0x50, s15;
	v1 =	vsel vm1, v2, v1  }
0x63: {  	s30 =	sadd.s32 $0x50, s30;
	s31 =	sadd.s32 $0x50, s31;
	[tilespmem:s0+$0x20] =	vst v1;
	s0 =	sadd.s32 $0x50, s0  }
0x64: {  	[bflag:$0x0] =	sbarrier.arrive $0xFFFF;
	s0 =	simm.s32 $0x0  }
0x65: {  	[tilespmem:s23], [sflag:$0x1] =	stream.indirect.gather [hbm4b:s3+s22], $0x50, s0, s22, $0xb8;
	[tilespmem:$0x1C2B0] =	vst v63  }
0x66: {  	_ =	swait.ge [sflag:s24], $0x1900  }
0x67: {  	[sflag:s24] =	ssyncset.done $0x0  }
0x68: {  	s15 =	simm.s32 $0x50;
	[sflag:s24] =	ssyncadd.s32 $0xFFFFE700  }
0x69: {  	[tilespmem:s25], [sflag:$0x2] =	stream.indirect.gather [hbm4b:s3+s22], $0x50, s15, s22, $0xb8;
	[tilespmem:$0x1C2B0] =	vst v63  }
0x6a: {  	s18 =	simm.s32 $0x4E20  }
0x6b: {  	[spmem:s1] =	stream.indirect.scatter.add.f32 [tilespmem:s23], [sflag:$0x3], $0x50, s18, s22, $0xb8;
	[tilespmem:$0x1C2B0] =	vst v63  }
0x6c: {  	_ =	swait.ge [sflag:s14], $0x1900  }
0x6d: {  	[sflag:s14] =	ssyncset.done $0x0  }
0x6e: {  	[sflag:s14] =	ssyncadd.s32 $0xFFFFE700  }
0x6f: {  	_ =	swait.ge [sflag:s26], $0x1900  }
0x70: {  	[sflag:s26] =	ssyncset.done $0x0  }
0x71: {  	s30 =	simm.s32 $0xA0;
	[sflag:s26] =	ssyncadd.s32 $0xFFFFE700  }
0x72: {  	[tilespmem:s23], [sflag:$0x1] =	stream.indirect.gather [hbm4b:s3+s22], $0x50, s30, s22, $0xb8;
	[tilespmem:$0x1C2B0] =	vst v63  }
0x73: {  	s31 =	simm.s32 $0x4E70  }
0x74: {  	[spmem:s1] =	stream.indirect.scatter.add.f32 [tilespmem:s25], [sflag:$0x3], $0x50, s31, s22, $0xb8;
	[tilespmem:$0x1C2B0] =	vst v63  }
0x75: {  	_ =	swait.ge [sflag:s14], $0x1900  }
0x76: {  	s0 =	simm.s32 $0x280;
	[sflag:s14] =	ssyncset.done $0x0  }
.LBB2_4:
0x77: {  	p1 =	sne.s32 s0, $0x9880  }
0x78: {  	[sflag:s14] =	ssyncadd.s32 $0xFFFFE700;
	s15 =	smov.u32 s0;
	s0 =	sadd.s32 $0x280, s0  }
0x79: {  	_ = 	snop  }
0x7a: {  	_ =	swait.ge [sflag:s24], $0x1900  }
0x7b: {  	s15 =	sshra.s32 s15, $0x2;
	[sflag:s24] =	ssyncset.done $0x0  }
0x7c: {  	s18 =	sadd.s32 $0x50, s15;
	[sflag:s24] =	ssyncadd.s32 $0xFFFFE700  }
0x7d: {  	[tilespmem:s25], [sflag:$0x2] =	stream.indirect.gather [hbm4b:s3+s22], $0x50, s18, s22, $0xb8;
	[tilespmem:$0x1C2B0] =	vst v63  }
0x7e: {  	s18 =	sadd.s32 $0x4E20, s15  }
0x7f: {  	[spmem:s1] =	stream.indirect.scatter.add.f32 [tilespmem:s23], [sflag:$0x3], $0x50, s18, s22, $0xb8;
	[tilespmem:$0x1C2B0] =	vst v63  }
0x80: {  	_ =	swait.ge [sflag:s14], $0x1900  }
0x81: {  	[sflag:s14] =	ssyncset.done $0x0  }
0x82: {  	[sflag:s14] =	ssyncadd.s32 $0xFFFFE700  }
0x83: {  	_ =	swait.ge [sflag:s26], $0x1900  }
0x84: {  	[sflag:s26] =	ssyncset.done $0x0  }
0x85: {  	s18 =	sadd.s32 $0xA0, s15;
	[sflag:s26] =	ssyncadd.s32 $0xFFFFE700  }
0x86: {  	[tilespmem:s23], [sflag:$0x1] =	stream.indirect.gather [hbm4b:s3+s22], $0x50, s18, s22, $0xb8;
	[tilespmem:$0x1C2B0] =	vst v63  }
.Ltmp1:
0x87: {  	_ = 	snop;
	(pc) =	sbr.rel @p1 .LBB2_4-.Ltmp1, $4  }
0x88: {  	s15 =	sadd.s32 $0x4E70, s15  }
0x89: {  	[spmem:s1] =	stream.indirect.scatter.add.f32 [tilespmem:s25], [sflag:$0x3], $0x50, s15, s22, $0xb8;
	[tilespmem:$0x1C2B0] =	vst v63  }
0x8a: {  	_ =	swait.ge [sflag:s14], $0x1900  }
0x8b: {  	[sflag:s14] =	ssyncset.done $0x0  }
0x8c: {  	[sflag:s14] =	ssyncadd.s32 $0xFFFFE700  }
0x8d: {  	_ =	swait.ge [sflag:s24], $0x1900  }
0x8e: {  	[sflag:s24] =	ssyncset.done $0x0  }
0x8f: {  	[sflag:s24] =	ssyncadd.s32 $0xFFFFE700  }
0x90: {  	[spmem:s1] =	stream.indirect.scatter.add.f32 [tilespmem:s23], [sflag:$0x3], $0x50, s28, s22, $0xb8;
	[tilespmem:$0x1C2B0] =	vst v63  }
0x91: {  	_ =	swait.ge [sflag:s14], $0x1900  }
0x92: {  	[sflag:s14] =	ssyncset.done $0x0  }
0x93: {  	[sflag:s14] =	ssyncadd.s32 $0xFFFFE700  }
0x94: {  	s0 =	sadd.s32 s7, s12;
	[bflag:$0x0] =	sbarrier.arrive $0xFFFF  }
0x95: {  	[hbm:s0], [sflag:s19] =	dma.local [spmem:s20], $0x19A0  }
0x96: {  	_ =	swait.ge [sflag:s14], $0x19A0  }
0x97: {  	s29 =	sadd.s32 $0x1, s29;
	[sflag:s14] =	ssyncset.done $0x0  }
0x98: {  	p1 =	sne.s32 s29, s13;
	s0 =	sadd.s32 @!p0 $0x19A00, s12;
	[sflag:s14] =	ssyncadd.s32 $0xFFFFE660  }
0x99: {  	[hbm:s0], [sflag:s19] =	dma.local @!p0 [spmem:s21], $0xA0  }
.Ltmp2:
0x9a: {  	_ = 	snop;
	(pc) =	sbr.rel @p1 .LBB2_1-.Ltmp2, $4  }
0x9b: {  	s0 =	simm.s32 @!p0 $0x3  }
0x9c: {  	_ =	swait.ge @!p0 [sflag:s0], $0xA0  }
0x9d: {  	[sflag:s0] =	ssyncset.done @!p0 $0x0  }
0x9e: {  	[sflag:s0] =	ssyncadd.s32 @!p0 $0xFFFFFF60  }
0x9f: {  	_ =	sfence.sel $0x180000  }
0xa0: {  	[bflag:$0x0] =	sbarrier.arrive $0xFFFF  }
0xa1: {  	_ =	strace $0x90000053  }
0xa2: {  	[bflag:$0x2] =	sbarrier.arrive $0xFFFF  }
0xa3: {  	s0 =	rddreg [dreg:$0x3]  }
0xa4: {  	s0 =	sadd.s32 @!p0 $0x100000, s0  }
0xa5: {  	[sflag:s0] =	ssyncadd.tile.s32 @!p0 $0x1;
	_ =	shalt  }
.Lfunc_end2:
_tile_overlayer_lowered:
.L_overlay_start_2:
0xa6: {  	(tag) =	ssettag $0x2  }
0xa7: {  	s0 =	rddreg [dreg:$0x0];
	s2 =	stileid.u32  }
0xa8: {  	s1 =	rddreg [dreg:$0x1];
	p0 =	sne.s32 s2, $0x0  }
0xa9: {  	s3 =	rddreg [dreg:$0x2];
	[bflag:$0x3] =	sbarrier.arrive $0xFFFF;
	s2 =	simm.s32 @!p0 $0x1C03  }
0xaa: {  	[timem:s3], [sflag:s2] =	dma.local @!p0 [hbm:s0], s1  }
0xab: {  	s0 =	simm.s32 @!p0 $0x3  }
0xac: {  	_ =	swait.ge @!p0 [sflag:s0], s1  }
0xad: {  	s1 =	ssub.s32 @!p0 $0x0, s1;
	[sflag:s0] =	ssyncset.done @!p0 $0x0  }
0xae: {  	[sflag:s0] =	ssyncadd.s32 @!p0 s1  }
0xaf: {  	[bflag:$0x3] =	sbarrier.arrive $0xFFFF  }
0xb0: {  	_ =	shalt  }

// kernel: kernel.25.cloned.1.call-start
scs
__scs_entry_jumppad:
0x0: {  	(pc) =	sbr.rel $0x88, $3  }
0x1: {  	(tag) =	ssettag $0x0;
	lr =	simm.s32 $0x1  }
0x2: {  	[smem:$0x3F8B] =	sst lr;
	_ =	strace $0xD0000000  }
0x3: {  	_ = 	snop  }
0x4: {  	_ = 	snop  }
0x5: {  	_ = 	snop  }
0x6: {  	_ = 	snop  }
0x7: {  	_ = 	snop  }
__scs_overlays_trampoline_lowered:
0x8: {  	[smem:$0x3F9A] =	sst s0  }
0x9: {  	[smem:$0x3F9B] =	sst s1  }
0xa: {  	[smem:$0x3F9C] =	sst s2  }
0xb: {  	[smem:$0x3F9D] =	sst s3  }
0xc: {  	[smem:$0x3F9E] =	sst s4  }
0xd: {  	[smem:$0x3F9F] =	sst s5  }
0xe: {  	[smem:$0x3FA0] =	sst s6  }
0xf: {  	[smem:$0x3FA1] =	sst s7  }
0x10: {  	[smem:$0x3FA2] =	sst s8  }
0x11: {  	[smem:$0x3FA3] =	sst s9;
	s0 =	simm.s32 @!p0 $0x0  }
0x12: {  	s1 =	sld [smem:$0x3F89];
	s0 =	simm.s32 @p0 $0x1  }
0x13: {  	[smem:$0x3FA4] =	sst s0;
	s0 =	simm.s32 @!p1 $0x0  }
0x14: {  	s2 =	sld [smem:$0x3F88];
	s0 =	simm.s32 @p1 $0x1  }
0x15: {  	[smem:$0x3FA5] =	sst s0;
	s0 =	simm.s32 @!p2 $0x0  }
0x16: {  	s3 =	sld [smem:$0x3FDB];
	s0 =	simm.s32 @p2 $0x1  }
0x17: {  	s4 =	simm.s32 $0x1BF5;
	[smem:$0x3FA7] =	sst s0  }
0x18: {  	s0 =	sld [smem:$0x3F8A];
	_ =	swait.ge [sflag:s4], $0x0  }
0x19: {  	s7 =	sld [smem:$0x3F8B]  }
0x1a: {  	s8 =	sadd.s32 $0xFFFFE003, lr  }
0x1b: {  	s9 =	sadd.s32 $0xFFFFFEF7, lr;
	s5 =	simm.s32 $0xFFFFFFFF;
	p2 =	slt.u32 s8, $0xFFFFF086  }
0x1c: {  	p1 =	slt.u32 s9, $0xF7A;
	s5 =	simm.s32 @!p2 $0x0  }
0x1d: {  	s5 =	simm.s32 @p1 $0x1;
	p0 =	seq.s32 s7, s2  }
0x1e: {  	s7 =	smul.u32 @!p0 $0xF7A, s2;
	p2 =	seq.s32 @!p0 s5, $0x0  }
0x1f: {  	s9 =	smul.u32 $0xF7A, s1;
	s8 =	simm.s32 @!p0 $0x1BF5;
	p2 =	por !p2, p0  }
0x20: {  	[sflag:s8] =	ssyncset.s32 @!p0 $0xFFFFF086;
	s6 =	sadd.s32 @!p0 s3, s7;
	s7 =	simm.s32 @!p0 $0x108  }
0x21: {  	s3 =	sadd.s32 s3, s9;
	s6 =	sadd.s32 @!p0 $0x88, s6;
	s7 =	simm.s32 @p2 $0x1082  }
0x22: {  	[simem:s7], [sflag:s8] =	dma.local @!p0 [hbm:s6], $0xF7A  }
0x23: {  	s9 =	sor.u32 $0xD0000000, s2;
	s6 =	simm.s32 $0x108;
	_ =	swait.ge @!p0 [sflag:s8], $0x0  }
0x24: {  	s3 =	sadd.s32 $0x88, s3;
	s6 =	simm.s32 @!p1 $0x1082;
	[sflag:s4] =	ssyncset.s32 $0xFFFFF086  }
0x25: {  	[simem:s6], [sflag:s4] =	dma.local [hbm:s3], $0xF7A  }
0x26: {  	[smem:$0x3F8B] =	sst s1;
	(tag) =	ssettag s2;
	_ =	strace s9  }
0x27: {  	s1 =	sld [smem:$0x3F9B]  }
0x28: {  	s2 =	sld [smem:$0x3F9C]  }
0x29: {  	s4 =	sld [smem:$0x3F9E]  }
0x2a: {  	p0 =	seq.s32 s5, $0x0;
	s5 =	sld [smem:$0x3F9F]  }
0x2b: {  	s6 =	sld [smem:$0x3FA0]  }
0x2c: {  	s7 =	sld [smem:$0x3FA1]  }
0x2d: {  	s3 =	simm.s32 $0x108;
	s8 =	sld [smem:$0x3FA2]  }
0x2e: {  	s3 =	simm.s32 @!p0 $0x1082;
	s9 =	sld [smem:$0x3FA3]  }
0x2f: {  	lr =	sadd.s32 s0, s3;
	s0 =	sld [smem:$0x3F9A]  }
0x30: {  	s3 =	sld [smem:$0x3F9D]  }
0x31: {  	[smem:$0x3FA6] =	sst s10  }
0x32: {  	s10 =	sld [smem:$0x3FA4];
	_ =	sdelay $0x3  }
0x33: {  	p0 =	seq.s32 s10, $0x1;
	s10 =	sld [smem:$0x3FA6];
	_ =	sdelay $0x3  }
0x34: {  	[smem:$0x3FA6] =	sst s10  }
0x35: {  	s10 =	sld [smem:$0x3FA5];
	_ =	sdelay $0x3  }
0x36: {  	p1 =	seq.s32 s10, $0x1;
	s10 =	sld [smem:$0x3FA6];
	_ =	sdelay $0x3  }
0x37: {  	[smem:$0x3FA6] =	sst s10  }
0x38: {  	s10 =	sld [smem:$0x3FA7]  }
0x39: {  	_ = 	snop;
	(pc) =	sbr.ind lr, $3  }
0x3a: {  	_ = 	snop  }
0x3b: {  	_ = 	snop  }
0x3c: {  	p2 =	seq.s32 s10, $0x1;
	s10 =	sld [smem:$0x3FA6]  }
0x3d: {  	_ =	shalt  }
0x3e: {  	_ =	shalt  }
0x3f: {  	_ =	shalt  }
0x40: {  	_ =	shalt  }
0x41: {  	_ =	shalt  }
0x42: {  	_ =	shalt  }
0x43: {  	_ =	shalt  }
0x44: {  	_ =	shalt  }
0x45: {  	_ =	shalt  }
0x46: {  	_ =	shalt  }
0x47: {  	_ =	shalt  }
0x48: {  	_ =	shalt  }
0x49: {  	_ =	shalt  }
0x4a: {  	_ =	shalt  }
0x4b: {  	_ =	shalt  }
0x4c: {  	_ =	shalt  }
0x4d: {  	_ =	shalt  }
0x4e: {  	_ =	shalt  }
0x4f: {  	_ =	shalt  }
0x50: {  	_ =	shalt  }
0x51: {  	_ =	shalt  }
0x52: {  	_ =	shalt  }
0x53: {  	_ =	shalt  }
0x54: {  	_ =	shalt  }
0x55: {  	_ =	shalt  }
0x56: {  	_ =	shalt  }
0x57: {  	_ =	shalt  }
0x58: {  	_ =	shalt  }
0x59: {  	_ =	shalt  }
0x5a: {  	_ =	shalt  }
0x5b: {  	_ =	shalt  }
0x5c: {  	_ =	shalt  }
0x5d: {  	_ =	shalt  }
0x5e: {  	_ =	shalt  }
0x5f: {  	_ =	shalt  }
0x60: {  	_ =	shalt  }
0x61: {  	_ =	shalt  }
0x62: {  	_ =	shalt  }
0x63: {  	_ =	shalt  }
0x64: {  	_ =	shalt  }
0x65: {  	_ =	shalt  }
0x66: {  	_ =	shalt  }
0x67: {  	_ =	shalt  }
0x68: {  	_ =	shalt  }
0x69: {  	_ =	shalt  }
0x6a: {  	_ =	shalt  }
0x6b: {  	_ =	shalt  }
0x6c: {  	_ =	shalt  }
0x6d: {  	_ =	shalt  }
0x6e: {  	_ =	shalt  }
0x6f: {  	_ =	shalt  }
0x70: {  	_ =	shalt  }
0x71: {  	_ =	shalt  }
0x72: {  	_ =	shalt  }
0x73: {  	_ =	shalt  }
0x74: {  	_ =	shalt  }
0x75: {  	_ =	shalt  }
0x76: {  	_ =	shalt  }
0x77: {  	_ =	shalt  }
0x78: {  	_ =	shalt  }
0x79: {  	_ =	shalt  }
0x7a: {  	_ =	shalt  }
0x7b: {  	_ =	shalt  }
0x7c: {  	_ =	shalt  }
0x7d: {  	_ =	shalt  }
0x7e: {  	_ =	shalt  }
0x7f: {  	_ =	shalt  }
0x80: {  	_ =	shalt  }
0x81: {  	_ =	shalt  }
0x82: {  	_ =	shalt  }
0x83: {  	_ =	shalt  }
0x84: {  	_ =	shalt  }
0x85: {  	_ =	shalt  }
0x86: {  	_ =	shalt  }
0x87: {  	_ =	shalt  }
.Lfunc_end0:
.L_simem_size_0:
called_computation.5_lowered:
.L_overlay_start_0:
0x88: {  	s2 =	sld [smem:$0x3FD9]  }
0x89: {  	s3 =	sld [smem:$0x3FFE];
	_ =	sdelay $0x1  }
0x8a: {  	s1 =	srdreg.scid  }
0x8b: {  	s0 =	sand.u32 $0x1, s1  }
0x8c: {  	s17 =	sshll.u32 s0, $0xA;
	s2 =	sadd.s32 s3, s2  }
0x8d: {  	s2 =	sadd.s32 s2, s17  }
0x8e: {  	[smem:$0x3FB2] =	sst s2  }
0x8f: {  	_ = 	snop  }
0x90: {  	s2 =	sld [smem:$0x3FD0];
	(tm) =	ssettm $0x1  }
0x91: {  	s18 =	sld [smem:$0x3FFB];
	_ =	sdelay $0x3  }
0x92: {  	_ =	strace s18  }
0x93: {  	s3 =	sld [smem:$0x3FFC];
	_ =	sdelay $0x3  }
0x94: {  	_ =	strace s3  }
0x95: {  	s3 =	sld [smem:$0x3FFD];
	_ =	sdelay $0x3  }
0x96: {  	_ =	strace s3  }
0x97: {  	_ =	strace $0x8FFFFFFF  }
0x98: {  	s19 =	sld [smem:$0x3FDB];
	_ =	sdelay $0x1  }
0x99: {  	s4 =	simm.s32 $_scs_section_size  }
0x9a: {  	s5 =	simm.s32 $_size__tile_overlayer_lowered;
	s6 =	simm.s32 $_tile_overlayer_lowered  }
0x9b: {  	s22 =	simm.s32 $0x1BFF;
	s21 =	sshll.u32 s6, $0x1;
	s3 =	sadd.s32 s4, s19  }
0x9c: {  	s7 =	simm.s32 $0x0;
	s20 =	sshll.u32 s5, $0x1;
	s5 =	sadd.s32 s21, s3  }
0x9d: {  	[timem:s7], [sflag:s22] =	dma.local [hbm:s5], s20  }
0x9e: {  	_ =	swait.ge [sflag:s22], s20  }
0x9f: {  	s4 =	ssub.s32 $0x0, s20;
	[sflag:s22] =	ssyncset.done $0x0  }
0xa0: {  	[sflag:s22] =	ssyncadd.s32 s4;
	_ =	sdelay $0x1  }
0xa1: {  	s23 =	simm.s32 $0x1B8B  }
0xa2: {  	_ =	swait.ge [sflag:s23], $0x1  }
0xa3: {  	[sflag:s23] =	ssyncset.done $0x0  }
0xa4: {  	s25 =	simm.s32 $0x1B8E;
	s24 =	sld [smem:$0x3FFE];
	[sflag:s23] =	ssyncadd.s32 $0xFFFFFFFF  }
0xa5: {  	s26 =	simm.s32 $execute0_lowered;
	[smem:$0x3FD2] =	sst s25  }
0xa6: {  	s5 =	sshll.u32 s26, $0x1;
	_ =	strace $0x80000055;
	[dreg:$0x1] =	wrdreg $0xFFFFFFFF  }
0xa7: {  	s28 =	simm.s32 $_size_execute0_lowered;
	s3 =	sadd.s32 s3, s5;
	[dreg:$0x0] =	wrdreg $0x0  }
0xa8: {  	s5 =	sshll.u32 s28, $0x1;
	[dreg:$0x2] =	wrdreg s3  }
0xa9: {  	[dreg:$0x3] =	wrdreg s5  }
0xaa: {  	[dreg:$0x4] =	wrdreg $0xC0  }
0xab: {  	_ =	task [dreg:s7], $0x5FFFF  }
0xac: {  	[dreg:$0x1] =	wrdreg $0xFFFFFFFF  }
0xad: {  	[dreg:$0x0] =	wrdreg $0x60  }
0xae: {  	[dreg:$0x2] =	wrdreg s24  }
0xaf: {  	[dreg:$0x3] =	wrdreg s2  }
0xb0: {  	[dreg:$0x4] =	wrdreg $0xF5600  }
0xb1: {  	[dreg:$0x5] =	wrdreg $0x9  }
0xb2: {  	_ =	task.clear_ibuf [dreg:s7], $0x6FFFF;
	_ =	strace $0x90000055  }
0xb3: {  	s29 =	simm.s32 $0x9;
	_ =	strace $0x80000057  }
0xb4: {  	_ =	swait.ge [sflag:s29], $0x1  }
0xb5: {  	[sflag:s29] =	ssyncadd.s32 $0xFFFFFFFF  }
0xb6: {  	_ =	strace $0x90000057  }
0xb7: {  	_ =	sfence  }
0xb8: {  	s30 =	sld [smem:$0x0];
	_ =	sdelay $0x2  }
0xb9: {  	s31 =	sshll.u32 s1, $0xD;
	s1 =	sshrl.u32 s1, $0x2  }
0xba: {  	s3 =	sand.u32 $0x4000, s31;
	s1 =	sadd.s32 s1, s30  }
0xbb: {  	s0 =	sor.u32 s3, s0;
	s1 =	sshll.u32 s1, $0x11  }
0xbc: {  	s0 =	sor.u32 s1, s0  }
0xbd: {  	s0 =	sadd.s32 $0x8F2B, s0  }
0xbe: {  	[sflag:s0] =	ssyncadd.remote.s32 $0x1  }
0xbf: {  	_ =	sfence.sel $0xFFFF  }
0xc0: {  	[dreg:$0x0] =	wrdreg $0xFFFFFFFF;
	(pc) =	sbr.abs _section_cstart, $3  }
0xc1: {  	[dreg:$0x1] =	wrdreg $0xFFFFFFFF  }
0xc2: {  	_ =	task.clear_ibuf [dreg:s7], $0x2FFFF;
	_ =	strace $0x9FFFFFFF  }
0xc3: {  	(tm) =	ssettm $0x7FFFFFFF  }
tec
execute0_lowered:
.L_overlay_start_1:
0x0: {  	(tag) =	ssettag $0x1  }
0x1: {  	s0 =	rddreg [dreg:$0x0]  }
0x2: {  	s9 =	rddreg [dreg:$0x1]  }
0x3: {  	s1 =	rddreg [dreg:$0x2]  }
0x4: {  	s2 =	simm.s32 $0x0;
	s4 =	srdreg.scid;
	s15 =	stileid.u32  }
0x5: {  	s17 =	simm.s32 $0xCE40;
	s22 =	simm.s32 $0x50;
	s23 =	simm.s32 $0x7530  }
0x6: {  	s24 =	simm.s32 $0x1;
	s25 =	simm.s32 $0x8E30;
	s26 =	simm.s32 $0x2  }
0x7: {  	s28 =	simm.s32 $0x74E0;
	s29 =	simm.s32 $0x0;
	[smem:$0x7FF] =	sst s2  }
0x8: {  	s3 =	sadd.s32 $0x3D600, s0;
	s8 =	sand.u32 $0x1, s4;
	s5 =	sshll.u32 s15, $0x1  }
0x9: {  	s4 =	sadd.s32 $0xB600, s0;
	s10 =	smul.u32 $0xCD00, s15;
	s6 =	sadd.s32 $0xBC00, s0  }
0xa: {  	s21 =	sadd.s32 $0xCD000, s1;
	p0 =	sne.s32 s15, $0x0;
	s31 =	sshll.u32 s15, $0x6  }
0xb: {  	_ =	strace $0x80000056;
	s7 =	sor.u32 s8, s5;
	s5 =	sadd.s32 $0xC800, s0  }
0xc: {  	s12 =	smul.u32 $0x19AA0, s8;
	s8 =	ssub.s32 $0x2, s8;
	s19 =	sor.u32 $0x1C03, s31  }
0xd: {  	s21 =	sshrl.u32 @!p0 s21, $0x3;
	s11 =	smul.u32 $0x4E2, s7;
	s7 =	sshrl.u32 s10, $0x3  }
0xe: {  	s16 =	sshrl.u32 s8, $0x1;
	s20 =	sadd.s32 s10, s1;
	s14 =	sadd.s32 s7, s0  }
0xf: {  	s12 =	sadd.s32 s12, s0;
	s16 =	ssub.s32 s8, s16;
	s20 =	sshrl.u32 s20, $0x3  }
0x10: {  	s13 =	sadd.s32 s11, s0;
	s9 =	sadd.s32 s9, s11;
	s10 =	sadd.s32 $0x23200, s14  }
0x11: {  	s11 =	sadd.s32 $0x3CC00, s0;
	s12 =	sadd.s32 $0x55E00, s12;
	s14 =	simm.s32 $0x3  }
0x12: {  	v0 =	vlaneseq.u32;
	s8 =	sadd.s32 $0xC00, s13;
	s13 =	smax.u32 s16, $0x1;
	s16 =	simm.s32 $0xA730  }
.LBB2_1:
0x13: {  	[tilespmem:s2], [sflag:$0x3] =	stream.linear.gather [hbm4b:s8+s2], $0x2710, $0x38;
	[tilespmem:$0x1C2B0] =	vst v63  }
0x14: {  	_ =	swait.ge [sflag:s14], $0x2710  }
0x15: {  	[sflag:s14] =	ssyncset.done $0x0  }
0x16: {  	s0 =	simm.s32 $0x2710;
	[sflag:s14] =	ssyncadd.s32 $0xFFFFD8F0  }
0x17: {  	[tilespmem:s0], [sflag:$0x3] =	stream.linear.gather [hbm4b:s9+s2], $0x2710, $0x38;
	[tilespmem:$0x1C2B0] =	vst v63  }
0x18: {  	_ =	swait.ge [sflag:s14], $0x2710  }
0x19: {  	[sflag:s14] =	ssyncset.done $0x0  }
0x1a: {  	[sflag:s14] =	ssyncadd.s32 $0xFFFFD8F0  }
0x1b: {  	[tilespmem:s16], [sflag:$0x3] =	stream.linear.gather [hbm4b:s4+s2], $0x2710, $0x38;
	[tilespmem:$0x1C2B0] =	vst v63  }
0x1c: {  	_ =	swait.ge [sflag:s14], $0x2710  }
0x1d: {  	[sflag:s14] =	ssyncset.done $0x0  }
0x1e: {  	[sflag:s14] =	ssyncadd.s32 $0xFFFFD8F0  }
0x1f: {  	[tilespmem:s17], [sflag:$0x3] =	stream.linear.gather [hbm4b:s5+s2], $0x2710, $0x38;
	[tilespmem:$0x1C2B0] =	vst v63  }
0x20: {  	_ =	swait.ge [sflag:s14], $0x2710  }
0x21: {  	[sflag:s14] =	ssyncset.done $0x0  }
0x22: {  	s18 =	simm.s32 $0xF550;
	[sflag:s14] =	ssyncadd.s32 $0xFFFFD8F0  }
0x23: {  	[tilespmem:s18], [sflag:$0x3] =	stream.linear.gather [hbm4b:s6+s2], $0x10, $0x38;
	[tilespmem:$0x1C2B0] =	vst v63  }
0x24: {  	_ =	swait.ge [sflag:s14], $0x10  }
0x25: {  	[sflag:s14] =	ssyncset.done $0x0  }
0x26: {  	[sflag:s14] =	ssyncadd.s32 $0xFFFFFFF0  }
0x27: {  	[spmem:s20], [sflag:s19] =	dma.local [hbm:s10], $0x19A0  }
0x28: {  	_ =	swait.ge [sflag:s14], $0x19A0  }
0x29: {  	[sflag:s14] =	ssyncset.done $0x0  }
0x2a: {  	s0 =	simm.s32 @!p0 $0x3;
	[sflag:s14] =	ssyncadd.s32 $0xFFFFE660  }
0x2b: {  	[spmem:s21], [sflag:s19] =	dma.local @!p0 [hbm:s11], $0xA0  }
0x2c: {  	_ =	swait.ge @!p0 [sflag:s0], $0xA0  }
0x2d: {  	[sflag:s0] =	ssyncset.done @!p0 $0x0  }
0x2e: {  	[sflag:s0] =	ssyncadd.s32 @!p0 $0xFFFFFF60  }
0x2f: {  	v1 =	vld [tilespmem:$0xF550];
	_ =	sdelay $0x3  }
0x30: {  	s30 =	simm.s32 $0x2730  }
0x31: {  	s31 =	simm.s32 $0x20;
	s15 =	simm.s32 $0x0;
	s0 =	simm.s32 $0x4E40;
	vm0 =	vgt.f32 v1, $5.000000000e-01  }
.LBB2_2:
0x32: {  	v1 =	vld [tilespmem:s31+$0xFFFFFFE0]  }
0x33: {  	v2 =	vld [tilespmem:s30+$0xFFFFFFE0];
	_ =	sdelay $0x6  }
0x34: {  	v1 =	vld.idx.msk [tilespmem:v1+s16+$0x0], $0xffff  }
0x35: {  	v3 =	vld.idx.msk [tilespmem:v2+s17+$0x0], $0xffff;
	_ =	sdelay $0x4  }
0x36: {  	v1 =	vadd.f32 v3, v1  }
0x37: {  	s18 =	sand.u32 $0x1F0, s15  }
0x38: {  	s18 =	sadd.s32 $0x2710, s18;
	vm1 =	vgt.f32 v1, $0.0e+00  }
0x39: {  	v1 =	vor.u32 s18, v0;
	vm1 =	vmxor vm0, vm1  }
0x3a: {  	v1 =	vsel vm1, v2, v1  }
0x3b: {  	[tilespmem:s0+$0xFFFFFFE0] =	vst v1  }
0x3c: {  	v1 =	vld [tilespmem:s31+$0xFFFFFFF0]  }
0x3d: {  	v2 =	vld [tilespmem:s30+$0xFFFFFFF0];
	_ =	sdelay $0x6  }
0x3e: {  	v1 =	vld.idx.msk [tilespmem:v1+s16+$0x0], $0xffff  }
0x3f: {  	v3 =	vld.idx.msk [tilespmem:v2+s17+$0x0], $0xffff;
	_ =	sdelay $0x4  }
0x40: {  	s18 =	sadd.s32 $0x10, s15;
	v1 =	vadd.f32 v3, v1  }
0x41: {  	s18 =	sand.u32 $0x1F0, s18  }
0x42: {  	s18 =	sadd.s32 $0x2710, s18;
	vm1 =	vgt.f32 v1, $0.0e+00  }
0x43: {  	v1 =	vor.u32 s18, v0;
	vm1 =	vmxor vm0, vm1  }
0x44: {  	v1 =	vsel vm1, v2, v1  }
0x45: {  	[tilespmem:s0+$0xFFFFFFF0] =	vst v1  }
0x46: {  	v1 =	vld [tilespmem:s31+$0x0]  }
0x47: {  	v2 =	vld [tilespmem:s30+$0x0];
	_ =	sdelay $0x6  }
0x48: {  	v1 =	vld.idx.msk [tilespmem:v1+s16+$0x0], $0xffff  }
0x49: {  	v3 =	vld.idx.msk [tilespmem:v2+s17+$0x0], $0xffff;
	_ =	sdelay $0x4  }
0x4a: {  	s18 =	sadd.s32 $0x20, s15;
	v1 =	vadd.f32 v3, v1  }
0x4b: {  	s18 =	sand.u32 $0x1F0, s18  }
0x4c: {  	s18 =	sadd.s32 $0x2710, s18;
	vm1 =	vgt.f32 v1, $0.0e+00  }
0x4d: {  	v1 =	vor.u32 s18, v0;
	vm1 =	vmxor vm0, vm1  }
0x4e: {  	v1 =	vsel vm1, v2, v1  }
0x4f: {  	[tilespmem:s0+$0x0] =	vst v1  }
0x50: {  	v1 =	vld [tilespmem:s31+$0x10]  }
0x51: {  	v2 =	vld [tilespmem:s30+$0x10];
	_ =	sdelay $0x6  }
0x52: {  	v1 =	vld.idx.msk [tilespmem:v1+s16+$0x0], $0xffff  }
0x53: {  	v3 =	vld.idx.msk [tilespmem:v2+s17+$0x0], $0xffff;
	_ =	sdelay $0x4  }
0x54: {  	s18 =	sadd.s32 $0x30, s15;
	v1 =	vadd.f32 v3, v1  }
0x55: {  	s18 =	sand.u32 $0x1F0, s18  }
0x56: {  	s18 =	sadd.s32 $0x2710, s18;
	vm1 =	vgt.f32 v1, $0.0e+00  }
0x57: {  	v1 =	vor.u32 s18, v0;
	vm1 =	vmxor vm0, vm1  }
0x58: {  	v1 =	vsel vm1, v2, v1  }
0x59: {  	[tilespmem:s0+$0x10] =	vst v1  }
0x5a: {  	v1 =	vld [tilespmem:s31+$0x20]  }
0x5b: {  	v2 =	vld [tilespmem:s30+$0x20];
	_ =	sdelay $0x6  }
0x5c: {  	v1 =	vld.idx.msk [tilespmem:v1+s16+$0x0], $0xffff  }
0x5d: {  	v3 =	vld.idx.msk [tilespmem:v2+s17+$0x0], $0xffff;
	_ =	sdelay $0x4  }
0x5e: {  	p1 =	sne.s32 s15, $0x26C0;
	s18 =	sadd.s32 $0x40, s15;
	v1 =	vadd.f32 v3, v1  }
.Ltmp0:
0x5f: {  	s18 =	sand.u32 $0x1F0, s18;
	(pc) =	sbr.rel @p1 .LBB2_2-.Ltmp0, $4  }
0x60: {  	s18 =	sadd.s32 $0x2710, s18;
	vm1 =	vgt.f32 v1, $0.0e+00  }
0x61: {  	v1 =	vor.u32 s18, v0;
	vm1 =	vmxor vm0, vm1  }
0x62: {  	s15 =	sadd.s32 $0x50, s15;
	v1 =	vsel vm1, v2, v1  }
0x63: {  	s30 =	sadd.s32 $0x50, s30;
	s31 =	sadd.s32 $0x50, s31;
	[tilespmem:s0+$0x20] =	vst v1;
	s0 =	sadd.s32 $0x50, s0  }
0x64: {  	[bflag:$0x0] =	sbarrier.arrive $0xFFFF;
	s0 =	simm.s32 $0x0  }
0x65: {  	[tilespmem:s23], [sflag:$0x1] =	stream.indirect.gather [hbm4b:s3+s22], $0x50, s0, s22, $0xb8;
	[tilespmem:$0x1C2B0] =	vst v63  }
0x66: {  	_ =	swait.ge [sflag:s24], $0x1900  }
0x67: {  	[sflag:s24] =	ssyncset.done $0x0  }
0x68: {  	s15 =	simm.s32 $0x50;
	[sflag:s24] =	ssyncadd.s32 $0xFFFFE700  }
0x69: {  	[tilespmem:s25], [sflag:$0x2] =	stream.indirect.gather [hbm4b:s3+s22], $0x50, s15, s22, $0xb8;
	[tilespmem:$0x1C2B0] =	vst v63  }
0x6a: {  	s18 =	simm.s32 $0x4E20  }
0x6b: {  	[spmem:s1] =	stream.indirect.scatter.add.f32 [tilespmem:s23], [sflag:$0x3], $0x50, s18, s22, $0xb8;
	[tilespmem:$0x1C2B0] =	vst v63  }
0x6c: {  	_ =	swait.ge [sflag:s14], $0x1900  }
0x6d: {  	[sflag:s14] =	ssyncset.done $0x0  }
0x6e: {  	[sflag:s14] =	ssyncadd.s32 $0xFFFFE700  }
0x6f: {  	_ =	swait.ge [sflag:s26], $0x1900  }
0x70: {  	[sflag:s26] =	ssyncset.done $0x0  }
0x71: {  	s30 =	simm.s32 $0xA0;
	[sflag:s26] =	ssyncadd.s32 $0xFFFFE700  }
0x72: {  	[tilespmem:s23], [sflag:$0x1] =	stream.indirect.gather [hbm4b:s3+s22], $0x50, s30, s22, $0xb8;
	[tilespmem:$0x1C2B0] =	vst v63  }
0x73: {  	s31 =	simm.s32 $0x4E70  }
0x74: {  	[spmem:s1] =	stream.indirect.scatter.add.f32 [tilespmem:s25], [sflag:$0x3], $0x50, s31, s22, $0xb8;
	[tilespmem:$0x1C2B0] =	vst v63  }
0x75: {  	_ =	swait.ge [sflag:s14], $0x1900  }
0x76: {  	s0 =	simm.s32 $0x280;
	[sflag:s14] =	ssyncset.done $0x0  }
.LBB2_4:
0x77: {  	p1 =	sne.s32 s0, $0x9880  }
0x78: {  	[sflag:s14] =	ssyncadd.s32 $0xFFFFE700;
	s15 =	smov.u32 s0;
	s0 =	sadd.s32 $0x280, s0  }
0x79: {  	_ = 	snop  }
0x7a: {  	_ =	swait.ge [sflag:s24], $0x1900  }
0x7b: {  	s15 =	sshra.s32 s15, $0x2;
	[sflag:s24] =	ssyncset.done $0x0  }
0x7c: {  	s18 =	sadd.s32 $0x50, s15;
	[sflag:s24] =	ssyncadd.s32 $0xFFFFE700  }
0x7d: {  	[tilespmem:s25], [sflag:$0x2] =	stream.indirect.gather [hbm4b:s3+s22], $0x50, s18, s22, $0xb8;
	[tilespmem:$0x1C2B0] =	vst v63  }
0x7e: {  	s18 =	sadd.s32 $0x4E20, s15  }
0x7f: {  	[spmem:s1] =	stream.indirect.scatter.add.f32 [tilespmem:s23], [sflag:$0x3], $0x50, s18, s22, $0xb8;
	[tilespmem:$0x1C2B0] =	vst v63  }
0x80: {  	_ =	swait.ge [sflag:s14], $0x1900  }
0x81: {  	[sflag:s14] =	ssyncset.done $0x0  }
0x82: {  	[sflag:s14] =	ssyncadd.s32 $0xFFFFE700  }
0x83: {  	_ =	swait.ge [sflag:s26], $0x1900  }
0x84: {  	[sflag:s26] =	ssyncset.done $0x0  }
0x85: {  	s18 =	sadd.s32 $0xA0, s15;
	[sflag:s26] =	ssyncadd.s32 $0xFFFFE700  }
0x86: {  	[tilespmem:s23], [sflag:$0x1] =	stream.indirect.gather [hbm4b:s3+s22], $0x50, s18, s22, $0xb8;
	[tilespmem:$0x1C2B0] =	vst v63  }
.Ltmp1:
0x87: {  	_ = 	snop;
	(pc) =	sbr.rel @p1 .LBB2_4-.Ltmp1, $4  }
0x88: {  	s15 =	sadd.s32 $0x4E70, s15  }
0x89: {  	[spmem:s1] =	stream.indirect.scatter.add.f32 [tilespmem:s25], [sflag:$0x3], $0x50, s15, s22, $0xb8;
	[tilespmem:$0x1C2B0] =	vst v63  }
0x8a: {  	_ =	swait.ge [sflag:s14], $0x1900  }
0x8b: {  	[sflag:s14] =	ssyncset.done $0x0  }
0x8c: {  	[sflag:s14] =	ssyncadd.s32 $0xFFFFE700  }
0x8d: {  	_ =	swait.ge [sflag:s24], $0x1900  }
0x8e: {  	[sflag:s24] =	ssyncset.done $0x0  }
0x8f: {  	[sflag:s24] =	ssyncadd.s32 $0xFFFFE700  }
0x90: {  	[spmem:s1] =	stream.indirect.scatter.add.f32 [tilespmem:s23], [sflag:$0x3], $0x50, s28, s22, $0xb8;
	[tilespmem:$0x1C2B0] =	vst v63  }
0x91: {  	_ =	swait.ge [sflag:s14], $0x1900  }
0x92: {  	[sflag:s14] =	ssyncset.done $0x0  }
0x93: {  	[sflag:s14] =	ssyncadd.s32 $0xFFFFE700  }
0x94: {  	s0 =	sadd.s32 s7, s12;
	[bflag:$0x0] =	sbarrier.arrive $0xFFFF  }
0x95: {  	[hbm:s0], [sflag:s19] =	dma.local [spmem:s20], $0x19A0  }
0x96: {  	_ =	swait.ge [sflag:s14], $0x19A0  }
0x97: {  	s29 =	sadd.s32 $0x1, s29;
	[sflag:s14] =	ssyncset.done $0x0  }
0x98: {  	p1 =	sne.s32 s29, s13;
	s0 =	sadd.s32 @!p0 $0x19A00, s12;
	[sflag:s14] =	ssyncadd.s32 $0xFFFFE660  }
0x99: {  	[hbm:s0], [sflag:s19] =	dma.local @!p0 [spmem:s21], $0xA0  }
.Ltmp2:
0x9a: {  	_ = 	snop;
	(pc) =	sbr.rel @p1 .LBB2_1-.Ltmp2, $4  }
0x9b: {  	s0 =	simm.s32 @!p0 $0x3  }
0x9c: {  	_ =	swait.ge @!p0 [sflag:s0], $0xA0  }
0x9d: {  	[sflag:s0] =	ssyncset.done @!p0 $0x0  }
0x9e: {  	[sflag:s0] =	ssyncadd.s32 @!p0 $0xFFFFFF60  }
0x9f: {  	_ =	sfence.sel $0x180000  }
0xa0: {  	[bflag:$0x0] =	sbarrier.arrive $0xFFFF  }
0xa1: {  	_ =	strace $0x90000056  }
0xa2: {  	[bflag:$0x2] =	sbarrier.arrive $0xFFFF  }
0xa3: {  	s0 =	rddreg [dreg:$0x3]  }
0xa4: {  	s0 =	sadd.s32 @!p0 $0x100000, s0  }
0xa5: {  	[sflag:s0] =	ssyncadd.tile.s32 @!p0 $0x1;
	_ =	shalt  }
.Lfunc_end2:
_tile_overlayer_lowered:
.L_overlay_start_2:
0xa6: {  	(tag) =	ssettag $0x2  }
0xa7: {  	s0 =	rddreg [dreg:$0x0];
	s2 =	stileid.u32  }
0xa8: {  	s1 =	rddreg [dreg:$0x1];
	p0 =	sne.s32 s2, $0x0  }
0xa9: {  	s3 =	rddreg [dreg:$0x2];
	[bflag:$0x3] =	sbarrier.arrive $0xFFFF;
	s2 =	simm.s32 @!p0 $0x1C03  }
0xaa: {  	[timem:s3], [sflag:s2] =	dma.local @!p0 [hbm:s0], s1  }
0xab: {  	s0 =	simm.s32 @!p0 $0x3  }
0xac: {  	_ =	swait.ge @!p0 [sflag:s0], s1  }
0xad: {  	s1 =	ssub.s32 @!p0 $0x0, s1;
	[sflag:s0] =	ssyncset.done @!p0 $0x0  }
0xae: {  	[sflag:s0] =	ssyncadd.s32 @!p0 s1  }
0xaf: {  	[bflag:$0x3] =	sbarrier.arrive $0xFFFF  }
0xb0: {  	_ =	shalt  }

// kernel: kernel.28.cloned.1.call-start
scs
__scs_entry_jumppad:
0x0: {  	(pc) =	sbr.rel $0x88, $3  }
0x1: {  	(tag) =	ssettag $0x0;
	lr =	simm.s32 $0x1  }
0x2: {  	[smem:$0x3F8B] =	sst lr;
	_ =	strace $0xD0000000  }
0x3: {  	_ = 	snop  }
0x4: {  	_ = 	snop  }
0x5: {  	_ = 	snop  }
0x6: {  	_ = 	snop  }
0x7: {  	_ = 	snop  }
__scs_overlays_trampoline_lowered:
0x8: {  	[smem:$0x3F9A] =	sst s0  }
0x9: {  	[smem:$0x3F9B] =	sst s1  }
0xa: {  	[smem:$0x3F9C] =	sst s2  }
0xb: {  	[smem:$0x3F9D] =	sst s3  }
0xc: {  	[smem:$0x3F9E] =	sst s4  }
0xd: {  	[smem:$0x3F9F] =	sst s5  }
0xe: {  	[smem:$0x3FA0] =	sst s6  }
0xf: {  	[smem:$0x3FA1] =	sst s7  }
0x10: {  	[smem:$0x3FA2] =	sst s8  }
0x11: {  	[smem:$0x3FA3] =	sst s9;
	s0 =	simm.s32 @!p0 $0x0  }
0x12: {  	s1 =	sld [smem:$0x3F89];
	s0 =	simm.s32 @p0 $0x1  }
0x13: {  	[smem:$0x3FA4] =	sst s0;
	s0 =	simm.s32 @!p1 $0x0  }
0x14: {  	s2 =	sld [smem:$0x3F88];
	s0 =	simm.s32 @p1 $0x1  }
0x15: {  	[smem:$0x3FA5] =	sst s0;
	s0 =	simm.s32 @!p2 $0x0  }
0x16: {  	s3 =	sld [smem:$0x3FDB];
	s0 =	simm.s32 @p2 $0x1  }
0x17: {  	s4 =	simm.s32 $0x1BF5;
	[smem:$0x3FA7] =	sst s0  }
0x18: {  	s0 =	sld [smem:$0x3F8A];
	_ =	swait.ge [sflag:s4], $0x0  }
0x19: {  	s7 =	sld [smem:$0x3F8B]  }
0x1a: {  	s8 =	sadd.s32 $0xFFFFE003, lr  }
0x1b: {  	s9 =	sadd.s32 $0xFFFFFEF7, lr;
	s5 =	simm.s32 $0xFFFFFFFF;
	p2 =	slt.u32 s8, $0xFFFFF086  }
0x1c: {  	p1 =	slt.u32 s9, $0xF7A;
	s5 =	simm.s32 @!p2 $0x0  }
0x1d: {  	s5 =	simm.s32 @p1 $0x1;
	p0 =	seq.s32 s7, s2  }
0x1e: {  	s7 =	smul.u32 @!p0 $0xF7A, s2;
	p2 =	seq.s32 @!p0 s5, $0x0  }
0x1f: {  	s9 =	smul.u32 $0xF7A, s1;
	s8 =	simm.s32 @!p0 $0x1BF5;
	p2 =	por !p2, p0  }
0x20: {  	[sflag:s8] =	ssyncset.s32 @!p0 $0xFFFFF086;
	s6 =	sadd.s32 @!p0 s3, s7;
	s7 =	simm.s32 @!p0 $0x108  }
0x21: {  	s3 =	sadd.s32 s3, s9;
	s6 =	sadd.s32 @!p0 $0x88, s6;
	s7 =	simm.s32 @p2 $0x1082  }
0x22: {  	[simem:s7], [sflag:s8] =	dma.local @!p0 [hbm:s6], $0xF7A  }
0x23: {  	s9 =	sor.u32 $0xD0000000, s2;
	s6 =	simm.s32 $0x108;
	_ =	swait.ge @!p0 [sflag:s8], $0x0  }
0x24: {  	s3 =	sadd.s32 $0x88, s3;
	s6 =	simm.s32 @!p1 $0x1082;
	[sflag:s4] =	ssyncset.s32 $0xFFFFF086  }
0x25: {  	[simem:s6], [sflag:s4] =	dma.local [hbm:s3], $0xF7A  }
0x26: {  	[smem:$0x3F8B] =	sst s1;
	(tag) =	ssettag s2;
	_ =	strace s9  }
0x27: {  	s1 =	sld [smem:$0x3F9B]  }
0x28: {  	s2 =	sld [smem:$0x3F9C]  }
0x29: {  	s4 =	sld [smem:$0x3F9E]  }
0x2a: {  	p0 =	seq.s32 s5, $0x0;
	s5 =	sld [smem:$0x3F9F]  }
0x2b: {  	s6 =	sld [smem:$0x3FA0]  }
0x2c: {  	s7 =	sld [smem:$0x3FA1]  }
0x2d: {  	s3 =	simm.s32 $0x108;
	s8 =	sld [smem:$0x3FA2]  }
0x2e: {  	s3 =	simm.s32 @!p0 $0x1082;
	s9 =	sld [smem:$0x3FA3]  }
0x2f: {  	lr =	sadd.s32 s0, s3;
	s0 =	sld [smem:$0x3F9A]  }
0x30: {  	s3 =	sld [smem:$0x3F9D]  }
0x31: {  	[smem:$0x3FA6] =	sst s10  }
0x32: {  	s10 =	sld [smem:$0x3FA4];
	_ =	sdelay $0x3  }
0x33: {  	p0 =	seq.s32 s10, $0x1;
	s10 =	sld [smem:$0x3FA6];
	_ =	sdelay $0x3  }
0x34: {  	[smem:$0x3FA6] =	sst s10  }
0x35: {  	s10 =	sld [smem:$0x3FA5];
	_ =	sdelay $0x3  }
0x36: {  	p1 =	seq.s32 s10, $0x1;
	s10 =	sld [smem:$0x3FA6];
	_ =	sdelay $0x3  }
0x37: {  	[smem:$0x3FA6] =	sst s10  }
0x38: {  	s10 =	sld [smem:$0x3FA7]  }
0x39: {  	_ = 	snop;
	(pc) =	sbr.ind lr, $3  }
0x3a: {  	_ = 	snop  }
0x3b: {  	_ = 	snop  }
0x3c: {  	p2 =	seq.s32 s10, $0x1;
	s10 =	sld [smem:$0x3FA6]  }
0x3d: {  	_ =	shalt  }
0x3e: {  	_ =	shalt  }
0x3f: {  	_ =	shalt  }
0x40: {  	_ =	shalt  }
0x41: {  	_ =	shalt  }
0x42: {  	_ =	shalt  }
0x43: {  	_ =	shalt  }
0x44: {  	_ =	shalt  }
0x45: {  	_ =	shalt  }
0x46: {  	_ =	shalt  }
0x47: {  	_ =	shalt  }
0x48: {  	_ =	shalt  }
0x49: {  	_ =	shalt  }
0x4a: {  	_ =	shalt  }
0x4b: {  	_ =	shalt  }
0x4c: {  	_ =	shalt  }
0x4d: {  	_ =	shalt  }
0x4e: {  	_ =	shalt  }
0x4f: {  	_ =	shalt  }
0x50: {  	_ =	shalt  }
0x51: {  	_ =	shalt  }
0x52: {  	_ =	shalt  }
0x53: {  	_ =	shalt  }
0x54: {  	_ =	shalt  }
0x55: {  	_ =	shalt  }
0x56: {  	_ =	shalt  }
0x57: {  	_ =	shalt  }
0x58: {  	_ =	shalt  }
0x59: {  	_ =	shalt  }
0x5a: {  	_ =	shalt  }
0x5b: {  	_ =	shalt  }
0x5c: {  	_ =	shalt  }
0x5d: {  	_ =	shalt  }
0x5e: {  	_ =	shalt  }
0x5f: {  	_ =	shalt  }
0x60: {  	_ =	shalt  }
0x61: {  	_ =	shalt  }
0x62: {  	_ =	shalt  }
0x63: {  	_ =	shalt  }
0x64: {  	_ =	shalt  }
0x65: {  	_ =	shalt  }
0x66: {  	_ =	shalt  }
0x67: {  	_ =	shalt  }
0x68: {  	_ =	shalt  }
0x69: {  	_ =	shalt  }
0x6a: {  	_ =	shalt  }
0x6b: {  	_ =	shalt  }
0x6c: {  	_ =	shalt  }
0x6d: {  	_ =	shalt  }
0x6e: {  	_ =	shalt  }
0x6f: {  	_ =	shalt  }
0x70: {  	_ =	shalt  }
0x71: {  	_ =	shalt  }
0x72: {  	_ =	shalt  }
0x73: {  	_ =	shalt  }
0x74: {  	_ =	shalt  }
0x75: {  	_ =	shalt  }
0x76: {  	_ =	shalt  }
0x77: {  	_ =	shalt  }
0x78: {  	_ =	shalt  }
0x79: {  	_ =	shalt  }
0x7a: {  	_ =	shalt  }
0x7b: {  	_ =	shalt  }
0x7c: {  	_ =	shalt  }
0x7d: {  	_ =	shalt  }
0x7e: {  	_ =	shalt  }
0x7f: {  	_ =	shalt  }
0x80: {  	_ =	shalt  }
0x81: {  	_ =	shalt  }
0x82: {  	_ =	shalt  }
0x83: {  	_ =	shalt  }
0x84: {  	_ =	shalt  }
0x85: {  	_ =	shalt  }
0x86: {  	_ =	shalt  }
0x87: {  	_ =	shalt  }
.Lfunc_end0:
.L_simem_size_0:
called_computation.6_lowered:
.L_overlay_start_0:
0x88: {  	s2 =	sld [smem:$0x3FD9]  }
0x89: {  	s3 =	sld [smem:$0x3FFE];
	_ =	sdelay $0x1  }
0x8a: {  	s1 =	srdreg.scid  }
0x8b: {  	s0 =	sand.u32 $0x1, s1  }
0x8c: {  	s17 =	sshll.u32 s0, $0xA;
	s2 =	sadd.s32 s3, s2  }
0x8d: {  	s2 =	sadd.s32 s2, s17  }
0x8e: {  	[smem:$0x3FB2] =	sst s2  }
0x8f: {  	_ = 	snop  }
0x90: {  	s2 =	sld [smem:$0x3FD0];
	(tm) =	ssettm $0x1  }
0x91: {  	s18 =	sld [smem:$0x3FFB];
	_ =	sdelay $0x3  }
0x92: {  	_ =	strace s18  }
0x93: {  	s3 =	sld [smem:$0x3FFC];
	_ =	sdelay $0x3  }
0x94: {  	_ =	strace s3  }
0x95: {  	s3 =	sld [smem:$0x3FFD];
	_ =	sdelay $0x3  }
0x96: {  	_ =	strace s3  }
0x97: {  	_ =	strace $0x8FFFFFFF  }
0x98: {  	s19 =	sld [smem:$0x3FDB];
	_ =	sdelay $0x1  }
0x99: {  	s4 =	simm.s32 $_scs_section_size  }
0x9a: {  	s5 =	simm.s32 $_size__tile_overlayer_lowered;
	s6 =	simm.s32 $_tile_overlayer_lowered  }
0x9b: {  	s22 =	simm.s32 $0x1BFF;
	s21 =	sshll.u32 s6, $0x1;
	s3 =	sadd.s32 s4, s19  }
0x9c: {  	s7 =	simm.s32 $0x0;
	s20 =	sshll.u32 s5, $0x1;
	s5 =	sadd.s32 s21, s3  }
0x9d: {  	[timem:s7], [sflag:s22] =	dma.local [hbm:s5], s20  }
0x9e: {  	_ =	swait.ge [sflag:s22], s20  }
0x9f: {  	s4 =	ssub.s32 $0x0, s20;
	[sflag:s22] =	ssyncset.done $0x0  }
0xa0: {  	[sflag:s22] =	ssyncadd.s32 s4;
	_ =	sdelay $0x1  }
0xa1: {  	s23 =	simm.s32 $0x1B8B  }
0xa2: {  	_ =	swait.ge [sflag:s23], $0x1  }
0xa3: {  	[sflag:s23] =	ssyncset.done $0x0  }
0xa4: {  	s25 =	simm.s32 $0x1B8E;
	s24 =	sld [smem:$0x3FFE];
	[sflag:s23] =	ssyncadd.s32 $0xFFFFFFFF  }
0xa5: {  	s26 =	simm.s32 $execute0_lowered;
	[smem:$0x3FD2] =	sst s25  }
0xa6: {  	s5 =	sshll.u32 s26, $0x1;
	_ =	strace $0x80000058;
	[dreg:$0x1] =	wrdreg $0xFFFFFFFF  }
0xa7: {  	s28 =	simm.s32 $_size_execute0_lowered;
	s3 =	sadd.s32 s3, s5;
	[dreg:$0x0] =	wrdreg $0x0  }
0xa8: {  	s5 =	sshll.u32 s28, $0x1;
	[dreg:$0x2] =	wrdreg s3  }
0xa9: {  	[dreg:$0x3] =	wrdreg s5  }
0xaa: {  	[dreg:$0x4] =	wrdreg $0xC0  }
0xab: {  	_ =	task [dreg:s7], $0x5FFFF  }
0xac: {  	[dreg:$0x1] =	wrdreg $0xFFFFFFFF  }
0xad: {  	[dreg:$0x0] =	wrdreg $0x60  }
0xae: {  	[dreg:$0x2] =	wrdreg s24  }
0xaf: {  	[dreg:$0x3] =	wrdreg s2  }
0xb0: {  	[dreg:$0x4] =	wrdreg $0xF5600  }
0xb1: {  	[dreg:$0x5] =	wrdreg $0x9  }
0xb2: {  	_ =	task.clear_ibuf [dreg:s7], $0x6FFFF;
	_ =	strace $0x90000058  }
0xb3: {  	s29 =	simm.s32 $0x9;
	_ =	strace $0x8000005A  }
0xb4: {  	_ =	swait.ge [sflag:s29], $0x1  }
0xb5: {  	[sflag:s29] =	ssyncadd.s32 $0xFFFFFFFF  }
0xb6: {  	_ =	strace $0x9000005A  }
0xb7: {  	_ =	sfence  }
0xb8: {  	s30 =	sld [smem:$0x0];
	_ =	sdelay $0x2  }
0xb9: {  	s31 =	sshll.u32 s1, $0xD;
	s1 =	sshrl.u32 s1, $0x2  }
0xba: {  	s3 =	sand.u32 $0x4000, s31;
	s1 =	sadd.s32 s1, s30  }
0xbb: {  	s0 =	sor.u32 s3, s0;
	s1 =	sshll.u32 s1, $0x11  }
0xbc: {  	s0 =	sor.u32 s1, s0  }
0xbd: {  	s0 =	sadd.s32 $0x8F2B, s0  }
0xbe: {  	[sflag:s0] =	ssyncadd.remote.s32 $0x1  }
0xbf: {  	_ =	sfence.sel $0xFFFF  }
0xc0: {  	[dreg:$0x0] =	wrdreg $0xFFFFFFFF;
	(pc) =	sbr.abs _section_cstart, $3  }
0xc1: {  	[dreg:$0x1] =	wrdreg $0xFFFFFFFF  }
0xc2: {  	_ =	task.clear_ibuf [dreg:s7], $0x2FFFF;
	_ =	strace $0x9FFFFFFF  }
0xc3: {  	(tm) =	ssettm $0x7FFFFFFF  }
tec
execute0_lowered:
.L_overlay_start_1:
0x0: {  	(tag) =	ssettag $0x1  }
0x1: {  	s0 =	rddreg [dreg:$0x0]  }
0x2: {  	s8 =	rddreg [dreg:$0x1]  }
0x3: {  	s1 =	rddreg [dreg:$0x2]  }
0x4: {  	s2 =	simm.s32 $0x0;
	s3 =	srdreg.scid;
	s16 =	stileid.u32  }
0x5: {  	s15 =	simm.s32 $0xA730;
	s17 =	simm.s32 $0xF550;
	s21 =	simm.s32 $0x50  }
0x6: {  	s22 =	simm.s32 $0x7530;
	s23 =	simm.s32 $0x1;
	s24 =	simm.s32 $0x8E30  }
0x7: {  	s25 =	simm.s32 $0x2;
	s26 =	simm.s32 $0x74E0;
	s28 =	simm.s32 $0x0  }
0x8: {  	[smem:$0x7FF] =	sst s2;
	s7 =	sand.u32 $0x1, s3;
	s4 =	sshll.u32 s16, $0x1  }
0x9: {  	s3 =	sadd.s32 $0x3D600, s0;
	s9 =	smul.u32 $0xCD00, s16;
	s5 =	sadd.s32 $0x3CE00, s0  }
0xa: {  	s20 =	sadd.s32 $0xCD000, s1;
	p0 =	sne.s32 s16, $0x0;
	s31 =	sshll.u32 s16, $0x6  }
0xb: {  	s16 =	simm.s32 $0xCE40;
	_ =	strace $0x80000059;
	s6 =	sor.u32 s7, s4  }
0xc: {  	s4 =	sadd.s32 $0x3D000, s0;
	s11 =	smul.u32 $0x19AA0, s7;
	s7 =	ssub.s32 $0x2, s7  }
0xd: {  	s18 =	sor.u32 $0x1C03, s31;
	s20 =	sshrl.u32 @!p0 s20, $0x3;
	s10 =	smul.u32 $0x4E2, s6  }
0xe: {  	s6 =	sshrl.u32 s9, $0x3;
	s14 =	sshrl.u32 s7, $0x1;
	s19 =	sadd.s32 s9, s1  }
0xf: {  	s13 =	sadd.s32 s6, s0;
	s11 =	sadd.s32 s11, s0;
	s14 =	ssub.s32 s7, s14  }
0x10: {  	s19 =	sshrl.u32 s19, $0x3;
	s12 =	sadd.s32 s10, s0;
	s8 =	sadd.s32 s8, s10  }
0x11: {  	s9 =	sadd.s32 $0x23200, s13;
	s10 =	sadd.s32 $0x3CC00, s0;
	s11 =	sadd.s32 $0x55E00, s11  }
0x12: {  	v0 =	vlaneseq.u32;
	s13 =	simm.s32 $0x3;
	s7 =	sadd.s32 $0xC00, s12;
	s12 =	smax.u32 s14, $0x1  }
.LBB2_1:
0x13: {  	[tilespmem:s2], [sflag:$0x3] =	stream.linear.gather [hbm4b:s7+s2], $0x2710, $0x38;
	[tilespmem:$0x1C2B0] =	vst v63  }
0x14: {  	_ =	swait.ge [sflag:s13], $0x2710  }
0x15: {  	[sflag:s13] =	ssyncset.done $0x0  }
0x16: {  	s0 =	simm.s32 $0x2710;
	[sflag:s13] =	ssyncadd.s32 $0xFFFFD8F0  }
0x17: {  	[tilespmem:s0], [sflag:$0x3] =	stream.linear.gather [hbm4b:s8+s2], $0x2710, $0x38;
	[tilespmem:$0x1C2B0] =	vst v63  }
0x18: {  	_ =	swait.ge [sflag:s13], $0x2710  }
0x19: {  	[sflag:s13] =	ssyncset.done $0x0  }
0x1a: {  	[sflag:s13] =	ssyncadd.s32 $0xFFFFD8F0  }
0x1b: {  	[tilespmem:s15], [sflag:$0x3] =	stream.linear.gather [hbm4b:s4+s2], $0x2710, $0x38;
	[tilespmem:$0x1C2B0] =	vst v63  }
0x1c: {  	_ =	swait.ge [sflag:s13], $0x2710  }
0x1d: {  	[sflag:s13] =	ssyncset.done $0x0  }
0x1e: {  	[sflag:s13] =	ssyncadd.s32 $0xFFFFD8F0  }
0x1f: {  	[tilespmem:s16], [sflag:$0x3] =	stream.linear.gather [hbm4b:s4+s2], $0x2710, $0x38;
	[tilespmem:$0x1C2B0] =	vst v63  }
0x20: {  	_ =	swait.ge [sflag:s13], $0x2710  }
0x21: {  	[sflag:s13] =	ssyncset.done $0x0  }
0x22: {  	[sflag:s13] =	ssyncadd.s32 $0xFFFFD8F0  }
0x23: {  	[tilespmem:s17], [sflag:$0x3] =	stream.linear.gather [hbm4b:s5+s2], $0x10, $0x38;
	[tilespmem:$0x1C2B0] =	vst v63  }
0x24: {  	_ =	swait.ge [sflag:s13], $0x10  }
0x25: {  	[sflag:s13] =	ssyncset.done $0x0  }
0x26: {  	[sflag:s13] =	ssyncadd.s32 $0xFFFFFFF0  }
0x27: {  	[spmem:s19], [sflag:s18] =	dma.local [hbm:s9], $0x19A0  }
0x28: {  	_ =	swait.ge [sflag:s13], $0x19A0  }
0x29: {  	[sflag:s13] =	ssyncset.done $0x0  }
0x2a: {  	s0 =	simm.s32 @!p0 $0x3;
	[sflag:s13] =	ssyncadd.s32 $0xFFFFE660  }
0x2b: {  	[spmem:s20], [sflag:s18] =	dma.local @!p0 [hbm:s10], $0xA0  }
0x2c: {  	_ =	swait.ge @!p0 [sflag:s0], $0xA0  }
0x2d: {  	[sflag:s0] =	ssyncset.done @!p0 $0x0  }
0x2e: {  	[sflag:s0] =	ssyncadd.s32 @!p0 $0xFFFFFF60  }
0x2f: {  	v1 =	vld [tilespmem:$0xF550];
	_ =	sdelay $0x3  }
0x30: {  	s29 =	simm.s32 $0x2730  }
0x31: {  	s30 =	simm.s32 $0x20;
	s31 =	simm.s32 $0x4E40;
	s0 =	simm.s32 $0x0;
	vm0 =	vgt.f32 v1, $5.000000000e-01  }
.LBB2_2:
0x32: {  	v1 =	vld [tilespmem:s30+$0xFFFFFFE0]  }
0x33: {  	v2 =	vld [tilespmem:s29+$0xFFFFFFE0];
	_ =	sdelay $0x6  }
0x34: {  	v1 =	vld.idx.msk [tilespmem:v1+s15+$0x0], $0xffff  }
0x35: {  	v3 =	vld.idx.msk [tilespmem:v2+s16+$0x0], $0xffff;
	_ =	sdelay $0x4  }
0x36: {  	v1 =	vadd.f32 v3, v1  }
0x37: {  	s14 =	sand.u32 $0x1F0, s0  }
0x38: {  	s14 =	sadd.s32 $0x2710, s14;
	vm1 =	vgt.f32 v1, $0.0e+00  }
0x39: {  	v1 =	vor.u32 s14, v0;
	vm1 =	vmxor vm0, vm1  }
0x3a: {  	v1 =	vsel vm1, v2, v1  }
0x3b: {  	[tilespmem:s31+$0xFFFFFFE0] =	vst v1  }
0x3c: {  	v1 =	vld [tilespmem:s30+$0xFFFFFFF0]  }
0x3d: {  	v2 =	vld [tilespmem:s29+$0xFFFFFFF0];
	_ =	sdelay $0x6  }
0x3e: {  	v1 =	vld.idx.msk [tilespmem:v1+s15+$0x0], $0xffff  }
0x3f: {  	v3 =	vld.idx.msk [tilespmem:v2+s16+$0x0], $0xffff;
	_ =	sdelay $0x4  }
0x40: {  	s14 =	sadd.s32 $0x10, s0;
	v1 =	vadd.f32 v3, v1  }
0x41: {  	s14 =	sand.u32 $0x1F0, s14  }
0x42: {  	s14 =	sadd.s32 $0x2710, s14;
	vm1 =	vgt.f32 v1, $0.0e+00  }
0x43: {  	v1 =	vor.u32 s14, v0;
	vm1 =	vmxor vm0, vm1  }
0x44: {  	v1 =	vsel vm1, v2, v1  }
0x45: {  	[tilespmem:s31+$0xFFFFFFF0] =	vst v1  }
0x46: {  	v1 =	vld [tilespmem:s30+$0x0]  }
0x47: {  	v2 =	vld [tilespmem:s29+$0x0];
	_ =	sdelay $0x6  }
0x48: {  	v1 =	vld.idx.msk [tilespmem:v1+s15+$0x0], $0xffff  }
0x49: {  	v3 =	vld.idx.msk [tilespmem:v2+s16+$0x0], $0xffff;
	_ =	sdelay $0x4  }
0x4a: {  	s14 =	sadd.s32 $0x20, s0;
	v1 =	vadd.f32 v3, v1  }
0x4b: {  	s14 =	sand.u32 $0x1F0, s14  }
0x4c: {  	s14 =	sadd.s32 $0x2710, s14;
	vm1 =	vgt.f32 v1, $0.0e+00  }
0x4d: {  	v1 =	vor.u32 s14, v0;
	vm1 =	vmxor vm0, vm1  }
0x4e: {  	v1 =	vsel vm1, v2, v1  }
0x4f: {  	[tilespmem:s31+$0x0] =	vst v1  }
0x50: {  	v1 =	vld [tilespmem:s30+$0x10]  }
0x51: {  	v2 =	vld [tilespmem:s29+$0x10];
	_ =	sdelay $0x6  }
0x52: {  	v1 =	vld.idx.msk [tilespmem:v1+s15+$0x0], $0xffff  }
0x53: {  	v3 =	vld.idx.msk [tilespmem:v2+s16+$0x0], $0xffff;
	_ =	sdelay $0x4  }
0x54: {  	s14 =	sadd.s32 $0x30, s0;
	v1 =	vadd.f32 v3, v1  }
0x55: {  	s14 =	sand.u32 $0x1F0, s14  }
0x56: {  	s14 =	sadd.s32 $0x2710, s14;
	vm1 =	vgt.f32 v1, $0.0e+00  }
0x57: {  	v1 =	vor.u32 s14, v0;
	vm1 =	vmxor vm0, vm1  }
0x58: {  	v1 =	vsel vm1, v2, v1  }
0x59: {  	[tilespmem:s31+$0x10] =	vst v1  }
0x5a: {  	v1 =	vld [tilespmem:s30+$0x20]  }
0x5b: {  	v2 =	vld [tilespmem:s29+$0x20];
	_ =	sdelay $0x6  }
0x5c: {  	v1 =	vld.idx.msk [tilespmem:v1+s15+$0x0], $0xffff  }
0x5d: {  	v3 =	vld.idx.msk [tilespmem:v2+s16+$0x0], $0xffff;
	_ =	sdelay $0x4  }
0x5e: {  	p1 =	sne.s32 s0, $0x26C0;
	s14 =	sadd.s32 $0x40, s0;
	v1 =	vadd.f32 v3, v1  }
.Ltmp0:
0x5f: {  	s14 =	sand.u32 $0x1F0, s14;
	(pc) =	sbr.rel @p1 .LBB2_2-.Ltmp0, $4  }
0x60: {  	s14 =	sadd.s32 $0x2710, s14;
	vm1 =	vgt.f32 v1, $0.0e+00  }
0x61: {  	v1 =	vor.u32 s14, v0;
	vm1 =	vmxor vm0, vm1  }
0x62: {  	s0 =	sadd.s32 $0x50, s0;
	v1 =	vsel vm1, v2, v1  }
0x63: {  	s29 =	sadd.s32 $0x50, s29;
	s30 =	sadd.s32 $0x50, s30;
	[tilespmem:s31+$0x20] =	vst v1;
	s31 =	sadd.s32 $0x50, s31  }
0x64: {  	[bflag:$0x0] =	sbarrier.arrive $0xFFFF;
	s0 =	simm.s32 $0x0  }
0x65: {  	[tilespmem:s22], [sflag:$0x1] =	stream.indirect.gather [hbm4b:s3+s21], $0x50, s0, s21, $0xb8;
	[tilespmem:$0x1C2B0] =	vst v63  }
0x66: {  	_ =	swait.ge [sflag:s23], $0x1900  }
0x67: {  	[sflag:s23] =	ssyncset.done $0x0  }
0x68: {  	s14 =	simm.s32 $0x50;
	[sflag:s23] =	ssyncadd.s32 $0xFFFFE700  }
0x69: {  	[tilespmem:s24], [sflag:$0x2] =	stream.indirect.gather [hbm4b:s3+s21], $0x50, s14, s21, $0xb8;
	[tilespmem:$0x1C2B0] =	vst v63  }
0x6a: {  	s29 =	simm.s32 $0x4E20  }
0x6b: {  	[spmem:s1] =	stream.indirect.scatter.add.f32 [tilespmem:s22], [sflag:$0x3], $0x50, s29, s21, $0xb8;
	[tilespmem:$0x1C2B0] =	vst v63  }
0x6c: {  	_ =	swait.ge [sflag:s13], $0x1900  }
0x6d: {  	[sflag:s13] =	ssyncset.done $0x0  }
0x6e: {  	[sflag:s13] =	ssyncadd.s32 $0xFFFFE700  }
0x6f: {  	_ =	swait.ge [sflag:s25], $0x1900  }
0x70: {  	[sflag:s25] =	ssyncset.done $0x0  }
0x71: {  	s30 =	simm.s32 $0xA0;
	[sflag:s25] =	ssyncadd.s32 $0xFFFFE700  }
0x72: {  	[tilespmem:s22], [sflag:$0x1] =	stream.indirect.gather [hbm4b:s3+s21], $0x50, s30, s21, $0xb8;
	[tilespmem:$0x1C2B0] =	vst v63  }
0x73: {  	s31 =	simm.s32 $0x4E70  }
0x74: {  	[spmem:s1] =	stream.indirect.scatter.add.f32 [tilespmem:s24], [sflag:$0x3], $0x50, s31, s21, $0xb8;
	[tilespmem:$0x1C2B0] =	vst v63  }
0x75: {  	_ =	swait.ge [sflag:s13], $0x1900  }
0x76: {  	s0 =	simm.s32 $0x280;
	[sflag:s13] =	ssyncset.done $0x0  }
.LBB2_4:
0x77: {  	p1 =	sne.s32 s0, $0x9880  }
0x78: {  	[sflag:s13] =	ssyncadd.s32 $0xFFFFE700;
	s14 =	smov.u32 s0;
	s0 =	sadd.s32 $0x280, s0  }
0x79: {  	_ = 	snop  }
0x7a: {  	_ =	swait.ge [sflag:s23], $0x1900  }
0x7b: {  	s14 =	sshra.s32 s14, $0x2;
	[sflag:s23] =	ssyncset.done $0x0  }
0x7c: {  	s29 =	sadd.s32 $0x50, s14;
	[sflag:s23] =	ssyncadd.s32 $0xFFFFE700  }
0x7d: {  	[tilespmem:s24], [sflag:$0x2] =	stream.indirect.gather [hbm4b:s3+s21], $0x50, s29, s21, $0xb8;
	[tilespmem:$0x1C2B0] =	vst v63  }
0x7e: {  	s29 =	sadd.s32 $0x4E20, s14  }
0x7f: {  	[spmem:s1] =	stream.indirect.scatter.add.f32 [tilespmem:s22], [sflag:$0x3], $0x50, s29, s21, $0xb8;
	[tilespmem:$0x1C2B0] =	vst v63  }
0x80: {  	_ =	swait.ge [sflag:s13], $0x1900  }
0x81: {  	[sflag:s13] =	ssyncset.done $0x0  }
0x82: {  	[sflag:s13] =	ssyncadd.s32 $0xFFFFE700  }
0x83: {  	_ =	swait.ge [sflag:s25], $0x1900  }
0x84: {  	[sflag:s25] =	ssyncset.done $0x0  }
0x85: {  	s29 =	sadd.s32 $0xA0, s14;
	[sflag:s25] =	ssyncadd.s32 $0xFFFFE700  }
0x86: {  	[tilespmem:s22], [sflag:$0x1] =	stream.indirect.gather [hbm4b:s3+s21], $0x50, s29, s21, $0xb8;
	[tilespmem:$0x1C2B0] =	vst v63  }
.Ltmp1:
0x87: {  	_ = 	snop;
	(pc) =	sbr.rel @p1 .LBB2_4-.Ltmp1, $4  }
0x88: {  	s14 =	sadd.s32 $0x4E70, s14  }
0x89: {  	[spmem:s1] =	stream.indirect.scatter.add.f32 [tilespmem:s24], [sflag:$0x3], $0x50, s14, s21, $0xb8;
	[tilespmem:$0x1C2B0] =	vst v63  }
0x8a: {  	_ =	swait.ge [sflag:s13], $0x1900  }
0x8b: {  	[sflag:s13] =	ssyncset.done $0x0  }
0x8c: {  	[sflag:s13] =	ssyncadd.s32 $0xFFFFE700  }
0x8d: {  	_ =	swait.ge [sflag:s23], $0x1900  }
0x8e: {  	[sflag:s23] =	ssyncset.done $0x0  }
0x8f: {  	[sflag:s23] =	ssyncadd.s32 $0xFFFFE700  }
0x90: {  	[spmem:s1] =	stream.indirect.scatter.add.f32 [tilespmem:s22], [sflag:$0x3], $0x50, s26, s21, $0xb8;
	[tilespmem:$0x1C2B0] =	vst v63  }
0x91: {  	_ =	swait.ge [sflag:s13], $0x1900  }
0x92: {  	[sflag:s13] =	ssyncset.done $0x0  }
0x93: {  	[sflag:s13] =	ssyncadd.s32 $0xFFFFE700  }
0x94: {  	s0 =	sadd.s32 s6, s11;
	[bflag:$0x0] =	sbarrier.arrive $0xFFFF  }
0x95: {  	[hbm:s0], [sflag:s18] =	dma.local [spmem:s19], $0x19A0  }
0x96: {  	_ =	swait.ge [sflag:s13], $0x19A0  }
0x97: {  	s28 =	sadd.s32 $0x1, s28;
	[sflag:s13] =	ssyncset.done $0x0  }
0x98: {  	p1 =	sne.s32 s28, s12;
	s0 =	sadd.s32 @!p0 $0x19A00, s11;
	[sflag:s13] =	ssyncadd.s32 $0xFFFFE660  }
0x99: {  	[hbm:s0], [sflag:s18] =	dma.local @!p0 [spmem:s20], $0xA0  }
.Ltmp2:
0x9a: {  	_ = 	snop;
	(pc) =	sbr.rel @p1 .LBB2_1-.Ltmp2, $4  }
0x9b: {  	s0 =	simm.s32 @!p0 $0x3  }
0x9c: {  	_ =	swait.ge @!p0 [sflag:s0], $0xA0  }
0x9d: {  	[sflag:s0] =	ssyncset.done @!p0 $0x0  }
0x9e: {  	[sflag:s0] =	ssyncadd.s32 @!p0 $0xFFFFFF60  }
0x9f: {  	_ =	sfence.sel $0x180000  }
0xa0: {  	[bflag:$0x0] =	sbarrier.arrive $0xFFFF  }
0xa1: {  	_ =	strace $0x90000059  }
0xa2: {  	[bflag:$0x2] =	sbarrier.arrive $0xFFFF  }
0xa3: {  	s0 =	rddreg [dreg:$0x3]  }
0xa4: {  	s0 =	sadd.s32 @!p0 $0x100000, s0  }
0xa5: {  	[sflag:s0] =	ssyncadd.tile.s32 @!p0 $0x1;
	_ =	shalt  }
.Lfunc_end2:
_tile_overlayer_lowered:
.L_overlay_start_2:
0xa6: {  	(tag) =	ssettag $0x2  }
0xa7: {  	s0 =	rddreg [dreg:$0x0];
	s2 =	stileid.u32  }
0xa8: {  	s1 =	rddreg [dreg:$0x1];
	p0 =	sne.s32 s2, $0x0  }
0xa9: {  	s3 =	rddreg [dreg:$0x2];
	[bflag:$0x3] =	sbarrier.arrive $0xFFFF;
	s2 =	simm.s32 @!p0 $0x1C03  }
0xaa: {  	[timem:s3], [sflag:s2] =	dma.local @!p0 [hbm:s0], s1  }
0xab: {  	s0 =	simm.s32 @!p0 $0x3  }
0xac: {  	_ =	swait.ge @!p0 [sflag:s0], s1  }
0xad: {  	s1 =	ssub.s32 @!p0 $0x0, s1;
	[sflag:s0] =	ssyncset.done @!p0 $0x0  }
0xae: {  	[sflag:s0] =	ssyncadd.s32 @!p0 s1  }
0xaf: {  	[bflag:$0x3] =	sbarrier.arrive $0xFFFF  }
0xb0: {  	_ =	shalt  }

</sc_bundles>
